<compile_context>
chip_gen: v7x
topology: tpu7x:2x2x1
jax: 0.10.2.dev20260603
libtpu: 0.0.44.dev20260713+nightly
codegen_flags: <defaults>
</compile_context>

<pallas_src>
import functools

import jax
import jax.numpy as jnp
from jax import lax
from jax.experimental import pallas as pl
from jax.experimental.pallas import tpu as pltpu
from jax.experimental.pallas import tpu_sc as plsc

_NC = 2
_NS = 16
_NW = _NC * _NS
_IDXW = 128
_CHUNK = 32
_TSTRIDE = 25


def _sc_scores(center_words, context_words, neg_flat, center_table,
               context_table, K, D):
    B = center_words.shape[0]
    BK = neg_flat.shape[0]
    rows_w = B // _NW
    nrows_w = BK // _NW
    nchunks = rows_w // _CHUNK
    npairs = nchunks // 2
    nneg_g = _CHUNK * K // _IDXW
    nidx_w = 2 * rows_w + nrows_w
    nscore_w = rows_w * (K + 1)

    mesh = plsc.VectorSubcoreMesh(core_axis_name="c", subcore_axis_name="s")

    @functools.partial(
        pl.kernel,
        out_type=jax.ShapeDtypeStruct((B * (K + 1),), jnp.float32),
        mesh=mesh,
        compiler_params=pltpu.CompilerParams(use_tc_tiling_on_sc=False,
                                             needs_layout_passes=False),
        scratch_types=[
            pltpu.VMEM((nidx_w,), jnp.int32),
            pltpu.VMEM((_CHUNK, D), jnp.float32),
            pltpu.VMEM((_CHUNK, D), jnp.float32),
            pltpu.VMEM((_CHUNK * K, D), jnp.float32),
            pltpu.VMEM((_CHUNK, D), jnp.float32),
            pltpu.VMEM((_CHUNK, D), jnp.float32),
            pltpu.VMEM((_CHUNK * K, D), jnp.float32),
            pltpu.VMEM((16 * _TSTRIDE + 16,), jnp.float32),
            pltpu.VMEM((nscore_w + 16,), jnp.float32),
            pltpu.SemaphoreType.DMA,
            pltpu.SemaphoreType.DMA,
        ],
    )
    def k(cw_hbm, xw_hbm, nw_hbm, ctab_hbm, xtab_hbm, out_hbm,
          idx_v, c_a, x_a, n_a, c_b, x_b, n_b, tbuf, scores_v,
          sem_a, sem_b):
        wid = lax.axis_index("s") * _NC + lax.axis_index("c")
        iota = lax.iota(jnp.int32, 16)

        pltpu.sync_copy(cw_hbm.at[pl.ds(wid * rows_w, rows_w)],
                        idx_v.at[pl.ds(0, rows_w)])
        pltpu.sync_copy(xw_hbm.at[pl.ds(wid * rows_w, rows_w)],
                        idx_v.at[pl.ds(rows_w, rows_w)])
        pltpu.sync_copy(nw_hbm.at[pl.ds(wid * nrows_w, nrows_w)],
                        idx_v.at[pl.ds(2 * rows_w, nrows_w)])

        def descriptors(s, c_v, x_v, n_v, sem):
            ds_list = [
                (ctab_hbm.at[idx_v.at[pl.ds(s * _CHUNK, _CHUNK)]], c_v),
                (xtab_hbm.at[idx_v.at[pl.ds(rows_w + s * _CHUNK, _CHUNK)]],
                 x_v),
            ]
            for q in range(nneg_g):
                ds_list.append((
                    xtab_hbm.at[idx_v.at[pl.ds(
                        2 * rows_w + s * _CHUNK * K + q * _IDXW, _IDXW)]],
                    n_v.at[pl.ds(q * _IDXW, _IDXW)]))
            return [pltpu.make_async_copy(src, dst, sem)
                    for src, dst in ds_list]

        def fire(s, c_v, x_v, n_v, sem):
            for d in descriptors(s, c_v, x_v, n_v, sem):
                d.start()

        def drain(s, c_v, x_v, n_v, sem):
            for d in descriptors(s, c_v, x_v, n_v, sem):
                d.wait()

        def compute(s, c_v, x_v, n_v):
            def elem_body(e, carry2):
                cvec = [c_v[e, pl.ds(16 * t, 16)] for t in range(4)]
                for j in range(K + 1):
                    if j == 0:
                        r = [x_v[e, pl.ds(16 * t, 16)] for t in range(4)]
                    else:
                        row = e * K + (j - 1)
                        r = [n_v[row, pl.ds(16 * t, 16)] for t in range(4)]
                    p = (cvec[0] * r[0] + cvec[1] * r[1]
                         + cvec[2] * r[2] + cvec[3] * r[3])
                    plsc.store_scatter(tbuf, [iota * _TSTRIDE + j], p)
                s0 = plsc.load_gather(tbuf, [iota])
                s1 = plsc.load_gather(tbuf, [iota + 16])
                for l in range(1, 16):
                    s0 = s0 + plsc.load_gather(tbuf,
                                               [iota + l * _TSTRIDE])
                    s1 = s1 + plsc.load_gather(tbuf,
                                               [iota + l * _TSTRIDE + 16])
                s0 = jnp.where(iota == 0, s0, -s0)
                s1 = -s1
                base = (s * _CHUNK + e) * (K + 1)
                plsc.store_scatter(scores_v, [base + iota], s0)
                plsc.store_scatter(scores_v, [base + 16 + iota], s1)
                return carry2

            lax.fori_loop(0, _CHUNK, elem_body, 0, unroll=2)

        fire(0, c_a, x_a, n_a, sem_a)

        def pair_body(u, carry):
            fire(2 * u + 1, c_b, x_b, n_b, sem_b)
            drain(2 * u, c_a, x_a, n_a, sem_a)
            compute(2 * u, c_a, x_a, n_a)

            @pl.when(u < npairs - 1)
            def _():
                fire(2 * u + 2, c_a, x_a, n_a, sem_a)

            drain(2 * u + 1, c_b, x_b, n_b, sem_b)
            compute(2 * u + 1, c_b, x_b, n_b)
            return carry

        lax.fori_loop(0, npairs, pair_body, 0)
        pltpu.sync_copy(scores_v.at[pl.ds(0, nscore_w)],
                        out_hbm.at[pl.ds(wid * nscore_w, nscore_w)])

    return k(center_words, context_words, neg_flat, center_table,
             context_table)


def _log_sigmoid(v):
    return jnp.minimum(v, 0.0) - jnp.log1p(jnp.exp(-jnp.abs(v)))


def _tc_loss(scores2d, B):
    def body(s_ref, o_ref):
        o_ref[0, 0] = -jnp.sum(_log_sigmoid(s_ref[...])) / B

    out = pl.pallas_call(
        body,
        out_specs=pl.BlockSpec(memory_space=pltpu.SMEM),
        out_shape=jax.ShapeDtypeStruct((1, 1), jnp.float32),
    )(scores2d)
    return out[0, 0]


def kernel(center_words, context_words, negative_words, center_table,
           context_table):
    B = center_words.shape[0]
    K = negative_words.shape[1]
    D = center_table.shape[1]
    neg_flat = negative_words.reshape(B * K)
    scores = _sc_scores(center_words, context_words, neg_flat,
                        center_table, context_table, K, D)
    scores2d = scores.reshape(B * (K + 1) // 128, 128)
    return _tc_loss(scores2d, B)

# --- scband reference (transcript-rebuilt; emitter-appended) ---
"""Pipeline reference for scband-skip-gram-model-2980707303487 (READ-ONLY COPY).

The authoritative reference and input builder live on the scoring server;
editing this copy changes nothing except your own understanding.
"""

import jax, jax.numpy as jnp
import numpy as np

VOCAB = 1000000
DIM = 64
BATCH = 16384
NEG = 20


def _xavier_uniform(key, shape):
    fan_in, fan_out = shape[0], shape[1]
    limit = float(np.sqrt(6.0 / (fan_in + fan_out)))
    return jax.random.uniform(key, shape, dtype=jnp.float32, minval=-limit, maxval=limit)


def setup_inputs(seed: int = 0) -> dict:
    key = jax.random.key(seed)
    k1, k2, k3, k4, k5 = jax.random.split(key, 5)
    center_words = jax.random.randint(k1, (BATCH,), 0, VOCAB, dtype=jnp.int64 if jax.config.jax_enable_x64 else jnp.int32)
    context_words = jax.random.randint(k2, (BATCH,), 0, VOCAB, dtype=jnp.int64 if jax.config.jax_enable_x64 else jnp.int32)
    negative_words = jax.random.randint(k3, (BATCH, NEG), 0, VOCAB, dtype=jnp.int64 if jax.config.jax_enable_x64 else jnp.int32)
    center_table = _xavier_uniform(k4, (VOCAB, DIM))
    context_table = _xavier_uniform(k5, (VOCAB, DIM))
    return {
        "center_words": center_words,
        "context_words": context_words,
        "negative_words": negative_words,
        "center_table": center_table,
        "context_table": context_table,
    }


def reference(center_words, context_words, negative_words, center_table, context_table):
    # Embedding lookups (SparseCore gather)
    center_embeds = jnp.take(center_table, center_words, axis=0)      # [B, D]
    context_embeds = jnp.take(context_table, context_words, axis=0)   # [B, D]
    pos_score = jnp.sum(center_embeds * context_embeds, axis=1)       # [B]
    pos_loss = jax.nn.log_sigmoid(pos_score)                          # [B]
    neg_embeds = jnp.take(context_table, negative_words, axis=0)      # [B, K, D]
    # bmm([B,K,D], [B,D,1]) -> [B,K,1] -> squeeze -> [B,K]
    neg_score = jnp.einsum('bkd,bd->bk', neg_embeds, center_embeds)   # [B, K]
    neg_loss = jnp.sum(jax.nn.log_sigmoid(-neg_score), axis=1)        # [B]
    return -(pos_loss + neg_loss).mean()

if __name__ == "__main__":
    import jax
    _d = setup_inputs()
    print(jax.jit(kernel)(*tuple(_d.values())))

</pallas_src>

<mosaic_0001>
#map = affine_map<(d0, d1) -> (0)>
#map1 = affine_map<(d0, d1) -> (0, 0)>
module attributes {stable_mosaic.version = 14 : i64} {
  func.func @k(%arg0: i32, %arg1: i32, %arg2: memref<16384xi32, #tpu.memory_space<hbm>>, %arg3: memref<16384xi32, #tpu.memory_space<hbm>>, %arg4: memref<327680xi32, #tpu.memory_space<hbm>>, %arg5: memref<1000000x64xf32, #tpu.memory_space<hbm>>, %arg6: memref<1000000x64xf32, #tpu.memory_space<hbm>>, %arg7: memref<344064xf32, #tpu.memory_space<hbm>>, %arg8: memref<11264xi32, #tpu.memory_space<vmem>>, %arg9: memref<32x64xf32, #tpu.memory_space<vmem>>, %arg10: memref<32x64xf32, #tpu.memory_space<vmem>>, %arg11: memref<640x64xf32, #tpu.memory_space<vmem>>, %arg12: memref<32x64xf32, #tpu.memory_space<vmem>>, %arg13: memref<32x64xf32, #tpu.memory_space<vmem>>, %arg14: memref<640x64xf32, #tpu.memory_space<vmem>>, %arg15: memref<416xf32, #tpu.memory_space<vmem>>, %arg16: memref<10768xf32, #tpu.memory_space<vmem>>, %arg17: memref<!tpu.dma_semaphore, #tpu.memory_space<semaphore_mem>>, %arg18: memref<!tpu.dma_semaphore, #tpu.memory_space<semaphore_mem>>) attributes {dimension_semantics = [#tpu.dimension_semantics<core_parallel>, #tpu.dimension_semantics<subcore_parallel>], iteration_bounds = array<i64: 2, 16>, scalar_prefetch = 0 : i64, scratch_operands = 11 : i64, tpu.core_type = #tpu.core_type<sc_vector_subcore>, window_params = [{transform_indices = #map}, {transform_indices = #map}, {transform_indices = #map}, {transform_indices = #map1}, {transform_indices = #map1}, {transform_indices = #map}]} {
    %mul3A = arith.constant 2 : i32
    %mul3A_0 = arith.muli %arg1, %mul3A : i32
    %add3A = arith.addi %mul3A_0, %arg0 : i32
    %iota3A = tpu.iota {dimensions = array<i32: 0>} : vector<16xi32>
    %mul3A_1 = arith.constant 512 : i32
    %mul3A_2 = arith.muli %add3A, %mul3A_1 : i32
    "tpu.region"() ({
      %run_scoped3A = tpu.sem_alloc : memref<!tpu.dma_semaphore, #tpu.memory_space<semaphore_mem>>
      %dma_start3A_63 = arith.constant 0 : i32
      %dma_start3A_64 = tpu.memref_slice %arg8[%dma_start3A_63] : memref<11264xi32, #tpu.memory_space<vmem>> -> memref<512xi32, #tpu.memory_space<vmem>>
      %dma_start3A_65 = tpu.memref_slice %arg2[%mul3A_2] : memref<16384xi32, #tpu.memory_space<hbm>> -> memref<512xi32, #tpu.memory_space<hbm>>
      %dma_start3A_66 = arith.constant 0 : i32
      %dma_start3A_67 = tpu.memref_slice %arg8[%dma_start3A_66] : memref<11264xi32, #tpu.memory_space<vmem>> -> memref<512xi32, #tpu.memory_space<vmem>>
      %dma_start3A_68 = tpu.memref_slice %arg2[%mul3A_2] : memref<16384xi32, #tpu.memory_space<hbm>> -> memref<512xi32, #tpu.memory_space<hbm>>
      tpu.enqueue_dma source(%dma_start3A_68 : memref<512xi32, #tpu.memory_space<hbm>>) target(%dma_start3A_67 : memref<512xi32, #tpu.memory_space<vmem>>) target_semaphore(%run_scoped3A : memref<!tpu.dma_semaphore, #tpu.memory_space<semaphore_mem>>)
      %dma_wait3A = arith.constant 0 : i32
      %dma_wait3A_69 = tpu.memref_slice %arg8[%dma_wait3A] : memref<11264xi32, #tpu.memory_space<vmem>> -> memref<512xi32, #tpu.memory_space<vmem>>
      %dma_wait3A_70 = tpu.memref_slice %arg2[%mul3A_2] : memref<16384xi32, #tpu.memory_space<hbm>> -> memref<512xi32, #tpu.memory_space<hbm>>
      %dma_wait3A_71 = arith.constant 0 : i32
      %dma_wait3A_72 = tpu.memref_slice %arg8[%dma_wait3A_71] : memref<11264xi32, #tpu.memory_space<vmem>> -> memref<512xi32, #tpu.memory_space<vmem>>
      %dma_wait3A_73 = tpu.memref_slice %arg2[%mul3A_2] : memref<16384xi32, #tpu.memory_space<hbm>> -> memref<512xi32, #tpu.memory_space<hbm>>
      tpu.wait_dma2 semaphore(%run_scoped3A : memref<!tpu.dma_semaphore, #tpu.memory_space<semaphore_mem>>) src(%dma_wait3A_73 : memref<512xi32, #tpu.memory_space<hbm>>) dst(%dma_wait3A_72 : memref<512xi32, #tpu.memory_space<vmem>>)
      tpu.yield
    }) : () -> ()
    %mul3A_3 = arith.constant 512 : i32
    %mul3A_4 = arith.muli %add3A, %mul3A_3 : i32
    "tpu.region"() ({
      %run_scoped3A = tpu.sem_alloc : memref<!tpu.dma_semaphore, #tpu.memory_space<semaphore_mem>>
      %dma_start3A_63 = arith.constant 512 : i32
      %dma_start3A_64 = tpu.memref_slice %arg8[%dma_start3A_63] : memref<11264xi32, #tpu.memory_space<vmem>> -> memref<512xi32, #tpu.memory_space<vmem>>
      %dma_start3A_65 = tpu.memref_slice %arg3[%mul3A_4] : memref<16384xi32, #tpu.memory_space<hbm>> -> memref<512xi32, #tpu.memory_space<hbm>>
      %dma_start3A_66 = arith.constant 512 : i32
      %dma_start3A_67 = tpu.memref_slice %arg8[%dma_start3A_66] : memref<11264xi32, #tpu.memory_space<vmem>> -> memref<512xi32, #tpu.memory_space<vmem>>
      %dma_start3A_68 = tpu.memref_slice %arg3[%mul3A_4] : memref<16384xi32, #tpu.memory_space<hbm>> -> memref<512xi32, #tpu.memory_space<hbm>>
      tpu.enqueue_dma source(%dma_start3A_68 : memref<512xi32, #tpu.memory_space<hbm>>) target(%dma_start3A_67 : memref<512xi32, #tpu.memory_space<vmem>>) target_semaphore(%run_scoped3A : memref<!tpu.dma_semaphore, #tpu.memory_space<semaphore_mem>>)
      %dma_wait3A = arith.constant 512 : i32
      %dma_wait3A_69 = tpu.memref_slice %arg8[%dma_wait3A] : memref<11264xi32, #tpu.memory_space<vmem>> -> memref<512xi32, #tpu.memory_space<vmem>>
      %dma_wait3A_70 = tpu.memref_slice %arg3[%mul3A_4] : memref<16384xi32, #tpu.memory_space<hbm>> -> memref<512xi32, #tpu.memory_space<hbm>>
      %dma_wait3A_71 = arith.constant 512 : i32
      %dma_wait3A_72 = tpu.memref_slice %arg8[%dma_wait3A_71] : memref<11264xi32, #tpu.memory_space<vmem>> -> memref<512xi32, #tpu.memory_space<vmem>>
      %dma_wait3A_73 = tpu.memref_slice %arg3[%mul3A_4] : memref<16384xi32, #tpu.memory_space<hbm>> -> memref<512xi32, #tpu.memory_space<hbm>>
      tpu.wait_dma2 semaphore(%run_scoped3A : memref<!tpu.dma_semaphore, #tpu.memory_space<semaphore_mem>>) src(%dma_wait3A_73 : memref<512xi32, #tpu.memory_space<hbm>>) dst(%dma_wait3A_72 : memref<512xi32, #tpu.memory_space<vmem>>)
      tpu.yield
    }) : () -> ()
    %mul3A_5 = arith.constant 10240 : i32
    %mul3A_6 = arith.muli %add3A, %mul3A_5 : i32
    "tpu.region"() ({
      %run_scoped3A = tpu.sem_alloc : memref<!tpu.dma_semaphore, #tpu.memory_space<semaphore_mem>>
      %dma_start3A_63 = arith.constant 1024 : i32
      %dma_start3A_64 = tpu.memref_slice %arg8[%dma_start3A_63] : memref<11264xi32, #tpu.memory_space<vmem>> -> memref<10240xi32, #tpu.memory_space<vmem>>
      %dma_start3A_65 = tpu.memref_slice %arg4[%mul3A_6] : memref<327680xi32, #tpu.memory_space<hbm>> -> memref<10240xi32, #tpu.memory_space<hbm>>
      %dma_start3A_66 = arith.constant 1024 : i32
      %dma_start3A_67 = tpu.memref_slice %arg8[%dma_start3A_66] : memref<11264xi32, #tpu.memory_space<vmem>> -> memref<10240xi32, #tpu.memory_space<vmem>>
      %dma_start3A_68 = tpu.memref_slice %arg4[%mul3A_6] : memref<327680xi32, #tpu.memory_space<hbm>> -> memref<10240xi32, #tpu.memory_space<hbm>>
      tpu.enqueue_dma source(%dma_start3A_68 : memref<10240xi32, #tpu.memory_space<hbm>>) target(%dma_start3A_67 : memref<10240xi32, #tpu.memory_space<vmem>>) target_semaphore(%run_scoped3A : memref<!tpu.dma_semaphore, #tpu.memory_space<semaphore_mem>>)
      %dma_wait3A = arith.constant 1024 : i32
      %dma_wait3A_69 = tpu.memref_slice %arg8[%dma_wait3A] : memref<11264xi32, #tpu.memory_space<vmem>> -> memref<10240xi32, #tpu.memory_space<vmem>>
      %dma_wait3A_70 = tpu.memref_slice %arg4[%mul3A_6] : memref<327680xi32, #tpu.memory_space<hbm>> -> memref<10240xi32, #tpu.memory_space<hbm>>
      %dma_wait3A_71 = arith.constant 1024 : i32
      %dma_wait3A_72 = tpu.memref_slice %arg8[%dma_wait3A_71] : memref<11264xi32, #tpu.memory_space<vmem>> -> memref<10240xi32, #tpu.memory_space<vmem>>
      %dma_wait3A_73 = tpu.memref_slice %arg4[%mul3A_6] : memref<327680xi32, #tpu.memory_space<hbm>> -> memref<10240xi32, #tpu.memory_space<hbm>>
      tpu.wait_dma2 semaphore(%run_scoped3A : memref<!tpu.dma_semaphore, #tpu.memory_space<semaphore_mem>>) src(%dma_wait3A_73 : memref<10240xi32, #tpu.memory_space<hbm>>) dst(%dma_wait3A_72 : memref<10240xi32, #tpu.memory_space<vmem>>)
      tpu.yield
    }) : () -> ()
    %dma_start3A = arith.constant 0 : i32
    %dma_start3A_7 = tpu.memref_slice %arg8[%dma_start3A] : memref<11264xi32, #tpu.memory_space<vmem>> -> memref<32xi32, #tpu.memory_space<vmem>>
    %dma_start3A_8 = arith.constant 0 : i32
    %dma_start3A_9 = arith.constant 0 : i32
    %dma_start3A_10 = tpu.memref_slice %arg5[%dma_start3A_8, %dma_start3A_9] : memref<1000000x64xf32, #tpu.memory_space<hbm>> -> memref<1000000x64xf32, #tpu.memory_space<hbm>>
    tpu.enqueue_indirect_dma source(%dma_start3A_10 : memref<1000000x64xf32, #tpu.memory_space<hbm>>) target(%arg9 : memref<32x64xf32, #tpu.memory_space<vmem>>) offsets(%dma_start3A_7 : memref<32xi32, #tpu.memory_space<vmem>>) semaphore(%arg17 : memref<!tpu.dma_semaphore, #tpu.memory_space<semaphore_mem>>)
    %dma_start3A_11 = arith.constant 512 : i32
    %dma_start3A_12 = tpu.memref_slice %arg8[%dma_start3A_11] : memref<11264xi32, #tpu.memory_space<vmem>> -> memref<32xi32, #tpu.memory_space<vmem>>
    %dma_start3A_13 = arith.constant 0 : i32
    %dma_start3A_14 = arith.constant 0 : i32
    %dma_start3A_15 = tpu.memref_slice %arg6[%dma_start3A_13, %dma_start3A_14] : memref<1000000x64xf32, #tpu.memory_space<hbm>> -> memref<1000000x64xf32, #tpu.memory_space<hbm>>
    tpu.enqueue_indirect_dma source(%dma_start3A_15 : memref<1000000x64xf32, #tpu.memory_space<hbm>>) target(%arg10 : memref<32x64xf32, #tpu.memory_space<vmem>>) offsets(%dma_start3A_12 : memref<32xi32, #tpu.memory_space<vmem>>) semaphore(%arg17 : memref<!tpu.dma_semaphore, #tpu.memory_space<semaphore_mem>>)
    %dma_start3A_16 = arith.constant 0 : i32
    %dma_start3A_17 = arith.constant 0 : i32
    %dma_start3A_18 = tpu.memref_slice %arg11[%dma_start3A_16, %dma_start3A_17] : memref<640x64xf32, #tpu.memory_space<vmem>> -> memref<128x64xf32, #tpu.memory_space<vmem>>
    %dma_start3A_19 = arith.constant 1024 : i32
    %dma_start3A_20 = tpu.memref_slice %arg8[%dma_start3A_19] : memref<11264xi32, #tpu.memory_space<vmem>> -> memref<128xi32, #tpu.memory_space<vmem>>
    %dma_start3A_21 = arith.constant 0 : i32
    %dma_start3A_22 = arith.constant 0 : i32
    %dma_start3A_23 = tpu.memref_slice %arg6[%dma_start3A_21, %dma_start3A_22] : memref<1000000x64xf32, #tpu.memory_space<hbm>> -> memref<1000000x64xf32, #tpu.memory_space<hbm>>
    tpu.enqueue_indirect_dma source(%dma_start3A_23 : memref<1000000x64xf32, #tpu.memory_space<hbm>>) target(%dma_start3A_18 : memref<128x64xf32, #tpu.memory_space<vmem>>) offsets(%dma_start3A_20 : memref<128xi32, #tpu.memory_space<vmem>>) semaphore(%arg17 : memref<!tpu.dma_semaphore, #tpu.memory_space<semaphore_mem>>)
    %dma_start3A_24 = arith.constant 128 : i32
    %dma_start3A_25 = arith.constant 0 : i32
    %dma_start3A_26 = tpu.memref_slice %arg11[%dma_start3A_24, %dma_start3A_25] : memref<640x64xf32, #tpu.memory_space<vmem>> -> memref<128x64xf32, #tpu.memory_space<vmem>>
    %dma_start3A_27 = arith.constant 1152 : i32
    %dma_start3A_28 = tpu.memref_slice %arg8[%dma_start3A_27] : memref<11264xi32, #tpu.memory_space<vmem>> -> memref<128xi32, #tpu.memory_space<vmem>>
    %dma_start3A_29 = arith.constant 0 : i32
    %dma_start3A_30 = arith.constant 0 : i32
    %dma_start3A_31 = tpu.memref_slice %arg6[%dma_start3A_29, %dma_start3A_30] : memref<1000000x64xf32, #tpu.memory_space<hbm>> -> memref<1000000x64xf32, #tpu.memory_space<hbm>>
    tpu.enqueue_indirect_dma source(%dma_start3A_31 : memref<1000000x64xf32, #tpu.memory_space<hbm>>) target(%dma_start3A_26 : memref<128x64xf32, #tpu.memory_space<vmem>>) offsets(%dma_start3A_28 : memref<128xi32, #tpu.memory_space<vmem>>) semaphore(%arg17 : memref<!tpu.dma_semaphore, #tpu.memory_space<semaphore_mem>>)
    %dma_start3A_32 = arith.constant 256 : i32
    %dma_start3A_33 = arith.constant 0 : i32
    %dma_start3A_34 = tpu.memref_slice %arg11[%dma_start3A_32, %dma_start3A_33] : memref<640x64xf32, #tpu.memory_space<vmem>> -> memref<128x64xf32, #tpu.memory_space<vmem>>
    %dma_start3A_35 = arith.constant 1280 : i32
    %dma_start3A_36 = tpu.memref_slice %arg8[%dma_start3A_35] : memref<11264xi32, #tpu.memory_space<vmem>> -> memref<128xi32, #tpu.memory_space<vmem>>
    %dma_start3A_37 = arith.constant 0 : i32
    %dma_start3A_38 = arith.constant 0 : i32
    %dma_start3A_39 = tpu.memref_slice %arg6[%dma_start3A_37, %dma_start3A_38] : memref<1000000x64xf32, #tpu.memory_space<hbm>> -> memref<1000000x64xf32, #tpu.memory_space<hbm>>
    tpu.enqueue_indirect_dma source(%dma_start3A_39 : memref<1000000x64xf32, #tpu.memory_space<hbm>>) target(%dma_start3A_34 : memref<128x64xf32, #tpu.memory_space<vmem>>) offsets(%dma_start3A_36 : memref<128xi32, #tpu.memory_space<vmem>>) semaphore(%arg17 : memref<!tpu.dma_semaphore, #tpu.memory_space<semaphore_mem>>)
    %dma_start3A_40 = arith.constant 384 : i32
    %dma_start3A_41 = arith.constant 0 : i32
    %dma_start3A_42 = tpu.memref_slice %arg11[%dma_start3A_40, %dma_start3A_41] : memref<640x64xf32, #tpu.memory_space<vmem>> -> memref<128x64xf32, #tpu.memory_space<vmem>>
    %dma_start3A_43 = arith.constant 1408 : i32
    %dma_start3A_44 = tpu.memref_slice %arg8[%dma_start3A_43] : memref<11264xi32, #tpu.memory_space<vmem>> -> memref<128xi32, #tpu.memory_space<vmem>>
    %dma_start3A_45 = arith.constant 0 : i32
    %dma_start3A_46 = arith.constant 0 : i32
    %dma_start3A_47 = tpu.memref_slice %arg6[%dma_start3A_45, %dma_start3A_46] : memref<1000000x64xf32, #tpu.memory_space<hbm>> -> memref<1000000x64xf32, #tpu.memory_space<hbm>>
    tpu.enqueue_indirect_dma source(%dma_start3A_47 : memref<1000000x64xf32, #tpu.memory_space<hbm>>) target(%dma_start3A_42 : memref<128x64xf32, #tpu.memory_space<vmem>>) offsets(%dma_start3A_44 : memref<128xi32, #tpu.memory_space<vmem>>) semaphore(%arg17 : memref<!tpu.dma_semaphore, #tpu.memory_space<semaphore_mem>>)
    %dma_start3A_48 = arith.constant 512 : i32
    %dma_start3A_49 = arith.constant 0 : i32
    %dma_start3A_50 = tpu.memref_slice %arg11[%dma_start3A_48, %dma_start3A_49] : memref<640x64xf32, #tpu.memory_space<vmem>> -> memref<128x64xf32, #tpu.memory_space<vmem>>
    %dma_start3A_51 = arith.constant 1536 : i32
    %dma_start3A_52 = tpu.memref_slice %arg8[%dma_start3A_51] : memref<11264xi32, #tpu.memory_space<vmem>> -> memref<128xi32, #tpu.memory_space<vmem>>
    %dma_start3A_53 = arith.constant 0 : i32
    %dma_start3A_54 = arith.constant 0 : i32
    %dma_start3A_55 = tpu.memref_slice %arg6[%dma_start3A_53, %dma_start3A_54] : memref<1000000x64xf32, #tpu.memory_space<hbm>> -> memref<1000000x64xf32, #tpu.memory_space<hbm>>
    tpu.enqueue_indirect_dma source(%dma_start3A_55 : memref<1000000x64xf32, #tpu.memory_space<hbm>>) target(%dma_start3A_50 : memref<128x64xf32, #tpu.memory_space<vmem>>) offsets(%dma_start3A_52 : memref<128xi32, #tpu.memory_space<vmem>>) semaphore(%arg17 : memref<!tpu.dma_semaphore, #tpu.memory_space<semaphore_mem>>)
    %scan3A = arith.constant 0 : i32
    %scan3A_56 = arith.constant 0 : i32
    %scan3A_57 = arith.constant 8 : i32
    %scan3A_58 = arith.addi %scan3A_56, %scan3A_57 : i32
    %scan3A_59 = arith.constant 1 : i32
    scf.for %scan3A_63 = %scan3A_56 to %scan3A_58 step %scan3A_59  : i32 {
      %mul3A_64 = arith.constant 2 : i32
      %mul3A_65 = arith.muli %mul3A_64, %scan3A_63 : i32
      %add3A_66 = arith.constant 1 : i32
      %add3A_67 = arith.addi %mul3A_65, %add3A_66 : i32
      %mul3A_68 = arith.constant 32 : i32
      %mul3A_69 = arith.muli %add3A_67, %mul3A_68 : i32
      %mul3A_70 = arith.constant 32 : i32
      %mul3A_71 = arith.muli %add3A_67, %mul3A_70 : i32
      %add3A_72 = arith.constant 512 : i32
      %add3A_73 = arith.addi %add3A_72, %mul3A_71 : i32
      %mul3A_74 = arith.constant 32 : i32
      %mul3A_75 = arith.muli %add3A_67, %mul3A_74 : i32
      %mul3A_76 = arith.constant 20 : i32
      %mul3A_77 = arith.muli %mul3A_75, %mul3A_76 : i32
      %add3A_78 = arith.constant 1024 : i32
      %add3A_79 = arith.addi %add3A_78, %mul3A_77 : i32
      %add3A_80 = arith.constant 0 : i32
      %add3A_81 = arith.addi %add3A_79, %add3A_80 : i32
      %mul3A_82 = arith.constant 32 : i32
      %mul3A_83 = arith.muli %add3A_67, %mul3A_82 : i32
      %mul3A_84 = arith.constant 20 : i32
      %mul3A_85 = arith.muli %mul3A_83, %mul3A_84 : i32
      %add3A_86 = arith.constant 1024 : i32
      %add3A_87 = arith.addi %add3A_86, %mul3A_85 : i32
      %add3A_88 = arith.constant 128 : i32
      %add3A_89 = arith.addi %add3A_87, %add3A_88 : i32
      %mul3A_90 = arith.constant 32 : i32
      %mul3A_91 = arith.muli %add3A_67, %mul3A_90 : i32
      %mul3A_92 = arith.constant 20 : i32
      %mul3A_93 = arith.muli %mul3A_91, %mul3A_92 : i32
      %add3A_94 = arith.constant 1024 : i32
      %add3A_95 = arith.addi %add3A_94, %mul3A_93 : i32
      %add3A_96 = arith.constant 256 : i32
      %add3A_97 = arith.addi %add3A_95, %add3A_96 : i32
      %mul3A_98 = arith.constant 32 : i32
      %mul3A_99 = arith.muli %add3A_67, %mul3A_98 : i32
      %mul3A_100 = arith.constant 20 : i32
      %mul3A_101 = arith.muli %mul3A_99, %mul3A_100 : i32
      %add3A_102 = arith.constant 1024 : i32
      %add3A_103 = arith.addi %add3A_102, %mul3A_101 : i32
      %add3A_104 = arith.constant 384 : i32
      %add3A_105 = arith.addi %add3A_103, %add3A_104 : i32
      %mul3A_106 = arith.constant 32 : i32
      %mul3A_107 = arith.muli %add3A_67, %mul3A_106 : i32
      %mul3A_108 = arith.constant 20 : i32
      %mul3A_109 = arith.muli %mul3A_107, %mul3A_108 : i32
      %add3A_110 = arith.constant 1024 : i32
      %add3A_111 = arith.addi %add3A_110, %mul3A_109 : i32
      %add3A_112 = arith.constant 512 : i32
      %add3A_113 = arith.addi %add3A_111, %add3A_112 : i32
      %dma_start3A_114 = tpu.memref_slice %arg8[%mul3A_69] : memref<11264xi32, #tpu.memory_space<vmem>> -> memref<32xi32, #tpu.memory_space<vmem>>
      %dma_start3A_115 = arith.constant 0 : i32
      %dma_start3A_116 = arith.constant 0 : i32
      %dma_start3A_117 = tpu.memref_slice %arg5[%dma_start3A_115, %dma_start3A_116] : memref<1000000x64xf32, #tpu.memory_space<hbm>> -> memref<1000000x64xf32, #tpu.memory_space<hbm>>
      tpu.enqueue_indirect_dma source(%dma_start3A_117 : memref<1000000x64xf32, #tpu.memory_space<hbm>>) target(%arg12 : memref<32x64xf32, #tpu.memory_space<vmem>>) offsets(%dma_start3A_114 : memref<32xi32, #tpu.memory_space<vmem>>) semaphore(%arg18 : memref<!tpu.dma_semaphore, #tpu.memory_space<semaphore_mem>>)
      %dma_start3A_118 = tpu.memref_slice %arg8[%add3A_73] : memref<11264xi32, #tpu.memory_space<vmem>> -> memref<32xi32, #tpu.memory_space<vmem>>
      %dma_start3A_119 = arith.constant 0 : i32
      %dma_start3A_120 = arith.constant 0 : i32
      %dma_start3A_121 = tpu.memref_slice %arg6[%dma_start3A_119, %dma_start3A_120] : memref<1000000x64xf32, #tpu.memory_space<hbm>> -> memref<1000000x64xf32, #tpu.memory_space<hbm>>
      tpu.enqueue_indirect_dma source(%dma_start3A_121 : memref<1000000x64xf32, #tpu.memory_space<hbm>>) target(%arg13 : memref<32x64xf32, #tpu.memory_space<vmem>>) offsets(%dma_start3A_118 : memref<32xi32, #tpu.memory_space<vmem>>) semaphore(%arg18 : memref<!tpu.dma_semaphore, #tpu.memory_space<semaphore_mem>>)
      %dma_start3A_122 = arith.constant 0 : i32
      %dma_start3A_123 = arith.constant 0 : i32
      %dma_start3A_124 = tpu.memref_slice %arg14[%dma_start3A_122, %dma_start3A_123] : memref<640x64xf32, #tpu.memory_space<vmem>> -> memref<128x64xf32, #tpu.memory_space<vmem>>
      %dma_start3A_125 = tpu.memref_slice %arg8[%add3A_81] : memref<11264xi32, #tpu.memory_space<vmem>> -> memref<128xi32, #tpu.memory_space<vmem>>
      %dma_start3A_126 = arith.constant 0 : i32
      %dma_start3A_127 = arith.constant 0 : i32
      %dma_start3A_128 = tpu.memref_slice %arg6[%dma_start3A_126, %dma_start3A_127] : memref<1000000x64xf32, #tpu.memory_space<hbm>> -> memref<1000000x64xf32, #tpu.memory_space<hbm>>
      tpu.enqueue_indirect_dma source(%dma_start3A_128 : memref<1000000x64xf32, #tpu.memory_space<hbm>>) target(%dma_start3A_124 : memref<128x64xf32, #tpu.memory_space<vmem>>) offsets(%dma_start3A_125 : memref<128xi32, #tpu.memory_space<vmem>>) semaphore(%arg18 : memref<!tpu.dma_semaphore, #tpu.memory_space<semaphore_mem>>)
      %dma_start3A_129 = arith.constant 128 : i32
      %dma_start3A_130 = arith.constant 0 : i32
      %dma_start3A_131 = tpu.memref_slice %arg14[%dma_start3A_129, %dma_start3A_130] : memref<640x64xf32, #tpu.memory_space<vmem>> -> memref<128x64xf32, #tpu.memory_space<vmem>>
      %dma_start3A_132 = tpu.memref_slice %arg8[%add3A_89] : memref<11264xi32, #tpu.memory_space<vmem>> -> memref<128xi32, #tpu.memory_space<vmem>>
      %dma_start3A_133 = arith.constant 0 : i32
      %dma_start3A_134 = arith.constant 0 : i32
      %dma_start3A_135 = tpu.memref_slice %arg6[%dma_start3A_133, %dma_start3A_134] : memref<1000000x64xf32, #tpu.memory_space<hbm>> -> memref<1000000x64xf32, #tpu.memory_space<hbm>>
      tpu.enqueue_indirect_dma source(%dma_start3A_135 : memref<1000000x64xf32, #tpu.memory_space<hbm>>) target(%dma_start3A_131 : memref<128x64xf32, #tpu.memory_space<vmem>>) offsets(%dma_start3A_132 : memref<128xi32, #tpu.memory_space<vmem>>) semaphore(%arg18 : memref<!tpu.dma_semaphore, #tpu.memory_space<semaphore_mem>>)
      %dma_start3A_136 = arith.constant 256 : i32
      %dma_start3A_137 = arith.constant 0 : i32
      %dma_start3A_138 = tpu.memref_slice %arg14[%dma_start3A_136, %dma_start3A_137] : memref<640x64xf32, #tpu.memory_space<vmem>> -> memref<128x64xf32, #tpu.memory_space<vmem>>
      %dma_start3A_139 = tpu.memref_slice %arg8[%add3A_97] : memref<11264xi32, #tpu.memory_space<vmem>> -> memref<128xi32, #tpu.memory_space<vmem>>
      %dma_start3A_140 = arith.constant 0 : i32
      %dma_start3A_141 = arith.constant 0 : i32
      %dma_start3A_142 = tpu.memref_slice %arg6[%dma_start3A_140, %dma_start3A_141] : memref<1000000x64xf32, #tpu.memory_space<hbm>> -> memref<1000000x64xf32, #tpu.memory_space<hbm>>
      tpu.enqueue_indirect_dma source(%dma_start3A_142 : memref<1000000x64xf32, #tpu.memory_space<hbm>>) target(%dma_start3A_138 : memref<128x64xf32, #tpu.memory_space<vmem>>) offsets(%dma_start3A_139 : memref<128xi32, #tpu.memory_space<vmem>>) semaphore(%arg18 : memref<!tpu.dma_semaphore, #tpu.memory_space<semaphore_mem>>)
      %dma_start3A_143 = arith.constant 384 : i32
      %dma_start3A_144 = arith.constant 0 : i32
      %dma_start3A_145 = tpu.memref_slice %arg14[%dma_start3A_143, %dma_start3A_144] : memref<640x64xf32, #tpu.memory_space<vmem>> -> memref<128x64xf32, #tpu.memory_space<vmem>>
      %dma_start3A_146 = tpu.memref_slice %arg8[%add3A_105] : memref<11264xi32, #tpu.memory_space<vmem>> -> memref<128xi32, #tpu.memory_space<vmem>>
      %dma_start3A_147 = arith.constant 0 : i32
      %dma_start3A_148 = arith.constant 0 : i32
      %dma_start3A_149 = tpu.memref_slice %arg6[%dma_start3A_147, %dma_start3A_148] : memref<1000000x64xf32, #tpu.memory_space<hbm>> -> memref<1000000x64xf32, #tpu.memory_space<hbm>>
      tpu.enqueue_indirect_dma source(%dma_start3A_149 : memref<1000000x64xf32, #tpu.memory_space<hbm>>) target(%dma_start3A_145 : memref<128x64xf32, #tpu.memory_space<vmem>>) offsets(%dma_start3A_146 : memref<128xi32, #tpu.memory_space<vmem>>) semaphore(%arg18 : memref<!tpu.dma_semaphore, #tpu.memory_space<semaphore_mem>>)
      %dma_start3A_150 = arith.constant 512 : i32
      %dma_start3A_151 = arith.constant 0 : i32
      %dma_start3A_152 = tpu.memref_slice %arg14[%dma_start3A_150, %dma_start3A_151] : memref<640x64xf32, #tpu.memory_space<vmem>> -> memref<128x64xf32, #tpu.memory_space<vmem>>
      %dma_start3A_153 = tpu.memref_slice %arg8[%add3A_113] : memref<11264xi32, #tpu.memory_space<vmem>> -> memref<128xi32, #tpu.memory_space<vmem>>
      %dma_start3A_154 = arith.constant 0 : i32
      %dma_start3A_155 = arith.constant 0 : i32
      %dma_start3A_156 = tpu.memref_slice %arg6[%dma_start3A_154, %dma_start3A_155] : memref<1000000x64xf32, #tpu.memory_space<hbm>> -> memref<1000000x64xf32, #tpu.memory_space<hbm>>
      tpu.enqueue_indirect_dma source(%dma_start3A_156 : memref<1000000x64xf32, #tpu.memory_space<hbm>>) target(%dma_start3A_152 : memref<128x64xf32, #tpu.memory_space<vmem>>) offsets(%dma_start3A_153 : memref<128xi32, #tpu.memory_space<vmem>>) semaphore(%arg18 : memref<!tpu.dma_semaphore, #tpu.memory_space<semaphore_mem>>)
      %mul3A_157 = arith.constant 2 : i32
      %mul3A_158 = arith.muli %mul3A_157, %scan3A_63 : i32
      %mul3A_159 = arith.constant 32 : i32
      %mul3A_160 = arith.muli %mul3A_158, %mul3A_159 : i32
      %mul3A_161 = arith.constant 32 : i32
      %mul3A_162 = arith.muli %mul3A_158, %mul3A_161 : i32
      %add3A_163 = arith.constant 512 : i32
      %add3A_164 = arith.addi %add3A_163, %mul3A_162 : i32
      %mul3A_165 = arith.constant 32 : i32
      %mul3A_166 = arith.muli %mul3A_158, %mul3A_165 : i32
      %mul3A_167 = arith.constant 20 : i32
      %mul3A_168 = arith.muli %mul3A_166, %mul3A_167 : i32
      %add3A_169 = arith.constant 1024 : i32
      %add3A_170 = arith.addi %add3A_169, %mul3A_168 : i32
      %add3A_171 = arith.constant 0 : i32
      %add3A_172 = arith.addi %add3A_170, %add3A_171 : i32
      %mul3A_173 = arith.constant 32 : i32
      %mul3A_174 = arith.muli %mul3A_158, %mul3A_173 : i32
      %mul3A_175 = arith.constant 20 : i32
      %mul3A_176 = arith.muli %mul3A_174, %mul3A_175 : i32
      %add3A_177 = arith.constant 1024 : i32
      %add3A_178 = arith.addi %add3A_177, %mul3A_176 : i32
      %add3A_179 = arith.constant 128 : i32
      %add3A_180 = arith.addi %add3A_178, %add3A_179 : i32
      %mul3A_181 = arith.constant 32 : i32
      %mul3A_182 = arith.muli %mul3A_158, %mul3A_181 : i32
      %mul3A_183 = arith.constant 20 : i32
      %mul3A_184 = arith.muli %mul3A_182, %mul3A_183 : i32
      %add3A_185 = arith.constant 1024 : i32
      %add3A_186 = arith.addi %add3A_185, %mul3A_184 : i32
      %add3A_187 = arith.constant 256 : i32
      %add3A_188 = arith.addi %add3A_186, %add3A_187 : i32
      %mul3A_189 = arith.constant 32 : i32
      %mul3A_190 = arith.muli %mul3A_158, %mul3A_189 : i32
      %mul3A_191 = arith.constant 20 : i32
      %mul3A_192 = arith.muli %mul3A_190, %mul3A_191 : i32
      %add3A_193 = arith.constant 1024 : i32
      %add3A_194 = arith.addi %add3A_193, %mul3A_192 : i32
      %add3A_195 = arith.constant 384 : i32
      %add3A_196 = arith.addi %add3A_194, %add3A_195 : i32
      %mul3A_197 = arith.constant 32 : i32
      %mul3A_198 = arith.muli %mul3A_158, %mul3A_197 : i32
      %mul3A_199 = arith.constant 20 : i32
      %mul3A_200 = arith.muli %mul3A_198, %mul3A_199 : i32
      %add3A_201 = arith.constant 1024 : i32
      %add3A_202 = arith.addi %add3A_201, %mul3A_200 : i32
      %add3A_203 = arith.constant 512 : i32
      %add3A_204 = arith.addi %add3A_202, %add3A_203 : i32
      %dma_wait3A = tpu.memref_slice %arg8[%mul3A_160] : memref<11264xi32, #tpu.memory_space<vmem>> -> memref<32xi32, #tpu.memory_space<vmem>>
      %dma_wait3A_205 = arith.constant 0 : i32
      %dma_wait3A_206 = arith.constant 0 : i32
      %dma_wait3A_207 = tpu.memref_slice %arg5[%dma_wait3A_205, %dma_wait3A_206] : memref<1000000x64xf32, #tpu.memory_space<hbm>> -> memref<1000000x64xf32, #tpu.memory_space<hbm>>
      tpu.wait_indirect_dma semaphore(%arg17 : memref<!tpu.dma_semaphore, #tpu.memory_space<semaphore_mem>>) src(%dma_wait3A_207 : memref<1000000x64xf32, #tpu.memory_space<hbm>>) dst(%arg9 : memref<32x64xf32, #tpu.memory_space<vmem>>)
      %dma_wait3A_208 = tpu.memref_slice %arg8[%add3A_164] : memref<11264xi32, #tpu.memory_space<vmem>> -> memref<32xi32, #tpu.memory_space<vmem>>
      %dma_wait3A_209 = arith.constant 0 : i32
      %dma_wait3A_210 = arith.constant 0 : i32
      %dma_wait3A_211 = tpu.memref_slice %arg6[%dma_wait3A_209, %dma_wait3A_210] : memref<1000000x64xf32, #tpu.memory_space<hbm>> -> memref<1000000x64xf32, #tpu.memory_space<hbm>>
      tpu.wait_indirect_dma semaphore(%arg17 : memref<!tpu.dma_semaphore, #tpu.memory_space<semaphore_mem>>) src(%dma_wait3A_211 : memref<1000000x64xf32, #tpu.memory_space<hbm>>) dst(%arg10 : memref<32x64xf32, #tpu.memory_space<vmem>>)
      %dma_wait3A_212 = arith.constant 0 : i32
      %dma_wait3A_213 = arith.constant 0 : i32
      %dma_wait3A_214 = tpu.memref_slice %arg11[%dma_wait3A_212, %dma_wait3A_213] : memref<640x64xf32, #tpu.memory_space<vmem>> -> memref<128x64xf32, #tpu.memory_space<vmem>>
      %dma_wait3A_215 = tpu.memref_slice %arg8[%add3A_172] : memref<11264xi32, #tpu.memory_space<vmem>> -> memref<128xi32, #tpu.memory_space<vmem>>
      %dma_wait3A_216 = arith.constant 0 : i32
      %dma_wait3A_217 = arith.constant 0 : i32
      %dma_wait3A_218 = tpu.memref_slice %arg6[%dma_wait3A_216, %dma_wait3A_217] : memref<1000000x64xf32, #tpu.memory_space<hbm>> -> memref<1000000x64xf32, #tpu.memory_space<hbm>>
      tpu.wait_indirect_dma semaphore(%arg17 : memref<!tpu.dma_semaphore, #tpu.memory_space<semaphore_mem>>) src(%dma_wait3A_218 : memref<1000000x64xf32, #tpu.memory_space<hbm>>) dst(%dma_wait3A_214 : memref<128x64xf32, #tpu.memory_space<vmem>>)
      %dma_wait3A_219 = arith.constant 128 : i32
      %dma_wait3A_220 = arith.constant 0 : i32
      %dma_wait3A_221 = tpu.memref_slice %arg11[%dma_wait3A_219, %dma_wait3A_220] : memref<640x64xf32, #tpu.memory_space<vmem>> -> memref<128x64xf32, #tpu.memory_space<vmem>>
      %dma_wait3A_222 = tpu.memref_slice %arg8[%add3A_180] : memref<11264xi32, #tpu.memory_space<vmem>> -> memref<128xi32, #tpu.memory_space<vmem>>
      %dma_wait3A_223 = arith.constant 0 : i32
      %dma_wait3A_224 = arith.constant 0 : i32
      %dma_wait3A_225 = tpu.memref_slice %arg6[%dma_wait3A_223, %dma_wait3A_224] : memref<1000000x64xf32, #tpu.memory_space<hbm>> -> memref<1000000x64xf32, #tpu.memory_space<hbm>>
      tpu.wait_indirect_dma semaphore(%arg17 : memref<!tpu.dma_semaphore, #tpu.memory_space<semaphore_mem>>) src(%dma_wait3A_225 : memref<1000000x64xf32, #tpu.memory_space<hbm>>) dst(%dma_wait3A_221 : memref<128x64xf32, #tpu.memory_space<vmem>>)
      %dma_wait3A_226 = arith.constant 256 : i32
      %dma_wait3A_227 = arith.constant 0 : i32
      %dma_wait3A_228 = tpu.memref_slice %arg11[%dma_wait3A_226, %dma_wait3A_227] : memref<640x64xf32, #tpu.memory_space<vmem>> -> memref<128x64xf32, #tpu.memory_space<vmem>>
      %dma_wait3A_229 = tpu.memref_slice %arg8[%add3A_188] : memref<11264xi32, #tpu.memory_space<vmem>> -> memref<128xi32, #tpu.memory_space<vmem>>
      %dma_wait3A_230 = arith.constant 0 : i32
      %dma_wait3A_231 = arith.constant 0 : i32
      %dma_wait3A_232 = tpu.memref_slice %arg6[%dma_wait3A_230, %dma_wait3A_231] : memref<1000000x64xf32, #tpu.memory_space<hbm>> -> memref<1000000x64xf32, #tpu.memory_space<hbm>>
      tpu.wait_indirect_dma semaphore(%arg17 : memref<!tpu.dma_semaphore, #tpu.memory_space<semaphore_mem>>) src(%dma_wait3A_232 : memref<1000000x64xf32, #tpu.memory_space<hbm>>) dst(%dma_wait3A_228 : memref<128x64xf32, #tpu.memory_space<vmem>>)
      %dma_wait3A_233 = arith.constant 384 : i32
      %dma_wait3A_234 = arith.constant 0 : i32
      %dma_wait3A_235 = tpu.memref_slice %arg11[%dma_wait3A_233, %dma_wait3A_234] : memref<640x64xf32, #tpu.memory_space<vmem>> -> memref<128x64xf32, #tpu.memory_space<vmem>>
      %dma_wait3A_236 = tpu.memref_slice %arg8[%add3A_196] : memref<11264xi32, #tpu.memory_space<vmem>> -> memref<128xi32, #tpu.memory_space<vmem>>
      %dma_wait3A_237 = arith.constant 0 : i32
      %dma_wait3A_238 = arith.constant 0 : i32
      %dma_wait3A_239 = tpu.memref_slice %arg6[%dma_wait3A_237, %dma_wait3A_238] : memref<1000000x64xf32, #tpu.memory_space<hbm>> -> memref<1000000x64xf32, #tpu.memory_space<hbm>>
      tpu.wait_indirect_dma semaphore(%arg17 : memref<!tpu.dma_semaphore, #tpu.memory_space<semaphore_mem>>) src(%dma_wait3A_239 : memref<1000000x64xf32, #tpu.memory_space<hbm>>) dst(%dma_wait3A_235 : memref<128x64xf32, #tpu.memory_space<vmem>>)
      %dma_wait3A_240 = arith.constant 512 : i32
      %dma_wait3A_241 = arith.constant 0 : i32
      %dma_wait3A_242 = tpu.memref_slice %arg11[%dma_wait3A_240, %dma_wait3A_241] : memref<640x64xf32, #tpu.memory_space<vmem>> -> memref<128x64xf32, #tpu.memory_space<vmem>>
      %dma_wait3A_243 = tpu.memref_slice %arg8[%add3A_204] : memref<11264xi32, #tpu.memory_space<vmem>> -> memref<128xi32, #tpu.memory_space<vmem>>
      %dma_wait3A_244 = arith.constant 0 : i32
      %dma_wait3A_245 = arith.constant 0 : i32
      %dma_wait3A_246 = tpu.memref_slice %arg6[%dma_wait3A_244, %dma_wait3A_245] : memref<1000000x64xf32, #tpu.memory_space<hbm>> -> memref<1000000x64xf32, #tpu.memory_space<hbm>>
      tpu.wait_indirect_dma semaphore(%arg17 : memref<!tpu.dma_semaphore, #tpu.memory_space<semaphore_mem>>) src(%dma_wait3A_246 : memref<1000000x64xf32, #tpu.memory_space<hbm>>) dst(%dma_wait3A_242 : memref<128x64xf32, #tpu.memory_space<vmem>>)
      %mul3A_247 = arith.constant 2 : i32
      %mul3A_248 = arith.muli %mul3A_247, %scan3A_63 : i32
      %scan3A_249 = arith.constant 0 : i32
      %scan3A_250 = arith.constant 0 : i32
      %scan3A_251 = arith.constant 32 : i32
      %scan3A_252 = arith.addi %scan3A_250, %scan3A_251 : i32
      %scan3A_253 = arith.constant 2 : i32
      scf.for %scan3A_360 = %scan3A_250 to %scan3A_252 step %scan3A_253  : i32 {
        %get3A = arith.index_cast %scan3A_360 : i32 to index
        %get3A_361 = arith.constant 0 : index
        %get3A_362 = tpu.vector_load %arg9[%get3A, %get3A_361] {strides = array<i32>} : memref<32x64xf32, #tpu.memory_space<vmem>>, vector<16xf32>,
        %get3A_363 = arith.index_cast %scan3A_360 : i32 to index
        %get3A_364 = arith.constant 16 : index
        %get3A_365 = tpu.vector_load %arg9[%get3A_363, %get3A_364] {strides = array<i32>} : memref<32x64xf32, #tpu.memory_space<vmem>>, vector<16xf32>,
        %get3A_366 = arith.index_cast %scan3A_360 : i32 to index
        %get3A_367 = arith.constant 32 : index
        %get3A_368 = tpu.vector_load %arg9[%get3A_366, %get3A_367] {strides = array<i32>} : memref<32x64xf32, #tpu.memory_space<vmem>>, vector<16xf32>,
        %get3A_369 = arith.index_cast %scan3A_360 : i32 to index
        %get3A_370 = arith.constant 48 : index
        %get3A_371 = tpu.vector_load %arg9[%get3A_369, %get3A_370] {strides = array<i32>} : memref<32x64xf32, #tpu.memory_space<vmem>>, vector<16xf32>,
        %get3A_372 = arith.index_cast %scan3A_360 : i32 to index
        %get3A_373 = arith.constant 0 : index
        %get3A_374 = tpu.vector_load %arg10[%get3A_372, %get3A_373] {strides = array<i32>} : memref<32x64xf32, #tpu.memory_space<vmem>>, vector<16xf32>,
        %get3A_375 = arith.index_cast %scan3A_360 : i32 to index
        %get3A_376 = arith.constant 16 : index
        %get3A_377 = tpu.vector_load %arg10[%get3A_375, %get3A_376] {strides = array<i32>} : memref<32x64xf32, #tpu.memory_space<vmem>>, vector<16xf32>,
        %get3A_378 = arith.index_cast %scan3A_360 : i32 to index
        %get3A_379 = arith.constant 32 : index
        %get3A_380 = tpu.vector_load %arg10[%get3A_378, %get3A_379] {strides = array<i32>} : memref<32x64xf32, #tpu.memory_space<vmem>>, vector<16xf32>,
        %get3A_381 = arith.index_cast %scan3A_360 : i32 to index
        %get3A_382 = arith.constant 48 : index
        %get3A_383 = tpu.vector_load %arg10[%get3A_381, %get3A_382] {strides = array<i32>} : memref<32x64xf32, #tpu.memory_space<vmem>>, vector<16xf32>,
        %mul3A_384 = arith.mulf %get3A_362, %get3A_374 : vector<16xf32>
        %mul3A_385 = arith.mulf %get3A_365, %get3A_377 : vector<16xf32>
        %add3A_386 = arith.addf %mul3A_384, %mul3A_385 : vector<16xf32>
        %mul3A_387 = arith.mulf %get3A_368, %get3A_380 : vector<16xf32>
        %add3A_388 = arith.addf %add3A_386, %mul3A_387 : vector<16xf32>
        %mul3A_389 = arith.mulf %get3A_371, %get3A_383 : vector<16xf32>
        %add3A_390 = arith.addf %add3A_388, %mul3A_389 : vector<16xf32>
        %mul3A_391 = arith.constant 25 : i32
        %mul3A_392 = vector.broadcast %mul3A_391 : i32 to vector<16xi32>
        %mul3A_393 = arith.muli %iota3A, %mul3A_392 : vector<16xi32>
        %add3A_394 = arith.constant 0 : i32
        %add3A_395 = vector.broadcast %add3A_394 : i32 to vector<16xi32>
        %add3A_396 = arith.addi %mul3A_393, %add3A_395 : vector<16xi32>
        tpu.vector_store_idx %arg15[%add3A_396], %add3A_390 : memref<416xf32, #tpu.memory_space<vmem>>[vector<16xi32>], vector<16xf32>,
        %mul3A_397 = arith.constant 20 : i32
        %mul3A_398 = arith.muli %scan3A_360, %mul3A_397 : i32
        %add3A_399 = arith.constant 0 : i32
        %add3A_400 = arith.addi %mul3A_398, %add3A_399 : i32
        %get3A_401 = arith.index_cast %add3A_400 : i32 to index
        %get3A_402 = arith.constant 0 : index
        %get3A_403 = tpu.vector_load %arg11[%get3A_401, %get3A_402] {strides = array<i32>} : memref<640x64xf32, #tpu.memory_space<vmem>>, vector<16xf32>,
        %get3A_404 = arith.index_cast %add3A_400 : i32 to index
        %get3A_405 = arith.constant 16 : index
        %get3A_406 = tpu.vector_load %arg11[%get3A_404, %get3A_405] {strides = array<i32>} : memref<640x64xf32, #tpu.memory_space<vmem>>, vector<16xf32>,
        %get3A_407 = arith.index_cast %add3A_400 : i32 to index
        %get3A_408 = arith.constant 32 : index
        %get3A_409 = tpu.vector_load %arg11[%get3A_407, %get3A_408] {strides = array<i32>} : memref<640x64xf32, #tpu.memory_space<vmem>>, vector<16xf32>,
        %get3A_410 = arith.index_cast %add3A_400 : i32 to index
        %get3A_411 = arith.constant 48 : index
        %get3A_412 = tpu.vector_load %arg11[%get3A_410, %get3A_411] {strides = array<i32>} : memref<640x64xf32, #tpu.memory_space<vmem>>, vector<16xf32>,
        %mul3A_413 = arith.mulf %get3A_362, %get3A_403 : vector<16xf32>
        %mul3A_414 = arith.mulf %get3A_365, %get3A_406 : vector<16xf32>
        %add3A_415 = arith.addf %mul3A_413, %mul3A_414 : vector<16xf32>
        %mul3A_416 = arith.mulf %get3A_368, %get3A_409 : vector<16xf32>
        %add3A_417 = arith.addf %add3A_415, %mul3A_416 : vector<16xf32>
        %mul3A_418 = arith.mulf %get3A_371, %get3A_412 : vector<16xf32>
        %add3A_419 = arith.addf %add3A_417, %mul3A_418 : vector<16xf32>
        %mul3A_420 = arith.constant 25 : i32
        %mul3A_421 = vector.broadcast %mul3A_420 : i32 to vector<16xi32>
        %mul3A_422 = arith.muli %iota3A, %mul3A_421 : vector<16xi32>
        %add3A_423 = arith.constant 1 : i32
        %add3A_424 = vector.broadcast %add3A_423 : i32 to vector<16xi32>
        %add3A_425 = arith.addi %mul3A_422, %add3A_424 : vector<16xi32>
        tpu.vector_store_idx %arg15[%add3A_425], %add3A_419 : memref<416xf32, #tpu.memory_space<vmem>>[vector<16xi32>], vector<16xf32>,
        %mul3A_426 = arith.constant 20 : i32
        %mul3A_427 = arith.muli %scan3A_360, %mul3A_426 : i32
        %add3A_428 = arith.constant 1 : i32
        %add3A_429 = arith.addi %mul3A_427, %add3A_428 : i32
        %get3A_430 = arith.index_cast %add3A_429 : i32 to index
        %get3A_431 = arith.constant 0 : index
        %get3A_432 = tpu.vector_load %arg11[%get3A_430, %get3A_431] {strides = array<i32>} : memref<640x64xf32, #tpu.memory_space<vmem>>, vector<16xf32>,
        %get3A_433 = arith.index_cast %add3A_429 : i32 to index
        %get3A_434 = arith.constant 16 : index
        %get3A_435 = tpu.vector_load %arg11[%get3A_433, %get3A_434] {strides = array<i32>} : memref<640x64xf32, #tpu.memory_space<vmem>>, vector<16xf32>,
        %get3A_436 = arith.index_cast %add3A_429 : i32 to index
        %get3A_437 = arith.constant 32 : index
        %get3A_438 = tpu.vector_load %arg11[%get3A_436, %get3A_437] {strides = array<i32>} : memref<640x64xf32, #tpu.memory_space<vmem>>, vector<16xf32>,
        %get3A_439 = arith.index_cast %add3A_429 : i32 to index
        %get3A_440 = arith.constant 48 : index
        %get3A_441 = tpu.vector_load %arg11[%get3A_439, %get3A_440] {strides = array<i32>} : memref<640x64xf32, #tpu.memory_space<vmem>>, vector<16xf32>,
        %mul3A_442 = arith.mulf %get3A_362, %get3A_432 : vector<16xf32>
        %mul3A_443 = arith.mulf %get3A_365, %get3A_435 : vector<16xf32>
        %add3A_444 = arith.addf %mul3A_442, %mul3A_443 : vector<16xf32>
        %mul3A_445 = arith.mulf %get3A_368, %get3A_438 : vector<16xf32>
        %add3A_446 = arith.addf %add3A_444, %mul3A_445 : vector<16xf32>
        %mul3A_447 = arith.mulf %get3A_371, %get3A_441 : vector<16xf32>
        %add3A_448 = arith.addf %add3A_446, %mul3A_447 : vector<16xf32>
        %mul3A_449 = arith.constant 25 : i32
        %mul3A_450 = vector.broadcast %mul3A_449 : i32 to vector<16xi32>
        %mul3A_451 = arith.muli %iota3A, %mul3A_450 : vector<16xi32>
        %add3A_452 = arith.constant 2 : i32
        %add3A_453 = vector.broadcast %add3A_452 : i32 to vector<16xi32>
        %add3A_454 = arith.addi %mul3A_451, %add3A_453 : vector<16xi32>
        tpu.vector_store_idx %arg15[%add3A_454], %add3A_448 : memref<416xf32, #tpu.memory_space<vmem>>[vector<16xi32>], vector<16xf32>,
        %mul3A_455 = arith.constant 20 : i32
        %mul3A_456 = arith.muli %scan3A_360, %mul3A_455 : i32
        %add3A_457 = arith.constant 2 : i32
        %add3A_458 = arith.addi %mul3A_456, %add3A_457 : i32
        %get3A_459 = arith.index_cast %add3A_458 : i32 to index
        %get3A_460 = arith.constant 0 : index
        %get3A_461 = tpu.vector_load %arg11[%get3A_459, %get3A_460] {strides = array<i32>} : memref<640x64xf32, #tpu.memory_space<vmem>>, vector<16xf32>,
        %get3A_462 = arith.index_cast %add3A_458 : i32 to index
        %get3A_463 = arith.constant 16 : index
        %get3A_464 = tpu.vector_load %arg11[%get3A_462, %get3A_463] {strides = array<i32>} : memref<640x64xf32, #tpu.memory_space<vmem>>, vector<16xf32>,
        %get3A_465 = arith.index_cast %add3A_458 : i32 to index
        %get3A_466 = arith.constant 32 : index
        %get3A_467 = tpu.vector_load %arg11[%get3A_465, %get3A_466] {strides = array<i32>} : memref<640x64xf32, #tpu.memory_space<vmem>>, vector<16xf32>,
        %get3A_468 = arith.index_cast %add3A_458 : i32 to index
        %get3A_469 = arith.constant 48 : index
        %get3A_470 = tpu.vector_load %arg11[%get3A_468, %get3A_469] {strides = array<i32>} : memref<640x64xf32, #tpu.memory_space<vmem>>, vector<16xf32>,
        %mul3A_471 = arith.mulf %get3A_362, %get3A_461 : vector<16xf32>
        %mul3A_472 = arith.mulf %get3A_365, %get3A_464 : vector<16xf32>
        %add3A_473 = arith.addf %mul3A_471, %mul3A_472 : vector<16xf32>
        %mul3A_474 = arith.mulf %get3A_368, %get3A_467 : vector<16xf32>
        %add3A_475 = arith.addf %add3A_473, %mul3A_474 : vector<16xf32>
        %mul3A_476 = arith.mulf %get3A_371, %get3A_470 : vector<16xf32>
        %add3A_477 = arith.addf %add3A_475, %mul3A_476 : vector<16xf32>
        %mul3A_478 = arith.constant 25 : i32
        %mul3A_479 = vector.broadcast %mul3A_478 : i32 to vector<16xi32>
        %mul3A_480 = arith.muli %iota3A, %mul3A_479 : vector<16xi32>
        %add3A_481 = arith.constant 3 : i32
        %add3A_482 = vector.broadcast %add3A_481 : i32 to vector<16xi32>
        %add3A_483 = arith.addi %mul3A_480, %add3A_482 : vector<16xi32>
        tpu.vector_store_idx %arg15[%add3A_483], %add3A_477 : memref<416xf32, #tpu.memory_space<vmem>>[vector<16xi32>], vector<16xf32>,
        %mul3A_484 = arith.constant 20 : i32
        %mul3A_485 = arith.muli %scan3A_360, %mul3A_484 : i32
        %add3A_486 = arith.constant 3 : i32
        %add3A_487 = arith.addi %mul3A_485, %add3A_486 : i32
        %get3A_488 = arith.index_cast %add3A_487 : i32 to index
        %get3A_489 = arith.constant 0 : index
        %get3A_490 = tpu.vector_load %arg11[%get3A_488, %get3A_489] {strides = array<i32>} : memref<640x64xf32, #tpu.memory_space<vmem>>, vector<16xf32>,
        %get3A_491 = arith.index_cast %add3A_487 : i32 to index
        %get3A_492 = arith.constant 16 : index
        %get3A_493 = tpu.vector_load %arg11[%get3A_491, %get3A_492] {strides = array<i32>} : memref<640x64xf32, #tpu.memory_space<vmem>>, vector<16xf32>,
        %get3A_494 = arith.index_cast %add3A_487 : i32 to index
        %get3A_495 = arith.constant 32 : index
        %get3A_496 = tpu.vector_load %arg11[%get3A_494, %get3A_495] {strides = array<i32>} : memref<640x64xf32, #tpu.memory_space<vmem>>, vector<16xf32>,
        %get3A_497 = arith.index_cast %add3A_487 : i32 to index
        %get3A_498 = arith.constant 48 : index
        %get3A_499 = tpu.vector_load %arg11[%get3A_497, %get3A_498] {strides = array<i32>} : memref<640x64xf32, #tpu.memory_space<vmem>>, vector<16xf32>,
        %mul3A_500 = arith.mulf %get3A_362, %get3A_490 : vector<16xf32>
        %mul3A_501 = arith.mulf %get3A_365, %get3A_493 : vector<16xf32>
        %add3A_502 = arith.addf %mul3A_500, %mul3A_501 : vector<16xf32>
        %mul3A_503 = arith.mulf %get3A_368, %get3A_496 : vector<16xf32>
        %add3A_504 = arith.addf %add3A_502, %mul3A_503 : vector<16xf32>
        %mul3A_505 = arith.mulf %get3A_371, %get3A_499 : vector<16xf32>
        %add3A_506 = arith.addf %add3A_504, %mul3A_505 : vector<16xf32>
        %mul3A_507 = arith.constant 25 : i32
        %mul3A_508 = vector.broadcast %mul3A_507 : i32 to vector<16xi32>
        %mul3A_509 = arith.muli %iota3A, %mul3A_508 : vector<16xi32>
        %add3A_510 = arith.constant 4 : i32
        %add3A_511 = vector.broadcast %add3A_510 : i32 to vector<16xi32>
        %add3A_512 = arith.addi %mul3A_509, %add3A_511 : vector<16xi32>
        tpu.vector_store_idx %arg15[%add3A_512], %add3A_506 : memref<416xf32, #tpu.memory_space<vmem>>[vector<16xi32>], vector<16xf32>,
        %mul3A_513 = arith.constant 20 : i32
        %mul3A_514 = arith.muli %scan3A_360, %mul3A_513 : i32
        %add3A_515 = arith.constant 4 : i32
        %add3A_516 = arith.addi %mul3A_514, %add3A_515 : i32
        %get3A_517 = arith.index_cast %add3A_516 : i32 to index
        %get3A_518 = arith.constant 0 : index
        %get3A_519 = tpu.vector_load %arg11[%get3A_517, %get3A_518] {strides = array<i32>} : memref<640x64xf32, #tpu.memory_space<vmem>>, vector<16xf32>,
        %get3A_520 = arith.index_cast %add3A_516 : i32 to index
        %get3A_521 = arith.constant 16 : index
        %get3A_522 = tpu.vector_load %arg11[%get3A_520, %get3A_521] {strides = array<i32>} : memref<640x64xf32, #tpu.memory_space<vmem>>, vector<16xf32>,
        %get3A_523 = arith.index_cast %add3A_516 : i32 to index
        %get3A_524 = arith.constant 32 : index
        %get3A_525 = tpu.vector_load %arg11[%get3A_523, %get3A_524] {strides = array<i32>} : memref<640x64xf32, #tpu.memory_space<vmem>>, vector<16xf32>,
        %get3A_526 = arith.index_cast %add3A_516 : i32 to index
        %get3A_527 = arith.constant 48 : index
        %get3A_528 = tpu.vector_load %arg11[%get3A_526, %get3A_527] {strides = array<i32>} : memref<640x64xf32, #tpu.memory_space<vmem>>, vector<16xf32>,
        %mul3A_529 = arith.mulf %get3A_362, %get3A_519 : vector<16xf32>
        %mul3A_530 = arith.mulf %get3A_365, %get3A_522 : vector<16xf32>
        %add3A_531 = arith.addf %mul3A_529, %mul3A_530 : vector<16xf32>
        %mul3A_532 = arith.mulf %get3A_368, %get3A_525 : vector<16xf32>
        %add3A_533 = arith.addf %add3A_531, %mul3A_532 : vector<16xf32>
        %mul3A_534 = arith.mulf %get3A_371, %get3A_528 : vector<16xf32>
        %add3A_535 = arith.addf %add3A_533, %mul3A_534 : vector<16xf32>
        %mul3A_536 = arith.constant 25 : i32
        %mul3A_537 = vector.broadcast %mul3A_536 : i32 to vector<16xi32>
        %mul3A_538 = arith.muli %iota3A, %mul3A_537 : vector<16xi32>
        %add3A_539 = arith.constant 5 : i32
        %add3A_540 = vector.broadcast %add3A_539 : i32 to vector<16xi32>
        %add3A_541 = arith.addi %mul3A_538, %add3A_540 : vector<16xi32>
        tpu.vector_store_idx %arg15[%add3A_541], %add3A_535 : memref<416xf32, #tpu.memory_space<vmem>>[vector<16xi32>], vector<16xf32>,
        %mul3A_542 = arith.constant 20 : i32
        %mul3A_543 = arith.muli %scan3A_360, %mul3A_542 : i32
        %add3A_544 = arith.constant 5 : i32
        %add3A_545 = arith.addi %mul3A_543, %add3A_544 : i32
        %get3A_546 = arith.index_cast %add3A_545 : i32 to index
        %get3A_547 = arith.constant 0 : index
        %get3A_548 = tpu.vector_load %arg11[%get3A_546, %get3A_547] {strides = array<i32>} : memref<640x64xf32, #tpu.memory_space<vmem>>, vector<16xf32>,
        %get3A_549 = arith.index_cast %add3A_545 : i32 to index
        %get3A_550 = arith.constant 16 : index
        %get3A_551 = tpu.vector_load %arg11[%get3A_549, %get3A_550] {strides = array<i32>} : memref<640x64xf32, #tpu.memory_space<vmem>>, vector<16xf32>,
        %get3A_552 = arith.index_cast %add3A_545 : i32 to index
        %get3A_553 = arith.constant 32 : index
        %get3A_554 = tpu.vector_load %arg11[%get3A_552, %get3A_553] {strides = array<i32>} : memref<640x64xf32, #tpu.memory_space<vmem>>, vector<16xf32>,
        %get3A_555 = arith.index_cast %add3A_545 : i32 to index
        %get3A_556 = arith.constant 48 : index
        %get3A_557 = tpu.vector_load %arg11[%get3A_555, %get3A_556] {strides = array<i32>} : memref<640x64xf32, #tpu.memory_space<vmem>>, vector<16xf32>,
        %mul3A_558 = arith.mulf %get3A_362, %get3A_548 : vector<16xf32>
        %mul3A_559 = arith.mulf %get3A_365, %get3A_551 : vector<16xf32>
        %add3A_560 = arith.addf %mul3A_558, %mul3A_559 : vector<16xf32>
        %mul3A_561 = arith.mulf %get3A_368, %get3A_554 : vector<16xf32>
        %add3A_562 = arith.addf %add3A_560, %mul3A_561 : vector<16xf32>
        %mul3A_563 = arith.mulf %get3A_371, %get3A_557 : vector<16xf32>
        %add3A_564 = arith.addf %add3A_562, %mul3A_563 : vector<16xf32>
        %mul3A_565 = arith.constant 25 : i32
        %mul3A_566 = vector.broadcast %mul3A_565 : i32 to vector<16xi32>
        %mul3A_567 = arith.muli %iota3A, %mul3A_566 : vector<16xi32>
        %add3A_568 = arith.constant 6 : i32
        %add3A_569 = vector.broadcast %add3A_568 : i32 to vector<16xi32>
        %add3A_570 = arith.addi %mul3A_567, %add3A_569 : vector<16xi32>
        tpu.vector_store_idx %arg15[%add3A_570], %add3A_564 : memref<416xf32, #tpu.memory_space<vmem>>[vector<16xi32>], vector<16xf32>,
        %mul3A_571 = arith.constant 20 : i32
        %mul3A_572 = arith.muli %scan3A_360, %mul3A_571 : i32
        %add3A_573 = arith.constant 6 : i32
        %add3A_574 = arith.addi %mul3A_572, %add3A_573 : i32
        %get3A_575 = arith.index_cast %add3A_574 : i32 to index
        %get3A_576 = arith.constant 0 : index
        %get3A_577 = tpu.vector_load %arg11[%get3A_575, %get3A_576] {strides = array<i32>} : memref<640x64xf32, #tpu.memory_space<vmem>>, vector<16xf32>,
        %get3A_578 = arith.index_cast %add3A_574 : i32 to index
        %get3A_579 = arith.constant 16 : index
        %get3A_580 = tpu.vector_load %arg11[%get3A_578, %get3A_579] {strides = array<i32>} : memref<640x64xf32, #tpu.memory_space<vmem>>, vector<16xf32>,
        %get3A_581 = arith.index_cast %add3A_574 : i32 to index
        %get3A_582 = arith.constant 32 : index
        %get3A_583 = tpu.vector_load %arg11[%get3A_581, %get3A_582] {strides = array<i32>} : memref<640x64xf32, #tpu.memory_space<vmem>>, vector<16xf32>,
        %get3A_584 = arith.index_cast %add3A_574 : i32 to index
        %get3A_585 = arith.constant 48 : index
        %get3A_586 = tpu.vector_load %arg11[%get3A_584, %get3A_585] {strides = array<i32>} : memref<640x64xf32, #tpu.memory_space<vmem>>, vector<16xf32>,
        %mul3A_587 = arith.mulf %get3A_362, %get3A_577 : vector<16xf32>
        %mul3A_588 = arith.mulf %get3A_365, %get3A_580 : vector<16xf32>
        %add3A_589 = arith.addf %mul3A_587, %mul3A_588 : vector<16xf32>
        %mul3A_590 = arith.mulf %get3A_368, %get3A_583 : vector<16xf32>
        %add3A_591 = arith.addf %add3A_589, %mul3A_590 : vector<16xf32>
        %mul3A_592 = arith.mulf %get3A_371, %get3A_586 : vector<16xf32>
        %add3A_593 = arith.addf %add3A_591, %mul3A_592 : vector<16xf32>
        %mul3A_594 = arith.constant 25 : i32
        %mul3A_595 = vector.broadcast %mul3A_594 : i32 to vector<16xi32>
        %mul3A_596 = arith.muli %iota3A, %mul3A_595 : vector<16xi32>
        %add3A_597 = arith.constant 7 : i32
        %add3A_598 = vector.broadcast %add3A_597 : i32 to vector<16xi32>
        %add3A_599 = arith.addi %mul3A_596, %add3A_598 : vector<16xi32>
        tpu.vector_store_idx %arg15[%add3A_599], %add3A_593 : memref<416xf32, #tpu.memory_space<vmem>>[vector<16xi32>], vector<16xf32>,
        %mul3A_600 = arith.constant 20 : i32
        %mul3A_601 = arith.muli %scan3A_360, %mul3A_600 : i32
        %add3A_602 = arith.constant 7 : i32
        %add3A_603 = arith.addi %mul3A_601, %add3A_602 : i32
        %get3A_604 = arith.index_cast %add3A_603 : i32 to index
        %get3A_605 = arith.constant 0 : index
        %get3A_606 = tpu.vector_load %arg11[%get3A_604, %get3A_605] {strides = array<i32>} : memref<640x64xf32, #tpu.memory_space<vmem>>, vector<16xf32>,
        %get3A_607 = arith.index_cast %add3A_603 : i32 to index
        %get3A_608 = arith.constant 16 : index
        %get3A_609 = tpu.vector_load %arg11[%get3A_607, %get3A_608] {strides = array<i32>} : memref<640x64xf32, #tpu.memory_space<vmem>>, vector<16xf32>,
        %get3A_610 = arith.index_cast %add3A_603 : i32 to index
        %get3A_611 = arith.constant 32 : index
        %get3A_612 = tpu.vector_load %arg11[%get3A_610, %get3A_611] {strides = array<i32>} : memref<640x64xf32, #tpu.memory_space<vmem>>, vector<16xf32>,
        %get3A_613 = arith.index_cast %add3A_603 : i32 to index
        %get3A_614 = arith.constant 48 : index
        %get3A_615 = tpu.vector_load %arg11[%get3A_613, %get3A_614] {strides = array<i32>} : memref<640x64xf32, #tpu.memory_space<vmem>>, vector<16xf32>,
        %mul3A_616 = arith.mulf %get3A_362, %get3A_606 : vector<16xf32>
        %mul3A_617 = arith.mulf %get3A_365, %get3A_609 : vector<16xf32>
        %add3A_618 = arith.addf %mul3A_616, %mul3A_617 : vector<16xf32>
        %mul3A_619 = arith.mulf %get3A_368, %get3A_612 : vector<16xf32>
        %add3A_620 = arith.addf %add3A_618, %mul3A_619 : vector<16xf32>
        %mul3A_621 = arith.mulf %get3A_371, %get3A_615 : vector<16xf32>
        %add3A_622 = arith.addf %add3A_620, %mul3A_621 : vector<16xf32>
        %mul3A_623 = arith.constant 25 : i32
        %mul3A_624 = vector.broadcast %mul3A_623 : i32 to vector<16xi32>
        %mul3A_625 = arith.muli %iota3A, %mul3A_624 : vector<16xi32>
        %add3A_626 = arith.constant 8 : i32
        %add3A_627 = vector.broadcast %add3A_626 : i32 to vector<16xi32>
        %add3A_628 = arith.addi %mul3A_625, %add3A_627 : vector<16xi32>
        tpu.vector_store_idx %arg15[%add3A_628], %add3A_622 : memref<416xf32, #tpu.memory_space<vmem>>[vector<16xi32>], vector<16xf32>,
        %mul3A_629 = arith.constant 20 : i32
        %mul3A_630 = arith.muli %scan3A_360, %mul3A_629 : i32
        %add3A_631 = arith.constant 8 : i32
        %add3A_632 = arith.addi %mul3A_630, %add3A_631 : i32
        %get3A_633 = arith.index_cast %add3A_632 : i32 to index
        %get3A_634 = arith.constant 0 : index
        %get3A_635 = tpu.vector_load %arg11[%get3A_633, %get3A_634] {strides = array<i32>} : memref<640x64xf32, #tpu.memory_space<vmem>>, vector<16xf32>,
        %get3A_636 = arith.index_cast %add3A_632 : i32 to index
        %get3A_637 = arith.constant 16 : index
        %get3A_638 = tpu.vector_load %arg11[%get3A_636, %get3A_637] {strides = array<i32>} : memref<640x64xf32, #tpu.memory_space<vmem>>, vector<16xf32>,
        %get3A_639 = arith.index_cast %add3A_632 : i32 to index
        %get3A_640 = arith.constant 32 : index
        %get3A_641 = tpu.vector_load %arg11[%get3A_639, %get3A_640] {strides = array<i32>} : memref<640x64xf32, #tpu.memory_space<vmem>>, vector<16xf32>,
        %get3A_642 = arith.index_cast %add3A_632 : i32 to index
        %get3A_643 = arith.constant 48 : index
        %get3A_644 = tpu.vector_load %arg11[%get3A_642, %get3A_643] {strides = array<i32>} : memref<640x64xf32, #tpu.memory_space<vmem>>, vector<16xf32>,
        %mul3A_645 = arith.mulf %get3A_362, %get3A_635 : vector<16xf32>
        %mul3A_646 = arith.mulf %get3A_365, %get3A_638 : vector<16xf32>
        %add3A_647 = arith.addf %mul3A_645, %mul3A_646 : vector<16xf32>
        %mul3A_648 = arith.mulf %get3A_368, %get3A_641 : vector<16xf32>
        %add3A_649 = arith.addf %add3A_647, %mul3A_648 : vector<16xf32>
        %mul3A_650 = arith.mulf %get3A_371, %get3A_644 : vector<16xf32>
        %add3A_651 = arith.addf %add3A_649, %mul3A_650 : vector<16xf32>
        %mul3A_652 = arith.constant 25 : i32
        %mul3A_653 = vector.broadcast %mul3A_652 : i32 to vector<16xi32>
        %mul3A_654 = arith.muli %iota3A, %mul3A_653 : vector<16xi32>
        %add3A_655 = arith.constant 9 : i32
        %add3A_656 = vector.broadcast %add3A_655 : i32 to vector<16xi32>
        %add3A_657 = arith.addi %mul3A_654, %add3A_656 : vector<16xi32>
        tpu.vector_store_idx %arg15[%add3A_657], %add3A_651 : memref<416xf32, #tpu.memory_space<vmem>>[vector<16xi32>], vector<16xf32>,
        %mul3A_658 = arith.constant 20 : i32
        %mul3A_659 = arith.muli %scan3A_360, %mul3A_658 : i32
        %add3A_660 = arith.constant 9 : i32
        %add3A_661 = arith.addi %mul3A_659, %add3A_660 : i32
        %get3A_662 = arith.index_cast %add3A_661 : i32 to index
        %get3A_663 = arith.constant 0 : index
        %get3A_664 = tpu.vector_load %arg11[%get3A_662, %get3A_663] {strides = array<i32>} : memref<640x64xf32, #tpu.memory_space<vmem>>, vector<16xf32>,
        %get3A_665 = arith.index_cast %add3A_661 : i32 to index
        %get3A_666 = arith.constant 16 : index
        %get3A_667 = tpu.vector_load %arg11[%get3A_665, %get3A_666] {strides = array<i32>} : memref<640x64xf32, #tpu.memory_space<vmem>>, vector<16xf32>,
        %get3A_668 = arith.index_cast %add3A_661 : i32 to index
        %get3A_669 = arith.constant 32 : index
        %get3A_670 = tpu.vector_load %arg11[%get3A_668, %get3A_669] {strides = array<i32>} : memref<640x64xf32, #tpu.memory_space<vmem>>, vector<16xf32>,
        %get3A_671 = arith.index_cast %add3A_661 : i32 to index
        %get3A_672 = arith.constant 48 : index
        %get3A_673 = tpu.vector_load %arg11[%get3A_671, %get3A_672] {strides = array<i32>} : memref<640x64xf32, #tpu.memory_space<vmem>>, vector<16xf32>,
        %mul3A_674 = arith.mulf %get3A_362, %get3A_664 : vector<16xf32>
        %mul3A_675 = arith.mulf %get3A_365, %get3A_667 : vector<16xf32>
        %add3A_676 = arith.addf %mul3A_674, %mul3A_675 : vector<16xf32>
        %mul3A_677 = arith.mulf %get3A_368, %get3A_670 : vector<16xf32>
        %add3A_678 = arith.addf %add3A_676, %mul3A_677 : vector<16xf32>
        %mul3A_679 = arith.mulf %get3A_371, %get3A_673 : vector<16xf32>
        %add3A_680 = arith.addf %add3A_678, %mul3A_679 : vector<16xf32>
        %mul3A_681 = arith.constant 25 : i32
        %mul3A_682 = vector.broadcast %mul3A_681 : i32 to vector<16xi32>
        %mul3A_683 = arith.muli %iota3A, %mul3A_682 : vector<16xi32>
        %add3A_684 = arith.constant 10 : i32
        %add3A_685 = vector.broadcast %add3A_684 : i32 to vector<16xi32>
        %add3A_686 = arith.addi %mul3A_683, %add3A_685 : vector<16xi32>
        tpu.vector_store_idx %arg15[%add3A_686], %add3A_680 : memref<416xf32, #tpu.memory_space<vmem>>[vector<16xi32>], vector<16xf32>,
        %mul3A_687 = arith.constant 20 : i32
        %mul3A_688 = arith.muli %scan3A_360, %mul3A_687 : i32
        %add3A_689 = arith.constant 10 : i32
        %add3A_690 = arith.addi %mul3A_688, %add3A_689 : i32
        %get3A_691 = arith.index_cast %add3A_690 : i32 to index
        %get3A_692 = arith.constant 0 : index
        %get3A_693 = tpu.vector_load %arg11[%get3A_691, %get3A_692] {strides = array<i32>} : memref<640x64xf32, #tpu.memory_space<vmem>>, vector<16xf32>,
        %get3A_694 = arith.index_cast %add3A_690 : i32 to index
        %get3A_695 = arith.constant 16 : index
        %get3A_696 = tpu.vector_load %arg11[%get3A_694, %get3A_695] {strides = array<i32>} : memref<640x64xf32, #tpu.memory_space<vmem>>, vector<16xf32>,
        %get3A_697 = arith.index_cast %add3A_690 : i32 to index
        %get3A_698 = arith.constant 32 : index
        %get3A_699 = tpu.vector_load %arg11[%get3A_697, %get3A_698] {strides = array<i32>} : memref<640x64xf32, #tpu.memory_space<vmem>>, vector<16xf32>,
        %get3A_700 = arith.index_cast %add3A_690 : i32 to index
        %get3A_701 = arith.constant 48 : index
        %get3A_702 = tpu.vector_load %arg11[%get3A_700, %get3A_701] {strides = array<i32>} : memref<640x64xf32, #tpu.memory_space<vmem>>, vector<16xf32>,
        %mul3A_703 = arith.mulf %get3A_362, %get3A_693 : vector<16xf32>
        %mul3A_704 = arith.mulf %get3A_365, %get3A_696 : vector<16xf32>
        %add3A_705 = arith.addf %mul3A_703, %mul3A_704 : vector<16xf32>
        %mul3A_706 = arith.mulf %get3A_368, %get3A_699 : vector<16xf32>
        %add3A_707 = arith.addf %add3A_705, %mul3A_706 : vector<16xf32>
        %mul3A_708 = arith.mulf %get3A_371, %get3A_702 : vector<16xf32>
        %add3A_709 = arith.addf %add3A_707, %mul3A_708 : vector<16xf32>
        %mul3A_710 = arith.constant 25 : i32
        %mul3A_711 = vector.broadcast %mul3A_710 : i32 to vector<16xi32>
        %mul3A_712 = arith.muli %iota3A, %mul3A_711 : vector<16xi32>
        %add3A_713 = arith.constant 11 : i32
        %add3A_714 = vector.broadcast %add3A_713 : i32 to vector<16xi32>
        %add3A_715 = arith.addi %mul3A_712, %add3A_714 : vector<16xi32>
        tpu.vector_store_idx %arg15[%add3A_715], %add3A_709 : memref<416xf32, #tpu.memory_space<vmem>>[vector<16xi32>], vector<16xf32>,
        %mul3A_716 = arith.constant 20 : i32
        %mul3A_717 = arith.muli %scan3A_360, %mul3A_716 : i32
        %add3A_718 = arith.constant 11 : i32
        %add3A_719 = arith.addi %mul3A_717, %add3A_718 : i32
        %get3A_720 = arith.index_cast %add3A_719 : i32 to index
        %get3A_721 = arith.constant 0 : index
        %get3A_722 = tpu.vector_load %arg11[%get3A_720, %get3A_721] {strides = array<i32>} : memref<640x64xf32, #tpu.memory_space<vmem>>, vector<16xf32>,
        %get3A_723 = arith.index_cast %add3A_719 : i32 to index
        %get3A_724 = arith.constant 16 : index
        %get3A_725 = tpu.vector_load %arg11[%get3A_723, %get3A_724] {strides = array<i32>} : memref<640x64xf32, #tpu.memory_space<vmem>>, vector<16xf32>,
        %get3A_726 = arith.index_cast %add3A_719 : i32 to index
        %get3A_727 = arith.constant 32 : index
        %get3A_728 = tpu.vector_load %arg11[%get3A_726, %get3A_727] {strides = array<i32>} : memref<640x64xf32, #tpu.memory_space<vmem>>, vector<16xf32>,
        %get3A_729 = arith.index_cast %add3A_719 : i32 to index
        %get3A_730 = arith.constant 48 : index
        %get3A_731 = tpu.vector_load %arg11[%get3A_729, %get3A_730] {strides = array<i32>} : memref<640x64xf32, #tpu.memory_space<vmem>>, vector<16xf32>,
        %mul3A_732 = arith.mulf %get3A_362, %get3A_722 : vector<16xf32>
        %mul3A_733 = arith.mulf %get3A_365, %get3A_725 : vector<16xf32>
        %add3A_734 = arith.addf %mul3A_732, %mul3A_733 : vector<16xf32>
        %mul3A_735 = arith.mulf %get3A_368, %get3A_728 : vector<16xf32>
        %add3A_736 = arith.addf %add3A_734, %mul3A_735 : vector<16xf32>
        %mul3A_737 = arith.mulf %get3A_371, %get3A_731 : vector<16xf32>
        %add3A_738 = arith.addf %add3A_736, %mul3A_737 : vector<16xf32>
        %mul3A_739 = arith.constant 25 : i32
        %mul3A_740 = vector.broadcast %mul3A_739 : i32 to vector<16xi32>
        %mul3A_741 = arith.muli %iota3A, %mul3A_740 : vector<16xi32>
        %add3A_742 = arith.constant 12 : i32
        %add3A_743 = vector.broadcast %add3A_742 : i32 to vector<16xi32>
        %add3A_744 = arith.addi %mul3A_741, %add3A_743 : vector<16xi32>
        tpu.vector_store_idx %arg15[%add3A_744], %add3A_738 : memref<416xf32, #tpu.memory_space<vmem>>[vector<16xi32>], vector<16xf32>,
        %mul3A_745 = arith.constant 20 : i32
        %mul3A_746 = arith.muli %scan3A_360, %mul3A_745 : i32
        %add3A_747 = arith.constant 12 : i32
        %add3A_748 = arith.addi %mul3A_746, %add3A_747 : i32
        %get3A_749 = arith.index_cast %add3A_748 : i32 to index
        %get3A_750 = arith.constant 0 : index
        %get3A_751 = tpu.vector_load %arg11[%get3A_749, %get3A_750] {strides = array<i32>} : memref<640x64xf32, #tpu.memory_space<vmem>>, vector<16xf32>,
        %get3A_752 = arith.index_cast %add3A_748 : i32 to index
        %get3A_753 = arith.constant 16 : index
        %get3A_754 = tpu.vector_load %arg11[%get3A_752, %get3A_753] {strides = array<i32>} : memref<640x64xf32, #tpu.memory_space<vmem>>, vector<16xf32>,
        %get3A_755 = arith.index_cast %add3A_748 : i32 to index
        %get3A_756 = arith.constant 32 : index
        %get3A_757 = tpu.vector_load %arg11[%get3A_755, %get3A_756] {strides = array<i32>} : memref<640x64xf32, #tpu.memory_space<vmem>>, vector<16xf32>,
        %get3A_758 = arith.index_cast %add3A_748 : i32 to index
        %get3A_759 = arith.constant 48 : index
        %get3A_760 = tpu.vector_load %arg11[%get3A_758, %get3A_759] {strides = array<i32>} : memref<640x64xf32, #tpu.memory_space<vmem>>, vector<16xf32>,
        %mul3A_761 = arith.mulf %get3A_362, %get3A_751 : vector<16xf32>
        %mul3A_762 = arith.mulf %get3A_365, %get3A_754 : vector<16xf32>
        %add3A_763 = arith.addf %mul3A_761, %mul3A_762 : vector<16xf32>
        %mul3A_764 = arith.mulf %get3A_368, %get3A_757 : vector<16xf32>
        %add3A_765 = arith.addf %add3A_763, %mul3A_764 : vector<16xf32>
        %mul3A_766 = arith.mulf %get3A_371, %get3A_760 : vector<16xf32>
        %add3A_767 = arith.addf %add3A_765, %mul3A_766 : vector<16xf32>
        %mul3A_768 = arith.constant 25 : i32
        %mul3A_769 = vector.broadcast %mul3A_768 : i32 to vector<16xi32>
        %mul3A_770 = arith.muli %iota3A, %mul3A_769 : vector<16xi32>
        %add3A_771 = arith.constant 13 : i32
        %add3A_772 = vector.broadcast %add3A_771 : i32 to vector<16xi32>
        %add3A_773 = arith.addi %mul3A_770, %add3A_772 : vector<16xi32>
        tpu.vector_store_idx %arg15[%add3A_773], %add3A_767 : memref<416xf32, #tpu.memory_space<vmem>>[vector<16xi32>], vector<16xf32>,
        %mul3A_774 = arith.constant 20 : i32
        %mul3A_775 = arith.muli %scan3A_360, %mul3A_774 : i32
        %add3A_776 = arith.constant 13 : i32
        %add3A_777 = arith.addi %mul3A_775, %add3A_776 : i32
        %get3A_778 = arith.index_cast %add3A_777 : i32 to index
        %get3A_779 = arith.constant 0 : index
        %get3A_780 = tpu.vector_load %arg11[%get3A_778, %get3A_779] {strides = array<i32>} : memref<640x64xf32, #tpu.memory_space<vmem>>, vector<16xf32>,
        %get3A_781 = arith.index_cast %add3A_777 : i32 to index
        %get3A_782 = arith.constant 16 : index
        %get3A_783 = tpu.vector_load %arg11[%get3A_781, %get3A_782] {strides = array<i32>} : memref<640x64xf32, #tpu.memory_space<vmem>>, vector<16xf32>,
        %get3A_784 = arith.index_cast %add3A_777 : i32 to index
        %get3A_785 = arith.constant 32 : index
        %get3A_786 = tpu.vector_load %arg11[%get3A_784, %get3A_785] {strides = array<i32>} : memref<640x64xf32, #tpu.memory_space<vmem>>, vector<16xf32>,
        %get3A_787 = arith.index_cast %add3A_777 : i32 to index
        %get3A_788 = arith.constant 48 : index
        %get3A_789 = tpu.vector_load %arg11[%get3A_787, %get3A_788] {strides = array<i32>} : memref<640x64xf32, #tpu.memory_space<vmem>>, vector<16xf32>,
        %mul3A_790 = arith.mulf %get3A_362, %get3A_780 : vector<16xf32>
        %mul3A_791 = arith.mulf %get3A_365, %get3A_783 : vector<16xf32>
        %add3A_792 = arith.addf %mul3A_790, %mul3A_791 : vector<16xf32>
        %mul3A_793 = arith.mulf %get3A_368, %get3A_786 : vector<16xf32>
        %add3A_794 = arith.addf %add3A_792, %mul3A_793 : vector<16xf32>
        %mul3A_795 = arith.mulf %get3A_371, %get3A_789 : vector<16xf32>
        %add3A_796 = arith.addf %add3A_794, %mul3A_795 : vector<16xf32>
        %mul3A_797 = arith.constant 25 : i32
        %mul3A_798 = vector.broadcast %mul3A_797 : i32 to vector<16xi32>
        %mul3A_799 = arith.muli %iota3A, %mul3A_798 : vector<16xi32>
        %add3A_800 = arith.constant 14 : i32
        %add3A_801 = vector.broadcast %add3A_800 : i32 to vector<16xi32>
        %add3A_802 = arith.addi %mul3A_799, %add3A_801 : vector<16xi32>
        tpu.vector_store_idx %arg15[%add3A_802], %add3A_796 : memref<416xf32, #tpu.memory_space<vmem>>[vector<16xi32>], vector<16xf32>,
        %mul3A_803 = arith.constant 20 : i32
        %mul3A_804 = arith.muli %scan3A_360, %mul3A_803 : i32
        %add3A_805 = arith.constant 14 : i32
        %add3A_806 = arith.addi %mul3A_804, %add3A_805 : i32
        %get3A_807 = arith.index_cast %add3A_806 : i32 to index
        %get3A_808 = arith.constant 0 : index
        %get3A_809 = tpu.vector_load %arg11[%get3A_807, %get3A_808] {strides = array<i32>} : memref<640x64xf32, #tpu.memory_space<vmem>>, vector<16xf32>,
        %get3A_810 = arith.index_cast %add3A_806 : i32 to index
        %get3A_811 = arith.constant 16 : index
        %get3A_812 = tpu.vector_load %arg11[%get3A_810, %get3A_811] {strides = array<i32>} : memref<640x64xf32, #tpu.memory_space<vmem>>, vector<16xf32>,
        %get3A_813 = arith.index_cast %add3A_806 : i32 to index
        %get3A_814 = arith.constant 32 : index
        %get3A_815 = tpu.vector_load %arg11[%get3A_813, %get3A_814] {strides = array<i32>} : memref<640x64xf32, #tpu.memory_space<vmem>>, vector<16xf32>,
        %get3A_816 = arith.index_cast %add3A_806 : i32 to index
        %get3A_817 = arith.constant 48 : index
        %get3A_818 = tpu.vector_load %arg11[%get3A_816, %get3A_817] {strides = array<i32>} : memref<640x64xf32, #tpu.memory_space<vmem>>, vector<16xf32>,
        %mul3A_819 = arith.mulf %get3A_362, %get3A_809 : vector<16xf32>
        %mul3A_820 = arith.mulf %get3A_365, %get3A_812 : vector<16xf32>
        %add3A_821 = arith.addf %mul3A_819, %mul3A_820 : vector<16xf32>
        %mul3A_822 = arith.mulf %get3A_368, %get3A_815 : vector<16xf32>
        %add3A_823 = arith.addf %add3A_821, %mul3A_822 : vector<16xf32>
        %mul3A_824 = arith.mulf %get3A_371, %get3A_818 : vector<16xf32>
        %add3A_825 = arith.addf %add3A_823, %mul3A_824 : vector<16xf32>
        %mul3A_826 = arith.constant 25 : i32
        %mul3A_827 = vector.broadcast %mul3A_826 : i32 to vector<16xi32>
        %mul3A_828 = arith.muli %iota3A, %mul3A_827 : vector<16xi32>
        %add3A_829 = arith.constant 15 : i32
        %add3A_830 = vector.broadcast %add3A_829 : i32 to vector<16xi32>
        %add3A_831 = arith.addi %mul3A_828, %add3A_830 : vector<16xi32>
        tpu.vector_store_idx %arg15[%add3A_831], %add3A_825 : memref<416xf32, #tpu.memory_space<vmem>>[vector<16xi32>], vector<16xf32>,
        %mul3A_832 = arith.constant 20 : i32
        %mul3A_833 = arith.muli %scan3A_360, %mul3A_832 : i32
        %add3A_834 = arith.constant 15 : i32
        %add3A_835 = arith.addi %mul3A_833, %add3A_834 : i32
        %get3A_836 = arith.index_cast %add3A_835 : i32 to index
        %get3A_837 = arith.constant 0 : index
        %get3A_838 = tpu.vector_load %arg11[%get3A_836, %get3A_837] {strides = array<i32>} : memref<640x64xf32, #tpu.memory_space<vmem>>, vector<16xf32>,
        %get3A_839 = arith.index_cast %add3A_835 : i32 to index
        %get3A_840 = arith.constant 16 : index
        %get3A_841 = tpu.vector_load %arg11[%get3A_839, %get3A_840] {strides = array<i32>} : memref<640x64xf32, #tpu.memory_space<vmem>>, vector<16xf32>,
        %get3A_842 = arith.index_cast %add3A_835 : i32 to index
        %get3A_843 = arith.constant 32 : index
        %get3A_844 = tpu.vector_load %arg11[%get3A_842, %get3A_843] {strides = array<i32>} : memref<640x64xf32, #tpu.memory_space<vmem>>, vector<16xf32>,
        %get3A_845 = arith.index_cast %add3A_835 : i32 to index
        %get3A_846 = arith.constant 48 : index
        %get3A_847 = tpu.vector_load %arg11[%get3A_845, %get3A_846] {strides = array<i32>} : memref<640x64xf32, #tpu.memory_space<vmem>>, vector<16xf32>,
        %mul3A_848 = arith.mulf %get3A_362, %get3A_838 : vector<16xf32>
        %mul3A_849 = arith.mulf %get3A_365, %get3A_841 : vector<16xf32>
        %add3A_850 = arith.addf %mul3A_848, %mul3A_849 : vector<16xf32>
        %mul3A_851 = arith.mulf %get3A_368, %get3A_844 : vector<16xf32>
        %add3A_852 = arith.addf %add3A_850, %mul3A_851 : vector<16xf32>
        %mul3A_853 = arith.mulf %get3A_371, %get3A_847 : vector<16xf32>
        %add3A_854 = arith.addf %add3A_852, %mul3A_853 : vector<16xf32>
        %mul3A_855 = arith.constant 25 : i32
        %mul3A_856 = vector.broadcast %mul3A_855 : i32 to vector<16xi32>
        %mul3A_857 = arith.muli %iota3A, %mul3A_856 : vector<16xi32>
        %add3A_858 = arith.constant 16 : i32
        %add3A_859 = vector.broadcast %add3A_858 : i32 to vector<16xi32>
        %add3A_860 = arith.addi %mul3A_857, %add3A_859 : vector<16xi32>
        tpu.vector_store_idx %arg15[%add3A_860], %add3A_854 : memref<416xf32, #tpu.memory_space<vmem>>[vector<16xi32>], vector<16xf32>,
        %mul3A_861 = arith.constant 20 : i32
        %mul3A_862 = arith.muli %scan3A_360, %mul3A_861 : i32
        %add3A_863 = arith.constant 16 : i32
        %add3A_864 = arith.addi %mul3A_862, %add3A_863 : i32
        %get3A_865 = arith.index_cast %add3A_864 : i32 to index
        %get3A_866 = arith.constant 0 : index
        %get3A_867 = tpu.vector_load %arg11[%get3A_865, %get3A_866] {strides = array<i32>} : memref<640x64xf32, #tpu.memory_space<vmem>>, vector<16xf32>,
        %get3A_868 = arith.index_cast %add3A_864 : i32 to index
        %get3A_869 = arith.constant 16 : index
        %get3A_870 = tpu.vector_load %arg11[%get3A_868, %get3A_869] {strides = array<i32>} : memref<640x64xf32, #tpu.memory_space<vmem>>, vector<16xf32>,
        %get3A_871 = arith.index_cast %add3A_864 : i32 to index
        %get3A_872 = arith.constant 32 : index
        %get3A_873 = tpu.vector_load %arg11[%get3A_871, %get3A_872] {strides = array<i32>} : memref<640x64xf32, #tpu.memory_space<vmem>>, vector<16xf32>,
        %get3A_874 = arith.index_cast %add3A_864 : i32 to index
        %get3A_875 = arith.constant 48 : index
        %get3A_876 = tpu.vector_load %arg11[%get3A_874, %get3A_875] {strides = array<i32>} : memref<640x64xf32, #tpu.memory_space<vmem>>, vector<16xf32>,
        %mul3A_877 = arith.mulf %get3A_362, %get3A_867 : vector<16xf32>
        %mul3A_878 = arith.mulf %get3A_365, %get3A_870 : vector<16xf32>
        %add3A_879 = arith.addf %mul3A_877, %mul3A_878 : vector<16xf32>
        %mul3A_880 = arith.mulf %get3A_368, %get3A_873 : vector<16xf32>
        %add3A_881 = arith.addf %add3A_879, %mul3A_880 : vector<16xf32>
        %mul3A_882 = arith.mulf %get3A_371, %get3A_876 : vector<16xf32>
        %add3A_883 = arith.addf %add3A_881, %mul3A_882 : vector<16xf32>
        %mul3A_884 = arith.constant 25 : i32
        %mul3A_885 = vector.broadcast %mul3A_884 : i32 to vector<16xi32>
        %mul3A_886 = arith.muli %iota3A, %mul3A_885 : vector<16xi32>
        %add3A_887 = arith.constant 17 : i32
        %add3A_888 = vector.broadcast %add3A_887 : i32 to vector<16xi32>
        %add3A_889 = arith.addi %mul3A_886, %add3A_888 : vector<16xi32>
        tpu.vector_store_idx %arg15[%add3A_889], %add3A_883 : memref<416xf32, #tpu.memory_space<vmem>>[vector<16xi32>], vector<16xf32>,
        %mul3A_890 = arith.constant 20 : i32
        %mul3A_891 = arith.muli %scan3A_360, %mul3A_890 : i32
        %add3A_892 = arith.constant 17 : i32
        %add3A_893 = arith.addi %mul3A_891, %add3A_892 : i32
        %get3A_894 = arith.index_cast %add3A_893 : i32 to index
        %get3A_895 = arith.constant 0 : index
        %get3A_896 = tpu.vector_load %arg11[%get3A_894, %get3A_895] {strides = array<i32>} : memref<640x64xf32, #tpu.memory_space<vmem>>, vector<16xf32>,
        %get3A_897 = arith.index_cast %add3A_893 : i32 to index
        %get3A_898 = arith.constant 16 : index
        %get3A_899 = tpu.vector_load %arg11[%get3A_897, %get3A_898] {strides = array<i32>} : memref<640x64xf32, #tpu.memory_space<vmem>>, vector<16xf32>,
        %get3A_900 = arith.index_cast %add3A_893 : i32 to index
        %get3A_901 = arith.constant 32 : index
        %get3A_902 = tpu.vector_load %arg11[%get3A_900, %get3A_901] {strides = array<i32>} : memref<640x64xf32, #tpu.memory_space<vmem>>, vector<16xf32>,
        %get3A_903 = arith.index_cast %add3A_893 : i32 to index
        %get3A_904 = arith.constant 48 : index
        %get3A_905 = tpu.vector_load %arg11[%get3A_903, %get3A_904] {strides = array<i32>} : memref<640x64xf32, #tpu.memory_space<vmem>>, vector<16xf32>,
        %mul3A_906 = arith.mulf %get3A_362, %get3A_896 : vector<16xf32>
        %mul3A_907 = arith.mulf %get3A_365, %get3A_899 : vector<16xf32>
        %add3A_908 = arith.addf %mul3A_906, %mul3A_907 : vector<16xf32>
        %mul3A_909 = arith.mulf %get3A_368, %get3A_902 : vector<16xf32>
        %add3A_910 = arith.addf %add3A_908, %mul3A_909 : vector<16xf32>
        %mul3A_911 = arith.mulf %get3A_371, %get3A_905 : vector<16xf32>
        %add3A_912 = arith.addf %add3A_910, %mul3A_911 : vector<16xf32>
        %mul3A_913 = arith.constant 25 : i32
        %mul3A_914 = vector.broadcast %mul3A_913 : i32 to vector<16xi32>
        %mul3A_915 = arith.muli %iota3A, %mul3A_914 : vector<16xi32>
        %add3A_916 = arith.constant 18 : i32
        %add3A_917 = vector.broadcast %add3A_916 : i32 to vector<16xi32>
        %add3A_918 = arith.addi %mul3A_915, %add3A_917 : vector<16xi32>
        tpu.vector_store_idx %arg15[%add3A_918], %add3A_912 : memref<416xf32, #tpu.memory_space<vmem>>[vector<16xi32>], vector<16xf32>,
        %mul3A_919 = arith.constant 20 : i32
        %mul3A_920 = arith.muli %scan3A_360, %mul3A_919 : i32
        %add3A_921 = arith.constant 18 : i32
        %add3A_922 = arith.addi %mul3A_920, %add3A_921 : i32
        %get3A_923 = arith.index_cast %add3A_922 : i32 to index
        %get3A_924 = arith.constant 0 : index
        %get3A_925 = tpu.vector_load %arg11[%get3A_923, %get3A_924] {strides = array<i32>} : memref<640x64xf32, #tpu.memory_space<vmem>>, vector<16xf32>,
        %get3A_926 = arith.index_cast %add3A_922 : i32 to index
        %get3A_927 = arith.constant 16 : index
        %get3A_928 = tpu.vector_load %arg11[%get3A_926, %get3A_927] {strides = array<i32>} : memref<640x64xf32, #tpu.memory_space<vmem>>, vector<16xf32>,
        %get3A_929 = arith.index_cast %add3A_922 : i32 to index
        %get3A_930 = arith.constant 32 : index
        %get3A_931 = tpu.vector_load %arg11[%get3A_929, %get3A_930] {strides = array<i32>} : memref<640x64xf32, #tpu.memory_space<vmem>>, vector<16xf32>,
        %get3A_932 = arith.index_cast %add3A_922 : i32 to index
        %get3A_933 = arith.constant 48 : index
        %get3A_934 = tpu.vector_load %arg11[%get3A_932, %get3A_933] {strides = array<i32>} : memref<640x64xf32, #tpu.memory_space<vmem>>, vector<16xf32>,
        %mul3A_935 = arith.mulf %get3A_362, %get3A_925 : vector<16xf32>
        %mul3A_936 = arith.mulf %get3A_365, %get3A_928 : vector<16xf32>
        %add3A_937 = arith.addf %mul3A_935, %mul3A_936 : vector<16xf32>
        %mul3A_938 = arith.mulf %get3A_368, %get3A_931 : vector<16xf32>
        %add3A_939 = arith.addf %add3A_937, %mul3A_938 : vector<16xf32>
        %mul3A_940 = arith.mulf %get3A_371, %get3A_934 : vector<16xf32>
        %add3A_941 = arith.addf %add3A_939, %mul3A_940 : vector<16xf32>
        %mul3A_942 = arith.constant 25 : i32
        %mul3A_943 = vector.broadcast %mul3A_942 : i32 to vector<16xi32>
        %mul3A_944 = arith.muli %iota3A, %mul3A_943 : vector<16xi32>
        %add3A_945 = arith.constant 19 : i32
        %add3A_946 = vector.broadcast %add3A_945 : i32 to vector<16xi32>
        %add3A_947 = arith.addi %mul3A_944, %add3A_946 : vector<16xi32>
        tpu.vector_store_idx %arg15[%add3A_947], %add3A_941 : memref<416xf32, #tpu.memory_space<vmem>>[vector<16xi32>], vector<16xf32>,
        %mul3A_948 = arith.constant 20 : i32
        %mul3A_949 = arith.muli %scan3A_360, %mul3A_948 : i32
        %add3A_950 = arith.constant 19 : i32
        %add3A_951 = arith.addi %mul3A_949, %add3A_950 : i32
        %get3A_952 = arith.index_cast %add3A_951 : i32 to index
        %get3A_953 = arith.constant 0 : index
        %get3A_954 = tpu.vector_load %arg11[%get3A_952, %get3A_953] {strides = array<i32>} : memref<640x64xf32, #tpu.memory_space<vmem>>, vector<16xf32>,
        %get3A_955 = arith.index_cast %add3A_951 : i32 to index
        %get3A_956 = arith.constant 16 : index
        %get3A_957 = tpu.vector_load %arg11[%get3A_955, %get3A_956] {strides = array<i32>} : memref<640x64xf32, #tpu.memory_space<vmem>>, vector<16xf32>,
        %get3A_958 = arith.index_cast %add3A_951 : i32 to index
        %get3A_959 = arith.constant 32 : index
        %get3A_960 = tpu.vector_load %arg11[%get3A_958, %get3A_959] {strides = array<i32>} : memref<640x64xf32, #tpu.memory_space<vmem>>, vector<16xf32>,
        %get3A_961 = arith.index_cast %add3A_951 : i32 to index
        %get3A_962 = arith.constant 48 : index
        %get3A_963 = tpu.vector_load %arg11[%get3A_961, %get3A_962] {strides = array<i32>} : memref<640x64xf32, #tpu.memory_space<vmem>>, vector<16xf32>,
        %mul3A_964 = arith.mulf %get3A_362, %get3A_954 : vector<16xf32>
        %mul3A_965 = arith.mulf %get3A_365, %get3A_957 : vector<16xf32>
        %add3A_966 = arith.addf %mul3A_964, %mul3A_965 : vector<16xf32>
        %mul3A_967 = arith.mulf %get3A_368, %get3A_960 : vector<16xf32>
        %add3A_968 = arith.addf %add3A_966, %mul3A_967 : vector<16xf32>
        %mul3A_969 = arith.mulf %get3A_371, %get3A_963 : vector<16xf32>
        %add3A_970 = arith.addf %add3A_968, %mul3A_969 : vector<16xf32>
        %mul3A_971 = arith.constant 25 : i32
        %mul3A_972 = vector.broadcast %mul3A_971 : i32 to vector<16xi32>
        %mul3A_973 = arith.muli %iota3A, %mul3A_972 : vector<16xi32>
        %add3A_974 = arith.constant 20 : i32
        %add3A_975 = vector.broadcast %add3A_974 : i32 to vector<16xi32>
        %add3A_976 = arith.addi %mul3A_973, %add3A_975 : vector<16xi32>
        tpu.vector_store_idx %arg15[%add3A_976], %add3A_970 : memref<416xf32, #tpu.memory_space<vmem>>[vector<16xi32>], vector<16xf32>,
        %gather3A = tpu.vector_load_idx %arg15[%iota3A] : memref<416xf32, #tpu.memory_space<vmem>>[vector<16xi32>], vector<16xf32>,
        %add3A_977 = arith.constant 16 : i32
        %add3A_978 = vector.broadcast %add3A_977 : i32 to vector<16xi32>
        %add3A_979 = arith.addi %iota3A, %add3A_978 : vector<16xi32>
        %gather3A_980 = tpu.vector_load_idx %arg15[%add3A_979] : memref<416xf32, #tpu.memory_space<vmem>>[vector<16xi32>], vector<16xf32>,
        %add3A_981 = arith.constant 25 : i32
        %add3A_982 = vector.broadcast %add3A_981 : i32 to vector<16xi32>
        %add3A_983 = arith.addi %iota3A, %add3A_982 : vector<16xi32>
        %gather3A_984 = tpu.vector_load_idx %arg15[%add3A_983] : memref<416xf32, #tpu.memory_space<vmem>>[vector<16xi32>], vector<16xf32>,
        %add3A_985 = arith.addf %gather3A, %gather3A_984 : vector<16xf32>
        %add3A_986 = arith.constant 25 : i32
        %add3A_987 = vector.broadcast %add3A_986 : i32 to vector<16xi32>
        %add3A_988 = arith.addi %iota3A, %add3A_987 : vector<16xi32>
        %add3A_989 = arith.constant 16 : i32
        %add3A_990 = vector.broadcast %add3A_989 : i32 to vector<16xi32>
        %add3A_991 = arith.addi %add3A_988, %add3A_990 : vector<16xi32>
        %gather3A_992 = tpu.vector_load_idx %arg15[%add3A_991] : memref<416xf32, #tpu.memory_space<vmem>>[vector<16xi32>], vector<16xf32>,
        %add3A_993 = arith.addf %gather3A_980, %gather3A_992 : vector<16xf32>
        %add3A_994 = arith.constant 50 : i32
        %add3A_995 = vector.broadcast %add3A_994 : i32 to vector<16xi32>
        %add3A_996 = arith.addi %iota3A, %add3A_995 : vector<16xi32>
        %gather3A_997 = tpu.vector_load_idx %arg15[%add3A_996] : memref<416xf32, #tpu.memory_space<vmem>>[vector<16xi32>], vector<16xf32>,
        %add3A_998 = arith.addf %add3A_985, %gather3A_997 : vector<16xf32>
        %add3A_999 = arith.constant 50 : i32
        %add3A_1000 = vector.broadcast %add3A_999 : i32 to vector<16xi32>
        %add3A_1001 = arith.addi %iota3A, %add3A_1000 : vector<16xi32>
        %add3A_1002 = arith.constant 16 : i32
        %add3A_1003 = vector.broadcast %add3A_1002 : i32 to vector<16xi32>
        %add3A_1004 = arith.addi %add3A_1001, %add3A_1003 : vector<16xi32>
        %gather3A_1005 = tpu.vector_load_idx %arg15[%add3A_1004] : memref<416xf32, #tpu.memory_space<vmem>>[vector<16xi32>], vector<16xf32>,
        %add3A_1006 = arith.addf %add3A_993, %gather3A_1005 : vector<16xf32>
        %add3A_1007 = arith.constant 75 : i32
        %add3A_1008 = vector.broadcast %add3A_1007 : i32 to vector<16xi32>
        %add3A_1009 = arith.addi %iota3A, %add3A_1008 : vector<16xi32>
        %gather3A_1010 = tpu.vector_load_idx %arg15[%add3A_1009] : memref<416xf32, #tpu.memory_space<vmem>>[vector<16xi32>], vector<16xf32>,
        %add3A_1011 = arith.addf %add3A_998, %gather3A_1010 : vector<16xf32>
        %add3A_1012 = arith.constant 75 : i32
        %add3A_1013 = vector.broadcast %add3A_1012 : i32 to vector<16xi32>
        %add3A_1014 = arith.addi %iota3A, %add3A_1013 : vector<16xi32>
        %add3A_1015 = arith.constant 16 : i32
        %add3A_1016 = vector.broadcast %add3A_1015 : i32 to vector<16xi32>
        %add3A_1017 = arith.addi %add3A_1014, %add3A_1016 : vector<16xi32>
        %gather3A_1018 = tpu.vector_load_idx %arg15[%add3A_1017] : memref<416xf32, #tpu.memory_space<vmem>>[vector<16xi32>], vector<16xf32>,
        %add3A_1019 = arith.addf %add3A_1006, %gather3A_1018 : vector<16xf32>
        %add3A_1020 = arith.constant 100 : i32
        %add3A_1021 = vector.broadcast %add3A_1020 : i32 to vector<16xi32>
        %add3A_1022 = arith.addi %iota3A, %add3A_1021 : vector<16xi32>
        %gather3A_1023 = tpu.vector_load_idx %arg15[%add3A_1022] : memref<416xf32, #tpu.memory_space<vmem>>[vector<16xi32>], vector<16xf32>,
        %add3A_1024 = arith.addf %add3A_1011, %gather3A_1023 : vector<16xf32>
        %add3A_1025 = arith.constant 100 : i32
        %add3A_1026 = vector.broadcast %add3A_1025 : i32 to vector<16xi32>
        %add3A_1027 = arith.addi %iota3A, %add3A_1026 : vector<16xi32>
        %add3A_1028 = arith.constant 16 : i32
        %add3A_1029 = vector.broadcast %add3A_1028 : i32 to vector<16xi32>
        %add3A_1030 = arith.addi %add3A_1027, %add3A_1029 : vector<16xi32>
        %gather3A_1031 = tpu.vector_load_idx %arg15[%add3A_1030] : memref<416xf32, #tpu.memory_space<vmem>>[vector<16xi32>], vector<16xf32>,
        %add3A_1032 = arith.addf %add3A_1019, %gather3A_1031 : vector<16xf32>
        %add3A_1033 = arith.constant 125 : i32
        %add3A_1034 = vector.broadcast %add3A_1033 : i32 to vector<16xi32>
        %add3A_1035 = arith.addi %iota3A, %add3A_1034 : vector<16xi32>
        %gather3A_1036 = tpu.vector_load_idx %arg15[%add3A_1035] : memref<416xf32, #tpu.memory_space<vmem>>[vector<16xi32>], vector<16xf32>,
        %add3A_1037 = arith.addf %add3A_1024, %gather3A_1036 : vector<16xf32>
        %add3A_1038 = arith.constant 125 : i32
        %add3A_1039 = vector.broadcast %add3A_1038 : i32 to vector<16xi32>
        %add3A_1040 = arith.addi %iota3A, %add3A_1039 : vector<16xi32>
        %add3A_1041 = arith.constant 16 : i32
        %add3A_1042 = vector.broadcast %add3A_1041 : i32 to vector<16xi32>
        %add3A_1043 = arith.addi %add3A_1040, %add3A_1042 : vector<16xi32>
        %gather3A_1044 = tpu.vector_load_idx %arg15[%add3A_1043] : memref<416xf32, #tpu.memory_space<vmem>>[vector<16xi32>], vector<16xf32>,
        %add3A_1045 = arith.addf %add3A_1032, %gather3A_1044 : vector<16xf32>
        %add3A_1046 = arith.constant 150 : i32
        %add3A_1047 = vector.broadcast %add3A_1046 : i32 to vector<16xi32>
        %add3A_1048 = arith.addi %iota3A, %add3A_1047 : vector<16xi32>
        %gather3A_1049 = tpu.vector_load_idx %arg15[%add3A_1048] : memref<416xf32, #tpu.memory_space<vmem>>[vector<16xi32>], vector<16xf32>,
        %add3A_1050 = arith.addf %add3A_1037, %gather3A_1049 : vector<16xf32>
        %add3A_1051 = arith.constant 150 : i32
        %add3A_1052 = vector.broadcast %add3A_1051 : i32 to vector<16xi32>
        %add3A_1053 = arith.addi %iota3A, %add3A_1052 : vector<16xi32>
        %add3A_1054 = arith.constant 16 : i32
        %add3A_1055 = vector.broadcast %add3A_1054 : i32 to vector<16xi32>
        %add3A_1056 = arith.addi %add3A_1053, %add3A_1055 : vector<16xi32>
        %gather3A_1057 = tpu.vector_load_idx %arg15[%add3A_1056] : memref<416xf32, #tpu.memory_space<vmem>>[vector<16xi32>], vector<16xf32>,
        %add3A_1058 = arith.addf %add3A_1045, %gather3A_1057 : vector<16xf32>
        %add3A_1059 = arith.constant 175 : i32
        %add3A_1060 = vector.broadcast %add3A_1059 : i32 to vector<16xi32>
        %add3A_1061 = arith.addi %iota3A, %add3A_1060 : vector<16xi32>
        %gather3A_1062 = tpu.vector_load_idx %arg15[%add3A_1061] : memref<416xf32, #tpu.memory_space<vmem>>[vector<16xi32>], vector<16xf32>,
        %add3A_1063 = arith.addf %add3A_1050, %gather3A_1062 : vector<16xf32>
        %add3A_1064 = arith.constant 175 : i32
        %add3A_1065 = vector.broadcast %add3A_1064 : i32 to vector<16xi32>
        %add3A_1066 = arith.addi %iota3A, %add3A_1065 : vector<16xi32>
        %add3A_1067 = arith.constant 16 : i32
        %add3A_1068 = vector.broadcast %add3A_1067 : i32 to vector<16xi32>
        %add3A_1069 = arith.addi %add3A_1066, %add3A_1068 : vector<16xi32>
        %gather3A_1070 = tpu.vector_load_idx %arg15[%add3A_1069] : memref<416xf32, #tpu.memory_space<vmem>>[vector<16xi32>], vector<16xf32>,
        %add3A_1071 = arith.addf %add3A_1058, %gather3A_1070 : vector<16xf32>
        %add3A_1072 = arith.constant 200 : i32
        %add3A_1073 = vector.broadcast %add3A_1072 : i32 to vector<16xi32>
        %add3A_1074 = arith.addi %iota3A, %add3A_1073 : vector<16xi32>
        %gather3A_1075 = tpu.vector_load_idx %arg15[%add3A_1074] : memref<416xf32, #tpu.memory_space<vmem>>[vector<16xi32>], vector<16xf32>,
        %add3A_1076 = arith.addf %add3A_1063, %gather3A_1075 : vector<16xf32>
        %add3A_1077 = arith.constant 200 : i32
        %add3A_1078 = vector.broadcast %add3A_1077 : i32 to vector<16xi32>
        %add3A_1079 = arith.addi %iota3A, %add3A_1078 : vector<16xi32>
        %add3A_1080 = arith.constant 16 : i32
        %add3A_1081 = vector.broadcast %add3A_1080 : i32 to vector<16xi32>
        %add3A_1082 = arith.addi %add3A_1079, %add3A_1081 : vector<16xi32>
        %gather3A_1083 = tpu.vector_load_idx %arg15[%add3A_1082] : memref<416xf32, #tpu.memory_space<vmem>>[vector<16xi32>], vector<16xf32>,
        %add3A_1084 = arith.addf %add3A_1071, %gather3A_1083 : vector<16xf32>
        %add3A_1085 = arith.constant 225 : i32
        %add3A_1086 = vector.broadcast %add3A_1085 : i32 to vector<16xi32>
        %add3A_1087 = arith.addi %iota3A, %add3A_1086 : vector<16xi32>
        %gather3A_1088 = tpu.vector_load_idx %arg15[%add3A_1087] : memref<416xf32, #tpu.memory_space<vmem>>[vector<16xi32>], vector<16xf32>,
        %add3A_1089 = arith.addf %add3A_1076, %gather3A_1088 : vector<16xf32>
        %add3A_1090 = arith.constant 225 : i32
        %add3A_1091 = vector.broadcast %add3A_1090 : i32 to vector<16xi32>
        %add3A_1092 = arith.addi %iota3A, %add3A_1091 : vector<16xi32>
        %add3A_1093 = arith.constant 16 : i32
        %add3A_1094 = vector.broadcast %add3A_1093 : i32 to vector<16xi32>
        %add3A_1095 = arith.addi %add3A_1092, %add3A_1094 : vector<16xi32>
        %gather3A_1096 = tpu.vector_load_idx %arg15[%add3A_1095] : memref<416xf32, #tpu.memory_space<vmem>>[vector<16xi32>], vector<16xf32>,
        %add3A_1097 = arith.addf %add3A_1084, %gather3A_1096 : vector<16xf32>
        %add3A_1098 = arith.constant 250 : i32
        %add3A_1099 = vector.broadcast %add3A_1098 : i32 to vector<16xi32>
        %add3A_1100 = arith.addi %iota3A, %add3A_1099 : vector<16xi32>
        %gather3A_1101 = tpu.vector_load_idx %arg15[%add3A_1100] : memref<416xf32, #tpu.memory_space<vmem>>[vector<16xi32>], vector<16xf32>,
        %add3A_1102 = arith.addf %add3A_1089, %gather3A_1101 : vector<16xf32>
        %add3A_1103 = arith.constant 250 : i32
        %add3A_1104 = vector.broadcast %add3A_1103 : i32 to vector<16xi32>
        %add3A_1105 = arith.addi %iota3A, %add3A_1104 : vector<16xi32>
        %add3A_1106 = arith.constant 16 : i32
        %add3A_1107 = vector.broadcast %add3A_1106 : i32 to vector<16xi32>
        %add3A_1108 = arith.addi %add3A_1105, %add3A_1107 : vector<16xi32>
        %gather3A_1109 = tpu.vector_load_idx %arg15[%add3A_1108] : memref<416xf32, #tpu.memory_space<vmem>>[vector<16xi32>], vector<16xf32>,
        %add3A_1110 = arith.addf %add3A_1097, %gather3A_1109 : vector<16xf32>
        %add3A_1111 = arith.constant 275 : i32
        %add3A_1112 = vector.broadcast %add3A_1111 : i32 to vector<16xi32>
        %add3A_1113 = arith.addi %iota3A, %add3A_1112 : vector<16xi32>
        %gather3A_1114 = tpu.vector_load_idx %arg15[%add3A_1113] : memref<416xf32, #tpu.memory_space<vmem>>[vector<16xi32>], vector<16xf32>,
        %add3A_1115 = arith.addf %add3A_1102, %gather3A_1114 : vector<16xf32>
        %add3A_1116 = arith.constant 275 : i32
        %add3A_1117 = vector.broadcast %add3A_1116 : i32 to vector<16xi32>
        %add3A_1118 = arith.addi %iota3A, %add3A_1117 : vector<16xi32>
        %add3A_1119 = arith.constant 16 : i32
        %add3A_1120 = vector.broadcast %add3A_1119 : i32 to vector<16xi32>
        %add3A_1121 = arith.addi %add3A_1118, %add3A_1120 : vector<16xi32>
        %gather3A_1122 = tpu.vector_load_idx %arg15[%add3A_1121] : memref<416xf32, #tpu.memory_space<vmem>>[vector<16xi32>], vector<16xf32>,
        %add3A_1123 = arith.addf %add3A_1110, %gather3A_1122 : vector<16xf32>
        %add3A_1124 = arith.constant 300 : i32
        %add3A_1125 = vector.broadcast %add3A_1124 : i32 to vector<16xi32>
        %add3A_1126 = arith.addi %iota3A, %add3A_1125 : vector<16xi32>
        %gather3A_1127 = tpu.vector_load_idx %arg15[%add3A_1126] : memref<416xf32, #tpu.memory_space<vmem>>[vector<16xi32>], vector<16xf32>,
        %add3A_1128 = arith.addf %add3A_1115, %gather3A_1127 : vector<16xf32>
        %add3A_1129 = arith.constant 300 : i32
        %add3A_1130 = vector.broadcast %add3A_1129 : i32 to vector<16xi32>
        %add3A_1131 = arith.addi %iota3A, %add3A_1130 : vector<16xi32>
        %add3A_1132 = arith.constant 16 : i32
        %add3A_1133 = vector.broadcast %add3A_1132 : i32 to vector<16xi32>
        %add3A_1134 = arith.addi %add3A_1131, %add3A_1133 : vector<16xi32>
        %gather3A_1135 = tpu.vector_load_idx %arg15[%add3A_1134] : memref<416xf32, #tpu.memory_space<vmem>>[vector<16xi32>], vector<16xf32>,
        %add3A_1136 = arith.addf %add3A_1123, %gather3A_1135 : vector<16xf32>
        %add3A_1137 = arith.constant 325 : i32
        %add3A_1138 = vector.broadcast %add3A_1137 : i32 to vector<16xi32>
        %add3A_1139 = arith.addi %iota3A, %add3A_1138 : vector<16xi32>
        %gather3A_1140 = tpu.vector_load_idx %arg15[%add3A_1139] : memref<416xf32, #tpu.memory_space<vmem>>[vector<16xi32>], vector<16xf32>,
        %add3A_1141 = arith.addf %add3A_1128, %gather3A_1140 : vector<16xf32>
        %add3A_1142 = arith.constant 325 : i32
        %add3A_1143 = vector.broadcast %add3A_1142 : i32 to vector<16xi32>
        %add3A_1144 = arith.addi %iota3A, %add3A_1143 : vector<16xi32>
        %add3A_1145 = arith.constant 16 : i32
        %add3A_1146 = vector.broadcast %add3A_1145 : i32 to vector<16xi32>
        %add3A_1147 = arith.addi %add3A_1144, %add3A_1146 : vector<16xi32>
        %gather3A_1148 = tpu.vector_load_idx %arg15[%add3A_1147] : memref<416xf32, #tpu.memory_space<vmem>>[vector<16xi32>], vector<16xf32>,
        %add3A_1149 = arith.addf %add3A_1136, %gather3A_1148 : vector<16xf32>
        %add3A_1150 = arith.constant 350 : i32
        %add3A_1151 = vector.broadcast %add3A_1150 : i32 to vector<16xi32>
        %add3A_1152 = arith.addi %iota3A, %add3A_1151 : vector<16xi32>
        %gather3A_1153 = tpu.vector_load_idx %arg15[%add3A_1152] : memref<416xf32, #tpu.memory_space<vmem>>[vector<16xi32>], vector<16xf32>,
        %add3A_1154 = arith.addf %add3A_1141, %gather3A_1153 : vector<16xf32>
        %add3A_1155 = arith.constant 350 : i32
        %add3A_1156 = vector.broadcast %add3A_1155 : i32 to vector<16xi32>
        %add3A_1157 = arith.addi %iota3A, %add3A_1156 : vector<16xi32>
        %add3A_1158 = arith.constant 16 : i32
        %add3A_1159 = vector.broadcast %add3A_1158 : i32 to vector<16xi32>
        %add3A_1160 = arith.addi %add3A_1157, %add3A_1159 : vector<16xi32>
        %gather3A_1161 = tpu.vector_load_idx %arg15[%add3A_1160] : memref<416xf32, #tpu.memory_space<vmem>>[vector<16xi32>], vector<16xf32>,
        %add3A_1162 = arith.addf %add3A_1149, %gather3A_1161 : vector<16xf32>
        %add3A_1163 = arith.constant 375 : i32
        %add3A_1164 = vector.broadcast %add3A_1163 : i32 to vector<16xi32>
        %add3A_1165 = arith.addi %iota3A, %add3A_1164 : vector<16xi32>
        %gather3A_1166 = tpu.vector_load_idx %arg15[%add3A_1165] : memref<416xf32, #tpu.memory_space<vmem>>[vector<16xi32>], vector<16xf32>,
        %add3A_1167 = arith.addf %add3A_1154, %gather3A_1166 : vector<16xf32>
        %add3A_1168 = arith.constant 375 : i32
        %add3A_1169 = vector.broadcast %add3A_1168 : i32 to vector<16xi32>
        %add3A_1170 = arith.addi %iota3A, %add3A_1169 : vector<16xi32>
        %add3A_1171 = arith.constant 16 : i32
        %add3A_1172 = vector.broadcast %add3A_1171 : i32 to vector<16xi32>
        %add3A_1173 = arith.addi %add3A_1170, %add3A_1172 : vector<16xi32>
        %gather3A_1174 = tpu.vector_load_idx %arg15[%add3A_1173] : memref<416xf32, #tpu.memory_space<vmem>>[vector<16xi32>], vector<16xf32>,
        %add3A_1175 = arith.addf %add3A_1162, %gather3A_1174 : vector<16xf32>
        %eq3A = arith.constant 0 : i32
        %eq3A_1176 = vector.broadcast %eq3A : i32 to vector<16xi32>
        %eq3A_1177 = arith.cmpi eq, %iota3A, %eq3A_1176 : vector<16xi32>
        %neg3A = arith.constant 0.000000e+00 : f32
        %neg3A_1178 = vector.broadcast %neg3A : f32 to vector<16xf32>
        %neg3A_1179 = arith.subf %neg3A_1178, %add3A_1167 : vector<16xf32>
        %select_n3A = arith.select %eq3A_1177, %add3A_1167, %neg3A_1179 : vector<16xi1>, vector<16xf32>
        %neg3A_1180 = arith.constant 0.000000e+00 : f32
        %neg3A_1181 = vector.broadcast %neg3A_1180 : f32 to vector<16xf32>
        %neg3A_1182 = arith.subf %neg3A_1181, %add3A_1175 : vector<16xf32>
        %mul3A_1183 = arith.constant 32 : i32
        %mul3A_1184 = arith.muli %mul3A_248, %mul3A_1183 : i32
        %add3A_1185 = arith.addi %mul3A_1184, %scan3A_360 : i32
        %mul3A_1186 = arith.constant 21 : i32
        %mul3A_1187 = arith.muli %add3A_1185, %mul3A_1186 : i32
        %add3A_1188 = vector.broadcast %mul3A_1187 : i32 to vector<16xi32>
        %add3A_1189 = arith.addi %add3A_1188, %iota3A : vector<16xi32>
        tpu.vector_store_idx %arg16[%add3A_1189], %select_n3A : memref<10768xf32, #tpu.memory_space<vmem>>[vector<16xi32>], vector<16xf32>,
        %add3A_1190 = arith.constant 16 : i32
        %add3A_1191 = arith.addi %mul3A_1187, %add3A_1190 : i32
        %add3A_1192 = vector.broadcast %add3A_1191 : i32 to vector<16xi32>
        %add3A_1193 = arith.addi %add3A_1192, %iota3A : vector<16xi32>
        tpu.vector_store_idx %arg16[%add3A_1193], %neg3A_1182 : memref<10768xf32, #tpu.memory_space<vmem>>[vector<16xi32>], vector<16xf32>,
        %scan3A_1194 = arith.constant 1 : i32
        %scan3A_1195 = arith.addi %scan3A_360, %scan3A_1194 : i32
        %get3A_1196 = arith.index_cast %scan3A_1195 : i32 to index
        %get3A_1197 = arith.constant 0 : index
        %get3A_1198 = tpu.vector_load %arg9[%get3A_1196, %get3A_1197] {strides = array<i32>} : memref<32x64xf32, #tpu.memory_space<vmem>>, vector<16xf32>,
        %get3A_1199 = arith.index_cast %scan3A_1195 : i32 to index
        %get3A_1200 = arith.constant 16 : index
        %get3A_1201 = tpu.vector_load %arg9[%get3A_1199, %get3A_1200] {strides = array<i32>} : memref<32x64xf32, #tpu.memory_space<vmem>>, vector<16xf32>,
        %get3A_1202 = arith.index_cast %scan3A_1195 : i32 to index
        %get3A_1203 = arith.constant 32 : index
        %get3A_1204 = tpu.vector_load %arg9[%get3A_1202, %get3A_1203] {strides = array<i32>} : memref<32x64xf32, #tpu.memory_space<vmem>>, vector<16xf32>,
        %get3A_1205 = arith.index_cast %scan3A_1195 : i32 to index
        %get3A_1206 = arith.constant 48 : index
        %get3A_1207 = tpu.vector_load %arg9[%get3A_1205, %get3A_1206] {strides = array<i32>} : memref<32x64xf32, #tpu.memory_space<vmem>>, vector<16xf32>,
        %get3A_1208 = arith.index_cast %scan3A_1195 : i32 to index
        %get3A_1209 = arith.constant 0 : index
        %get3A_1210 = tpu.vector_load %arg10[%get3A_1208, %get3A_1209] {strides = array<i32>} : memref<32x64xf32, #tpu.memory_space<vmem>>, vector<16xf32>,
        %get3A_1211 = arith.index_cast %scan3A_1195 : i32 to index
        %get3A_1212 = arith.constant 16 : index
        %get3A_1213 = tpu.vector_load %arg10[%get3A_1211, %get3A_1212] {strides = array<i32>} : memref<32x64xf32, #tpu.memory_space<vmem>>, vector<16xf32>,
        %get3A_1214 = arith.index_cast %scan3A_1195 : i32 to index
        %get3A_1215 = arith.constant 32 : index
        %get3A_1216 = tpu.vector_load %arg10[%get3A_1214, %get3A_1215] {strides = array<i32>} : memref<32x64xf32, #tpu.memory_space<vmem>>, vector<16xf32>,
        %get3A_1217 = arith.index_cast %scan3A_1195 : i32 to index
        %get3A_1218 = arith.constant 48 : index
        %get3A_1219 = tpu.vector_load %arg10[%get3A_1217, %get3A_1218] {strides = array<i32>} : memref<32x64xf32, #tpu.memory_space<vmem>>, vector<16xf32>,
        %mul3A_1220 = arith.mulf %get3A_1198, %get3A_1210 : vector<16xf32>
        %mul3A_1221 = arith.mulf %get3A_1201, %get3A_1213 : vector<16xf32>
        %add3A_1222 = arith.addf %mul3A_1220, %mul3A_1221 : vector<16xf32>
        %mul3A_1223 = arith.mulf %get3A_1204, %get3A_1216 : vector<16xf32>
        %add3A_1224 = arith.addf %add3A_1222, %mul3A_1223 : vector<16xf32>
        %mul3A_1225 = arith.mulf %get3A_1207, %get3A_1219 : vector<16xf32>
        %add3A_1226 = arith.addf %add3A_1224, %mul3A_1225 : vector<16xf32>
        %mul3A_1227 = arith.constant 25 : i32
        %mul3A_1228 = vector.broadcast %mul3A_1227 : i32 to vector<16xi32>
        %mul3A_1229 = arith.muli %iota3A, %mul3A_1228 : vector<16xi32>
        %add3A_1230 = arith.constant 0 : i32
        %add3A_1231 = vector.broadcast %add3A_1230 : i32 to vector<16xi32>
        %add3A_1232 = arith.addi %mul3A_1229, %add3A_1231 : vector<16xi32>
        tpu.vector_store_idx %arg15[%add3A_1232], %add3A_1226 : memref<416xf32, #tpu.memory_space<vmem>>[vector<16xi32>], vector<16xf32>,
        %mul3A_1233 = arith.constant 20 : i32
        %mul3A_1234 = arith.muli %scan3A_1195, %mul3A_1233 : i32
        %add3A_1235 = arith.constant 0 : i32
        %add3A_1236 = arith.addi %mul3A_1234, %add3A_1235 : i32
        %get3A_1237 = arith.index_cast %add3A_1236 : i32 to index
        %get3A_1238 = arith.constant 0 : index
        %get3A_1239 = tpu.vector_load %arg11[%get3A_1237, %get3A_1238] {strides = array<i32>} : memref<640x64xf32, #tpu.memory_space<vmem>>, vector<16xf32>,
        %get3A_1240 = arith.index_cast %add3A_1236 : i32 to index
        %get3A_1241 = arith.constant 16 : index
        %get3A_1242 = tpu.vector_load %arg11[%get3A_1240, %get3A_1241] {strides = array<i32>} : memref<640x64xf32, #tpu.memory_space<vmem>>, vector<16xf32>,
        %get3A_1243 = arith.index_cast %add3A_1236 : i32 to index
        %get3A_1244 = arith.constant 32 : index
        %get3A_1245 = tpu.vector_load %arg11[%get3A_1243, %get3A_1244] {strides = array<i32>} : memref<640x64xf32, #tpu.memory_space<vmem>>, vector<16xf32>,
        %get3A_1246 = arith.index_cast %add3A_1236 : i32 to index
        %get3A_1247 = arith.constant 48 : index
        %get3A_1248 = tpu.vector_load %arg11[%get3A_1246, %get3A_1247] {strides = array<i32>} : memref<640x64xf32, #tpu.memory_space<vmem>>, vector<16xf32>,
        %mul3A_1249 = arith.mulf %get3A_1198, %get3A_1239 : vector<16xf32>
        %mul3A_1250 = arith.mulf %get3A_1201, %get3A_1242 : vector<16xf32>
        %add3A_1251 = arith.addf %mul3A_1249, %mul3A_1250 : vector<16xf32>
        %mul3A_1252 = arith.mulf %get3A_1204, %get3A_1245 : vector<16xf32>
        %add3A_1253 = arith.addf %add3A_1251, %mul3A_1252 : vector<16xf32>
        %mul3A_1254 = arith.mulf %get3A_1207, %get3A_1248 : vector<16xf32>
        %add3A_1255 = arith.addf %add3A_1253, %mul3A_1254 : vector<16xf32>
        %mul3A_1256 = arith.constant 25 : i32
        %mul3A_1257 = vector.broadcast %mul3A_1256 : i32 to vector<16xi32>
        %mul3A_1258 = arith.muli %iota3A, %mul3A_1257 : vector<16xi32>
        %add3A_1259 = arith.constant 1 : i32
        %add3A_1260 = vector.broadcast %add3A_1259 : i32 to vector<16xi32>
        %add3A_1261 = arith.addi %mul3A_1258, %add3A_1260 : vector<16xi32>
        tpu.vector_store_idx %arg15[%add3A_1261], %add3A_1255 : memref<416xf32, #tpu.memory_space<vmem>>[vector<16xi32>], vector<16xf32>,
        %mul3A_1262 = arith.constant 20 : i32
        %mul3A_1263 = arith.muli %scan3A_1195, %mul3A_1262 : i32
        %add3A_1264 = arith.constant 1 : i32
        %add3A_1265 = arith.addi %mul3A_1263, %add3A_1264 : i32
        %get3A_1266 = arith.index_cast %add3A_1265 : i32 to index
        %get3A_1267 = arith.constant 0 : index
        %get3A_1268 = tpu.vector_load %arg11[%get3A_1266, %get3A_1267] {strides = array<i32>} : memref<640x64xf32, #tpu.memory_space<vmem>>, vector<16xf32>,
        %get3A_1269 = arith.index_cast %add3A_1265 : i32 to index
        %get3A_1270 = arith.constant 16 : index
        %get3A_1271 = tpu.vector_load %arg11[%get3A_1269, %get3A_1270] {strides = array<i32>} : memref<640x64xf32, #tpu.memory_space<vmem>>, vector<16xf32>,
        %get3A_1272 = arith.index_cast %add3A_1265 : i32 to index
        %get3A_1273 = arith.constant 32 : index
        %get3A_1274 = tpu.vector_load %arg11[%get3A_1272, %get3A_1273] {strides = array<i32>} : memref<640x64xf32, #tpu.memory_space<vmem>>, vector<16xf32>,
        %get3A_1275 = arith.index_cast %add3A_1265 : i32 to index
        %get3A_1276 = arith.constant 48 : index
        %get3A_1277 = tpu.vector_load %arg11[%get3A_1275, %get3A_1276] {strides = array<i32>} : memref<640x64xf32, #tpu.memory_space<vmem>>, vector<16xf32>,
        %mul3A_1278 = arith.mulf %get3A_1198, %get3A_1268 : vector<16xf32>
        %mul3A_1279 = arith.mulf %get3A_1201, %get3A_1271 : vector<16xf32>
        %add3A_1280 = arith.addf %mul3A_1278, %mul3A_1279 : vector<16xf32>
        %mul3A_1281 = arith.mulf %get3A_1204, %get3A_1274 : vector<16xf32>
        %add3A_1282 = arith.addf %add3A_1280, %mul3A_1281 : vector<16xf32>
        %mul3A_1283 = arith.mulf %get3A_1207, %get3A_1277 : vector<16xf32>
        %add3A_1284 = arith.addf %add3A_1282, %mul3A_1283 : vector<16xf32>
        %mul3A_1285 = arith.constant 25 : i32
        %mul3A_1286 = vector.broadcast %mul3A_1285 : i32 to vector<16xi32>
        %mul3A_1287 = arith.muli %iota3A, %mul3A_1286 : vector<16xi32>
        %add3A_1288 = arith.constant 2 : i32
        %add3A_1289 = vector.broadcast %add3A_1288 : i32 to vector<16xi32>
        %add3A_1290 = arith.addi %mul3A_1287, %add3A_1289 : vector<16xi32>
        tpu.vector_store_idx %arg15[%add3A_1290], %add3A_1284 : memref<416xf32, #tpu.memory_space<vmem>>[vector<16xi32>], vector<16xf32>,
        %mul3A_1291 = arith.constant 20 : i32
        %mul3A_1292 = arith.muli %scan3A_1195, %mul3A_1291 : i32
        %add3A_1293 = arith.constant 2 : i32
        %add3A_1294 = arith.addi %mul3A_1292, %add3A_1293 : i32
        %get3A_1295 = arith.index_cast %add3A_1294 : i32 to index
        %get3A_1296 = arith.constant 0 : index
        %get3A_1297 = tpu.vector_load %arg11[%get3A_1295, %get3A_1296] {strides = array<i32>} : memref<640x64xf32, #tpu.memory_space<vmem>>, vector<16xf32>,
        %get3A_1298 = arith.index_cast %add3A_1294 : i32 to index
        %get3A_1299 = arith.constant 16 : index
        %get3A_1300 = tpu.vector_load %arg11[%get3A_1298, %get3A_1299] {strides = array<i32>} : memref<640x64xf32, #tpu.memory_space<vmem>>, vector<16xf32>,
        %get3A_1301 = arith.index_cast %add3A_1294 : i32 to index
        %get3A_1302 = arith.constant 32 : index
        %get3A_1303 = tpu.vector_load %arg11[%get3A_1301, %get3A_1302] {strides = array<i32>} : memref<640x64xf32, #tpu.memory_space<vmem>>, vector<16xf32>,
        %get3A_1304 = arith.index_cast %add3A_1294 : i32 to index
        %get3A_1305 = arith.constant 48 : index
        %get3A_1306 = tpu.vector_load %arg11[%get3A_1304, %get3A_1305] {strides = array<i32>} : memref<640x64xf32, #tpu.memory_space<vmem>>, vector<16xf32>,
        %mul3A_1307 = arith.mulf %get3A_1198, %get3A_1297 : vector<16xf32>
        %mul3A_1308 = arith.mulf %get3A_1201, %get3A_1300 : vector<16xf32>
        %add3A_1309 = arith.addf %mul3A_1307, %mul3A_1308 : vector<16xf32>
        %mul3A_1310 = arith.mulf %get3A_1204, %get3A_1303 : vector<16xf32>
        %add3A_1311 = arith.addf %add3A_1309, %mul3A_1310 : vector<16xf32>
        %mul3A_1312 = arith.mulf %get3A_1207, %get3A_1306 : vector<16xf32>
        %add3A_1313 = arith.addf %add3A_1311, %mul3A_1312 : vector<16xf32>
        %mul3A_1314 = arith.constant 25 : i32
        %mul3A_1315 = vector.broadcast %mul3A_1314 : i32 to vector<16xi32>
        %mul3A_1316 = arith.muli %iota3A, %mul3A_1315 : vector<16xi32>
        %add3A_1317 = arith.constant 3 : i32
        %add3A_1318 = vector.broadcast %add3A_1317 : i32 to vector<16xi32>
        %add3A_1319 = arith.addi %mul3A_1316, %add3A_1318 : vector<16xi32>
        tpu.vector_store_idx %arg15[%add3A_1319], %add3A_1313 : memref<416xf32, #tpu.memory_space<vmem>>[vector<16xi32>], vector<16xf32>,
        %mul3A_1320 = arith.constant 20 : i32
        %mul3A_1321 = arith.muli %scan3A_1195, %mul3A_1320 : i32
        %add3A_1322 = arith.constant 3 : i32
        %add3A_1323 = arith.addi %mul3A_1321, %add3A_1322 : i32
        %get3A_1324 = arith.index_cast %add3A_1323 : i32 to index
        %get3A_1325 = arith.constant 0 : index
        %get3A_1326 = tpu.vector_load %arg11[%get3A_1324, %get3A_1325] {strides = array<i32>} : memref<640x64xf32, #tpu.memory_space<vmem>>, vector<16xf32>,
        %get3A_1327 = arith.index_cast %add3A_1323 : i32 to index
        %get3A_1328 = arith.constant 16 : index
        %get3A_1329 = tpu.vector_load %arg11[%get3A_1327, %get3A_1328] {strides = array<i32>} : memref<640x64xf32, #tpu.memory_space<vmem>>, vector<16xf32>,
        %get3A_1330 = arith.index_cast %add3A_1323 : i32 to index
        %get3A_1331 = arith.constant 32 : index
        %get3A_1332 = tpu.vector_load %arg11[%get3A_1330, %get3A_1331] {strides = array<i32>} : memref<640x64xf32, #tpu.memory_space<vmem>>, vector<16xf32>,
        %get3A_1333 = arith.index_cast %add3A_1323 : i32 to index
        %get3A_1334 = arith.constant 48 : index
        %get3A_1335 = tpu.vector_load %arg11[%get3A_1333, %get3A_1334] {strides = array<i32>} : memref<640x64xf32, #tpu.memory_space<vmem>>, vector<16xf32>,
        %mul3A_1336 = arith.mulf %get3A_1198, %get3A_1326 : vector<16xf32>
        %mul3A_1337 = arith.mulf %get3A_1201, %get3A_1329 : vector<16xf32>
        %add3A_1338 = arith.addf %mul3A_1336, %mul3A_1337 : vector<16xf32>
        %mul3A_1339 = arith.mulf %get3A_1204, %get3A_1332 : vector<16xf32>
        %add3A_1340 = arith.addf %add3A_1338, %mul3A_1339 : vector<16xf32>
        %mul3A_1341 = arith.mulf %get3A_1207, %get3A_1335 : vector<16xf32>
        %add3A_1342 = arith.addf %add3A_1340, %mul3A_1341 : vector<16xf32>
        %mul3A_1343 = arith.constant 25 : i32
        %mul3A_1344 = vector.broadcast %mul3A_1343 : i32 to vector<16xi32>
        %mul3A_1345 = arith.muli %iota3A, %mul3A_1344 : vector<16xi32>
        %add3A_1346 = arith.constant 4 : i32
        %add3A_1347 = vector.broadcast %add3A_1346 : i32 to vector<16xi32>
        %add3A_1348 = arith.addi %mul3A_1345, %add3A_1347 : vector<16xi32>
        tpu.vector_store_idx %arg15[%add3A_1348], %add3A_1342 : memref<416xf32, #tpu.memory_space<vmem>>[vector<16xi32>], vector<16xf32>,
        %mul3A_1349 = arith.constant 20 : i32
        %mul3A_1350 = arith.muli %scan3A_1195, %mul3A_1349 : i32
        %add3A_1351 = arith.constant 4 : i32
        %add3A_1352 = arith.addi %mul3A_1350, %add3A_1351 : i32
        %get3A_1353 = arith.index_cast %add3A_1352 : i32 to index
        %get3A_1354 = arith.constant 0 : index
        %get3A_1355 = tpu.vector_load %arg11[%get3A_1353, %get3A_1354] {strides = array<i32>} : memref<640x64xf32, #tpu.memory_space<vmem>>, vector<16xf32>,
        %get3A_1356 = arith.index_cast %add3A_1352 : i32 to index
        %get3A_1357 = arith.constant 16 : index
        %get3A_1358 = tpu.vector_load %arg11[%get3A_1356, %get3A_1357] {strides = array<i32>} : memref<640x64xf32, #tpu.memory_space<vmem>>, vector<16xf32>,
        %get3A_1359 = arith.index_cast %add3A_1352 : i32 to index
        %get3A_1360 = arith.constant 32 : index
        %get3A_1361 = tpu.vector_load %arg11[%get3A_1359, %get3A_1360] {strides = array<i32>} : memref<640x64xf32, #tpu.memory_space<vmem>>, vector<16xf32>,
        %get3A_1362 = arith.index_cast %add3A_1352 : i32 to index
        %get3A_1363 = arith.constant 48 : index
        %get3A_1364 = tpu.vector_load %arg11[%get3A_1362, %get3A_1363] {strides = array<i32>} : memref<640x64xf32, #tpu.memory_space<vmem>>, vector<16xf32>,
        %mul3A_1365 = arith.mulf %get3A_1198, %get3A_1355 : vector<16xf32>
        %mul3A_1366 = arith.mulf %get3A_1201, %get3A_1358 : vector<16xf32>
        %add3A_1367 = arith.addf %mul3A_1365, %mul3A_1366 : vector<16xf32>
        %mul3A_1368 = arith.mulf %get3A_1204, %get3A_1361 : vector<16xf32>
        %add3A_1369 = arith.addf %add3A_1367, %mul3A_1368 : vector<16xf32>
        %mul3A_1370 = arith.mulf %get3A_1207, %get3A_1364 : vector<16xf32>
        %add3A_1371 = arith.addf %add3A_1369, %mul3A_1370 : vector<16xf32>
        %mul3A_1372 = arith.constant 25 : i32
        %mul3A_1373 = vector.broadcast %mul3A_1372 : i32 to vector<16xi32>
        %mul3A_1374 = arith.muli %iota3A, %mul3A_1373 : vector<16xi32>
        %add3A_1375 = arith.constant 5 : i32
        %add3A_1376 = vector.broadcast %add3A_1375 : i32 to vector<16xi32>
        %add3A_1377 = arith.addi %mul3A_1374, %add3A_1376 : vector<16xi32>
        tpu.vector_store_idx %arg15[%add3A_1377], %add3A_1371 : memref<416xf32, #tpu.memory_space<vmem>>[vector<16xi32>], vector<16xf32>,
        %mul3A_1378 = arith.constant 20 : i32
        %mul3A_1379 = arith.muli %scan3A_1195, %mul3A_1378 : i32
        %add3A_1380 = arith.constant 5 : i32
        %add3A_1381 = arith.addi %mul3A_1379, %add3A_1380 : i32
        %get3A_1382 = arith.index_cast %add3A_1381 : i32 to index
        %get3A_1383 = arith.constant 0 : index
        %get3A_1384 = tpu.vector_load %arg11[%get3A_1382, %get3A_1383] {strides = array<i32>} : memref<640x64xf32, #tpu.memory_space<vmem>>, vector<16xf32>,
        %get3A_1385 = arith.index_cast %add3A_1381 : i32 to index
        %get3A_1386 = arith.constant 16 : index
        %get3A_1387 = tpu.vector_load %arg11[%get3A_1385, %get3A_1386] {strides = array<i32>} : memref<640x64xf32, #tpu.memory_space<vmem>>, vector<16xf32>,
        %get3A_1388 = arith.index_cast %add3A_1381 : i32 to index
        %get3A_1389 = arith.constant 32 : index
        %get3A_1390 = tpu.vector_load %arg11[%get3A_1388, %get3A_1389] {strides = array<i32>} : memref<640x64xf32, #tpu.memory_space<vmem>>, vector<16xf32>,
        %get3A_1391 = arith.index_cast %add3A_1381 : i32 to index
        %get3A_1392 = arith.constant 48 : index
        %get3A_1393 = tpu.vector_load %arg11[%get3A_1391, %get3A_1392] {strides = array<i32>} : memref<640x64xf32, #tpu.memory_space<vmem>>, vector<16xf32>,
        %mul3A_1394 = arith.mulf %get3A_1198, %get3A_1384 : vector<16xf32>
        %mul3A_1395 = arith.mulf %get3A_1201, %get3A_1387 : vector<16xf32>
        %add3A_1396 = arith.addf %mul3A_1394, %mul3A_1395 : vector<16xf32>
        %mul3A_1397 = arith.mulf %get3A_1204, %get3A_1390 : vector<16xf32>
        %add3A_1398 = arith.addf %add3A_1396, %mul3A_1397 : vector<16xf32>
        %mul3A_1399 = arith.mulf %get3A_1207, %get3A_1393 : vector<16xf32>
        %add3A_1400 = arith.addf %add3A_1398, %mul3A_1399 : vector<16xf32>
        %mul3A_1401 = arith.constant 25 : i32
        %mul3A_1402 = vector.broadcast %mul3A_1401 : i32 to vector<16xi32>
        %mul3A_1403 = arith.muli %iota3A, %mul3A_1402 : vector<16xi32>
        %add3A_1404 = arith.constant 6 : i32
        %add3A_1405 = vector.broadcast %add3A_1404 : i32 to vector<16xi32>
        %add3A_1406 = arith.addi %mul3A_1403, %add3A_1405 : vector<16xi32>
        tpu.vector_store_idx %arg15[%add3A_1406], %add3A_1400 : memref<416xf32, #tpu.memory_space<vmem>>[vector<16xi32>], vector<16xf32>,
        %mul3A_1407 = arith.constant 20 : i32
        %mul3A_1408 = arith.muli %scan3A_1195, %mul3A_1407 : i32
        %add3A_1409 = arith.constant 6 : i32
        %add3A_1410 = arith.addi %mul3A_1408, %add3A_1409 : i32
        %get3A_1411 = arith.index_cast %add3A_1410 : i32 to index
        %get3A_1412 = arith.constant 0 : index
        %get3A_1413 = tpu.vector_load %arg11[%get3A_1411, %get3A_1412] {strides = array<i32>} : memref<640x64xf32, #tpu.memory_space<vmem>>, vector<16xf32>,
        %get3A_1414 = arith.index_cast %add3A_1410 : i32 to index
        %get3A_1415 = arith.constant 16 : index
        %get3A_1416 = tpu.vector_load %arg11[%get3A_1414, %get3A_1415] {strides = array<i32>} : memref<640x64xf32, #tpu.memory_space<vmem>>, vector<16xf32>,
        %get3A_1417 = arith.index_cast %add3A_1410 : i32 to index
        %get3A_1418 = arith.constant 32 : index
        %get3A_1419 = tpu.vector_load %arg11[%get3A_1417, %get3A_1418] {strides = array<i32>} : memref<640x64xf32, #tpu.memory_space<vmem>>, vector<16xf32>,
        %get3A_1420 = arith.index_cast %add3A_1410 : i32 to index
        %get3A_1421 = arith.constant 48 : index
        %get3A_1422 = tpu.vector_load %arg11[%get3A_1420, %get3A_1421] {strides = array<i32>} : memref<640x64xf32, #tpu.memory_space<vmem>>, vector<16xf32>,
        %mul3A_1423 = arith.mulf %get3A_1198, %get3A_1413 : vector<16xf32>
        %mul3A_1424 = arith.mulf %get3A_1201, %get3A_1416 : vector<16xf32>
        %add3A_1425 = arith.addf %mul3A_1423, %mul3A_1424 : vector<16xf32>
        %mul3A_1426 = arith.mulf %get3A_1204, %get3A_1419 : vector<16xf32>
        %add3A_1427 = arith.addf %add3A_1425, %mul3A_1426 : vector<16xf32>
        %mul3A_1428 = arith.mulf %get3A_1207, %get3A_1422 : vector<16xf32>
        %add3A_1429 = arith.addf %add3A_1427, %mul3A_1428 : vector<16xf32>
        %mul3A_1430 = arith.constant 25 : i32
        %mul3A_1431 = vector.broadcast %mul3A_1430 : i32 to vector<16xi32>
        %mul3A_1432 = arith.muli %iota3A, %mul3A_1431 : vector<16xi32>
        %add3A_1433 = arith.constant 7 : i32
        %add3A_1434 = vector.broadcast %add3A_1433 : i32 to vector<16xi32>
        %add3A_1435 = arith.addi %mul3A_1432, %add3A_1434 : vector<16xi32>
        tpu.vector_store_idx %arg15[%add3A_1435], %add3A_1429 : memref<416xf32, #tpu.memory_space<vmem>>[vector<16xi32>], vector<16xf32>,
        %mul3A_1436 = arith.constant 20 : i32
        %mul3A_1437 = arith.muli %scan3A_1195, %mul3A_1436 : i32
        %add3A_1438 = arith.constant 7 : i32
        %add3A_1439 = arith.addi %mul3A_1437, %add3A_1438 : i32
        %get3A_1440 = arith.index_cast %add3A_1439 : i32 to index
        %get3A_1441 = arith.constant 0 : index
        %get3A_1442 = tpu.vector_load %arg11[%get3A_1440, %get3A_1441] {strides = array<i32>} : memref<640x64xf32, #tpu.memory_space<vmem>>, vector<16xf32>,
        %get3A_1443 = arith.index_cast %add3A_1439 : i32 to index
        %get3A_1444 = arith.constant 16 : index
        %get3A_1445 = tpu.vector_load %arg11[%get3A_1443, %get3A_1444] {strides = array<i32>} : memref<640x64xf32, #tpu.memory_space<vmem>>, vector<16xf32>,
        %get3A_1446 = arith.index_cast %add3A_1439 : i32 to index
        %get3A_1447 = arith.constant 32 : index
        %get3A_1448 = tpu.vector_load %arg11[%get3A_1446, %get3A_1447] {strides = array<i32>} : memref<640x64xf32, #tpu.memory_space<vmem>>, vector<16xf32>,
        %get3A_1449 = arith.index_cast %add3A_1439 : i32 to index
        %get3A_1450 = arith.constant 48 : index
        %get3A_1451 = tpu.vector_load %arg11[%get3A_1449, %get3A_1450] {strides = array<i32>} : memref<640x64xf32, #tpu.memory_space<vmem>>, vector<16xf32>,
        %mul3A_1452 = arith.mulf %get3A_1198, %get3A_1442 : vector<16xf32>
        %mul3A_1453 = arith.mulf %get3A_1201, %get3A_1445 : vector<16xf32>
        %add3A_1454 = arith.addf %mul3A_1452, %mul3A_1453 : vector<16xf32>
        %mul3A_1455 = arith.mulf %get3A_1204, %get3A_1448 : vector<16xf32>
        %add3A_1456 = arith.addf %add3A_1454, %mul3A_1455 : vector<16xf32>
        %mul3A_1457 = arith.mulf %get3A_1207, %get3A_1451 : vector<16xf32>
        %add3A_1458 = arith.addf %add3A_1456, %mul3A_1457 : vector<16xf32>
        %mul3A_1459 = arith.constant 25 : i32
        %mul3A_1460 = vector.broadcast %mul3A_1459 : i32 to vector<16xi32>
        %mul3A_1461 = arith.muli %iota3A, %mul3A_1460 : vector<16xi32>
        %add3A_1462 = arith.constant 8 : i32
        %add3A_1463 = vector.broadcast %add3A_1462 : i32 to vector<16xi32>
        %add3A_1464 = arith.addi %mul3A_1461, %add3A_1463 : vector<16xi32>
        tpu.vector_store_idx %arg15[%add3A_1464], %add3A_1458 : memref<416xf32, #tpu.memory_space<vmem>>[vector<16xi32>], vector<16xf32>,
        %mul3A_1465 = arith.constant 20 : i32
        %mul3A_1466 = arith.muli %scan3A_1195, %mul3A_1465 : i32
        %add3A_1467 = arith.constant 8 : i32
        %add3A_1468 = arith.addi %mul3A_1466, %add3A_1467 : i32
        %get3A_1469 = arith.index_cast %add3A_1468 : i32 to index
        %get3A_1470 = arith.constant 0 : index
        %get3A_1471 = tpu.vector_load %arg11[%get3A_1469, %get3A_1470] {strides = array<i32>} : memref<640x64xf32, #tpu.memory_space<vmem>>, vector<16xf32>,
        %get3A_1472 = arith.index_cast %add3A_1468 : i32 to index
        %get3A_1473 = arith.constant 16 : index
        %get3A_1474 = tpu.vector_load %arg11[%get3A_1472, %get3A_1473] {strides = array<i32>} : memref<640x64xf32, #tpu.memory_space<vmem>>, vector<16xf32>,
        %get3A_1475 = arith.index_cast %add3A_1468 : i32 to index
        %get3A_1476 = arith.constant 32 : index
        %get3A_1477 = tpu.vector_load %arg11[%get3A_1475, %get3A_1476] {strides = array<i32>} : memref<640x64xf32, #tpu.memory_space<vmem>>, vector<16xf32>,
        %get3A_1478 = arith.index_cast %add3A_1468 : i32 to index
        %get3A_1479 = arith.constant 48 : index
        %get3A_1480 = tpu.vector_load %arg11[%get3A_1478, %get3A_1479] {strides = array<i32>} : memref<640x64xf32, #tpu.memory_space<vmem>>, vector<16xf32>,
        %mul3A_1481 = arith.mulf %get3A_1198, %get3A_1471 : vector<16xf32>
        %mul3A_1482 = arith.mulf %get3A_1201, %get3A_1474 : vector<16xf32>
        %add3A_1483 = arith.addf %mul3A_1481, %mul3A_1482 : vector<16xf32>
        %mul3A_1484 = arith.mulf %get3A_1204, %get3A_1477 : vector<16xf32>
        %add3A_1485 = arith.addf %add3A_1483, %mul3A_1484 : vector<16xf32>
        %mul3A_1486 = arith.mulf %get3A_1207, %get3A_1480 : vector<16xf32>
        %add3A_1487 = arith.addf %add3A_1485, %mul3A_1486 : vector<16xf32>
        %mul3A_1488 = arith.constant 25 : i32
        %mul3A_1489 = vector.broadcast %mul3A_1488 : i32 to vector<16xi32>
        %mul3A_1490 = arith.muli %iota3A, %mul3A_1489 : vector<16xi32>
        %add3A_1491 = arith.constant 9 : i32
        %add3A_1492 = vector.broadcast %add3A_1491 : i32 to vector<16xi32>
        %add3A_1493 = arith.addi %mul3A_1490, %add3A_1492 : vector<16xi32>
        tpu.vector_store_idx %arg15[%add3A_1493], %add3A_1487 : memref<416xf32, #tpu.memory_space<vmem>>[vector<16xi32>], vector<16xf32>,
        %mul3A_1494 = arith.constant 20 : i32
        %mul3A_1495 = arith.muli %scan3A_1195, %mul3A_1494 : i32
        %add3A_1496 = arith.constant 9 : i32
        %add3A_1497 = arith.addi %mul3A_1495, %add3A_1496 : i32
        %get3A_1498 = arith.index_cast %add3A_1497 : i32 to index
        %get3A_1499 = arith.constant 0 : index
        %get3A_1500 = tpu.vector_load %arg11[%get3A_1498, %get3A_1499] {strides = array<i32>} : memref<640x64xf32, #tpu.memory_space<vmem>>, vector<16xf32>,
        %get3A_1501 = arith.index_cast %add3A_1497 : i32 to index
        %get3A_1502 = arith.constant 16 : index
        %get3A_1503 = tpu.vector_load %arg11[%get3A_1501, %get3A_1502] {strides = array<i32>} : memref<640x64xf32, #tpu.memory_space<vmem>>, vector<16xf32>,
        %get3A_1504 = arith.index_cast %add3A_1497 : i32 to index
        %get3A_1505 = arith.constant 32 : index
        %get3A_1506 = tpu.vector_load %arg11[%get3A_1504, %get3A_1505] {strides = array<i32>} : memref<640x64xf32, #tpu.memory_space<vmem>>, vector<16xf32>,
        %get3A_1507 = arith.index_cast %add3A_1497 : i32 to index
        %get3A_1508 = arith.constant 48 : index
        %get3A_1509 = tpu.vector_load %arg11[%get3A_1507, %get3A_1508] {strides = array<i32>} : memref<640x64xf32, #tpu.memory_space<vmem>>, vector<16xf32>,
        %mul3A_1510 = arith.mulf %get3A_1198, %get3A_1500 : vector<16xf32>
        %mul3A_1511 = arith.mulf %get3A_1201, %get3A_1503 : vector<16xf32>
        %add3A_1512 = arith.addf %mul3A_1510, %mul3A_1511 : vector<16xf32>
        %mul3A_1513 = arith.mulf %get3A_1204, %get3A_1506 : vector<16xf32>
        %add3A_1514 = arith.addf %add3A_1512, %mul3A_1513 : vector<16xf32>
        %mul3A_1515 = arith.mulf %get3A_1207, %get3A_1509 : vector<16xf32>
        %add3A_1516 = arith.addf %add3A_1514, %mul3A_1515 : vector<16xf32>
        %mul3A_1517 = arith.constant 25 : i32
        %mul3A_1518 = vector.broadcast %mul3A_1517 : i32 to vector<16xi32>
        %mul3A_1519 = arith.muli %iota3A, %mul3A_1518 : vector<16xi32>
        %add3A_1520 = arith.constant 10 : i32
        %add3A_1521 = vector.broadcast %add3A_1520 : i32 to vector<16xi32>
        %add3A_1522 = arith.addi %mul3A_1519, %add3A_1521 : vector<16xi32>
        tpu.vector_store_idx %arg15[%add3A_1522], %add3A_1516 : memref<416xf32, #tpu.memory_space<vmem>>[vector<16xi32>], vector<16xf32>,
        %mul3A_1523 = arith.constant 20 : i32
        %mul3A_1524 = arith.muli %scan3A_1195, %mul3A_1523 : i32
        %add3A_1525 = arith.constant 10 : i32
        %add3A_1526 = arith.addi %mul3A_1524, %add3A_1525 : i32
        %get3A_1527 = arith.index_cast %add3A_1526 : i32 to index
        %get3A_1528 = arith.constant 0 : index
        %get3A_1529 = tpu.vector_load %arg11[%get3A_1527, %get3A_1528] {strides = array<i32>} : memref<640x64xf32, #tpu.memory_space<vmem>>, vector<16xf32>,
        %get3A_1530 = arith.index_cast %add3A_1526 : i32 to index
        %get3A_1531 = arith.constant 16 : index
        %get3A_1532 = tpu.vector_load %arg11[%get3A_1530, %get3A_1531] {strides = array<i32>} : memref<640x64xf32, #tpu.memory_space<vmem>>, vector<16xf32>,
        %get3A_1533 = arith.index_cast %add3A_1526 : i32 to index
        %get3A_1534 = arith.constant 32 : index
        %get3A_1535 = tpu.vector_load %arg11[%get3A_1533, %get3A_1534] {strides = array<i32>} : memref<640x64xf32, #tpu.memory_space<vmem>>, vector<16xf32>,
        %get3A_1536 = arith.index_cast %add3A_1526 : i32 to index
        %get3A_1537 = arith.constant 48 : index
        %get3A_1538 = tpu.vector_load %arg11[%get3A_1536, %get3A_1537] {strides = array<i32>} : memref<640x64xf32, #tpu.memory_space<vmem>>, vector<16xf32>,
        %mul3A_1539 = arith.mulf %get3A_1198, %get3A_1529 : vector<16xf32>
        %mul3A_1540 = arith.mulf %get3A_1201, %get3A_1532 : vector<16xf32>
        %add3A_1541 = arith.addf %mul3A_1539, %mul3A_1540 : vector<16xf32>
        %mul3A_1542 = arith.mulf %get3A_1204, %get3A_1535 : vector<16xf32>
        %add3A_1543 = arith.addf %add3A_1541, %mul3A_1542 : vector<16xf32>
        %mul3A_1544 = arith.mulf %get3A_1207, %get3A_1538 : vector<16xf32>
        %add3A_1545 = arith.addf %add3A_1543, %mul3A_1544 : vector<16xf32>
        %mul3A_1546 = arith.constant 25 : i32
        %mul3A_1547 = vector.broadcast %mul3A_1546 : i32 to vector<16xi32>
        %mul3A_1548 = arith.muli %iota3A, %mul3A_1547 : vector<16xi32>
        %add3A_1549 = arith.constant 11 : i32
        %add3A_1550 = vector.broadcast %add3A_1549 : i32 to vector<16xi32>
        %add3A_1551 = arith.addi %mul3A_1548, %add3A_1550 : vector<16xi32>
        tpu.vector_store_idx %arg15[%add3A_1551], %add3A_1545 : memref<416xf32, #tpu.memory_space<vmem>>[vector<16xi32>], vector<16xf32>,
        %mul3A_1552 = arith.constant 20 : i32
        %mul3A_1553 = arith.muli %scan3A_1195, %mul3A_1552 : i32
        %add3A_1554 = arith.constant 11 : i32
        %add3A_1555 = arith.addi %mul3A_1553, %add3A_1554 : i32
        %get3A_1556 = arith.index_cast %add3A_1555 : i32 to index
        %get3A_1557 = arith.constant 0 : index
        %get3A_1558 = tpu.vector_load %arg11[%get3A_1556, %get3A_1557] {strides = array<i32>} : memref<640x64xf32, #tpu.memory_space<vmem>>, vector<16xf32>,
        %get3A_1559 = arith.index_cast %add3A_1555 : i32 to index
        %get3A_1560 = arith.constant 16 : index
        %get3A_1561 = tpu.vector_load %arg11[%get3A_1559, %get3A_1560] {strides = array<i32>} : memref<640x64xf32, #tpu.memory_space<vmem>>, vector<16xf32>,
        %get3A_1562 = arith.index_cast %add3A_1555 : i32 to index
        %get3A_1563 = arith.constant 32 : index
        %get3A_1564 = tpu.vector_load %arg11[%get3A_1562, %get3A_1563] {strides = array<i32>} : memref<640x64xf32, #tpu.memory_space<vmem>>, vector<16xf32>,
        %get3A_1565 = arith.index_cast %add3A_1555 : i32 to index
        %get3A_1566 = arith.constant 48 : index
        %get3A_1567 = tpu.vector_load %arg11[%get3A_1565, %get3A_1566] {strides = array<i32>} : memref<640x64xf32, #tpu.memory_space<vmem>>, vector<16xf32>,
        %mul3A_1568 = arith.mulf %get3A_1198, %get3A_1558 : vector<16xf32>
        %mul3A_1569 = arith.mulf %get3A_1201, %get3A_1561 : vector<16xf32>
        %add3A_1570 = arith.addf %mul3A_1568, %mul3A_1569 : vector<16xf32>
        %mul3A_1571 = arith.mulf %get3A_1204, %get3A_1564 : vector<16xf32>
        %add3A_1572 = arith.addf %add3A_1570, %mul3A_1571 : vector<16xf32>
        %mul3A_1573 = arith.mulf %get3A_1207, %get3A_1567 : vector<16xf32>
        %add3A_1574 = arith.addf %add3A_1572, %mul3A_1573 : vector<16xf32>
        %mul3A_1575 = arith.constant 25 : i32
        %mul3A_1576 = vector.broadcast %mul3A_1575 : i32 to vector<16xi32>
        %mul3A_1577 = arith.muli %iota3A, %mul3A_1576 : vector<16xi32>
        %add3A_1578 = arith.constant 12 : i32
        %add3A_1579 = vector.broadcast %add3A_1578 : i32 to vector<16xi32>
        %add3A_1580 = arith.addi %mul3A_1577, %add3A_1579 : vector<16xi32>
        tpu.vector_store_idx %arg15[%add3A_1580], %add3A_1574 : memref<416xf32, #tpu.memory_space<vmem>>[vector<16xi32>], vector<16xf32>,
        %mul3A_1581 = arith.constant 20 : i32
        %mul3A_1582 = arith.muli %scan3A_1195, %mul3A_1581 : i32
        %add3A_1583 = arith.constant 12 : i32
        %add3A_1584 = arith.addi %mul3A_1582, %add3A_1583 : i32
        %get3A_1585 = arith.index_cast %add3A_1584 : i32 to index
        %get3A_1586 = arith.constant 0 : index
        %get3A_1587 = tpu.vector_load %arg11[%get3A_1585, %get3A_1586] {strides = array<i32>} : memref<640x64xf32, #tpu.memory_space<vmem>>, vector<16xf32>,
        %get3A_1588 = arith.index_cast %add3A_1584 : i32 to index
        %get3A_1589 = arith.constant 16 : index
        %get3A_1590 = tpu.vector_load %arg11[%get3A_1588, %get3A_1589] {strides = array<i32>} : memref<640x64xf32, #tpu.memory_space<vmem>>, vector<16xf32>,
        %get3A_1591 = arith.index_cast %add3A_1584 : i32 to index
        %get3A_1592 = arith.constant 32 : index
        %get3A_1593 = tpu.vector_load %arg11[%get3A_1591, %get3A_1592] {strides = array<i32>} : memref<640x64xf32, #tpu.memory_space<vmem>>, vector<16xf32>,
        %get3A_1594 = arith.index_cast %add3A_1584 : i32 to index
        %get3A_1595 = arith.constant 48 : index
        %get3A_1596 = tpu.vector_load %arg11[%get3A_1594, %get3A_1595] {strides = array<i32>} : memref<640x64xf32, #tpu.memory_space<vmem>>, vector<16xf32>,
        %mul3A_1597 = arith.mulf %get3A_1198, %get3A_1587 : vector<16xf32>
        %mul3A_1598 = arith.mulf %get3A_1201, %get3A_1590 : vector<16xf32>
        %add3A_1599 = arith.addf %mul3A_1597, %mul3A_1598 : vector<16xf32>
        %mul3A_1600 = arith.mulf %get3A_1204, %get3A_1593 : vector<16xf32>
        %add3A_1601 = arith.addf %add3A_1599, %mul3A_1600 : vector<16xf32>
        %mul3A_1602 = arith.mulf %get3A_1207, %get3A_1596 : vector<16xf32>
        %add3A_1603 = arith.addf %add3A_1601, %mul3A_1602 : vector<16xf32>
        %mul3A_1604 = arith.constant 25 : i32
        %mul3A_1605 = vector.broadcast %mul3A_1604 : i32 to vector<16xi32>
        %mul3A_1606 = arith.muli %iota3A, %mul3A_1605 : vector<16xi32>
        %add3A_1607 = arith.constant 13 : i32
        %add3A_1608 = vector.broadcast %add3A_1607 : i32 to vector<16xi32>
        %add3A_1609 = arith.addi %mul3A_1606, %add3A_1608 : vector<16xi32>
        tpu.vector_store_idx %arg15[%add3A_1609], %add3A_1603 : memref<416xf32, #tpu.memory_space<vmem>>[vector<16xi32>], vector<16xf32>,
        %mul3A_1610 = arith.constant 20 : i32
        %mul3A_1611 = arith.muli %scan3A_1195, %mul3A_1610 : i32
        %add3A_1612 = arith.constant 13 : i32
        %add3A_1613 = arith.addi %mul3A_1611, %add3A_1612 : i32
        %get3A_1614 = arith.index_cast %add3A_1613 : i32 to index
        %get3A_1615 = arith.constant 0 : index
        %get3A_1616 = tpu.vector_load %arg11[%get3A_1614, %get3A_1615] {strides = array<i32>} : memref<640x64xf32, #tpu.memory_space<vmem>>, vector<16xf32>,
        %get3A_1617 = arith.index_cast %add3A_1613 : i32 to index
        %get3A_1618 = arith.constant 16 : index
        %get3A_1619 = tpu.vector_load %arg11[%get3A_1617, %get3A_1618] {strides = array<i32>} : memref<640x64xf32, #tpu.memory_space<vmem>>, vector<16xf32>,
        %get3A_1620 = arith.index_cast %add3A_1613 : i32 to index
        %get3A_1621 = arith.constant 32 : index
        %get3A_1622 = tpu.vector_load %arg11[%get3A_1620, %get3A_1621] {strides = array<i32>} : memref<640x64xf32, #tpu.memory_space<vmem>>, vector<16xf32>,
        %get3A_1623 = arith.index_cast %add3A_1613 : i32 to index
        %get3A_1624 = arith.constant 48 : index
        %get3A_1625 = tpu.vector_load %arg11[%get3A_1623, %get3A_1624] {strides = array<i32>} : memref<640x64xf32, #tpu.memory_space<vmem>>, vector<16xf32>,
        %mul3A_1626 = arith.mulf %get3A_1198, %get3A_1616 : vector<16xf32>
        %mul3A_1627 = arith.mulf %get3A_1201, %get3A_1619 : vector<16xf32>
        %add3A_1628 = arith.addf %mul3A_1626, %mul3A_1627 : vector<16xf32>
        %mul3A_1629 = arith.mulf %get3A_1204, %get3A_1622 : vector<16xf32>
        %add3A_1630 = arith.addf %add3A_1628, %mul3A_1629 : vector<16xf32>
        %mul3A_1631 = arith.mulf %get3A_1207, %get3A_1625 : vector<16xf32>
        %add3A_1632 = arith.addf %add3A_1630, %mul3A_1631 : vector<16xf32>
        %mul3A_1633 = arith.constant 25 : i32
        %mul3A_1634 = vector.broadcast %mul3A_1633 : i32 to vector<16xi32>
        %mul3A_1635 = arith.muli %iota3A, %mul3A_1634 : vector<16xi32>
        %add3A_1636 = arith.constant 14 : i32
        %add3A_1637 = vector.broadcast %add3A_1636 : i32 to vector<16xi32>
        %add3A_1638 = arith.addi %mul3A_1635, %add3A_1637 : vector<16xi32>
        tpu.vector_store_idx %arg15[%add3A_1638], %add3A_1632 : memref<416xf32, #tpu.memory_space<vmem>>[vector<16xi32>], vector<16xf32>,
        %mul3A_1639 = arith.constant 20 : i32
        %mul3A_1640 = arith.muli %scan3A_1195, %mul3A_1639 : i32
        %add3A_1641 = arith.constant 14 : i32
        %add3A_1642 = arith.addi %mul3A_1640, %add3A_1641 : i32
        %get3A_1643 = arith.index_cast %add3A_1642 : i32 to index
        %get3A_1644 = arith.constant 0 : index
        %get3A_1645 = tpu.vector_load %arg11[%get3A_1643, %get3A_1644] {strides = array<i32>} : memref<640x64xf32, #tpu.memory_space<vmem>>, vector<16xf32>,
        %get3A_1646 = arith.index_cast %add3A_1642 : i32 to index
        %get3A_1647 = arith.constant 16 : index
        %get3A_1648 = tpu.vector_load %arg11[%get3A_1646, %get3A_1647] {strides = array<i32>} : memref<640x64xf32, #tpu.memory_space<vmem>>, vector<16xf32>,
        %get3A_1649 = arith.index_cast %add3A_1642 : i32 to index
        %get3A_1650 = arith.constant 32 : index
        %get3A_1651 = tpu.vector_load %arg11[%get3A_1649, %get3A_1650] {strides = array<i32>} : memref<640x64xf32, #tpu.memory_space<vmem>>, vector<16xf32>,
        %get3A_1652 = arith.index_cast %add3A_1642 : i32 to index
        %get3A_1653 = arith.constant 48 : index
        %get3A_1654 = tpu.vector_load %arg11[%get3A_1652, %get3A_1653] {strides = array<i32>} : memref<640x64xf32, #tpu.memory_space<vmem>>, vector<16xf32>,
        %mul3A_1655 = arith.mulf %get3A_1198, %get3A_1645 : vector<16xf32>
        %mul3A_1656 = arith.mulf %get3A_1201, %get3A_1648 : vector<16xf32>
        %add3A_1657 = arith.addf %mul3A_1655, %mul3A_1656 : vector<16xf32>
        %mul3A_1658 = arith.mulf %get3A_1204, %get3A_1651 : vector<16xf32>
        %add3A_1659 = arith.addf %add3A_1657, %mul3A_1658 : vector<16xf32>
        %mul3A_1660 = arith.mulf %get3A_1207, %get3A_1654 : vector<16xf32>
        %add3A_1661 = arith.addf %add3A_1659, %mul3A_1660 : vector<16xf32>
        %mul3A_1662 = arith.constant 25 : i32
        %mul3A_1663 = vector.broadcast %mul3A_1662 : i32 to vector<16xi32>
        %mul3A_1664 = arith.muli %iota3A, %mul3A_1663 : vector<16xi32>
        %add3A_1665 = arith.constant 15 : i32
        %add3A_1666 = vector.broadcast %add3A_1665 : i32 to vector<16xi32>
        %add3A_1667 = arith.addi %mul3A_1664, %add3A_1666 : vector<16xi32>
        tpu.vector_store_idx %arg15[%add3A_1667], %add3A_1661 : memref<416xf32, #tpu.memory_space<vmem>>[vector<16xi32>], vector<16xf32>,
        %mul3A_1668 = arith.constant 20 : i32
        %mul3A_1669 = arith.muli %scan3A_1195, %mul3A_1668 : i32
        %add3A_1670 = arith.constant 15 : i32
        %add3A_1671 = arith.addi %mul3A_1669, %add3A_1670 : i32
        %get3A_1672 = arith.index_cast %add3A_1671 : i32 to index
        %get3A_1673 = arith.constant 0 : index
        %get3A_1674 = tpu.vector_load %arg11[%get3A_1672, %get3A_1673] {strides = array<i32>} : memref<640x64xf32, #tpu.memory_space<vmem>>, vector<16xf32>,
        %get3A_1675 = arith.index_cast %add3A_1671 : i32 to index
        %get3A_1676 = arith.constant 16 : index
        %get3A_1677 = tpu.vector_load %arg11[%get3A_1675, %get3A_1676] {strides = array<i32>} : memref<640x64xf32, #tpu.memory_space<vmem>>, vector<16xf32>,
        %get3A_1678 = arith.index_cast %add3A_1671 : i32 to index
        %get3A_1679 = arith.constant 32 : index
        %get3A_1680 = tpu.vector_load %arg11[%get3A_1678, %get3A_1679] {strides = array<i32>} : memref<640x64xf32, #tpu.memory_space<vmem>>, vector<16xf32>,
        %get3A_1681 = arith.index_cast %add3A_1671 : i32 to index
        %get3A_1682 = arith.constant 48 : index
        %get3A_1683 = tpu.vector_load %arg11[%get3A_1681, %get3A_1682] {strides = array<i32>} : memref<640x64xf32, #tpu.memory_space<vmem>>, vector<16xf32>,
        %mul3A_1684 = arith.mulf %get3A_1198, %get3A_1674 : vector<16xf32>
        %mul3A_1685 = arith.mulf %get3A_1201, %get3A_1677 : vector<16xf32>
        %add3A_1686 = arith.addf %mul3A_1684, %mul3A_1685 : vector<16xf32>
        %mul3A_1687 = arith.mulf %get3A_1204, %get3A_1680 : vector<16xf32>
        %add3A_1688 = arith.addf %add3A_1686, %mul3A_1687 : vector<16xf32>
        %mul3A_1689 = arith.mulf %get3A_1207, %get3A_1683 : vector<16xf32>
        %add3A_1690 = arith.addf %add3A_1688, %mul3A_1689 : vector<16xf32>
        %mul3A_1691 = arith.constant 25 : i32
        %mul3A_1692 = vector.broadcast %mul3A_1691 : i32 to vector<16xi32>
        %mul3A_1693 = arith.muli %iota3A, %mul3A_1692 : vector<16xi32>
        %add3A_1694 = arith.constant 16 : i32
        %add3A_1695 = vector.broadcast %add3A_1694 : i32 to vector<16xi32>
        %add3A_1696 = arith.addi %mul3A_1693, %add3A_1695 : vector<16xi32>
        tpu.vector_store_idx %arg15[%add3A_1696], %add3A_1690 : memref<416xf32, #tpu.memory_space<vmem>>[vector<16xi32>], vector<16xf32>,
        %mul3A_1697 = arith.constant 20 : i32
        %mul3A_1698 = arith.muli %scan3A_1195, %mul3A_1697 : i32
        %add3A_1699 = arith.constant 16 : i32
        %add3A_1700 = arith.addi %mul3A_1698, %add3A_1699 : i32
        %get3A_1701 = arith.index_cast %add3A_1700 : i32 to index
        %get3A_1702 = arith.constant 0 : index
        %get3A_1703 = tpu.vector_load %arg11[%get3A_1701, %get3A_1702] {strides = array<i32>} : memref<640x64xf32, #tpu.memory_space<vmem>>, vector<16xf32>,
        %get3A_1704 = arith.index_cast %add3A_1700 : i32 to index
        %get3A_1705 = arith.constant 16 : index
        %get3A_1706 = tpu.vector_load %arg11[%get3A_1704, %get3A_1705] {strides = array<i32>} : memref<640x64xf32, #tpu.memory_space<vmem>>, vector<16xf32>,
        %get3A_1707 = arith.index_cast %add3A_1700 : i32 to index
        %get3A_1708 = arith.constant 32 : index
        %get3A_1709 = tpu.vector_load %arg11[%get3A_1707, %get3A_1708] {strides = array<i32>} : memref<640x64xf32, #tpu.memory_space<vmem>>, vector<16xf32>,
        %get3A_1710 = arith.index_cast %add3A_1700 : i32 to index
        %get3A_1711 = arith.constant 48 : index
        %get3A_1712 = tpu.vector_load %arg11[%get3A_1710, %get3A_1711] {strides = array<i32>} : memref<640x64xf32, #tpu.memory_space<vmem>>, vector<16xf32>,
        %mul3A_1713 = arith.mulf %get3A_1198, %get3A_1703 : vector<16xf32>
        %mul3A_1714 = arith.mulf %get3A_1201, %get3A_1706 : vector<16xf32>
        %add3A_1715 = arith.addf %mul3A_1713, %mul3A_1714 : vector<16xf32>
        %mul3A_1716 = arith.mulf %get3A_1204, %get3A_1709 : vector<16xf32>
        %add3A_1717 = arith.addf %add3A_1715, %mul3A_1716 : vector<16xf32>
        %mul3A_1718 = arith.mulf %get3A_1207, %get3A_1712 : vector<16xf32>
        %add3A_1719 = arith.addf %add3A_1717, %mul3A_1718 : vector<16xf32>
        %mul3A_1720 = arith.constant 25 : i32
        %mul3A_1721 = vector.broadcast %mul3A_1720 : i32 to vector<16xi32>
        %mul3A_1722 = arith.muli %iota3A, %mul3A_1721 : vector<16xi32>
        %add3A_1723 = arith.constant 17 : i32
        %add3A_1724 = vector.broadcast %add3A_1723 : i32 to vector<16xi32>
        %add3A_1725 = arith.addi %mul3A_1722, %add3A_1724 : vector<16xi32>
        tpu.vector_store_idx %arg15[%add3A_1725], %add3A_1719 : memref<416xf32, #tpu.memory_space<vmem>>[vector<16xi32>], vector<16xf32>,
        %mul3A_1726 = arith.constant 20 : i32
        %mul3A_1727 = arith.muli %scan3A_1195, %mul3A_1726 : i32
        %add3A_1728 = arith.constant 17 : i32
        %add3A_1729 = arith.addi %mul3A_1727, %add3A_1728 : i32
        %get3A_1730 = arith.index_cast %add3A_1729 : i32 to index
        %get3A_1731 = arith.constant 0 : index
        %get3A_1732 = tpu.vector_load %arg11[%get3A_1730, %get3A_1731] {strides = array<i32>} : memref<640x64xf32, #tpu.memory_space<vmem>>, vector<16xf32>,
        %get3A_1733 = arith.index_cast %add3A_1729 : i32 to index
        %get3A_1734 = arith.constant 16 : index
        %get3A_1735 = tpu.vector_load %arg11[%get3A_1733, %get3A_1734] {strides = array<i32>} : memref<640x64xf32, #tpu.memory_space<vmem>>, vector<16xf32>,
        %get3A_1736 = arith.index_cast %add3A_1729 : i32 to index
        %get3A_1737 = arith.constant 32 : index
        %get3A_1738 = tpu.vector_load %arg11[%get3A_1736, %get3A_1737] {strides = array<i32>} : memref<640x64xf32, #tpu.memory_space<vmem>>, vector<16xf32>,
        %get3A_1739 = arith.index_cast %add3A_1729 : i32 to index
        %get3A_1740 = arith.constant 48 : index
        %get3A_1741 = tpu.vector_load %arg11[%get3A_1739, %get3A_1740] {strides = array<i32>} : memref<640x64xf32, #tpu.memory_space<vmem>>, vector<16xf32>,
        %mul3A_1742 = arith.mulf %get3A_1198, %get3A_1732 : vector<16xf32>
        %mul3A_1743 = arith.mulf %get3A_1201, %get3A_1735 : vector<16xf32>
        %add3A_1744 = arith.addf %mul3A_1742, %mul3A_1743 : vector<16xf32>
        %mul3A_1745 = arith.mulf %get3A_1204, %get3A_1738 : vector<16xf32>
        %add3A_1746 = arith.addf %add3A_1744, %mul3A_1745 : vector<16xf32>
        %mul3A_1747 = arith.mulf %get3A_1207, %get3A_1741 : vector<16xf32>
        %add3A_1748 = arith.addf %add3A_1746, %mul3A_1747 : vector<16xf32>
        %mul3A_1749 = arith.constant 25 : i32
        %mul3A_1750 = vector.broadcast %mul3A_1749 : i32 to vector<16xi32>
        %mul3A_1751 = arith.muli %iota3A, %mul3A_1750 : vector<16xi32>
        %add3A_1752 = arith.constant 18 : i32
        %add3A_1753 = vector.broadcast %add3A_1752 : i32 to vector<16xi32>
        %add3A_1754 = arith.addi %mul3A_1751, %add3A_1753 : vector<16xi32>
        tpu.vector_store_idx %arg15[%add3A_1754], %add3A_1748 : memref<416xf32, #tpu.memory_space<vmem>>[vector<16xi32>], vector<16xf32>,
        %mul3A_1755 = arith.constant 20 : i32
        %mul3A_1756 = arith.muli %scan3A_1195, %mul3A_1755 : i32
        %add3A_1757 = arith.constant 18 : i32
        %add3A_1758 = arith.addi %mul3A_1756, %add3A_1757 : i32
        %get3A_1759 = arith.index_cast %add3A_1758 : i32 to index
        %get3A_1760 = arith.constant 0 : index
        %get3A_1761 = tpu.vector_load %arg11[%get3A_1759, %get3A_1760] {strides = array<i32>} : memref<640x64xf32, #tpu.memory_space<vmem>>, vector<16xf32>,
        %get3A_1762 = arith.index_cast %add3A_1758 : i32 to index
        %get3A_1763 = arith.constant 16 : index
        %get3A_1764 = tpu.vector_load %arg11[%get3A_1762, %get3A_1763] {strides = array<i32>} : memref<640x64xf32, #tpu.memory_space<vmem>>, vector<16xf32>,
        %get3A_1765 = arith.index_cast %add3A_1758 : i32 to index
        %get3A_1766 = arith.constant 32 : index
        %get3A_1767 = tpu.vector_load %arg11[%get3A_1765, %get3A_1766] {strides = array<i32>} : memref<640x64xf32, #tpu.memory_space<vmem>>, vector<16xf32>,
        %get3A_1768 = arith.index_cast %add3A_1758 : i32 to index
        %get3A_1769 = arith.constant 48 : index
        %get3A_1770 = tpu.vector_load %arg11[%get3A_1768, %get3A_1769] {strides = array<i32>} : memref<640x64xf32, #tpu.memory_space<vmem>>, vector<16xf32>,
        %mul3A_1771 = arith.mulf %get3A_1198, %get3A_1761 : vector<16xf32>
        %mul3A_1772 = arith.mulf %get3A_1201, %get3A_1764 : vector<16xf32>
        %add3A_1773 = arith.addf %mul3A_1771, %mul3A_1772 : vector<16xf32>
        %mul3A_1774 = arith.mulf %get3A_1204, %get3A_1767 : vector<16xf32>
        %add3A_1775 = arith.addf %add3A_1773, %mul3A_1774 : vector<16xf32>
        %mul3A_1776 = arith.mulf %get3A_1207, %get3A_1770 : vector<16xf32>
        %add3A_1777 = arith.addf %add3A_1775, %mul3A_1776 : vector<16xf32>
        %mul3A_1778 = arith.constant 25 : i32
        %mul3A_1779 = vector.broadcast %mul3A_1778 : i32 to vector<16xi32>
        %mul3A_1780 = arith.muli %iota3A, %mul3A_1779 : vector<16xi32>
        %add3A_1781 = arith.constant 19 : i32
        %add3A_1782 = vector.broadcast %add3A_1781 : i32 to vector<16xi32>
        %add3A_1783 = arith.addi %mul3A_1780, %add3A_1782 : vector<16xi32>
        tpu.vector_store_idx %arg15[%add3A_1783], %add3A_1777 : memref<416xf32, #tpu.memory_space<vmem>>[vector<16xi32>], vector<16xf32>,
        %mul3A_1784 = arith.constant 20 : i32
        %mul3A_1785 = arith.muli %scan3A_1195, %mul3A_1784 : i32
        %add3A_1786 = arith.constant 19 : i32
        %add3A_1787 = arith.addi %mul3A_1785, %add3A_1786 : i32
        %get3A_1788 = arith.index_cast %add3A_1787 : i32 to index
        %get3A_1789 = arith.constant 0 : index
        %get3A_1790 = tpu.vector_load %arg11[%get3A_1788, %get3A_1789] {strides = array<i32>} : memref<640x64xf32, #tpu.memory_space<vmem>>, vector<16xf32>,
        %get3A_1791 = arith.index_cast %add3A_1787 : i32 to index
        %get3A_1792 = arith.constant 16 : index
        %get3A_1793 = tpu.vector_load %arg11[%get3A_1791, %get3A_1792] {strides = array<i32>} : memref<640x64xf32, #tpu.memory_space<vmem>>, vector<16xf32>,
        %get3A_1794 = arith.index_cast %add3A_1787 : i32 to index
        %get3A_1795 = arith.constant 32 : index
        %get3A_1796 = tpu.vector_load %arg11[%get3A_1794, %get3A_1795] {strides = array<i32>} : memref<640x64xf32, #tpu.memory_space<vmem>>, vector<16xf32>,
        %get3A_1797 = arith.index_cast %add3A_1787 : i32 to index
        %get3A_1798 = arith.constant 48 : index
        %get3A_1799 = tpu.vector_load %arg11[%get3A_1797, %get3A_1798] {strides = array<i32>} : memref<640x64xf32, #tpu.memory_space<vmem>>, vector<16xf32>,
        %mul3A_1800 = arith.mulf %get3A_1198, %get3A_1790 : vector<16xf32>
        %mul3A_1801 = arith.mulf %get3A_1201, %get3A_1793 : vector<16xf32>
        %add3A_1802 = arith.addf %mul3A_1800, %mul3A_1801 : vector<16xf32>
        %mul3A_1803 = arith.mulf %get3A_1204, %get3A_1796 : vector<16xf32>
        %add3A_1804 = arith.addf %add3A_1802, %mul3A_1803 : vector<16xf32>
        %mul3A_1805 = arith.mulf %get3A_1207, %get3A_1799 : vector<16xf32>
        %add3A_1806 = arith.addf %add3A_1804, %mul3A_1805 : vector<16xf32>
        %mul3A_1807 = arith.constant 25 : i32
        %mul3A_1808 = vector.broadcast %mul3A_1807 : i32 to vector<16xi32>
        %mul3A_1809 = arith.muli %iota3A, %mul3A_1808 : vector<16xi32>
        %add3A_1810 = arith.constant 20 : i32
        %add3A_1811 = vector.broadcast %add3A_1810 : i32 to vector<16xi32>
        %add3A_1812 = arith.addi %mul3A_1809, %add3A_1811 : vector<16xi32>
        tpu.vector_store_idx %arg15[%add3A_1812], %add3A_1806 : memref<416xf32, #tpu.memory_space<vmem>>[vector<16xi32>], vector<16xf32>,
        %gather3A_1813 = tpu.vector_load_idx %arg15[%iota3A] : memref<416xf32, #tpu.memory_space<vmem>>[vector<16xi32>], vector<16xf32>,
        %add3A_1814 = arith.constant 16 : i32
        %add3A_1815 = vector.broadcast %add3A_1814 : i32 to vector<16xi32>
        %add3A_1816 = arith.addi %iota3A, %add3A_1815 : vector<16xi32>
        %gather3A_1817 = tpu.vector_load_idx %arg15[%add3A_1816] : memref<416xf32, #tpu.memory_space<vmem>>[vector<16xi32>], vector<16xf32>,
        %add3A_1818 = arith.constant 25 : i32
        %add3A_1819 = vector.broadcast %add3A_1818 : i32 to vector<16xi32>
        %add3A_1820 = arith.addi %iota3A, %add3A_1819 : vector<16xi32>
        %gather3A_1821 = tpu.vector_load_idx %arg15[%add3A_1820] : memref<416xf32, #tpu.memory_space<vmem>>[vector<16xi32>], vector<16xf32>,
        %add3A_1822 = arith.addf %gather3A_1813, %gather3A_1821 : vector<16xf32>
        %add3A_1823 = arith.constant 25 : i32
        %add3A_1824 = vector.broadcast %add3A_1823 : i32 to vector<16xi32>
        %add3A_1825 = arith.addi %iota3A, %add3A_1824 : vector<16xi32>
        %add3A_1826 = arith.constant 16 : i32
        %add3A_1827 = vector.broadcast %add3A_1826 : i32 to vector<16xi32>
        %add3A_1828 = arith.addi %add3A_1825, %add3A_1827 : vector<16xi32>
        %gather3A_1829 = tpu.vector_load_idx %arg15[%add3A_1828] : memref<416xf32, #tpu.memory_space<vmem>>[vector<16xi32>], vector<16xf32>,
        %add3A_1830 = arith.addf %gather3A_1817, %gather3A_1829 : vector<16xf32>
        %add3A_1831 = arith.constant 50 : i32
        %add3A_1832 = vector.broadcast %add3A_1831 : i32 to vector<16xi32>
        %add3A_1833 = arith.addi %iota3A, %add3A_1832 : vector<16xi32>
        %gather3A_1834 = tpu.vector_load_idx %arg15[%add3A_1833] : memref<416xf32, #tpu.memory_space<vmem>>[vector<16xi32>], vector<16xf32>,
        %add3A_1835 = arith.addf %add3A_1822, %gather3A_1834 : vector<16xf32>
        %add3A_1836 = arith.constant 50 : i32
        %add3A_1837 = vector.broadcast %add3A_1836 : i32 to vector<16xi32>
        %add3A_1838 = arith.addi %iota3A, %add3A_1837 : vector<16xi32>
        %add3A_1839 = arith.constant 16 : i32
        %add3A_1840 = vector.broadcast %add3A_1839 : i32 to vector<16xi32>
        %add3A_1841 = arith.addi %add3A_1838, %add3A_1840 : vector<16xi32>
        %gather3A_1842 = tpu.vector_load_idx %arg15[%add3A_1841] : memref<416xf32, #tpu.memory_space<vmem>>[vector<16xi32>], vector<16xf32>,
        %add3A_1843 = arith.addf %add3A_1830, %gather3A_1842 : vector<16xf32>
        %add3A_1844 = arith.constant 75 : i32
        %add3A_1845 = vector.broadcast %add3A_1844 : i32 to vector<16xi32>
        %add3A_1846 = arith.addi %iota3A, %add3A_1845 : vector<16xi32>
        %gather3A_1847 = tpu.vector_load_idx %arg15[%add3A_1846] : memref<416xf32, #tpu.memory_space<vmem>>[vector<16xi32>], vector<16xf32>,
        %add3A_1848 = arith.addf %add3A_1835, %gather3A_1847 : vector<16xf32>
        %add3A_1849 = arith.constant 75 : i32
        %add3A_1850 = vector.broadcast %add3A_1849 : i32 to vector<16xi32>
        %add3A_1851 = arith.addi %iota3A, %add3A_1850 : vector<16xi32>
        %add3A_1852 = arith.constant 16 : i32
        %add3A_1853 = vector.broadcast %add3A_1852 : i32 to vector<16xi32>
        %add3A_1854 = arith.addi %add3A_1851, %add3A_1853 : vector<16xi32>
        %gather3A_1855 = tpu.vector_load_idx %arg15[%add3A_1854] : memref<416xf32, #tpu.memory_space<vmem>>[vector<16xi32>], vector<16xf32>,
        %add3A_1856 = arith.addf %add3A_1843, %gather3A_1855 : vector<16xf32>
        %add3A_1857 = arith.constant 100 : i32
        %add3A_1858 = vector.broadcast %add3A_1857 : i32 to vector<16xi32>
        %add3A_1859 = arith.addi %iota3A, %add3A_1858 : vector<16xi32>
        %gather3A_1860 = tpu.vector_load_idx %arg15[%add3A_1859] : memref<416xf32, #tpu.memory_space<vmem>>[vector<16xi32>], vector<16xf32>,
        %add3A_1861 = arith.addf %add3A_1848, %gather3A_1860 : vector<16xf32>
        %add3A_1862 = arith.constant 100 : i32
        %add3A_1863 = vector.broadcast %add3A_1862 : i32 to vector<16xi32>
        %add3A_1864 = arith.addi %iota3A, %add3A_1863 : vector<16xi32>
        %add3A_1865 = arith.constant 16 : i32
        %add3A_1866 = vector.broadcast %add3A_1865 : i32 to vector<16xi32>
        %add3A_1867 = arith.addi %add3A_1864, %add3A_1866 : vector<16xi32>
        %gather3A_1868 = tpu.vector_load_idx %arg15[%add3A_1867] : memref<416xf32, #tpu.memory_space<vmem>>[vector<16xi32>], vector<16xf32>,
        %add3A_1869 = arith.addf %add3A_1856, %gather3A_1868 : vector<16xf32>
        %add3A_1870 = arith.constant 125 : i32
        %add3A_1871 = vector.broadcast %add3A_1870 : i32 to vector<16xi32>
        %add3A_1872 = arith.addi %iota3A, %add3A_1871 : vector<16xi32>
        %gather3A_1873 = tpu.vector_load_idx %arg15[%add3A_1872] : memref<416xf32, #tpu.memory_space<vmem>>[vector<16xi32>], vector<16xf32>,
        %add3A_1874 = arith.addf %add3A_1861, %gather3A_1873 : vector<16xf32>
        %add3A_1875 = arith.constant 125 : i32
        %add3A_1876 = vector.broadcast %add3A_1875 : i32 to vector<16xi32>
        %add3A_1877 = arith.addi %iota3A, %add3A_1876 : vector<16xi32>
        %add3A_1878 = arith.constant 16 : i32
        %add3A_1879 = vector.broadcast %add3A_1878 : i32 to vector<16xi32>
        %add3A_1880 = arith.addi %add3A_1877, %add3A_1879 : vector<16xi32>
        %gather3A_1881 = tpu.vector_load_idx %arg15[%add3A_1880] : memref<416xf32, #tpu.memory_space<vmem>>[vector<16xi32>], vector<16xf32>,
        %add3A_1882 = arith.addf %add3A_1869, %gather3A_1881 : vector<16xf32>
        %add3A_1883 = arith.constant 150 : i32
        %add3A_1884 = vector.broadcast %add3A_1883 : i32 to vector<16xi32>
        %add3A_1885 = arith.addi %iota3A, %add3A_1884 : vector<16xi32>
        %gather3A_1886 = tpu.vector_load_idx %arg15[%add3A_1885] : memref<416xf32, #tpu.memory_space<vmem>>[vector<16xi32>], vector<16xf32>,
        %add3A_1887 = arith.addf %add3A_1874, %gather3A_1886 : vector<16xf32>
        %add3A_1888 = arith.constant 150 : i32
        %add3A_1889 = vector.broadcast %add3A_1888 : i32 to vector<16xi32>
        %add3A_1890 = arith.addi %iota3A, %add3A_1889 : vector<16xi32>
        %add3A_1891 = arith.constant 16 : i32
        %add3A_1892 = vector.broadcast %add3A_1891 : i32 to vector<16xi32>
        %add3A_1893 = arith.addi %add3A_1890, %add3A_1892 : vector<16xi32>
        %gather3A_1894 = tpu.vector_load_idx %arg15[%add3A_1893] : memref<416xf32, #tpu.memory_space<vmem>>[vector<16xi32>], vector<16xf32>,
        %add3A_1895 = arith.addf %add3A_1882, %gather3A_1894 : vector<16xf32>
        %add3A_1896 = arith.constant 175 : i32
        %add3A_1897 = vector.broadcast %add3A_1896 : i32 to vector<16xi32>
        %add3A_1898 = arith.addi %iota3A, %add3A_1897 : vector<16xi32>
        %gather3A_1899 = tpu.vector_load_idx %arg15[%add3A_1898] : memref<416xf32, #tpu.memory_space<vmem>>[vector<16xi32>], vector<16xf32>,
        %add3A_1900 = arith.addf %add3A_1887, %gather3A_1899 : vector<16xf32>
        %add3A_1901 = arith.constant 175 : i32
        %add3A_1902 = vector.broadcast %add3A_1901 : i32 to vector<16xi32>
        %add3A_1903 = arith.addi %iota3A, %add3A_1902 : vector<16xi32>
        %add3A_1904 = arith.constant 16 : i32
        %add3A_1905 = vector.broadcast %add3A_1904 : i32 to vector<16xi32>
        %add3A_1906 = arith.addi %add3A_1903, %add3A_1905 : vector<16xi32>
        %gather3A_1907 = tpu.vector_load_idx %arg15[%add3A_1906] : memref<416xf32, #tpu.memory_space<vmem>>[vector<16xi32>], vector<16xf32>,
        %add3A_1908 = arith.addf %add3A_1895, %gather3A_1907 : vector<16xf32>
        %add3A_1909 = arith.constant 200 : i32
        %add3A_1910 = vector.broadcast %add3A_1909 : i32 to vector<16xi32>
        %add3A_1911 = arith.addi %iota3A, %add3A_1910 : vector<16xi32>
        %gather3A_1912 = tpu.vector_load_idx %arg15[%add3A_1911] : memref<416xf32, #tpu.memory_space<vmem>>[vector<16xi32>], vector<16xf32>,
        %add3A_1913 = arith.addf %add3A_1900, %gather3A_1912 : vector<16xf32>
        %add3A_1914 = arith.constant 200 : i32
        %add3A_1915 = vector.broadcast %add3A_1914 : i32 to vector<16xi32>
        %add3A_1916 = arith.addi %iota3A, %add3A_1915 : vector<16xi32>
        %add3A_1917 = arith.constant 16 : i32
        %add3A_1918 = vector.broadcast %add3A_1917 : i32 to vector<16xi32>
        %add3A_1919 = arith.addi %add3A_1916, %add3A_1918 : vector<16xi32>
        %gather3A_1920 = tpu.vector_load_idx %arg15[%add3A_1919] : memref<416xf32, #tpu.memory_space<vmem>>[vector<16xi32>], vector<16xf32>,
        %add3A_1921 = arith.addf %add3A_1908, %gather3A_1920 : vector<16xf32>
        %add3A_1922 = arith.constant 225 : i32
        %add3A_1923 = vector.broadcast %add3A_1922 : i32 to vector<16xi32>
        %add3A_1924 = arith.addi %iota3A, %add3A_1923 : vector<16xi32>
        %gather3A_1925 = tpu.vector_load_idx %arg15[%add3A_1924] : memref<416xf32, #tpu.memory_space<vmem>>[vector<16xi32>], vector<16xf32>,
        %add3A_1926 = arith.addf %add3A_1913, %gather3A_1925 : vector<16xf32>
        %add3A_1927 = arith.constant 225 : i32
        %add3A_1928 = vector.broadcast %add3A_1927 : i32 to vector<16xi32>
        %add3A_1929 = arith.addi %iota3A, %add3A_1928 : vector<16xi32>
        %add3A_1930 = arith.constant 16 : i32
        %add3A_1931 = vector.broadcast %add3A_1930 : i32 to vector<16xi32>
        %add3A_1932 = arith.addi %add3A_1929, %add3A_1931 : vector<16xi32>
        %gather3A_1933 = tpu.vector_load_idx %arg15[%add3A_1932] : memref<416xf32, #tpu.memory_space<vmem>>[vector<16xi32>], vector<16xf32>,
        %add3A_1934 = arith.addf %add3A_1921, %gather3A_1933 : vector<16xf32>
        %add3A_1935 = arith.constant 250 : i32
        %add3A_1936 = vector.broadcast %add3A_1935 : i32 to vector<16xi32>
        %add3A_1937 = arith.addi %iota3A, %add3A_1936 : vector<16xi32>
        %gather3A_1938 = tpu.vector_load_idx %arg15[%add3A_1937] : memref<416xf32, #tpu.memory_space<vmem>>[vector<16xi32>], vector<16xf32>,
        %add3A_1939 = arith.addf %add3A_1926, %gather3A_1938 : vector<16xf32>
        %add3A_1940 = arith.constant 250 : i32
        %add3A_1941 = vector.broadcast %add3A_1940 : i32 to vector<16xi32>
        %add3A_1942 = arith.addi %iota3A, %add3A_1941 : vector<16xi32>
        %add3A_1943 = arith.constant 16 : i32
        %add3A_1944 = vector.broadcast %add3A_1943 : i32 to vector<16xi32>
        %add3A_1945 = arith.addi %add3A_1942, %add3A_1944 : vector<16xi32>
        %gather3A_1946 = tpu.vector_load_idx %arg15[%add3A_1945] : memref<416xf32, #tpu.memory_space<vmem>>[vector<16xi32>], vector<16xf32>,
        %add3A_1947 = arith.addf %add3A_1934, %gather3A_1946 : vector<16xf32>
        %add3A_1948 = arith.constant 275 : i32
        %add3A_1949 = vector.broadcast %add3A_1948 : i32 to vector<16xi32>
        %add3A_1950 = arith.addi %iota3A, %add3A_1949 : vector<16xi32>
        %gather3A_1951 = tpu.vector_load_idx %arg15[%add3A_1950] : memref<416xf32, #tpu.memory_space<vmem>>[vector<16xi32>], vector<16xf32>,
        %add3A_1952 = arith.addf %add3A_1939, %gather3A_1951 : vector<16xf32>
        %add3A_1953 = arith.constant 275 : i32
        %add3A_1954 = vector.broadcast %add3A_1953 : i32 to vector<16xi32>
        %add3A_1955 = arith.addi %iota3A, %add3A_1954 : vector<16xi32>
        %add3A_1956 = arith.constant 16 : i32
        %add3A_1957 = vector.broadcast %add3A_1956 : i32 to vector<16xi32>
        %add3A_1958 = arith.addi %add3A_1955, %add3A_1957 : vector<16xi32>
        %gather3A_1959 = tpu.vector_load_idx %arg15[%add3A_1958] : memref<416xf32, #tpu.memory_space<vmem>>[vector<16xi32>], vector<16xf32>,
        %add3A_1960 = arith.addf %add3A_1947, %gather3A_1959 : vector<16xf32>
        %add3A_1961 = arith.constant 300 : i32
        %add3A_1962 = vector.broadcast %add3A_1961 : i32 to vector<16xi32>
        %add3A_1963 = arith.addi %iota3A, %add3A_1962 : vector<16xi32>
        %gather3A_1964 = tpu.vector_load_idx %arg15[%add3A_1963] : memref<416xf32, #tpu.memory_space<vmem>>[vector<16xi32>], vector<16xf32>,
        %add3A_1965 = arith.addf %add3A_1952, %gather3A_1964 : vector<16xf32>
        %add3A_1966 = arith.constant 300 : i32
        %add3A_1967 = vector.broadcast %add3A_1966 : i32 to vector<16xi32>
        %add3A_1968 = arith.addi %iota3A, %add3A_1967 : vector<16xi32>
        %add3A_1969 = arith.constant 16 : i32
        %add3A_1970 = vector.broadcast %add3A_1969 : i32 to vector<16xi32>
        %add3A_1971 = arith.addi %add3A_1968, %add3A_1970 : vector<16xi32>
        %gather3A_1972 = tpu.vector_load_idx %arg15[%add3A_1971] : memref<416xf32, #tpu.memory_space<vmem>>[vector<16xi32>], vector<16xf32>,
        %add3A_1973 = arith.addf %add3A_1960, %gather3A_1972 : vector<16xf32>
        %add3A_1974 = arith.constant 325 : i32
        %add3A_1975 = vector.broadcast %add3A_1974 : i32 to vector<16xi32>
        %add3A_1976 = arith.addi %iota3A, %add3A_1975 : vector<16xi32>
        %gather3A_1977 = tpu.vector_load_idx %arg15[%add3A_1976] : memref<416xf32, #tpu.memory_space<vmem>>[vector<16xi32>], vector<16xf32>,
        %add3A_1978 = arith.addf %add3A_1965, %gather3A_1977 : vector<16xf32>
        %add3A_1979 = arith.constant 325 : i32
        %add3A_1980 = vector.broadcast %add3A_1979 : i32 to vector<16xi32>
        %add3A_1981 = arith.addi %iota3A, %add3A_1980 : vector<16xi32>
        %add3A_1982 = arith.constant 16 : i32
        %add3A_1983 = vector.broadcast %add3A_1982 : i32 to vector<16xi32>
        %add3A_1984 = arith.addi %add3A_1981, %add3A_1983 : vector<16xi32>
        %gather3A_1985 = tpu.vector_load_idx %arg15[%add3A_1984] : memref<416xf32, #tpu.memory_space<vmem>>[vector<16xi32>], vector<16xf32>,
        %add3A_1986 = arith.addf %add3A_1973, %gather3A_1985 : vector<16xf32>
        %add3A_1987 = arith.constant 350 : i32
        %add3A_1988 = vector.broadcast %add3A_1987 : i32 to vector<16xi32>
        %add3A_1989 = arith.addi %iota3A, %add3A_1988 : vector<16xi32>
        %gather3A_1990 = tpu.vector_load_idx %arg15[%add3A_1989] : memref<416xf32, #tpu.memory_space<vmem>>[vector<16xi32>], vector<16xf32>,
        %add3A_1991 = arith.addf %add3A_1978, %gather3A_1990 : vector<16xf32>
        %add3A_1992 = arith.constant 350 : i32
        %add3A_1993 = vector.broadcast %add3A_1992 : i32 to vector<16xi32>
        %add3A_1994 = arith.addi %iota3A, %add3A_1993 : vector<16xi32>
        %add3A_1995 = arith.constant 16 : i32
        %add3A_1996 = vector.broadcast %add3A_1995 : i32 to vector<16xi32>
        %add3A_1997 = arith.addi %add3A_1994, %add3A_1996 : vector<16xi32>
        %gather3A_1998 = tpu.vector_load_idx %arg15[%add3A_1997] : memref<416xf32, #tpu.memory_space<vmem>>[vector<16xi32>], vector<16xf32>,
        %add3A_1999 = arith.addf %add3A_1986, %gather3A_1998 : vector<16xf32>
        %add3A_2000 = arith.constant 375 : i32
        %add3A_2001 = vector.broadcast %add3A_2000 : i32 to vector<16xi32>
        %add3A_2002 = arith.addi %iota3A, %add3A_2001 : vector<16xi32>
        %gather3A_2003 = tpu.vector_load_idx %arg15[%add3A_2002] : memref<416xf32, #tpu.memory_space<vmem>>[vector<16xi32>], vector<16xf32>,
        %add3A_2004 = arith.addf %add3A_1991, %gather3A_2003 : vector<16xf32>
        %add3A_2005 = arith.constant 375 : i32
        %add3A_2006 = vector.broadcast %add3A_2005 : i32 to vector<16xi32>
        %add3A_2007 = arith.addi %iota3A, %add3A_2006 : vector<16xi32>
        %add3A_2008 = arith.constant 16 : i32
        %add3A_2009 = vector.broadcast %add3A_2008 : i32 to vector<16xi32>
        %add3A_2010 = arith.addi %add3A_2007, %add3A_2009 : vector<16xi32>
        %gather3A_2011 = tpu.vector_load_idx %arg15[%add3A_2010] : memref<416xf32, #tpu.memory_space<vmem>>[vector<16xi32>], vector<16xf32>,
        %add3A_2012 = arith.addf %add3A_1999, %gather3A_2011 : vector<16xf32>
        %eq3A_2013 = arith.constant 0 : i32
        %eq3A_2014 = vector.broadcast %eq3A_2013 : i32 to vector<16xi32>
        %eq3A_2015 = arith.cmpi eq, %iota3A, %eq3A_2014 : vector<16xi32>
        %neg3A_2016 = arith.constant 0.000000e+00 : f32
        %neg3A_2017 = vector.broadcast %neg3A_2016 : f32 to vector<16xf32>
        %neg3A_2018 = arith.subf %neg3A_2017, %add3A_2004 : vector<16xf32>
        %select_n3A_2019 = arith.select %eq3A_2015, %add3A_2004, %neg3A_2018 : vector<16xi1>, vector<16xf32>
        %neg3A_2020 = arith.constant 0.000000e+00 : f32
        %neg3A_2021 = vector.broadcast %neg3A_2020 : f32 to vector<16xf32>
        %neg3A_2022 = arith.subf %neg3A_2021, %add3A_2012 : vector<16xf32>
        %mul3A_2023 = arith.constant 32 : i32
        %mul3A_2024 = arith.muli %mul3A_248, %mul3A_2023 : i32
        %add3A_2025 = arith.addi %mul3A_2024, %scan3A_1195 : i32
        %mul3A_2026 = arith.constant 21 : i32
        %mul3A_2027 = arith.muli %add3A_2025, %mul3A_2026 : i32
        %add3A_2028 = vector.broadcast %mul3A_2027 : i32 to vector<16xi32>
        %add3A_2029 = arith.addi %add3A_2028, %iota3A : vector<16xi32>
        tpu.vector_store_idx %arg16[%add3A_2029], %select_n3A_2019 : memref<10768xf32, #tpu.memory_space<vmem>>[vector<16xi32>], vector<16xf32>,
        %add3A_2030 = arith.constant 16 : i32
        %add3A_2031 = arith.addi %mul3A_2027, %add3A_2030 : i32
        %add3A_2032 = vector.broadcast %add3A_2031 : i32 to vector<16xi32>
        %add3A_2033 = arith.addi %add3A_2032, %iota3A : vector<16xi32>
        tpu.vector_store_idx %arg16[%add3A_2033], %neg3A_2022 : memref<10768xf32, #tpu.memory_space<vmem>>[vector<16xi32>], vector<16xf32>,
      }
      %scan3A_254 = arith.constant 32 : i32
      %lt3A = arith.constant 7 : i32
      %lt3A_255 = arith.cmpi slt, %scan3A_63, %lt3A : i32
      %convert_element_type3A = arith.extui %lt3A_255 : i1 to i32
      %cond3A = arith.constant 0 : i32
      %cond3A_256 = arith.cmpi ne, %convert_element_type3A, %cond3A : i32
      scf.if %cond3A_256 {
        %mul3A_360 = arith.constant 2 : i32
        %mul3A_361 = arith.muli %mul3A_360, %scan3A_63 : i32
        %add3A_362 = arith.constant 2 : i32
        %add3A_363 = arith.addi %mul3A_361, %add3A_362 : i32
        %mul3A_364 = arith.constant 32 : i32
        %mul3A_365 = arith.muli %add3A_363, %mul3A_364 : i32
        %mul3A_366 = arith.constant 32 : i32
        %mul3A_367 = arith.muli %add3A_363, %mul3A_366 : i32
        %add3A_368 = arith.constant 512 : i32
        %add3A_369 = arith.addi %add3A_368, %mul3A_367 : i32
        %mul3A_370 = arith.constant 32 : i32
        %mul3A_371 = arith.muli %add3A_363, %mul3A_370 : i32
        %mul3A_372 = arith.constant 20 : i32
        %mul3A_373 = arith.muli %mul3A_371, %mul3A_372 : i32
        %add3A_374 = arith.constant 1024 : i32
        %add3A_375 = arith.addi %add3A_374, %mul3A_373 : i32
        %add3A_376 = arith.constant 0 : i32
        %add3A_377 = arith.addi %add3A_375, %add3A_376 : i32
        %mul3A_378 = arith.constant 32 : i32
        %mul3A_379 = arith.muli %add3A_363, %mul3A_378 : i32
        %mul3A_380 = arith.constant 20 : i32
        %mul3A_381 = arith.muli %mul3A_379, %mul3A_380 : i32
        %add3A_382 = arith.constant 1024 : i32
        %add3A_383 = arith.addi %add3A_382, %mul3A_381 : i32
        %add3A_384 = arith.constant 128 : i32
        %add3A_385 = arith.addi %add3A_383, %add3A_384 : i32
        %mul3A_386 = arith.constant 32 : i32
        %mul3A_387 = arith.muli %add3A_363, %mul3A_386 : i32
        %mul3A_388 = arith.constant 20 : i32
        %mul3A_389 = arith.muli %mul3A_387, %mul3A_388 : i32
        %add3A_390 = arith.constant 1024 : i32
        %add3A_391 = arith.addi %add3A_390, %mul3A_389 : i32
        %add3A_392 = arith.constant 256 : i32
        %add3A_393 = arith.addi %add3A_391, %add3A_392 : i32
        %mul3A_394 = arith.constant 32 : i32
        %mul3A_395 = arith.muli %add3A_363, %mul3A_394 : i32
        %mul3A_396 = arith.constant 20 : i32
        %mul3A_397 = arith.muli %mul3A_395, %mul3A_396 : i32
        %add3A_398 = arith.constant 1024 : i32
        %add3A_399 = arith.addi %add3A_398, %mul3A_397 : i32
        %add3A_400 = arith.constant 384 : i32
        %add3A_401 = arith.addi %add3A_399, %add3A_400 : i32
        %mul3A_402 = arith.constant 32 : i32
        %mul3A_403 = arith.muli %add3A_363, %mul3A_402 : i32
        %mul3A_404 = arith.constant 20 : i32
        %mul3A_405 = arith.muli %mul3A_403, %mul3A_404 : i32
        %add3A_406 = arith.constant 1024 : i32
        %add3A_407 = arith.addi %add3A_406, %mul3A_405 : i32
        %add3A_408 = arith.constant 512 : i32
        %add3A_409 = arith.addi %add3A_407, %add3A_408 : i32
        %dma_start3A_410 = tpu.memref_slice %arg8[%mul3A_365] : memref<11264xi32, #tpu.memory_space<vmem>> -> memref<32xi32, #tpu.memory_space<vmem>>
        %dma_start3A_411 = arith.constant 0 : i32
        %dma_start3A_412 = arith.constant 0 : i32
        %dma_start3A_413 = tpu.memref_slice %arg5[%dma_start3A_411, %dma_start3A_412] : memref<1000000x64xf32, #tpu.memory_space<hbm>> -> memref<1000000x64xf32, #tpu.memory_space<hbm>>
        tpu.enqueue_indirect_dma source(%dma_start3A_413 : memref<1000000x64xf32, #tpu.memory_space<hbm>>) target(%arg9 : memref<32x64xf32, #tpu.memory_space<vmem>>) offsets(%dma_start3A_410 : memref<32xi32, #tpu.memory_space<vmem>>) semaphore(%arg17 : memref<!tpu.dma_semaphore, #tpu.memory_space<semaphore_mem>>)
        %dma_start3A_414 = tpu.memref_slice %arg8[%add3A_369] : memref<11264xi32, #tpu.memory_space<vmem>> -> memref<32xi32, #tpu.memory_space<vmem>>
        %dma_start3A_415 = arith.constant 0 : i32
        %dma_start3A_416 = arith.constant 0 : i32
        %dma_start3A_417 = tpu.memref_slice %arg6[%dma_start3A_415, %dma_start3A_416] : memref<1000000x64xf32, #tpu.memory_space<hbm>> -> memref<1000000x64xf32, #tpu.memory_space<hbm>>
        tpu.enqueue_indirect_dma source(%dma_start3A_417 : memref<1000000x64xf32, #tpu.memory_space<hbm>>) target(%arg10 : memref<32x64xf32, #tpu.memory_space<vmem>>) offsets(%dma_start3A_414 : memref<32xi32, #tpu.memory_space<vmem>>) semaphore(%arg17 : memref<!tpu.dma_semaphore, #tpu.memory_space<semaphore_mem>>)
        %dma_start3A_418 = arith.constant 0 : i32
        %dma_start3A_419 = arith.constant 0 : i32
        %dma_start3A_420 = tpu.memref_slice %arg11[%dma_start3A_418, %dma_start3A_419] : memref<640x64xf32, #tpu.memory_space<vmem>> -> memref<128x64xf32, #tpu.memory_space<vmem>>
        %dma_start3A_421 = tpu.memref_slice %arg8[%add3A_377] : memref<11264xi32, #tpu.memory_space<vmem>> -> memref<128xi32, #tpu.memory_space<vmem>>
        %dma_start3A_422 = arith.constant 0 : i32
        %dma_start3A_423 = arith.constant 0 : i32
        %dma_start3A_424 = tpu.memref_slice %arg6[%dma_start3A_422, %dma_start3A_423] : memref<1000000x64xf32, #tpu.memory_space<hbm>> -> memref<1000000x64xf32, #tpu.memory_space<hbm>>
        tpu.enqueue_indirect_dma source(%dma_start3A_424 : memref<1000000x64xf32, #tpu.memory_space<hbm>>) target(%dma_start3A_420 : memref<128x64xf32, #tpu.memory_space<vmem>>) offsets(%dma_start3A_421 : memref<128xi32, #tpu.memory_space<vmem>>) semaphore(%arg17 : memref<!tpu.dma_semaphore, #tpu.memory_space<semaphore_mem>>)
        %dma_start3A_425 = arith.constant 128 : i32
        %dma_start3A_426 = arith.constant 0 : i32
        %dma_start3A_427 = tpu.memref_slice %arg11[%dma_start3A_425, %dma_start3A_426] : memref<640x64xf32, #tpu.memory_space<vmem>> -> memref<128x64xf32, #tpu.memory_space<vmem>>
        %dma_start3A_428 = tpu.memref_slice %arg8[%add3A_385] : memref<11264xi32, #tpu.memory_space<vmem>> -> memref<128xi32, #tpu.memory_space<vmem>>
        %dma_start3A_429 = arith.constant 0 : i32
        %dma_start3A_430 = arith.constant 0 : i32
        %dma_start3A_431 = tpu.memref_slice %arg6[%dma_start3A_429, %dma_start3A_430] : memref<1000000x64xf32, #tpu.memory_space<hbm>> -> memref<1000000x64xf32, #tpu.memory_space<hbm>>
        tpu.enqueue_indirect_dma source(%dma_start3A_431 : memref<1000000x64xf32, #tpu.memory_space<hbm>>) target(%dma_start3A_427 : memref<128x64xf32, #tpu.memory_space<vmem>>) offsets(%dma_start3A_428 : memref<128xi32, #tpu.memory_space<vmem>>) semaphore(%arg17 : memref<!tpu.dma_semaphore, #tpu.memory_space<semaphore_mem>>)
        %dma_start3A_432 = arith.constant 256 : i32
        %dma_start3A_433 = arith.constant 0 : i32
        %dma_start3A_434 = tpu.memref_slice %arg11[%dma_start3A_432, %dma_start3A_433] : memref<640x64xf32, #tpu.memory_space<vmem>> -> memref<128x64xf32, #tpu.memory_space<vmem>>
        %dma_start3A_435 = tpu.memref_slice %arg8[%add3A_393] : memref<11264xi32, #tpu.memory_space<vmem>> -> memref<128xi32, #tpu.memory_space<vmem>>
        %dma_start3A_436 = arith.constant 0 : i32
        %dma_start3A_437 = arith.constant 0 : i32
        %dma_start3A_438 = tpu.memref_slice %arg6[%dma_start3A_436, %dma_start3A_437] : memref<1000000x64xf32, #tpu.memory_space<hbm>> -> memref<1000000x64xf32, #tpu.memory_space<hbm>>
        tpu.enqueue_indirect_dma source(%dma_start3A_438 : memref<1000000x64xf32, #tpu.memory_space<hbm>>) target(%dma_start3A_434 : memref<128x64xf32, #tpu.memory_space<vmem>>) offsets(%dma_start3A_435 : memref<128xi32, #tpu.memory_space<vmem>>) semaphore(%arg17 : memref<!tpu.dma_semaphore, #tpu.memory_space<semaphore_mem>>)
        %dma_start3A_439 = arith.constant 384 : i32
        %dma_start3A_440 = arith.constant 0 : i32
        %dma_start3A_441 = tpu.memref_slice %arg11[%dma_start3A_439, %dma_start3A_440] : memref<640x64xf32, #tpu.memory_space<vmem>> -> memref<128x64xf32, #tpu.memory_space<vmem>>
        %dma_start3A_442 = tpu.memref_slice %arg8[%add3A_401] : memref<11264xi32, #tpu.memory_space<vmem>> -> memref<128xi32, #tpu.memory_space<vmem>>
        %dma_start3A_443 = arith.constant 0 : i32
        %dma_start3A_444 = arith.constant 0 : i32
        %dma_start3A_445 = tpu.memref_slice %arg6[%dma_start3A_443, %dma_start3A_444] : memref<1000000x64xf32, #tpu.memory_space<hbm>> -> memref<1000000x64xf32, #tpu.memory_space<hbm>>
        tpu.enqueue_indirect_dma source(%dma_start3A_445 : memref<1000000x64xf32, #tpu.memory_space<hbm>>) target(%dma_start3A_441 : memref<128x64xf32, #tpu.memory_space<vmem>>) offsets(%dma_start3A_442 : memref<128xi32, #tpu.memory_space<vmem>>) semaphore(%arg17 : memref<!tpu.dma_semaphore, #tpu.memory_space<semaphore_mem>>)
        %dma_start3A_446 = arith.constant 512 : i32
        %dma_start3A_447 = arith.constant 0 : i32
        %dma_start3A_448 = tpu.memref_slice %arg11[%dma_start3A_446, %dma_start3A_447] : memref<640x64xf32, #tpu.memory_space<vmem>> -> memref<128x64xf32, #tpu.memory_space<vmem>>
        %dma_start3A_449 = tpu.memref_slice %arg8[%add3A_409] : memref<11264xi32, #tpu.memory_space<vmem>> -> memref<128xi32, #tpu.memory_space<vmem>>
        %dma_start3A_450 = arith.constant 0 : i32
        %dma_start3A_451 = arith.constant 0 : i32
        %dma_start3A_452 = tpu.memref_slice %arg6[%dma_start3A_450, %dma_start3A_451] : memref<1000000x64xf32, #tpu.memory_space<hbm>> -> memref<1000000x64xf32, #tpu.memory_space<hbm>>
        tpu.enqueue_indirect_dma source(%dma_start3A_452 : memref<1000000x64xf32, #tpu.memory_space<hbm>>) target(%dma_start3A_448 : memref<128x64xf32, #tpu.memory_space<vmem>>) offsets(%dma_start3A_449 : memref<128xi32, #tpu.memory_space<vmem>>) semaphore(%arg17 : memref<!tpu.dma_semaphore, #tpu.memory_space<semaphore_mem>>)
      } else {
      }
      %mul3A_257 = arith.constant 2 : i32
      %mul3A_258 = arith.muli %mul3A_257, %scan3A_63 : i32
      %add3A_259 = arith.constant 1 : i32
      %add3A_260 = arith.addi %mul3A_258, %add3A_259 : i32
      %mul3A_261 = arith.constant 32 : i32
      %mul3A_262 = arith.muli %add3A_260, %mul3A_261 : i32
      %mul3A_263 = arith.constant 32 : i32
      %mul3A_264 = arith.muli %add3A_260, %mul3A_263 : i32
      %add3A_265 = arith.constant 512 : i32
      %add3A_266 = arith.addi %add3A_265, %mul3A_264 : i32
      %mul3A_267 = arith.constant 32 : i32
      %mul3A_268 = arith.muli %add3A_260, %mul3A_267 : i32
      %mul3A_269 = arith.constant 20 : i32
      %mul3A_270 = arith.muli %mul3A_268, %mul3A_269 : i32
      %add3A_271 = arith.constant 1024 : i32
      %add3A_272 = arith.addi %add3A_271, %mul3A_270 : i32
      %add3A_273 = arith.constant 0 : i32
      %add3A_274 = arith.addi %add3A_272, %add3A_273 : i32
      %mul3A_275 = arith.constant 32 : i32
      %mul3A_276 = arith.muli %add3A_260, %mul3A_275 : i32
      %mul3A_277 = arith.constant 20 : i32
      %mul3A_278 = arith.muli %mul3A_276, %mul3A_277 : i32
      %add3A_279 = arith.constant 1024 : i32
      %add3A_280 = arith.addi %add3A_279, %mul3A_278 : i32
      %add3A_281 = arith.constant 128 : i32
      %add3A_282 = arith.addi %add3A_280, %add3A_281 : i32
      %mul3A_283 = arith.constant 32 : i32
      %mul3A_284 = arith.muli %add3A_260, %mul3A_283 : i32
      %mul3A_285 = arith.constant 20 : i32
      %mul3A_286 = arith.muli %mul3A_284, %mul3A_285 : i32
      %add3A_287 = arith.constant 1024 : i32
      %add3A_288 = arith.addi %add3A_287, %mul3A_286 : i32
      %add3A_289 = arith.constant 256 : i32
      %add3A_290 = arith.addi %add3A_288, %add3A_289 : i32
      %mul3A_291 = arith.constant 32 : i32
      %mul3A_292 = arith.muli %add3A_260, %mul3A_291 : i32
      %mul3A_293 = arith.constant 20 : i32
      %mul3A_294 = arith.muli %mul3A_292, %mul3A_293 : i32
      %add3A_295 = arith.constant 1024 : i32
      %add3A_296 = arith.addi %add3A_295, %mul3A_294 : i32
      %add3A_297 = arith.constant 384 : i32
      %add3A_298 = arith.addi %add3A_296, %add3A_297 : i32
      %mul3A_299 = arith.constant 32 : i32
      %mul3A_300 = arith.muli %add3A_260, %mul3A_299 : i32
      %mul3A_301 = arith.constant 20 : i32
      %mul3A_302 = arith.muli %mul3A_300, %mul3A_301 : i32
      %add3A_303 = arith.constant 1024 : i32
      %add3A_304 = arith.addi %add3A_303, %mul3A_302 : i32
      %add3A_305 = arith.constant 512 : i32
      %add3A_306 = arith.addi %add3A_304, %add3A_305 : i32
      %dma_wait3A_307 = tpu.memref_slice %arg8[%mul3A_262] : memref<11264xi32, #tpu.memory_space<vmem>> -> memref<32xi32, #tpu.memory_space<vmem>>
      %dma_wait3A_308 = arith.constant 0 : i32
      %dma_wait3A_309 = arith.constant 0 : i32
      %dma_wait3A_310 = tpu.memref_slice %arg5[%dma_wait3A_308, %dma_wait3A_309] : memref<1000000x64xf32, #tpu.memory_space<hbm>> -> memref<1000000x64xf32, #tpu.memory_space<hbm>>
      tpu.wait_indirect_dma semaphore(%arg18 : memref<!tpu.dma_semaphore, #tpu.memory_space<semaphore_mem>>) src(%dma_wait3A_310 : memref<1000000x64xf32, #tpu.memory_space<hbm>>) dst(%arg12 : memref<32x64xf32, #tpu.memory_space<vmem>>)
      %dma_wait3A_311 = tpu.memref_slice %arg8[%add3A_266] : memref<11264xi32, #tpu.memory_space<vmem>> -> memref<32xi32, #tpu.memory_space<vmem>>
      %dma_wait3A_312 = arith.constant 0 : i32
      %dma_wait3A_313 = arith.constant 0 : i32
      %dma_wait3A_314 = tpu.memref_slice %arg6[%dma_wait3A_312, %dma_wait3A_313] : memref<1000000x64xf32, #tpu.memory_space<hbm>> -> memref<1000000x64xf32, #tpu.memory_space<hbm>>
      tpu.wait_indirect_dma semaphore(%arg18 : memref<!tpu.dma_semaphore, #tpu.memory_space<semaphore_mem>>) src(%dma_wait3A_314 : memref<1000000x64xf32, #tpu.memory_space<hbm>>) dst(%arg13 : memref<32x64xf32, #tpu.memory_space<vmem>>)
      %dma_wait3A_315 = arith.constant 0 : i32
      %dma_wait3A_316 = arith.constant 0 : i32
      %dma_wait3A_317 = tpu.memref_slice %arg14[%dma_wait3A_315, %dma_wait3A_316] : memref<640x64xf32, #tpu.memory_space<vmem>> -> memref<128x64xf32, #tpu.memory_space<vmem>>
      %dma_wait3A_318 = tpu.memref_slice %arg8[%add3A_274] : memref<11264xi32, #tpu.memory_space<vmem>> -> memref<128xi32, #tpu.memory_space<vmem>>
      %dma_wait3A_319 = arith.constant 0 : i32
      %dma_wait3A_320 = arith.constant 0 : i32
      %dma_wait3A_321 = tpu.memref_slice %arg6[%dma_wait3A_319, %dma_wait3A_320] : memref<1000000x64xf32, #tpu.memory_space<hbm>> -> memref<1000000x64xf32, #tpu.memory_space<hbm>>
      tpu.wait_indirect_dma semaphore(%arg18 : memref<!tpu.dma_semaphore, #tpu.memory_space<semaphore_mem>>) src(%dma_wait3A_321 : memref<1000000x64xf32, #tpu.memory_space<hbm>>) dst(%dma_wait3A_317 : memref<128x64xf32, #tpu.memory_space<vmem>>)
      %dma_wait3A_322 = arith.constant 128 : i32
      %dma_wait3A_323 = arith.constant 0 : i32
      %dma_wait3A_324 = tpu.memref_slice %arg14[%dma_wait3A_322, %dma_wait3A_323] : memref<640x64xf32, #tpu.memory_space<vmem>> -> memref<128x64xf32, #tpu.memory_space<vmem>>
      %dma_wait3A_325 = tpu.memref_slice %arg8[%add3A_282] : memref<11264xi32, #tpu.memory_space<vmem>> -> memref<128xi32, #tpu.memory_space<vmem>>
      %dma_wait3A_326 = arith.constant 0 : i32
      %dma_wait3A_327 = arith.constant 0 : i32
      %dma_wait3A_328 = tpu.memref_slice %arg6[%dma_wait3A_326, %dma_wait3A_327] : memref<1000000x64xf32, #tpu.memory_space<hbm>> -> memref<1000000x64xf32, #tpu.memory_space<hbm>>
      tpu.wait_indirect_dma semaphore(%arg18 : memref<!tpu.dma_semaphore, #tpu.memory_space<semaphore_mem>>) src(%dma_wait3A_328 : memref<1000000x64xf32, #tpu.memory_space<hbm>>) dst(%dma_wait3A_324 : memref<128x64xf32, #tpu.memory_space<vmem>>)
      %dma_wait3A_329 = arith.constant 256 : i32
      %dma_wait3A_330 = arith.constant 0 : i32
      %dma_wait3A_331 = tpu.memref_slice %arg14[%dma_wait3A_329, %dma_wait3A_330] : memref<640x64xf32, #tpu.memory_space<vmem>> -> memref<128x64xf32, #tpu.memory_space<vmem>>
      %dma_wait3A_332 = tpu.memref_slice %arg8[%add3A_290] : memref<11264xi32, #tpu.memory_space<vmem>> -> memref<128xi32, #tpu.memory_space<vmem>>
      %dma_wait3A_333 = arith.constant 0 : i32
      %dma_wait3A_334 = arith.constant 0 : i32
      %dma_wait3A_335 = tpu.memref_slice %arg6[%dma_wait3A_333, %dma_wait3A_334] : memref<1000000x64xf32, #tpu.memory_space<hbm>> -> memref<1000000x64xf32, #tpu.memory_space<hbm>>
      tpu.wait_indirect_dma semaphore(%arg18 : memref<!tpu.dma_semaphore, #tpu.memory_space<semaphore_mem>>) src(%dma_wait3A_335 : memref<1000000x64xf32, #tpu.memory_space<hbm>>) dst(%dma_wait3A_331 : memref<128x64xf32, #tpu.memory_space<vmem>>)
      %dma_wait3A_336 = arith.constant 384 : i32
      %dma_wait3A_337 = arith.constant 0 : i32
      %dma_wait3A_338 = tpu.memref_slice %arg14[%dma_wait3A_336, %dma_wait3A_337] : memref<640x64xf32, #tpu.memory_space<vmem>> -> memref<128x64xf32, #tpu.memory_space<vmem>>
      %dma_wait3A_339 = tpu.memref_slice %arg8[%add3A_298] : memref<11264xi32, #tpu.memory_space<vmem>> -> memref<128xi32, #tpu.memory_space<vmem>>
      %dma_wait3A_340 = arith.constant 0 : i32
      %dma_wait3A_341 = arith.constant 0 : i32
      %dma_wait3A_342 = tpu.memref_slice %arg6[%dma_wait3A_340, %dma_wait3A_341] : memref<1000000x64xf32, #tpu.memory_space<hbm>> -> memref<1000000x64xf32, #tpu.memory_space<hbm>>
      tpu.wait_indirect_dma semaphore(%arg18 : memref<!tpu.dma_semaphore, #tpu.memory_space<semaphore_mem>>) src(%dma_wait3A_342 : memref<1000000x64xf32, #tpu.memory_space<hbm>>) dst(%dma_wait3A_338 : memref<128x64xf32, #tpu.memory_space<vmem>>)
      %dma_wait3A_343 = arith.constant 512 : i32
      %dma_wait3A_344 = arith.constant 0 : i32
      %dma_wait3A_345 = tpu.memref_slice %arg14[%dma_wait3A_343, %dma_wait3A_344] : memref<640x64xf32, #tpu.memory_space<vmem>> -> memref<128x64xf32, #tpu.memory_space<vmem>>
      %dma_wait3A_346 = tpu.memref_slice %arg8[%add3A_306] : memref<11264xi32, #tpu.memory_space<vmem>> -> memref<128xi32, #tpu.memory_space<vmem>>
      %dma_wait3A_347 = arith.constant 0 : i32
      %dma_wait3A_348 = arith.constant 0 : i32
      %dma_wait3A_349 = tpu.memref_slice %arg6[%dma_wait3A_347, %dma_wait3A_348] : memref<1000000x64xf32, #tpu.memory_space<hbm>> -> memref<1000000x64xf32, #tpu.memory_space<hbm>>
      tpu.wait_indirect_dma semaphore(%arg18 : memref<!tpu.dma_semaphore, #tpu.memory_space<semaphore_mem>>) src(%dma_wait3A_349 : memref<1000000x64xf32, #tpu.memory_space<hbm>>) dst(%dma_wait3A_345 : memref<128x64xf32, #tpu.memory_space<vmem>>)
      %mul3A_350 = arith.constant 2 : i32
      %mul3A_351 = arith.muli %mul3A_350, %scan3A_63 : i32
      %add3A_352 = arith.constant 1 : i32
      %add3A_353 = arith.addi %mul3A_351, %add3A_352 : i32
      %scan3A_354 = arith.constant 0 : i32
      %scan3A_355 = arith.constant 0 : i32
      %scan3A_356 = arith.constant 32 : i32
      %scan3A_357 = arith.addi %scan3A_355, %scan3A_356 : i32
      %scan3A_358 = arith.constant 2 : i32
      scf.for %scan3A_360 = %scan3A_355 to %scan3A_357 step %scan3A_358  : i32 {
        %get3A = arith.index_cast %scan3A_360 : i32 to index
        %get3A_361 = arith.constant 0 : index
        %get3A_362 = tpu.vector_load %arg12[%get3A, %get3A_361] {strides = array<i32>} : memref<32x64xf32, #tpu.memory_space<vmem>>, vector<16xf32>,
        %get3A_363 = arith.index_cast %scan3A_360 : i32 to index
        %get3A_364 = arith.constant 16 : index
        %get3A_365 = tpu.vector_load %arg12[%get3A_363, %get3A_364] {strides = array<i32>} : memref<32x64xf32, #tpu.memory_space<vmem>>, vector<16xf32>,
        %get3A_366 = arith.index_cast %scan3A_360 : i32 to index
        %get3A_367 = arith.constant 32 : index
        %get3A_368 = tpu.vector_load %arg12[%get3A_366, %get3A_367] {strides = array<i32>} : memref<32x64xf32, #tpu.memory_space<vmem>>, vector<16xf32>,
        %get3A_369 = arith.index_cast %scan3A_360 : i32 to index
        %get3A_370 = arith.constant 48 : index
        %get3A_371 = tpu.vector_load %arg12[%get3A_369, %get3A_370] {strides = array<i32>} : memref<32x64xf32, #tpu.memory_space<vmem>>, vector<16xf32>,
        %get3A_372 = arith.index_cast %scan3A_360 : i32 to index
        %get3A_373 = arith.constant 0 : index
        %get3A_374 = tpu.vector_load %arg13[%get3A_372, %get3A_373] {strides = array<i32>} : memref<32x64xf32, #tpu.memory_space<vmem>>, vector<16xf32>,
        %get3A_375 = arith.index_cast %scan3A_360 : i32 to index
        %get3A_376 = arith.constant 16 : index
        %get3A_377 = tpu.vector_load %arg13[%get3A_375, %get3A_376] {strides = array<i32>} : memref<32x64xf32, #tpu.memory_space<vmem>>, vector<16xf32>,
        %get3A_378 = arith.index_cast %scan3A_360 : i32 to index
        %get3A_379 = arith.constant 32 : index
        %get3A_380 = tpu.vector_load %arg13[%get3A_378, %get3A_379] {strides = array<i32>} : memref<32x64xf32, #tpu.memory_space<vmem>>, vector<16xf32>,
        %get3A_381 = arith.index_cast %scan3A_360 : i32 to index
        %get3A_382 = arith.constant 48 : index
        %get3A_383 = tpu.vector_load %arg13[%get3A_381, %get3A_382] {strides = array<i32>} : memref<32x64xf32, #tpu.memory_space<vmem>>, vector<16xf32>,
        %mul3A_384 = arith.mulf %get3A_362, %get3A_374 : vector<16xf32>
        %mul3A_385 = arith.mulf %get3A_365, %get3A_377 : vector<16xf32>
        %add3A_386 = arith.addf %mul3A_384, %mul3A_385 : vector<16xf32>
        %mul3A_387 = arith.mulf %get3A_368, %get3A_380 : vector<16xf32>
        %add3A_388 = arith.addf %add3A_386, %mul3A_387 : vector<16xf32>
        %mul3A_389 = arith.mulf %get3A_371, %get3A_383 : vector<16xf32>
        %add3A_390 = arith.addf %add3A_388, %mul3A_389 : vector<16xf32>
        %mul3A_391 = arith.constant 25 : i32
        %mul3A_392 = vector.broadcast %mul3A_391 : i32 to vector<16xi32>
        %mul3A_393 = arith.muli %iota3A, %mul3A_392 : vector<16xi32>
        %add3A_394 = arith.constant 0 : i32
        %add3A_395 = vector.broadcast %add3A_394 : i32 to vector<16xi32>
        %add3A_396 = arith.addi %mul3A_393, %add3A_395 : vector<16xi32>
        tpu.vector_store_idx %arg15[%add3A_396], %add3A_390 : memref<416xf32, #tpu.memory_space<vmem>>[vector<16xi32>], vector<16xf32>,
        %mul3A_397 = arith.constant 20 : i32
        %mul3A_398 = arith.muli %scan3A_360, %mul3A_397 : i32
        %add3A_399 = arith.constant 0 : i32
        %add3A_400 = arith.addi %mul3A_398, %add3A_399 : i32
        %get3A_401 = arith.index_cast %add3A_400 : i32 to index
        %get3A_402 = arith.constant 0 : index
        %get3A_403 = tpu.vector_load %arg14[%get3A_401, %get3A_402] {strides = array<i32>} : memref<640x64xf32, #tpu.memory_space<vmem>>, vector<16xf32>,
        %get3A_404 = arith.index_cast %add3A_400 : i32 to index
        %get3A_405 = arith.constant 16 : index
        %get3A_406 = tpu.vector_load %arg14[%get3A_404, %get3A_405] {strides = array<i32>} : memref<640x64xf32, #tpu.memory_space<vmem>>, vector<16xf32>,
        %get3A_407 = arith.index_cast %add3A_400 : i32 to index
        %get3A_408 = arith.constant 32 : index
        %get3A_409 = tpu.vector_load %arg14[%get3A_407, %get3A_408] {strides = array<i32>} : memref<640x64xf32, #tpu.memory_space<vmem>>, vector<16xf32>,
        %get3A_410 = arith.index_cast %add3A_400 : i32 to index
        %get3A_411 = arith.constant 48 : index
        %get3A_412 = tpu.vector_load %arg14[%get3A_410, %get3A_411] {strides = array<i32>} : memref<640x64xf32, #tpu.memory_space<vmem>>, vector<16xf32>,
        %mul3A_413 = arith.mulf %get3A_362, %get3A_403 : vector<16xf32>
        %mul3A_414 = arith.mulf %get3A_365, %get3A_406 : vector<16xf32>
        %add3A_415 = arith.addf %mul3A_413, %mul3A_414 : vector<16xf32>
        %mul3A_416 = arith.mulf %get3A_368, %get3A_409 : vector<16xf32>
        %add3A_417 = arith.addf %add3A_415, %mul3A_416 : vector<16xf32>
        %mul3A_418 = arith.mulf %get3A_371, %get3A_412 : vector<16xf32>
        %add3A_419 = arith.addf %add3A_417, %mul3A_418 : vector<16xf32>
        %mul3A_420 = arith.constant 25 : i32
        %mul3A_421 = vector.broadcast %mul3A_420 : i32 to vector<16xi32>
        %mul3A_422 = arith.muli %iota3A, %mul3A_421 : vector<16xi32>
        %add3A_423 = arith.constant 1 : i32
        %add3A_424 = vector.broadcast %add3A_423 : i32 to vector<16xi32>
        %add3A_425 = arith.addi %mul3A_422, %add3A_424 : vector<16xi32>
        tpu.vector_store_idx %arg15[%add3A_425], %add3A_419 : memref<416xf32, #tpu.memory_space<vmem>>[vector<16xi32>], vector<16xf32>,
        %mul3A_426 = arith.constant 20 : i32
        %mul3A_427 = arith.muli %scan3A_360, %mul3A_426 : i32
        %add3A_428 = arith.constant 1 : i32
        %add3A_429 = arith.addi %mul3A_427, %add3A_428 : i32
        %get3A_430 = arith.index_cast %add3A_429 : i32 to index
        %get3A_431 = arith.constant 0 : index
        %get3A_432 = tpu.vector_load %arg14[%get3A_430, %get3A_431] {strides = array<i32>} : memref<640x64xf32, #tpu.memory_space<vmem>>, vector<16xf32>,
        %get3A_433 = arith.index_cast %add3A_429 : i32 to index
        %get3A_434 = arith.constant 16 : index
        %get3A_435 = tpu.vector_load %arg14[%get3A_433, %get3A_434] {strides = array<i32>} : memref<640x64xf32, #tpu.memory_space<vmem>>, vector<16xf32>,
        %get3A_436 = arith.index_cast %add3A_429 : i32 to index
        %get3A_437 = arith.constant 32 : index
        %get3A_438 = tpu.vector_load %arg14[%get3A_436, %get3A_437] {strides = array<i32>} : memref<640x64xf32, #tpu.memory_space<vmem>>, vector<16xf32>,
        %get3A_439 = arith.index_cast %add3A_429 : i32 to index
        %get3A_440 = arith.constant 48 : index
        %get3A_441 = tpu.vector_load %arg14[%get3A_439, %get3A_440] {strides = array<i32>} : memref<640x64xf32, #tpu.memory_space<vmem>>, vector<16xf32>,
        %mul3A_442 = arith.mulf %get3A_362, %get3A_432 : vector<16xf32>
        %mul3A_443 = arith.mulf %get3A_365, %get3A_435 : vector<16xf32>
        %add3A_444 = arith.addf %mul3A_442, %mul3A_443 : vector<16xf32>
        %mul3A_445 = arith.mulf %get3A_368, %get3A_438 : vector<16xf32>
        %add3A_446 = arith.addf %add3A_444, %mul3A_445 : vector<16xf32>
        %mul3A_447 = arith.mulf %get3A_371, %get3A_441 : vector<16xf32>
        %add3A_448 = arith.addf %add3A_446, %mul3A_447 : vector<16xf32>
        %mul3A_449 = arith.constant 25 : i32
        %mul3A_450 = vector.broadcast %mul3A_449 : i32 to vector<16xi32>
        %mul3A_451 = arith.muli %iota3A, %mul3A_450 : vector<16xi32>
        %add3A_452 = arith.constant 2 : i32
        %add3A_453 = vector.broadcast %add3A_452 : i32 to vector<16xi32>
        %add3A_454 = arith.addi %mul3A_451, %add3A_453 : vector<16xi32>
        tpu.vector_store_idx %arg15[%add3A_454], %add3A_448 : memref<416xf32, #tpu.memory_space<vmem>>[vector<16xi32>], vector<16xf32>,
        %mul3A_455 = arith.constant 20 : i32
        %mul3A_456 = arith.muli %scan3A_360, %mul3A_455 : i32
        %add3A_457 = arith.constant 2 : i32
        %add3A_458 = arith.addi %mul3A_456, %add3A_457 : i32
        %get3A_459 = arith.index_cast %add3A_458 : i32 to index
        %get3A_460 = arith.constant 0 : index
        %get3A_461 = tpu.vector_load %arg14[%get3A_459, %get3A_460] {strides = array<i32>} : memref<640x64xf32, #tpu.memory_space<vmem>>, vector<16xf32>,
        %get3A_462 = arith.index_cast %add3A_458 : i32 to index
        %get3A_463 = arith.constant 16 : index
        %get3A_464 = tpu.vector_load %arg14[%get3A_462, %get3A_463] {strides = array<i32>} : memref<640x64xf32, #tpu.memory_space<vmem>>, vector<16xf32>,
        %get3A_465 = arith.index_cast %add3A_458 : i32 to index
        %get3A_466 = arith.constant 32 : index
        %get3A_467 = tpu.vector_load %arg14[%get3A_465, %get3A_466] {strides = array<i32>} : memref<640x64xf32, #tpu.memory_space<vmem>>, vector<16xf32>,
        %get3A_468 = arith.index_cast %add3A_458 : i32 to index
        %get3A_469 = arith.constant 48 : index
        %get3A_470 = tpu.vector_load %arg14[%get3A_468, %get3A_469] {strides = array<i32>} : memref<640x64xf32, #tpu.memory_space<vmem>>, vector<16xf32>,
        %mul3A_471 = arith.mulf %get3A_362, %get3A_461 : vector<16xf32>
        %mul3A_472 = arith.mulf %get3A_365, %get3A_464 : vector<16xf32>
        %add3A_473 = arith.addf %mul3A_471, %mul3A_472 : vector<16xf32>
        %mul3A_474 = arith.mulf %get3A_368, %get3A_467 : vector<16xf32>
        %add3A_475 = arith.addf %add3A_473, %mul3A_474 : vector<16xf32>
        %mul3A_476 = arith.mulf %get3A_371, %get3A_470 : vector<16xf32>
        %add3A_477 = arith.addf %add3A_475, %mul3A_476 : vector<16xf32>
        %mul3A_478 = arith.constant 25 : i32
        %mul3A_479 = vector.broadcast %mul3A_478 : i32 to vector<16xi32>
        %mul3A_480 = arith.muli %iota3A, %mul3A_479 : vector<16xi32>
        %add3A_481 = arith.constant 3 : i32
        %add3A_482 = vector.broadcast %add3A_481 : i32 to vector<16xi32>
        %add3A_483 = arith.addi %mul3A_480, %add3A_482 : vector<16xi32>
        tpu.vector_store_idx %arg15[%add3A_483], %add3A_477 : memref<416xf32, #tpu.memory_space<vmem>>[vector<16xi32>], vector<16xf32>,
        %mul3A_484 = arith.constant 20 : i32
        %mul3A_485 = arith.muli %scan3A_360, %mul3A_484 : i32
        %add3A_486 = arith.constant 3 : i32
        %add3A_487 = arith.addi %mul3A_485, %add3A_486 : i32
        %get3A_488 = arith.index_cast %add3A_487 : i32 to index
        %get3A_489 = arith.constant 0 : index
        %get3A_490 = tpu.vector_load %arg14[%get3A_488, %get3A_489] {strides = array<i32>} : memref<640x64xf32, #tpu.memory_space<vmem>>, vector<16xf32>,
        %get3A_491 = arith.index_cast %add3A_487 : i32 to index
        %get3A_492 = arith.constant 16 : index
        %get3A_493 = tpu.vector_load %arg14[%get3A_491, %get3A_492] {strides = array<i32>} : memref<640x64xf32, #tpu.memory_space<vmem>>, vector<16xf32>,
        %get3A_494 = arith.index_cast %add3A_487 : i32 to index
        %get3A_495 = arith.constant 32 : index
        %get3A_496 = tpu.vector_load %arg14[%get3A_494, %get3A_495] {strides = array<i32>} : memref<640x64xf32, #tpu.memory_space<vmem>>, vector<16xf32>,
        %get3A_497 = arith.index_cast %add3A_487 : i32 to index
        %get3A_498 = arith.constant 48 : index
        %get3A_499 = tpu.vector_load %arg14[%get3A_497, %get3A_498] {strides = array<i32>} : memref<640x64xf32, #tpu.memory_space<vmem>>, vector<16xf32>,
        %mul3A_500 = arith.mulf %get3A_362, %get3A_490 : vector<16xf32>
        %mul3A_501 = arith.mulf %get3A_365, %get3A_493 : vector<16xf32>
        %add3A_502 = arith.addf %mul3A_500, %mul3A_501 : vector<16xf32>
        %mul3A_503 = arith.mulf %get3A_368, %get3A_496 : vector<16xf32>
        %add3A_504 = arith.addf %add3A_502, %mul3A_503 : vector<16xf32>
        %mul3A_505 = arith.mulf %get3A_371, %get3A_499 : vector<16xf32>
        %add3A_506 = arith.addf %add3A_504, %mul3A_505 : vector<16xf32>
        %mul3A_507 = arith.constant 25 : i32
        %mul3A_508 = vector.broadcast %mul3A_507 : i32 to vector<16xi32>
        %mul3A_509 = arith.muli %iota3A, %mul3A_508 : vector<16xi32>
        %add3A_510 = arith.constant 4 : i32
        %add3A_511 = vector.broadcast %add3A_510 : i32 to vector<16xi32>
        %add3A_512 = arith.addi %mul3A_509, %add3A_511 : vector<16xi32>
        tpu.vector_store_idx %arg15[%add3A_512], %add3A_506 : memref<416xf32, #tpu.memory_space<vmem>>[vector<16xi32>], vector<16xf32>,
        %mul3A_513 = arith.constant 20 : i32
        %mul3A_514 = arith.muli %scan3A_360, %mul3A_513 : i32
        %add3A_515 = arith.constant 4 : i32
        %add3A_516 = arith.addi %mul3A_514, %add3A_515 : i32
        %get3A_517 = arith.index_cast %add3A_516 : i32 to index
        %get3A_518 = arith.constant 0 : index
        %get3A_519 = tpu.vector_load %arg14[%get3A_517, %get3A_518] {strides = array<i32>} : memref<640x64xf32, #tpu.memory_space<vmem>>, vector<16xf32>,
        %get3A_520 = arith.index_cast %add3A_516 : i32 to index
        %get3A_521 = arith.constant 16 : index
        %get3A_522 = tpu.vector_load %arg14[%get3A_520, %get3A_521] {strides = array<i32>} : memref<640x64xf32, #tpu.memory_space<vmem>>, vector<16xf32>,
        %get3A_523 = arith.index_cast %add3A_516 : i32 to index
        %get3A_524 = arith.constant 32 : index
        %get3A_525 = tpu.vector_load %arg14[%get3A_523, %get3A_524] {strides = array<i32>} : memref<640x64xf32, #tpu.memory_space<vmem>>, vector<16xf32>,
        %get3A_526 = arith.index_cast %add3A_516 : i32 to index
        %get3A_527 = arith.constant 48 : index
        %get3A_528 = tpu.vector_load %arg14[%get3A_526, %get3A_527] {strides = array<i32>} : memref<640x64xf32, #tpu.memory_space<vmem>>, vector<16xf32>,
        %mul3A_529 = arith.mulf %get3A_362, %get3A_519 : vector<16xf32>
        %mul3A_530 = arith.mulf %get3A_365, %get3A_522 : vector<16xf32>
        %add3A_531 = arith.addf %mul3A_529, %mul3A_530 : vector<16xf32>
        %mul3A_532 = arith.mulf %get3A_368, %get3A_525 : vector<16xf32>
        %add3A_533 = arith.addf %add3A_531, %mul3A_532 : vector<16xf32>
        %mul3A_534 = arith.mulf %get3A_371, %get3A_528 : vector<16xf32>
        %add3A_535 = arith.addf %add3A_533, %mul3A_534 : vector<16xf32>
        %mul3A_536 = arith.constant 25 : i32
        %mul3A_537 = vector.broadcast %mul3A_536 : i32 to vector<16xi32>
        %mul3A_538 = arith.muli %iota3A, %mul3A_537 : vector<16xi32>
        %add3A_539 = arith.constant 5 : i32
        %add3A_540 = vector.broadcast %add3A_539 : i32 to vector<16xi32>
        %add3A_541 = arith.addi %mul3A_538, %add3A_540 : vector<16xi32>
        tpu.vector_store_idx %arg15[%add3A_541], %add3A_535 : memref<416xf32, #tpu.memory_space<vmem>>[vector<16xi32>], vector<16xf32>,
        %mul3A_542 = arith.constant 20 : i32
        %mul3A_543 = arith.muli %scan3A_360, %mul3A_542 : i32
        %add3A_544 = arith.constant 5 : i32
        %add3A_545 = arith.addi %mul3A_543, %add3A_544 : i32
        %get3A_546 = arith.index_cast %add3A_545 : i32 to index
        %get3A_547 = arith.constant 0 : index
        %get3A_548 = tpu.vector_load %arg14[%get3A_546, %get3A_547] {strides = array<i32>} : memref<640x64xf32, #tpu.memory_space<vmem>>, vector<16xf32>,
        %get3A_549 = arith.index_cast %add3A_545 : i32 to index
        %get3A_550 = arith.constant 16 : index
        %get3A_551 = tpu.vector_load %arg14[%get3A_549, %get3A_550] {strides = array<i32>} : memref<640x64xf32, #tpu.memory_space<vmem>>, vector<16xf32>,
        %get3A_552 = arith.index_cast %add3A_545 : i32 to index
        %get3A_553 = arith.constant 32 : index
        %get3A_554 = tpu.vector_load %arg14[%get3A_552, %get3A_553] {strides = array<i32>} : memref<640x64xf32, #tpu.memory_space<vmem>>, vector<16xf32>,
        %get3A_555 = arith.index_cast %add3A_545 : i32 to index
        %get3A_556 = arith.constant 48 : index
        %get3A_557 = tpu.vector_load %arg14[%get3A_555, %get3A_556] {strides = array<i32>} : memref<640x64xf32, #tpu.memory_space<vmem>>, vector<16xf32>,
        %mul3A_558 = arith.mulf %get3A_362, %get3A_548 : vector<16xf32>
        %mul3A_559 = arith.mulf %get3A_365, %get3A_551 : vector<16xf32>
        %add3A_560 = arith.addf %mul3A_558, %mul3A_559 : vector<16xf32>
        %mul3A_561 = arith.mulf %get3A_368, %get3A_554 : vector<16xf32>
        %add3A_562 = arith.addf %add3A_560, %mul3A_561 : vector<16xf32>
        %mul3A_563 = arith.mulf %get3A_371, %get3A_557 : vector<16xf32>
        %add3A_564 = arith.addf %add3A_562, %mul3A_563 : vector<16xf32>
        %mul3A_565 = arith.constant 25 : i32
        %mul3A_566 = vector.broadcast %mul3A_565 : i32 to vector<16xi32>
        %mul3A_567 = arith.muli %iota3A, %mul3A_566 : vector<16xi32>
        %add3A_568 = arith.constant 6 : i32
        %add3A_569 = vector.broadcast %add3A_568 : i32 to vector<16xi32>
        %add3A_570 = arith.addi %mul3A_567, %add3A_569 : vector<16xi32>
        tpu.vector_store_idx %arg15[%add3A_570], %add3A_564 : memref<416xf32, #tpu.memory_space<vmem>>[vector<16xi32>], vector<16xf32>,
        %mul3A_571 = arith.constant 20 : i32
        %mul3A_572 = arith.muli %scan3A_360, %mul3A_571 : i32
        %add3A_573 = arith.constant 6 : i32
        %add3A_574 = arith.addi %mul3A_572, %add3A_573 : i32
        %get3A_575 = arith.index_cast %add3A_574 : i32 to index
        %get3A_576 = arith.constant 0 : index
        %get3A_577 = tpu.vector_load %arg14[%get3A_575, %get3A_576] {strides = array<i32>} : memref<640x64xf32, #tpu.memory_space<vmem>>, vector<16xf32>,
        %get3A_578 = arith.index_cast %add3A_574 : i32 to index
        %get3A_579 = arith.constant 16 : index
        %get3A_580 = tpu.vector_load %arg14[%get3A_578, %get3A_579] {strides = array<i32>} : memref<640x64xf32, #tpu.memory_space<vmem>>, vector<16xf32>,
        %get3A_581 = arith.index_cast %add3A_574 : i32 to index
        %get3A_582 = arith.constant 32 : index
        %get3A_583 = tpu.vector_load %arg14[%get3A_581, %get3A_582] {strides = array<i32>} : memref<640x64xf32, #tpu.memory_space<vmem>>, vector<16xf32>,
        %get3A_584 = arith.index_cast %add3A_574 : i32 to index
        %get3A_585 = arith.constant 48 : index
        %get3A_586 = tpu.vector_load %arg14[%get3A_584, %get3A_585] {strides = array<i32>} : memref<640x64xf32, #tpu.memory_space<vmem>>, vector<16xf32>,
        %mul3A_587 = arith.mulf %get3A_362, %get3A_577 : vector<16xf32>
        %mul3A_588 = arith.mulf %get3A_365, %get3A_580 : vector<16xf32>
        %add3A_589 = arith.addf %mul3A_587, %mul3A_588 : vector<16xf32>
        %mul3A_590 = arith.mulf %get3A_368, %get3A_583 : vector<16xf32>
        %add3A_591 = arith.addf %add3A_589, %mul3A_590 : vector<16xf32>
        %mul3A_592 = arith.mulf %get3A_371, %get3A_586 : vector<16xf32>
        %add3A_593 = arith.addf %add3A_591, %mul3A_592 : vector<16xf32>
        %mul3A_594 = arith.constant 25 : i32
        %mul3A_595 = vector.broadcast %mul3A_594 : i32 to vector<16xi32>
        %mul3A_596 = arith.muli %iota3A, %mul3A_595 : vector<16xi32>
        %add3A_597 = arith.constant 7 : i32
        %add3A_598 = vector.broadcast %add3A_597 : i32 to vector<16xi32>
        %add3A_599 = arith.addi %mul3A_596, %add3A_598 : vector<16xi32>
        tpu.vector_store_idx %arg15[%add3A_599], %add3A_593 : memref<416xf32, #tpu.memory_space<vmem>>[vector<16xi32>], vector<16xf32>,
        %mul3A_600 = arith.constant 20 : i32
        %mul3A_601 = arith.muli %scan3A_360, %mul3A_600 : i32
        %add3A_602 = arith.constant 7 : i32
        %add3A_603 = arith.addi %mul3A_601, %add3A_602 : i32
        %get3A_604 = arith.index_cast %add3A_603 : i32 to index
        %get3A_605 = arith.constant 0 : index
        %get3A_606 = tpu.vector_load %arg14[%get3A_604, %get3A_605] {strides = array<i32>} : memref<640x64xf32, #tpu.memory_space<vmem>>, vector<16xf32>,
        %get3A_607 = arith.index_cast %add3A_603 : i32 to index
        %get3A_608 = arith.constant 16 : index
        %get3A_609 = tpu.vector_load %arg14[%get3A_607, %get3A_608] {strides = array<i32>} : memref<640x64xf32, #tpu.memory_space<vmem>>, vector<16xf32>,
        %get3A_610 = arith.index_cast %add3A_603 : i32 to index
        %get3A_611 = arith.constant 32 : index
        %get3A_612 = tpu.vector_load %arg14[%get3A_610, %get3A_611] {strides = array<i32>} : memref<640x64xf32, #tpu.memory_space<vmem>>, vector<16xf32>,
        %get3A_613 = arith.index_cast %add3A_603 : i32 to index
        %get3A_614 = arith.constant 48 : index
        %get3A_615 = tpu.vector_load %arg14[%get3A_613, %get3A_614] {strides = array<i32>} : memref<640x64xf32, #tpu.memory_space<vmem>>, vector<16xf32>,
        %mul3A_616 = arith.mulf %get3A_362, %get3A_606 : vector<16xf32>
        %mul3A_617 = arith.mulf %get3A_365, %get3A_609 : vector<16xf32>
        %add3A_618 = arith.addf %mul3A_616, %mul3A_617 : vector<16xf32>
        %mul3A_619 = arith.mulf %get3A_368, %get3A_612 : vector<16xf32>
        %add3A_620 = arith.addf %add3A_618, %mul3A_619 : vector<16xf32>
        %mul3A_621 = arith.mulf %get3A_371, %get3A_615 : vector<16xf32>
        %add3A_622 = arith.addf %add3A_620, %mul3A_621 : vector<16xf32>
        %mul3A_623 = arith.constant 25 : i32
        %mul3A_624 = vector.broadcast %mul3A_623 : i32 to vector<16xi32>
        %mul3A_625 = arith.muli %iota3A, %mul3A_624 : vector<16xi32>
        %add3A_626 = arith.constant 8 : i32
        %add3A_627 = vector.broadcast %add3A_626 : i32 to vector<16xi32>
        %add3A_628 = arith.addi %mul3A_625, %add3A_627 : vector<16xi32>
        tpu.vector_store_idx %arg15[%add3A_628], %add3A_622 : memref<416xf32, #tpu.memory_space<vmem>>[vector<16xi32>], vector<16xf32>,
        %mul3A_629 = arith.constant 20 : i32
        %mul3A_630 = arith.muli %scan3A_360, %mul3A_629 : i32
        %add3A_631 = arith.constant 8 : i32
        %add3A_632 = arith.addi %mul3A_630, %add3A_631 : i32
        %get3A_633 = arith.index_cast %add3A_632 : i32 to index
        %get3A_634 = arith.constant 0 : index
        %get3A_635 = tpu.vector_load %arg14[%get3A_633, %get3A_634] {strides = array<i32>} : memref<640x64xf32, #tpu.memory_space<vmem>>, vector<16xf32>,
        %get3A_636 = arith.index_cast %add3A_632 : i32 to index
        %get3A_637 = arith.constant 16 : index
        %get3A_638 = tpu.vector_load %arg14[%get3A_636, %get3A_637] {strides = array<i32>} : memref<640x64xf32, #tpu.memory_space<vmem>>, vector<16xf32>,
        %get3A_639 = arith.index_cast %add3A_632 : i32 to index
        %get3A_640 = arith.constant 32 : index
        %get3A_641 = tpu.vector_load %arg14[%get3A_639, %get3A_640] {strides = array<i32>} : memref<640x64xf32, #tpu.memory_space<vmem>>, vector<16xf32>,
        %get3A_642 = arith.index_cast %add3A_632 : i32 to index
        %get3A_643 = arith.constant 48 : index
        %get3A_644 = tpu.vector_load %arg14[%get3A_642, %get3A_643] {strides = array<i32>} : memref<640x64xf32, #tpu.memory_space<vmem>>, vector<16xf32>,
        %mul3A_645 = arith.mulf %get3A_362, %get3A_635 : vector<16xf32>
        %mul3A_646 = arith.mulf %get3A_365, %get3A_638 : vector<16xf32>
        %add3A_647 = arith.addf %mul3A_645, %mul3A_646 : vector<16xf32>
        %mul3A_648 = arith.mulf %get3A_368, %get3A_641 : vector<16xf32>
        %add3A_649 = arith.addf %add3A_647, %mul3A_648 : vector<16xf32>
        %mul3A_650 = arith.mulf %get3A_371, %get3A_644 : vector<16xf32>
        %add3A_651 = arith.addf %add3A_649, %mul3A_650 : vector<16xf32>
        %mul3A_652 = arith.constant 25 : i32
        %mul3A_653 = vector.broadcast %mul3A_652 : i32 to vector<16xi32>
        %mul3A_654 = arith.muli %iota3A, %mul3A_653 : vector<16xi32>
        %add3A_655 = arith.constant 9 : i32
        %add3A_656 = vector.broadcast %add3A_655 : i32 to vector<16xi32>
        %add3A_657 = arith.addi %mul3A_654, %add3A_656 : vector<16xi32>
        tpu.vector_store_idx %arg15[%add3A_657], %add3A_651 : memref<416xf32, #tpu.memory_space<vmem>>[vector<16xi32>], vector<16xf32>,
        %mul3A_658 = arith.constant 20 : i32
        %mul3A_659 = arith.muli %scan3A_360, %mul3A_658 : i32
        %add3A_660 = arith.constant 9 : i32
        %add3A_661 = arith.addi %mul3A_659, %add3A_660 : i32
        %get3A_662 = arith.index_cast %add3A_661 : i32 to index
        %get3A_663 = arith.constant 0 : index
        %get3A_664 = tpu.vector_load %arg14[%get3A_662, %get3A_663] {strides = array<i32>} : memref<640x64xf32, #tpu.memory_space<vmem>>, vector<16xf32>,
        %get3A_665 = arith.index_cast %add3A_661 : i32 to index
        %get3A_666 = arith.constant 16 : index
        %get3A_667 = tpu.vector_load %arg14[%get3A_665, %get3A_666] {strides = array<i32>} : memref<640x64xf32, #tpu.memory_space<vmem>>, vector<16xf32>,
        %get3A_668 = arith.index_cast %add3A_661 : i32 to index
        %get3A_669 = arith.constant 32 : index
        %get3A_670 = tpu.vector_load %arg14[%get3A_668, %get3A_669] {strides = array<i32>} : memref<640x64xf32, #tpu.memory_space<vmem>>, vector<16xf32>,
        %get3A_671 = arith.index_cast %add3A_661 : i32 to index
        %get3A_672 = arith.constant 48 : index
        %get3A_673 = tpu.vector_load %arg14[%get3A_671, %get3A_672] {strides = array<i32>} : memref<640x64xf32, #tpu.memory_space<vmem>>, vector<16xf32>,
        %mul3A_674 = arith.mulf %get3A_362, %get3A_664 : vector<16xf32>
        %mul3A_675 = arith.mulf %get3A_365, %get3A_667 : vector<16xf32>
        %add3A_676 = arith.addf %mul3A_674, %mul3A_675 : vector<16xf32>
        %mul3A_677 = arith.mulf %get3A_368, %get3A_670 : vector<16xf32>
        %add3A_678 = arith.addf %add3A_676, %mul3A_677 : vector<16xf32>
        %mul3A_679 = arith.mulf %get3A_371, %get3A_673 : vector<16xf32>
        %add3A_680 = arith.addf %add3A_678, %mul3A_679 : vector<16xf32>
        %mul3A_681 = arith.constant 25 : i32
        %mul3A_682 = vector.broadcast %mul3A_681 : i32 to vector<16xi32>
        %mul3A_683 = arith.muli %iota3A, %mul3A_682 : vector<16xi32>
        %add3A_684 = arith.constant 10 : i32
        %add3A_685 = vector.broadcast %add3A_684 : i32 to vector<16xi32>
        %add3A_686 = arith.addi %mul3A_683, %add3A_685 : vector<16xi32>
        tpu.vector_store_idx %arg15[%add3A_686], %add3A_680 : memref<416xf32, #tpu.memory_space<vmem>>[vector<16xi32>], vector<16xf32>,
        %mul3A_687 = arith.constant 20 : i32
        %mul3A_688 = arith.muli %scan3A_360, %mul3A_687 : i32
        %add3A_689 = arith.constant 10 : i32
        %add3A_690 = arith.addi %mul3A_688, %add3A_689 : i32
        %get3A_691 = arith.index_cast %add3A_690 : i32 to index
        %get3A_692 = arith.constant 0 : index
        %get3A_693 = tpu.vector_load %arg14[%get3A_691, %get3A_692] {strides = array<i32>} : memref<640x64xf32, #tpu.memory_space<vmem>>, vector<16xf32>,
        %get3A_694 = arith.index_cast %add3A_690 : i32 to index
        %get3A_695 = arith.constant 16 : index
        %get3A_696 = tpu.vector_load %arg14[%get3A_694, %get3A_695] {strides = array<i32>} : memref<640x64xf32, #tpu.memory_space<vmem>>, vector<16xf32>,
        %get3A_697 = arith.index_cast %add3A_690 : i32 to index
        %get3A_698 = arith.constant 32 : index
        %get3A_699 = tpu.vector_load %arg14[%get3A_697, %get3A_698] {strides = array<i32>} : memref<640x64xf32, #tpu.memory_space<vmem>>, vector<16xf32>,
        %get3A_700 = arith.index_cast %add3A_690 : i32 to index
        %get3A_701 = arith.constant 48 : index
        %get3A_702 = tpu.vector_load %arg14[%get3A_700, %get3A_701] {strides = array<i32>} : memref<640x64xf32, #tpu.memory_space<vmem>>, vector<16xf32>,
        %mul3A_703 = arith.mulf %get3A_362, %get3A_693 : vector<16xf32>
        %mul3A_704 = arith.mulf %get3A_365, %get3A_696 : vector<16xf32>
        %add3A_705 = arith.addf %mul3A_703, %mul3A_704 : vector<16xf32>
        %mul3A_706 = arith.mulf %get3A_368, %get3A_699 : vector<16xf32>
        %add3A_707 = arith.addf %add3A_705, %mul3A_706 : vector<16xf32>
        %mul3A_708 = arith.mulf %get3A_371, %get3A_702 : vector<16xf32>
        %add3A_709 = arith.addf %add3A_707, %mul3A_708 : vector<16xf32>
        %mul3A_710 = arith.constant 25 : i32
        %mul3A_711 = vector.broadcast %mul3A_710 : i32 to vector<16xi32>
        %mul3A_712 = arith.muli %iota3A, %mul3A_711 : vector<16xi32>
        %add3A_713 = arith.constant 11 : i32
        %add3A_714 = vector.broadcast %add3A_713 : i32 to vector<16xi32>
        %add3A_715 = arith.addi %mul3A_712, %add3A_714 : vector<16xi32>
        tpu.vector_store_idx %arg15[%add3A_715], %add3A_709 : memref<416xf32, #tpu.memory_space<vmem>>[vector<16xi32>], vector<16xf32>,
        %mul3A_716 = arith.constant 20 : i32
        %mul3A_717 = arith.muli %scan3A_360, %mul3A_716 : i32
        %add3A_718 = arith.constant 11 : i32
        %add3A_719 = arith.addi %mul3A_717, %add3A_718 : i32
        %get3A_720 = arith.index_cast %add3A_719 : i32 to index
        %get3A_721 = arith.constant 0 : index
        %get3A_722 = tpu.vector_load %arg14[%get3A_720, %get3A_721] {strides = array<i32>} : memref<640x64xf32, #tpu.memory_space<vmem>>, vector<16xf32>,
        %get3A_723 = arith.index_cast %add3A_719 : i32 to index
        %get3A_724 = arith.constant 16 : index
        %get3A_725 = tpu.vector_load %arg14[%get3A_723, %get3A_724] {strides = array<i32>} : memref<640x64xf32, #tpu.memory_space<vmem>>, vector<16xf32>,
        %get3A_726 = arith.index_cast %add3A_719 : i32 to index
        %get3A_727 = arith.constant 32 : index
        %get3A_728 = tpu.vector_load %arg14[%get3A_726, %get3A_727] {strides = array<i32>} : memref<640x64xf32, #tpu.memory_space<vmem>>, vector<16xf32>,
        %get3A_729 = arith.index_cast %add3A_719 : i32 to index
        %get3A_730 = arith.constant 48 : index
        %get3A_731 = tpu.vector_load %arg14[%get3A_729, %get3A_730] {strides = array<i32>} : memref<640x64xf32, #tpu.memory_space<vmem>>, vector<16xf32>,
        %mul3A_732 = arith.mulf %get3A_362, %get3A_722 : vector<16xf32>
        %mul3A_733 = arith.mulf %get3A_365, %get3A_725 : vector<16xf32>
        %add3A_734 = arith.addf %mul3A_732, %mul3A_733 : vector<16xf32>
        %mul3A_735 = arith.mulf %get3A_368, %get3A_728 : vector<16xf32>
        %add3A_736 = arith.addf %add3A_734, %mul3A_735 : vector<16xf32>
        %mul3A_737 = arith.mulf %get3A_371, %get3A_731 : vector<16xf32>
        %add3A_738 = arith.addf %add3A_736, %mul3A_737 : vector<16xf32>
        %mul3A_739 = arith.constant 25 : i32
        %mul3A_740 = vector.broadcast %mul3A_739 : i32 to vector<16xi32>
        %mul3A_741 = arith.muli %iota3A, %mul3A_740 : vector<16xi32>
        %add3A_742 = arith.constant 12 : i32
        %add3A_743 = vector.broadcast %add3A_742 : i32 to vector<16xi32>
        %add3A_744 = arith.addi %mul3A_741, %add3A_743 : vector<16xi32>
        tpu.vector_store_idx %arg15[%add3A_744], %add3A_738 : memref<416xf32, #tpu.memory_space<vmem>>[vector<16xi32>], vector<16xf32>,
        %mul3A_745 = arith.constant 20 : i32
        %mul3A_746 = arith.muli %scan3A_360, %mul3A_745 : i32
        %add3A_747 = arith.constant 12 : i32
        %add3A_748 = arith.addi %mul3A_746, %add3A_747 : i32
        %get3A_749 = arith.index_cast %add3A_748 : i32 to index
        %get3A_750 = arith.constant 0 : index
        %get3A_751 = tpu.vector_load %arg14[%get3A_749, %get3A_750] {strides = array<i32>} : memref<640x64xf32, #tpu.memory_space<vmem>>, vector<16xf32>,
        %get3A_752 = arith.index_cast %add3A_748 : i32 to index
        %get3A_753 = arith.constant 16 : index
        %get3A_754 = tpu.vector_load %arg14[%get3A_752, %get3A_753] {strides = array<i32>} : memref<640x64xf32, #tpu.memory_space<vmem>>, vector<16xf32>,
        %get3A_755 = arith.index_cast %add3A_748 : i32 to index
        %get3A_756 = arith.constant 32 : index
        %get3A_757 = tpu.vector_load %arg14[%get3A_755, %get3A_756] {strides = array<i32>} : memref<640x64xf32, #tpu.memory_space<vmem>>, vector<16xf32>,
        %get3A_758 = arith.index_cast %add3A_748 : i32 to index
        %get3A_759 = arith.constant 48 : index
        %get3A_760 = tpu.vector_load %arg14[%get3A_758, %get3A_759] {strides = array<i32>} : memref<640x64xf32, #tpu.memory_space<vmem>>, vector<16xf32>,
        %mul3A_761 = arith.mulf %get3A_362, %get3A_751 : vector<16xf32>
        %mul3A_762 = arith.mulf %get3A_365, %get3A_754 : vector<16xf32>
        %add3A_763 = arith.addf %mul3A_761, %mul3A_762 : vector<16xf32>
        %mul3A_764 = arith.mulf %get3A_368, %get3A_757 : vector<16xf32>
        %add3A_765 = arith.addf %add3A_763, %mul3A_764 : vector<16xf32>
        %mul3A_766 = arith.mulf %get3A_371, %get3A_760 : vector<16xf32>
        %add3A_767 = arith.addf %add3A_765, %mul3A_766 : vector<16xf32>
        %mul3A_768 = arith.constant 25 : i32
        %mul3A_769 = vector.broadcast %mul3A_768 : i32 to vector<16xi32>
        %mul3A_770 = arith.muli %iota3A, %mul3A_769 : vector<16xi32>
        %add3A_771 = arith.constant 13 : i32
        %add3A_772 = vector.broadcast %add3A_771 : i32 to vector<16xi32>
        %add3A_773 = arith.addi %mul3A_770, %add3A_772 : vector<16xi32>
        tpu.vector_store_idx %arg15[%add3A_773], %add3A_767 : memref<416xf32, #tpu.memory_space<vmem>>[vector<16xi32>], vector<16xf32>,
        %mul3A_774 = arith.constant 20 : i32
        %mul3A_775 = arith.muli %scan3A_360, %mul3A_774 : i32
        %add3A_776 = arith.constant 13 : i32
        %add3A_777 = arith.addi %mul3A_775, %add3A_776 : i32
        %get3A_778 = arith.index_cast %add3A_777 : i32 to index
        %get3A_779 = arith.constant 0 : index
        %get3A_780 = tpu.vector_load %arg14[%get3A_778, %get3A_779] {strides = array<i32>} : memref<640x64xf32, #tpu.memory_space<vmem>>, vector<16xf32>,
        %get3A_781 = arith.index_cast %add3A_777 : i32 to index
        %get3A_782 = arith.constant 16 : index
        %get3A_783 = tpu.vector_load %arg14[%get3A_781, %get3A_782] {strides = array<i32>} : memref<640x64xf32, #tpu.memory_space<vmem>>, vector<16xf32>,
        %get3A_784 = arith.index_cast %add3A_777 : i32 to index
        %get3A_785 = arith.constant 32 : index
        %get3A_786 = tpu.vector_load %arg14[%get3A_784, %get3A_785] {strides = array<i32>} : memref<640x64xf32, #tpu.memory_space<vmem>>, vector<16xf32>,
        %get3A_787 = arith.index_cast %add3A_777 : i32 to index
        %get3A_788 = arith.constant 48 : index
        %get3A_789 = tpu.vector_load %arg14[%get3A_787, %get3A_788] {strides = array<i32>} : memref<640x64xf32, #tpu.memory_space<vmem>>, vector<16xf32>,
        %mul3A_790 = arith.mulf %get3A_362, %get3A_780 : vector<16xf32>
        %mul3A_791 = arith.mulf %get3A_365, %get3A_783 : vector<16xf32>
        %add3A_792 = arith.addf %mul3A_790, %mul3A_791 : vector<16xf32>
        %mul3A_793 = arith.mulf %get3A_368, %get3A_786 : vector<16xf32>
        %add3A_794 = arith.addf %add3A_792, %mul3A_793 : vector<16xf32>
        %mul3A_795 = arith.mulf %get3A_371, %get3A_789 : vector<16xf32>
        %add3A_796 = arith.addf %add3A_794, %mul3A_795 : vector<16xf32>
        %mul3A_797 = arith.constant 25 : i32
        %mul3A_798 = vector.broadcast %mul3A_797 : i32 to vector<16xi32>
        %mul3A_799 = arith.muli %iota3A, %mul3A_798 : vector<16xi32>
        %add3A_800 = arith.constant 14 : i32
        %add3A_801 = vector.broadcast %add3A_800 : i32 to vector<16xi32>
        %add3A_802 = arith.addi %mul3A_799, %add3A_801 : vector<16xi32>
        tpu.vector_store_idx %arg15[%add3A_802], %add3A_796 : memref<416xf32, #tpu.memory_space<vmem>>[vector<16xi32>], vector<16xf32>,
        %mul3A_803 = arith.constant 20 : i32
        %mul3A_804 = arith.muli %scan3A_360, %mul3A_803 : i32
        %add3A_805 = arith.constant 14 : i32
        %add3A_806 = arith.addi %mul3A_804, %add3A_805 : i32
        %get3A_807 = arith.index_cast %add3A_806 : i32 to index
        %get3A_808 = arith.constant 0 : index
        %get3A_809 = tpu.vector_load %arg14[%get3A_807, %get3A_808] {strides = array<i32>} : memref<640x64xf32, #tpu.memory_space<vmem>>, vector<16xf32>,
        %get3A_810 = arith.index_cast %add3A_806 : i32 to index
        %get3A_811 = arith.constant 16 : index
        %get3A_812 = tpu.vector_load %arg14[%get3A_810, %get3A_811] {strides = array<i32>} : memref<640x64xf32, #tpu.memory_space<vmem>>, vector<16xf32>,
        %get3A_813 = arith.index_cast %add3A_806 : i32 to index
        %get3A_814 = arith.constant 32 : index
        %get3A_815 = tpu.vector_load %arg14[%get3A_813, %get3A_814] {strides = array<i32>} : memref<640x64xf32, #tpu.memory_space<vmem>>, vector<16xf32>,
        %get3A_816 = arith.index_cast %add3A_806 : i32 to index
        %get3A_817 = arith.constant 48 : index
        %get3A_818 = tpu.vector_load %arg14[%get3A_816, %get3A_817] {strides = array<i32>} : memref<640x64xf32, #tpu.memory_space<vmem>>, vector<16xf32>,
        %mul3A_819 = arith.mulf %get3A_362, %get3A_809 : vector<16xf32>
        %mul3A_820 = arith.mulf %get3A_365, %get3A_812 : vector<16xf32>
        %add3A_821 = arith.addf %mul3A_819, %mul3A_820 : vector<16xf32>
        %mul3A_822 = arith.mulf %get3A_368, %get3A_815 : vector<16xf32>
        %add3A_823 = arith.addf %add3A_821, %mul3A_822 : vector<16xf32>
        %mul3A_824 = arith.mulf %get3A_371, %get3A_818 : vector<16xf32>
        %add3A_825 = arith.addf %add3A_823, %mul3A_824 : vector<16xf32>
        %mul3A_826 = arith.constant 25 : i32
        %mul3A_827 = vector.broadcast %mul3A_826 : i32 to vector<16xi32>
        %mul3A_828 = arith.muli %iota3A, %mul3A_827 : vector<16xi32>
        %add3A_829 = arith.constant 15 : i32
        %add3A_830 = vector.broadcast %add3A_829 : i32 to vector<16xi32>
        %add3A_831 = arith.addi %mul3A_828, %add3A_830 : vector<16xi32>
        tpu.vector_store_idx %arg15[%add3A_831], %add3A_825 : memref<416xf32, #tpu.memory_space<vmem>>[vector<16xi32>], vector<16xf32>,
        %mul3A_832 = arith.constant 20 : i32
        %mul3A_833 = arith.muli %scan3A_360, %mul3A_832 : i32
        %add3A_834 = arith.constant 15 : i32
        %add3A_835 = arith.addi %mul3A_833, %add3A_834 : i32
        %get3A_836 = arith.index_cast %add3A_835 : i32 to index
        %get3A_837 = arith.constant 0 : index
        %get3A_838 = tpu.vector_load %arg14[%get3A_836, %get3A_837] {strides = array<i32>} : memref<640x64xf32, #tpu.memory_space<vmem>>, vector<16xf32>,
        %get3A_839 = arith.index_cast %add3A_835 : i32 to index
        %get3A_840 = arith.constant 16 : index
        %get3A_841 = tpu.vector_load %arg14[%get3A_839, %get3A_840] {strides = array<i32>} : memref<640x64xf32, #tpu.memory_space<vmem>>, vector<16xf32>,
        %get3A_842 = arith.index_cast %add3A_835 : i32 to index
        %get3A_843 = arith.constant 32 : index
        %get3A_844 = tpu.vector_load %arg14[%get3A_842, %get3A_843] {strides = array<i32>} : memref<640x64xf32, #tpu.memory_space<vmem>>, vector<16xf32>,
        %get3A_845 = arith.index_cast %add3A_835 : i32 to index
        %get3A_846 = arith.constant 48 : index
        %get3A_847 = tpu.vector_load %arg14[%get3A_845, %get3A_846] {strides = array<i32>} : memref<640x64xf32, #tpu.memory_space<vmem>>, vector<16xf32>,
        %mul3A_848 = arith.mulf %get3A_362, %get3A_838 : vector<16xf32>
        %mul3A_849 = arith.mulf %get3A_365, %get3A_841 : vector<16xf32>
        %add3A_850 = arith.addf %mul3A_848, %mul3A_849 : vector<16xf32>
        %mul3A_851 = arith.mulf %get3A_368, %get3A_844 : vector<16xf32>
        %add3A_852 = arith.addf %add3A_850, %mul3A_851 : vector<16xf32>
        %mul3A_853 = arith.mulf %get3A_371, %get3A_847 : vector<16xf32>
        %add3A_854 = arith.addf %add3A_852, %mul3A_853 : vector<16xf32>
        %mul3A_855 = arith.constant 25 : i32
        %mul3A_856 = vector.broadcast %mul3A_855 : i32 to vector<16xi32>
        %mul3A_857 = arith.muli %iota3A, %mul3A_856 : vector<16xi32>
        %add3A_858 = arith.constant 16 : i32
        %add3A_859 = vector.broadcast %add3A_858 : i32 to vector<16xi32>
        %add3A_860 = arith.addi %mul3A_857, %add3A_859 : vector<16xi32>
        tpu.vector_store_idx %arg15[%add3A_860], %add3A_854 : memref<416xf32, #tpu.memory_space<vmem>>[vector<16xi32>], vector<16xf32>,
        %mul3A_861 = arith.constant 20 : i32
        %mul3A_862 = arith.muli %scan3A_360, %mul3A_861 : i32
        %add3A_863 = arith.constant 16 : i32
        %add3A_864 = arith.addi %mul3A_862, %add3A_863 : i32
        %get3A_865 = arith.index_cast %add3A_864 : i32 to index
        %get3A_866 = arith.constant 0 : index
        %get3A_867 = tpu.vector_load %arg14[%get3A_865, %get3A_866] {strides = array<i32>} : memref<640x64xf32, #tpu.memory_space<vmem>>, vector<16xf32>,
        %get3A_868 = arith.index_cast %add3A_864 : i32 to index
        %get3A_869 = arith.constant 16 : index
        %get3A_870 = tpu.vector_load %arg14[%get3A_868, %get3A_869] {strides = array<i32>} : memref<640x64xf32, #tpu.memory_space<vmem>>, vector<16xf32>,
        %get3A_871 = arith.index_cast %add3A_864 : i32 to index
        %get3A_872 = arith.constant 32 : index
        %get3A_873 = tpu.vector_load %arg14[%get3A_871, %get3A_872] {strides = array<i32>} : memref<640x64xf32, #tpu.memory_space<vmem>>, vector<16xf32>,
        %get3A_874 = arith.index_cast %add3A_864 : i32 to index
        %get3A_875 = arith.constant 48 : index
        %get3A_876 = tpu.vector_load %arg14[%get3A_874, %get3A_875] {strides = array<i32>} : memref<640x64xf32, #tpu.memory_space<vmem>>, vector<16xf32>,
        %mul3A_877 = arith.mulf %get3A_362, %get3A_867 : vector<16xf32>
        %mul3A_878 = arith.mulf %get3A_365, %get3A_870 : vector<16xf32>
        %add3A_879 = arith.addf %mul3A_877, %mul3A_878 : vector<16xf32>
        %mul3A_880 = arith.mulf %get3A_368, %get3A_873 : vector<16xf32>
        %add3A_881 = arith.addf %add3A_879, %mul3A_880 : vector<16xf32>
        %mul3A_882 = arith.mulf %get3A_371, %get3A_876 : vector<16xf32>
        %add3A_883 = arith.addf %add3A_881, %mul3A_882 : vector<16xf32>
        %mul3A_884 = arith.constant 25 : i32
        %mul3A_885 = vector.broadcast %mul3A_884 : i32 to vector<16xi32>
        %mul3A_886 = arith.muli %iota3A, %mul3A_885 : vector<16xi32>
        %add3A_887 = arith.constant 17 : i32
        %add3A_888 = vector.broadcast %add3A_887 : i32 to vector<16xi32>
        %add3A_889 = arith.addi %mul3A_886, %add3A_888 : vector<16xi32>
        tpu.vector_store_idx %arg15[%add3A_889], %add3A_883 : memref<416xf32, #tpu.memory_space<vmem>>[vector<16xi32>], vector<16xf32>,
        %mul3A_890 = arith.constant 20 : i32
        %mul3A_891 = arith.muli %scan3A_360, %mul3A_890 : i32
        %add3A_892 = arith.constant 17 : i32
        %add3A_893 = arith.addi %mul3A_891, %add3A_892 : i32
        %get3A_894 = arith.index_cast %add3A_893 : i32 to index
        %get3A_895 = arith.constant 0 : index
        %get3A_896 = tpu.vector_load %arg14[%get3A_894, %get3A_895] {strides = array<i32>} : memref<640x64xf32, #tpu.memory_space<vmem>>, vector<16xf32>,
        %get3A_897 = arith.index_cast %add3A_893 : i32 to index
        %get3A_898 = arith.constant 16 : index
        %get3A_899 = tpu.vector_load %arg14[%get3A_897, %get3A_898] {strides = array<i32>} : memref<640x64xf32, #tpu.memory_space<vmem>>, vector<16xf32>,
        %get3A_900 = arith.index_cast %add3A_893 : i32 to index
        %get3A_901 = arith.constant 32 : index
        %get3A_902 = tpu.vector_load %arg14[%get3A_900, %get3A_901] {strides = array<i32>} : memref<640x64xf32, #tpu.memory_space<vmem>>, vector<16xf32>,
        %get3A_903 = arith.index_cast %add3A_893 : i32 to index
        %get3A_904 = arith.constant 48 : index
        %get3A_905 = tpu.vector_load %arg14[%get3A_903, %get3A_904] {strides = array<i32>} : memref<640x64xf32, #tpu.memory_space<vmem>>, vector<16xf32>,
        %mul3A_906 = arith.mulf %get3A_362, %get3A_896 : vector<16xf32>
        %mul3A_907 = arith.mulf %get3A_365, %get3A_899 : vector<16xf32>
        %add3A_908 = arith.addf %mul3A_906, %mul3A_907 : vector<16xf32>
        %mul3A_909 = arith.mulf %get3A_368, %get3A_902 : vector<16xf32>
        %add3A_910 = arith.addf %add3A_908, %mul3A_909 : vector<16xf32>
        %mul3A_911 = arith.mulf %get3A_371, %get3A_905 : vector<16xf32>
        %add3A_912 = arith.addf %add3A_910, %mul3A_911 : vector<16xf32>
        %mul3A_913 = arith.constant 25 : i32
        %mul3A_914 = vector.broadcast %mul3A_913 : i32 to vector<16xi32>
        %mul3A_915 = arith.muli %iota3A, %mul3A_914 : vector<16xi32>
        %add3A_916 = arith.constant 18 : i32
        %add3A_917 = vector.broadcast %add3A_916 : i32 to vector<16xi32>
        %add3A_918 = arith.addi %mul3A_915, %add3A_917 : vector<16xi32>
        tpu.vector_store_idx %arg15[%add3A_918], %add3A_912 : memref<416xf32, #tpu.memory_space<vmem>>[vector<16xi32>], vector<16xf32>,
        %mul3A_919 = arith.constant 20 : i32
        %mul3A_920 = arith.muli %scan3A_360, %mul3A_919 : i32
        %add3A_921 = arith.constant 18 : i32
        %add3A_922 = arith.addi %mul3A_920, %add3A_921 : i32
        %get3A_923 = arith.index_cast %add3A_922 : i32 to index
        %get3A_924 = arith.constant 0 : index
        %get3A_925 = tpu.vector_load %arg14[%get3A_923, %get3A_924] {strides = array<i32>} : memref<640x64xf32, #tpu.memory_space<vmem>>, vector<16xf32>,
        %get3A_926 = arith.index_cast %add3A_922 : i32 to index
        %get3A_927 = arith.constant 16 : index
        %get3A_928 = tpu.vector_load %arg14[%get3A_926, %get3A_927] {strides = array<i32>} : memref<640x64xf32, #tpu.memory_space<vmem>>, vector<16xf32>,
        %get3A_929 = arith.index_cast %add3A_922 : i32 to index
        %get3A_930 = arith.constant 32 : index
        %get3A_931 = tpu.vector_load %arg14[%get3A_929, %get3A_930] {strides = array<i32>} : memref<640x64xf32, #tpu.memory_space<vmem>>, vector<16xf32>,
        %get3A_932 = arith.index_cast %add3A_922 : i32 to index
        %get3A_933 = arith.constant 48 : index
        %get3A_934 = tpu.vector_load %arg14[%get3A_932, %get3A_933] {strides = array<i32>} : memref<640x64xf32, #tpu.memory_space<vmem>>, vector<16xf32>,
        %mul3A_935 = arith.mulf %get3A_362, %get3A_925 : vector<16xf32>
        %mul3A_936 = arith.mulf %get3A_365, %get3A_928 : vector<16xf32>
        %add3A_937 = arith.addf %mul3A_935, %mul3A_936 : vector<16xf32>
        %mul3A_938 = arith.mulf %get3A_368, %get3A_931 : vector<16xf32>
        %add3A_939 = arith.addf %add3A_937, %mul3A_938 : vector<16xf32>
        %mul3A_940 = arith.mulf %get3A_371, %get3A_934 : vector<16xf32>
        %add3A_941 = arith.addf %add3A_939, %mul3A_940 : vector<16xf32>
        %mul3A_942 = arith.constant 25 : i32
        %mul3A_943 = vector.broadcast %mul3A_942 : i32 to vector<16xi32>
        %mul3A_944 = arith.muli %iota3A, %mul3A_943 : vector<16xi32>
        %add3A_945 = arith.constant 19 : i32
        %add3A_946 = vector.broadcast %add3A_945 : i32 to vector<16xi32>
        %add3A_947 = arith.addi %mul3A_944, %add3A_946 : vector<16xi32>
        tpu.vector_store_idx %arg15[%add3A_947], %add3A_941 : memref<416xf32, #tpu.memory_space<vmem>>[vector<16xi32>], vector<16xf32>,
        %mul3A_948 = arith.constant 20 : i32
        %mul3A_949 = arith.muli %scan3A_360, %mul3A_948 : i32
        %add3A_950 = arith.constant 19 : i32
        %add3A_951 = arith.addi %mul3A_949, %add3A_950 : i32
        %get3A_952 = arith.index_cast %add3A_951 : i32 to index
        %get3A_953 = arith.constant 0 : index
        %get3A_954 = tpu.vector_load %arg14[%get3A_952, %get3A_953] {strides = array<i32>} : memref<640x64xf32, #tpu.memory_space<vmem>>, vector<16xf32>,
        %get3A_955 = arith.index_cast %add3A_951 : i32 to index
        %get3A_956 = arith.constant 16 : index
        %get3A_957 = tpu.vector_load %arg14[%get3A_955, %get3A_956] {strides = array<i32>} : memref<640x64xf32, #tpu.memory_space<vmem>>, vector<16xf32>,
        %get3A_958 = arith.index_cast %add3A_951 : i32 to index
        %get3A_959 = arith.constant 32 : index
        %get3A_960 = tpu.vector_load %arg14[%get3A_958, %get3A_959] {strides = array<i32>} : memref<640x64xf32, #tpu.memory_space<vmem>>, vector<16xf32>,
        %get3A_961 = arith.index_cast %add3A_951 : i32 to index
        %get3A_962 = arith.constant 48 : index
        %get3A_963 = tpu.vector_load %arg14[%get3A_961, %get3A_962] {strides = array<i32>} : memref<640x64xf32, #tpu.memory_space<vmem>>, vector<16xf32>,
        %mul3A_964 = arith.mulf %get3A_362, %get3A_954 : vector<16xf32>
        %mul3A_965 = arith.mulf %get3A_365, %get3A_957 : vector<16xf32>
        %add3A_966 = arith.addf %mul3A_964, %mul3A_965 : vector<16xf32>
        %mul3A_967 = arith.mulf %get3A_368, %get3A_960 : vector<16xf32>
        %add3A_968 = arith.addf %add3A_966, %mul3A_967 : vector<16xf32>
        %mul3A_969 = arith.mulf %get3A_371, %get3A_963 : vector<16xf32>
        %add3A_970 = arith.addf %add3A_968, %mul3A_969 : vector<16xf32>
        %mul3A_971 = arith.constant 25 : i32
        %mul3A_972 = vector.broadcast %mul3A_971 : i32 to vector<16xi32>
        %mul3A_973 = arith.muli %iota3A, %mul3A_972 : vector<16xi32>
        %add3A_974 = arith.constant 20 : i32
        %add3A_975 = vector.broadcast %add3A_974 : i32 to vector<16xi32>
        %add3A_976 = arith.addi %mul3A_973, %add3A_975 : vector<16xi32>
        tpu.vector_store_idx %arg15[%add3A_976], %add3A_970 : memref<416xf32, #tpu.memory_space<vmem>>[vector<16xi32>], vector<16xf32>,
        %gather3A = tpu.vector_load_idx %arg15[%iota3A] : memref<416xf32, #tpu.memory_space<vmem>>[vector<16xi32>], vector<16xf32>,
        %add3A_977 = arith.constant 16 : i32
        %add3A_978 = vector.broadcast %add3A_977 : i32 to vector<16xi32>
        %add3A_979 = arith.addi %iota3A, %add3A_978 : vector<16xi32>
        %gather3A_980 = tpu.vector_load_idx %arg15[%add3A_979] : memref<416xf32, #tpu.memory_space<vmem>>[vector<16xi32>], vector<16xf32>,
        %add3A_981 = arith.constant 25 : i32
        %add3A_982 = vector.broadcast %add3A_981 : i32 to vector<16xi32>
        %add3A_983 = arith.addi %iota3A, %add3A_982 : vector<16xi32>
        %gather3A_984 = tpu.vector_load_idx %arg15[%add3A_983] : memref<416xf32, #tpu.memory_space<vmem>>[vector<16xi32>], vector<16xf32>,
        %add3A_985 = arith.addf %gather3A, %gather3A_984 : vector<16xf32>
        %add3A_986 = arith.constant 25 : i32
        %add3A_987 = vector.broadcast %add3A_986 : i32 to vector<16xi32>
        %add3A_988 = arith.addi %iota3A, %add3A_987 : vector<16xi32>
        %add3A_989 = arith.constant 16 : i32
        %add3A_990 = vector.broadcast %add3A_989 : i32 to vector<16xi32>
        %add3A_991 = arith.addi %add3A_988, %add3A_990 : vector<16xi32>
        %gather3A_992 = tpu.vector_load_idx %arg15[%add3A_991] : memref<416xf32, #tpu.memory_space<vmem>>[vector<16xi32>], vector<16xf32>,
        %add3A_993 = arith.addf %gather3A_980, %gather3A_992 : vector<16xf32>
        %add3A_994 = arith.constant 50 : i32
        %add3A_995 = vector.broadcast %add3A_994 : i32 to vector<16xi32>
        %add3A_996 = arith.addi %iota3A, %add3A_995 : vector<16xi32>
        %gather3A_997 = tpu.vector_load_idx %arg15[%add3A_996] : memref<416xf32, #tpu.memory_space<vmem>>[vector<16xi32>], vector<16xf32>,
        %add3A_998 = arith.addf %add3A_985, %gather3A_997 : vector<16xf32>
        %add3A_999 = arith.constant 50 : i32
        %add3A_1000 = vector.broadcast %add3A_999 : i32 to vector<16xi32>
        %add3A_1001 = arith.addi %iota3A, %add3A_1000 : vector<16xi32>
        %add3A_1002 = arith.constant 16 : i32
        %add3A_1003 = vector.broadcast %add3A_1002 : i32 to vector<16xi32>
        %add3A_1004 = arith.addi %add3A_1001, %add3A_1003 : vector<16xi32>
        %gather3A_1005 = tpu.vector_load_idx %arg15[%add3A_1004] : memref<416xf32, #tpu.memory_space<vmem>>[vector<16xi32>], vector<16xf32>,
        %add3A_1006 = arith.addf %add3A_993, %gather3A_1005 : vector<16xf32>
        %add3A_1007 = arith.constant 75 : i32
        %add3A_1008 = vector.broadcast %add3A_1007 : i32 to vector<16xi32>
        %add3A_1009 = arith.addi %iota3A, %add3A_1008 : vector<16xi32>
        %gather3A_1010 = tpu.vector_load_idx %arg15[%add3A_1009] : memref<416xf32, #tpu.memory_space<vmem>>[vector<16xi32>], vector<16xf32>,
        %add3A_1011 = arith.addf %add3A_998, %gather3A_1010 : vector<16xf32>
        %add3A_1012 = arith.constant 75 : i32
        %add3A_1013 = vector.broadcast %add3A_1012 : i32 to vector<16xi32>
        %add3A_1014 = arith.addi %iota3A, %add3A_1013 : vector<16xi32>
        %add3A_1015 = arith.constant 16 : i32
        %add3A_1016 = vector.broadcast %add3A_1015 : i32 to vector<16xi32>
        %add3A_1017 = arith.addi %add3A_1014, %add3A_1016 : vector<16xi32>
        %gather3A_1018 = tpu.vector_load_idx %arg15[%add3A_1017] : memref<416xf32, #tpu.memory_space<vmem>>[vector<16xi32>], vector<16xf32>,
        %add3A_1019 = arith.addf %add3A_1006, %gather3A_1018 : vector<16xf32>
        %add3A_1020 = arith.constant 100 : i32
        %add3A_1021 = vector.broadcast %add3A_1020 : i32 to vector<16xi32>
        %add3A_1022 = arith.addi %iota3A, %add3A_1021 : vector<16xi32>
        %gather3A_1023 = tpu.vector_load_idx %arg15[%add3A_1022] : memref<416xf32, #tpu.memory_space<vmem>>[vector<16xi32>], vector<16xf32>,
        %add3A_1024 = arith.addf %add3A_1011, %gather3A_1023 : vector<16xf32>
        %add3A_1025 = arith.constant 100 : i32
        %add3A_1026 = vector.broadcast %add3A_1025 : i32 to vector<16xi32>
        %add3A_1027 = arith.addi %iota3A, %add3A_1026 : vector<16xi32>
        %add3A_1028 = arith.constant 16 : i32
        %add3A_1029 = vector.broadcast %add3A_1028 : i32 to vector<16xi32>
        %add3A_1030 = arith.addi %add3A_1027, %add3A_1029 : vector<16xi32>
        %gather3A_1031 = tpu.vector_load_idx %arg15[%add3A_1030] : memref<416xf32, #tpu.memory_space<vmem>>[vector<16xi32>], vector<16xf32>,
        %add3A_1032 = arith.addf %add3A_1019, %gather3A_1031 : vector<16xf32>
        %add3A_1033 = arith.constant 125 : i32
        %add3A_1034 = vector.broadcast %add3A_1033 : i32 to vector<16xi32>
        %add3A_1035 = arith.addi %iota3A, %add3A_1034 : vector<16xi32>
        %gather3A_1036 = tpu.vector_load_idx %arg15[%add3A_1035] : memref<416xf32, #tpu.memory_space<vmem>>[vector<16xi32>], vector<16xf32>,
        %add3A_1037 = arith.addf %add3A_1024, %gather3A_1036 : vector<16xf32>
        %add3A_1038 = arith.constant 125 : i32
        %add3A_1039 = vector.broadcast %add3A_1038 : i32 to vector<16xi32>
        %add3A_1040 = arith.addi %iota3A, %add3A_1039 : vector<16xi32>
        %add3A_1041 = arith.constant 16 : i32
        %add3A_1042 = vector.broadcast %add3A_1041 : i32 to vector<16xi32>
        %add3A_1043 = arith.addi %add3A_1040, %add3A_1042 : vector<16xi32>
        %gather3A_1044 = tpu.vector_load_idx %arg15[%add3A_1043] : memref<416xf32, #tpu.memory_space<vmem>>[vector<16xi32>], vector<16xf32>,
        %add3A_1045 = arith.addf %add3A_1032, %gather3A_1044 : vector<16xf32>
        %add3A_1046 = arith.constant 150 : i32
        %add3A_1047 = vector.broadcast %add3A_1046 : i32 to vector<16xi32>
        %add3A_1048 = arith.addi %iota3A, %add3A_1047 : vector<16xi32>
        %gather3A_1049 = tpu.vector_load_idx %arg15[%add3A_1048] : memref<416xf32, #tpu.memory_space<vmem>>[vector<16xi32>], vector<16xf32>,
        %add3A_1050 = arith.addf %add3A_1037, %gather3A_1049 : vector<16xf32>
        %add3A_1051 = arith.constant 150 : i32
        %add3A_1052 = vector.broadcast %add3A_1051 : i32 to vector<16xi32>
        %add3A_1053 = arith.addi %iota3A, %add3A_1052 : vector<16xi32>
        %add3A_1054 = arith.constant 16 : i32
        %add3A_1055 = vector.broadcast %add3A_1054 : i32 to vector<16xi32>
        %add3A_1056 = arith.addi %add3A_1053, %add3A_1055 : vector<16xi32>
        %gather3A_1057 = tpu.vector_load_idx %arg15[%add3A_1056] : memref<416xf32, #tpu.memory_space<vmem>>[vector<16xi32>], vector<16xf32>,
        %add3A_1058 = arith.addf %add3A_1045, %gather3A_1057 : vector<16xf32>
        %add3A_1059 = arith.constant 175 : i32
        %add3A_1060 = vector.broadcast %add3A_1059 : i32 to vector<16xi32>
        %add3A_1061 = arith.addi %iota3A, %add3A_1060 : vector<16xi32>
        %gather3A_1062 = tpu.vector_load_idx %arg15[%add3A_1061] : memref<416xf32, #tpu.memory_space<vmem>>[vector<16xi32>], vector<16xf32>,
        %add3A_1063 = arith.addf %add3A_1050, %gather3A_1062 : vector<16xf32>
        %add3A_1064 = arith.constant 175 : i32
        %add3A_1065 = vector.broadcast %add3A_1064 : i32 to vector<16xi32>
        %add3A_1066 = arith.addi %iota3A, %add3A_1065 : vector<16xi32>
        %add3A_1067 = arith.constant 16 : i32
        %add3A_1068 = vector.broadcast %add3A_1067 : i32 to vector<16xi32>
        %add3A_1069 = arith.addi %add3A_1066, %add3A_1068 : vector<16xi32>
        %gather3A_1070 = tpu.vector_load_idx %arg15[%add3A_1069] : memref<416xf32, #tpu.memory_space<vmem>>[vector<16xi32>], vector<16xf32>,
        %add3A_1071 = arith.addf %add3A_1058, %gather3A_1070 : vector<16xf32>
        %add3A_1072 = arith.constant 200 : i32
        %add3A_1073 = vector.broadcast %add3A_1072 : i32 to vector<16xi32>
        %add3A_1074 = arith.addi %iota3A, %add3A_1073 : vector<16xi32>
        %gather3A_1075 = tpu.vector_load_idx %arg15[%add3A_1074] : memref<416xf32, #tpu.memory_space<vmem>>[vector<16xi32>], vector<16xf32>,
        %add3A_1076 = arith.addf %add3A_1063, %gather3A_1075 : vector<16xf32>
        %add3A_1077 = arith.constant 200 : i32
        %add3A_1078 = vector.broadcast %add3A_1077 : i32 to vector<16xi32>
        %add3A_1079 = arith.addi %iota3A, %add3A_1078 : vector<16xi32>
        %add3A_1080 = arith.constant 16 : i32
        %add3A_1081 = vector.broadcast %add3A_1080 : i32 to vector<16xi32>
        %add3A_1082 = arith.addi %add3A_1079, %add3A_1081 : vector<16xi32>
        %gather3A_1083 = tpu.vector_load_idx %arg15[%add3A_1082] : memref<416xf32, #tpu.memory_space<vmem>>[vector<16xi32>], vector<16xf32>,
        %add3A_1084 = arith.addf %add3A_1071, %gather3A_1083 : vector<16xf32>
        %add3A_1085 = arith.constant 225 : i32
        %add3A_1086 = vector.broadcast %add3A_1085 : i32 to vector<16xi32>
        %add3A_1087 = arith.addi %iota3A, %add3A_1086 : vector<16xi32>
        %gather3A_1088 = tpu.vector_load_idx %arg15[%add3A_1087] : memref<416xf32, #tpu.memory_space<vmem>>[vector<16xi32>], vector<16xf32>,
        %add3A_1089 = arith.addf %add3A_1076, %gather3A_1088 : vector<16xf32>
        %add3A_1090 = arith.constant 225 : i32
        %add3A_1091 = vector.broadcast %add3A_1090 : i32 to vector<16xi32>
        %add3A_1092 = arith.addi %iota3A, %add3A_1091 : vector<16xi32>
        %add3A_1093 = arith.constant 16 : i32
        %add3A_1094 = vector.broadcast %add3A_1093 : i32 to vector<16xi32>
        %add3A_1095 = arith.addi %add3A_1092, %add3A_1094 : vector<16xi32>
        %gather3A_1096 = tpu.vector_load_idx %arg15[%add3A_1095] : memref<416xf32, #tpu.memory_space<vmem>>[vector<16xi32>], vector<16xf32>,
        %add3A_1097 = arith.addf %add3A_1084, %gather3A_1096 : vector<16xf32>
        %add3A_1098 = arith.constant 250 : i32
        %add3A_1099 = vector.broadcast %add3A_1098 : i32 to vector<16xi32>
        %add3A_1100 = arith.addi %iota3A, %add3A_1099 : vector<16xi32>
        %gather3A_1101 = tpu.vector_load_idx %arg15[%add3A_1100] : memref<416xf32, #tpu.memory_space<vmem>>[vector<16xi32>], vector<16xf32>,
        %add3A_1102 = arith.addf %add3A_1089, %gather3A_1101 : vector<16xf32>
        %add3A_1103 = arith.constant 250 : i32
        %add3A_1104 = vector.broadcast %add3A_1103 : i32 to vector<16xi32>
        %add3A_1105 = arith.addi %iota3A, %add3A_1104 : vector<16xi32>
        %add3A_1106 = arith.constant 16 : i32
        %add3A_1107 = vector.broadcast %add3A_1106 : i32 to vector<16xi32>
        %add3A_1108 = arith.addi %add3A_1105, %add3A_1107 : vector<16xi32>
        %gather3A_1109 = tpu.vector_load_idx %arg15[%add3A_1108] : memref<416xf32, #tpu.memory_space<vmem>>[vector<16xi32>], vector<16xf32>,
        %add3A_1110 = arith.addf %add3A_1097, %gather3A_1109 : vector<16xf32>
        %add3A_1111 = arith.constant 275 : i32
        %add3A_1112 = vector.broadcast %add3A_1111 : i32 to vector<16xi32>
        %add3A_1113 = arith.addi %iota3A, %add3A_1112 : vector<16xi32>
        %gather3A_1114 = tpu.vector_load_idx %arg15[%add3A_1113] : memref<416xf32, #tpu.memory_space<vmem>>[vector<16xi32>], vector<16xf32>,
        %add3A_1115 = arith.addf %add3A_1102, %gather3A_1114 : vector<16xf32>
        %add3A_1116 = arith.constant 275 : i32
        %add3A_1117 = vector.broadcast %add3A_1116 : i32 to vector<16xi32>
        %add3A_1118 = arith.addi %iota3A, %add3A_1117 : vector<16xi32>
        %add3A_1119 = arith.constant 16 : i32
        %add3A_1120 = vector.broadcast %add3A_1119 : i32 to vector<16xi32>
        %add3A_1121 = arith.addi %add3A_1118, %add3A_1120 : vector<16xi32>
        %gather3A_1122 = tpu.vector_load_idx %arg15[%add3A_1121] : memref<416xf32, #tpu.memory_space<vmem>>[vector<16xi32>], vector<16xf32>,
        %add3A_1123 = arith.addf %add3A_1110, %gather3A_1122 : vector<16xf32>
        %add3A_1124 = arith.constant 300 : i32
        %add3A_1125 = vector.broadcast %add3A_1124 : i32 to vector<16xi32>
        %add3A_1126 = arith.addi %iota3A, %add3A_1125 : vector<16xi32>
        %gather3A_1127 = tpu.vector_load_idx %arg15[%add3A_1126] : memref<416xf32, #tpu.memory_space<vmem>>[vector<16xi32>], vector<16xf32>,
        %add3A_1128 = arith.addf %add3A_1115, %gather3A_1127 : vector<16xf32>
        %add3A_1129 = arith.constant 300 : i32
        %add3A_1130 = vector.broadcast %add3A_1129 : i32 to vector<16xi32>
        %add3A_1131 = arith.addi %iota3A, %add3A_1130 : vector<16xi32>
        %add3A_1132 = arith.constant 16 : i32
        %add3A_1133 = vector.broadcast %add3A_1132 : i32 to vector<16xi32>
        %add3A_1134 = arith.addi %add3A_1131, %add3A_1133 : vector<16xi32>
        %gather3A_1135 = tpu.vector_load_idx %arg15[%add3A_1134] : memref<416xf32, #tpu.memory_space<vmem>>[vector<16xi32>], vector<16xf32>,
        %add3A_1136 = arith.addf %add3A_1123, %gather3A_1135 : vector<16xf32>
        %add3A_1137 = arith.constant 325 : i32
        %add3A_1138 = vector.broadcast %add3A_1137 : i32 to vector<16xi32>
        %add3A_1139 = arith.addi %iota3A, %add3A_1138 : vector<16xi32>
        %gather3A_1140 = tpu.vector_load_idx %arg15[%add3A_1139] : memref<416xf32, #tpu.memory_space<vmem>>[vector<16xi32>], vector<16xf32>,
        %add3A_1141 = arith.addf %add3A_1128, %gather3A_1140 : vector<16xf32>
        %add3A_1142 = arith.constant 325 : i32
        %add3A_1143 = vector.broadcast %add3A_1142 : i32 to vector<16xi32>
        %add3A_1144 = arith.addi %iota3A, %add3A_1143 : vector<16xi32>
        %add3A_1145 = arith.constant 16 : i32
        %add3A_1146 = vector.broadcast %add3A_1145 : i32 to vector<16xi32>
        %add3A_1147 = arith.addi %add3A_1144, %add3A_1146 : vector<16xi32>
        %gather3A_1148 = tpu.vector_load_idx %arg15[%add3A_1147] : memref<416xf32, #tpu.memory_space<vmem>>[vector<16xi32>], vector<16xf32>,
        %add3A_1149 = arith.addf %add3A_1136, %gather3A_1148 : vector<16xf32>
        %add3A_1150 = arith.constant 350 : i32
        %add3A_1151 = vector.broadcast %add3A_1150 : i32 to vector<16xi32>
        %add3A_1152 = arith.addi %iota3A, %add3A_1151 : vector<16xi32>
        %gather3A_1153 = tpu.vector_load_idx %arg15[%add3A_1152] : memref<416xf32, #tpu.memory_space<vmem>>[vector<16xi32>], vector<16xf32>,
        %add3A_1154 = arith.addf %add3A_1141, %gather3A_1153 : vector<16xf32>
        %add3A_1155 = arith.constant 350 : i32
        %add3A_1156 = vector.broadcast %add3A_1155 : i32 to vector<16xi32>
        %add3A_1157 = arith.addi %iota3A, %add3A_1156 : vector<16xi32>
        %add3A_1158 = arith.constant 16 : i32
        %add3A_1159 = vector.broadcast %add3A_1158 : i32 to vector<16xi32>
        %add3A_1160 = arith.addi %add3A_1157, %add3A_1159 : vector<16xi32>
        %gather3A_1161 = tpu.vector_load_idx %arg15[%add3A_1160] : memref<416xf32, #tpu.memory_space<vmem>>[vector<16xi32>], vector<16xf32>,
        %add3A_1162 = arith.addf %add3A_1149, %gather3A_1161 : vector<16xf32>
        %add3A_1163 = arith.constant 375 : i32
        %add3A_1164 = vector.broadcast %add3A_1163 : i32 to vector<16xi32>
        %add3A_1165 = arith.addi %iota3A, %add3A_1164 : vector<16xi32>
        %gather3A_1166 = tpu.vector_load_idx %arg15[%add3A_1165] : memref<416xf32, #tpu.memory_space<vmem>>[vector<16xi32>], vector<16xf32>,
        %add3A_1167 = arith.addf %add3A_1154, %gather3A_1166 : vector<16xf32>
        %add3A_1168 = arith.constant 375 : i32
        %add3A_1169 = vector.broadcast %add3A_1168 : i32 to vector<16xi32>
        %add3A_1170 = arith.addi %iota3A, %add3A_1169 : vector<16xi32>
        %add3A_1171 = arith.constant 16 : i32
        %add3A_1172 = vector.broadcast %add3A_1171 : i32 to vector<16xi32>
        %add3A_1173 = arith.addi %add3A_1170, %add3A_1172 : vector<16xi32>
        %gather3A_1174 = tpu.vector_load_idx %arg15[%add3A_1173] : memref<416xf32, #tpu.memory_space<vmem>>[vector<16xi32>], vector<16xf32>,
        %add3A_1175 = arith.addf %add3A_1162, %gather3A_1174 : vector<16xf32>
        %eq3A = arith.constant 0 : i32
        %eq3A_1176 = vector.broadcast %eq3A : i32 to vector<16xi32>
        %eq3A_1177 = arith.cmpi eq, %iota3A, %eq3A_1176 : vector<16xi32>
        %neg3A = arith.constant 0.000000e+00 : f32
        %neg3A_1178 = vector.broadcast %neg3A : f32 to vector<16xf32>
        %neg3A_1179 = arith.subf %neg3A_1178, %add3A_1167 : vector<16xf32>
        %select_n3A = arith.select %eq3A_1177, %add3A_1167, %neg3A_1179 : vector<16xi1>, vector<16xf32>
        %neg3A_1180 = arith.constant 0.000000e+00 : f32
        %neg3A_1181 = vector.broadcast %neg3A_1180 : f32 to vector<16xf32>
        %neg3A_1182 = arith.subf %neg3A_1181, %add3A_1175 : vector<16xf32>
        %mul3A_1183 = arith.constant 32 : i32
        %mul3A_1184 = arith.muli %add3A_353, %mul3A_1183 : i32
        %add3A_1185 = arith.addi %mul3A_1184, %scan3A_360 : i32
        %mul3A_1186 = arith.constant 21 : i32
        %mul3A_1187 = arith.muli %add3A_1185, %mul3A_1186 : i32
        %add3A_1188 = vector.broadcast %mul3A_1187 : i32 to vector<16xi32>
        %add3A_1189 = arith.addi %add3A_1188, %iota3A : vector<16xi32>
        tpu.vector_store_idx %arg16[%add3A_1189], %select_n3A : memref<10768xf32, #tpu.memory_space<vmem>>[vector<16xi32>], vector<16xf32>,
        %add3A_1190 = arith.constant 16 : i32
        %add3A_1191 = arith.addi %mul3A_1187, %add3A_1190 : i32
        %add3A_1192 = vector.broadcast %add3A_1191 : i32 to vector<16xi32>
        %add3A_1193 = arith.addi %add3A_1192, %iota3A : vector<16xi32>
        tpu.vector_store_idx %arg16[%add3A_1193], %neg3A_1182 : memref<10768xf32, #tpu.memory_space<vmem>>[vector<16xi32>], vector<16xf32>,
        %scan3A_1194 = arith.constant 1 : i32
        %scan3A_1195 = arith.addi %scan3A_360, %scan3A_1194 : i32
        %get3A_1196 = arith.index_cast %scan3A_1195 : i32 to index
        %get3A_1197 = arith.constant 0 : index
        %get3A_1198 = tpu.vector_load %arg12[%get3A_1196, %get3A_1197] {strides = array<i32>} : memref<32x64xf32, #tpu.memory_space<vmem>>, vector<16xf32>,
        %get3A_1199 = arith.index_cast %scan3A_1195 : i32 to index
        %get3A_1200 = arith.constant 16 : index
        %get3A_1201 = tpu.vector_load %arg12[%get3A_1199, %get3A_1200] {strides = array<i32>} : memref<32x64xf32, #tpu.memory_space<vmem>>, vector<16xf32>,
        %get3A_1202 = arith.index_cast %scan3A_1195 : i32 to index
        %get3A_1203 = arith.constant 32 : index
        %get3A_1204 = tpu.vector_load %arg12[%get3A_1202, %get3A_1203] {strides = array<i32>} : memref<32x64xf32, #tpu.memory_space<vmem>>, vector<16xf32>,
        %get3A_1205 = arith.index_cast %scan3A_1195 : i32 to index
        %get3A_1206 = arith.constant 48 : index
        %get3A_1207 = tpu.vector_load %arg12[%get3A_1205, %get3A_1206] {strides = array<i32>} : memref<32x64xf32, #tpu.memory_space<vmem>>, vector<16xf32>,
        %get3A_1208 = arith.index_cast %scan3A_1195 : i32 to index
        %get3A_1209 = arith.constant 0 : index
        %get3A_1210 = tpu.vector_load %arg13[%get3A_1208, %get3A_1209] {strides = array<i32>} : memref<32x64xf32, #tpu.memory_space<vmem>>, vector<16xf32>,
        %get3A_1211 = arith.index_cast %scan3A_1195 : i32 to index
        %get3A_1212 = arith.constant 16 : index
        %get3A_1213 = tpu.vector_load %arg13[%get3A_1211, %get3A_1212] {strides = array<i32>} : memref<32x64xf32, #tpu.memory_space<vmem>>, vector<16xf32>,
        %get3A_1214 = arith.index_cast %scan3A_1195 : i32 to index
        %get3A_1215 = arith.constant 32 : index
        %get3A_1216 = tpu.vector_load %arg13[%get3A_1214, %get3A_1215] {strides = array<i32>} : memref<32x64xf32, #tpu.memory_space<vmem>>, vector<16xf32>,
        %get3A_1217 = arith.index_cast %scan3A_1195 : i32 to index
        %get3A_1218 = arith.constant 48 : index
        %get3A_1219 = tpu.vector_load %arg13[%get3A_1217, %get3A_1218] {strides = array<i32>} : memref<32x64xf32, #tpu.memory_space<vmem>>, vector<16xf32>,
        %mul3A_1220 = arith.mulf %get3A_1198, %get3A_1210 : vector<16xf32>
        %mul3A_1221 = arith.mulf %get3A_1201, %get3A_1213 : vector<16xf32>
        %add3A_1222 = arith.addf %mul3A_1220, %mul3A_1221 : vector<16xf32>
        %mul3A_1223 = arith.mulf %get3A_1204, %get3A_1216 : vector<16xf32>
        %add3A_1224 = arith.addf %add3A_1222, %mul3A_1223 : vector<16xf32>
        %mul3A_1225 = arith.mulf %get3A_1207, %get3A_1219 : vector<16xf32>
        %add3A_1226 = arith.addf %add3A_1224, %mul3A_1225 : vector<16xf32>
        %mul3A_1227 = arith.constant 25 : i32
        %mul3A_1228 = vector.broadcast %mul3A_1227 : i32 to vector<16xi32>
        %mul3A_1229 = arith.muli %iota3A, %mul3A_1228 : vector<16xi32>
        %add3A_1230 = arith.constant 0 : i32
        %add3A_1231 = vector.broadcast %add3A_1230 : i32 to vector<16xi32>
        %add3A_1232 = arith.addi %mul3A_1229, %add3A_1231 : vector<16xi32>
        tpu.vector_store_idx %arg15[%add3A_1232], %add3A_1226 : memref<416xf32, #tpu.memory_space<vmem>>[vector<16xi32>], vector<16xf32>,
        %mul3A_1233 = arith.constant 20 : i32
        %mul3A_1234 = arith.muli %scan3A_1195, %mul3A_1233 : i32
        %add3A_1235 = arith.constant 0 : i32
        %add3A_1236 = arith.addi %mul3A_1234, %add3A_1235 : i32
        %get3A_1237 = arith.index_cast %add3A_1236 : i32 to index
        %get3A_1238 = arith.constant 0 : index
        %get3A_1239 = tpu.vector_load %arg14[%get3A_1237, %get3A_1238] {strides = array<i32>} : memref<640x64xf32, #tpu.memory_space<vmem>>, vector<16xf32>,
        %get3A_1240 = arith.index_cast %add3A_1236 : i32 to index
        %get3A_1241 = arith.constant 16 : index
        %get3A_1242 = tpu.vector_load %arg14[%get3A_1240, %get3A_1241] {strides = array<i32>} : memref<640x64xf32, #tpu.memory_space<vmem>>, vector<16xf32>,
        %get3A_1243 = arith.index_cast %add3A_1236 : i32 to index
        %get3A_1244 = arith.constant 32 : index
        %get3A_1245 = tpu.vector_load %arg14[%get3A_1243, %get3A_1244] {strides = array<i32>} : memref<640x64xf32, #tpu.memory_space<vmem>>, vector<16xf32>,
        %get3A_1246 = arith.index_cast %add3A_1236 : i32 to index
        %get3A_1247 = arith.constant 48 : index
        %get3A_1248 = tpu.vector_load %arg14[%get3A_1246, %get3A_1247] {strides = array<i32>} : memref<640x64xf32, #tpu.memory_space<vmem>>, vector<16xf32>,
        %mul3A_1249 = arith.mulf %get3A_1198, %get3A_1239 : vector<16xf32>
        %mul3A_1250 = arith.mulf %get3A_1201, %get3A_1242 : vector<16xf32>
        %add3A_1251 = arith.addf %mul3A_1249, %mul3A_1250 : vector<16xf32>
        %mul3A_1252 = arith.mulf %get3A_1204, %get3A_1245 : vector<16xf32>
        %add3A_1253 = arith.addf %add3A_1251, %mul3A_1252 : vector<16xf32>
        %mul3A_1254 = arith.mulf %get3A_1207, %get3A_1248 : vector<16xf32>
        %add3A_1255 = arith.addf %add3A_1253, %mul3A_1254 : vector<16xf32>
        %mul3A_1256 = arith.constant 25 : i32
        %mul3A_1257 = vector.broadcast %mul3A_1256 : i32 to vector<16xi32>
        %mul3A_1258 = arith.muli %iota3A, %mul3A_1257 : vector<16xi32>
        %add3A_1259 = arith.constant 1 : i32
        %add3A_1260 = vector.broadcast %add3A_1259 : i32 to vector<16xi32>
        %add3A_1261 = arith.addi %mul3A_1258, %add3A_1260 : vector<16xi32>
        tpu.vector_store_idx %arg15[%add3A_1261], %add3A_1255 : memref<416xf32, #tpu.memory_space<vmem>>[vector<16xi32>], vector<16xf32>,
        %mul3A_1262 = arith.constant 20 : i32
        %mul3A_1263 = arith.muli %scan3A_1195, %mul3A_1262 : i32
        %add3A_1264 = arith.constant 1 : i32
        %add3A_1265 = arith.addi %mul3A_1263, %add3A_1264 : i32
        %get3A_1266 = arith.index_cast %add3A_1265 : i32 to index
        %get3A_1267 = arith.constant 0 : index
        %get3A_1268 = tpu.vector_load %arg14[%get3A_1266, %get3A_1267] {strides = array<i32>} : memref<640x64xf32, #tpu.memory_space<vmem>>, vector<16xf32>,
        %get3A_1269 = arith.index_cast %add3A_1265 : i32 to index
        %get3A_1270 = arith.constant 16 : index
        %get3A_1271 = tpu.vector_load %arg14[%get3A_1269, %get3A_1270] {strides = array<i32>} : memref<640x64xf32, #tpu.memory_space<vmem>>, vector<16xf32>,
        %get3A_1272 = arith.index_cast %add3A_1265 : i32 to index
        %get3A_1273 = arith.constant 32 : index
        %get3A_1274 = tpu.vector_load %arg14[%get3A_1272, %get3A_1273] {strides = array<i32>} : memref<640x64xf32, #tpu.memory_space<vmem>>, vector<16xf32>,
        %get3A_1275 = arith.index_cast %add3A_1265 : i32 to index
        %get3A_1276 = arith.constant 48 : index
        %get3A_1277 = tpu.vector_load %arg14[%get3A_1275, %get3A_1276] {strides = array<i32>} : memref<640x64xf32, #tpu.memory_space<vmem>>, vector<16xf32>,
        %mul3A_1278 = arith.mulf %get3A_1198, %get3A_1268 : vector<16xf32>
        %mul3A_1279 = arith.mulf %get3A_1201, %get3A_1271 : vector<16xf32>
        %add3A_1280 = arith.addf %mul3A_1278, %mul3A_1279 : vector<16xf32>
        %mul3A_1281 = arith.mulf %get3A_1204, %get3A_1274 : vector<16xf32>
        %add3A_1282 = arith.addf %add3A_1280, %mul3A_1281 : vector<16xf32>
        %mul3A_1283 = arith.mulf %get3A_1207, %get3A_1277 : vector<16xf32>
        %add3A_1284 = arith.addf %add3A_1282, %mul3A_1283 : vector<16xf32>
        %mul3A_1285 = arith.constant 25 : i32
        %mul3A_1286 = vector.broadcast %mul3A_1285 : i32 to vector<16xi32>
        %mul3A_1287 = arith.muli %iota3A, %mul3A_1286 : vector<16xi32>
        %add3A_1288 = arith.constant 2 : i32
        %add3A_1289 = vector.broadcast %add3A_1288 : i32 to vector<16xi32>
        %add3A_1290 = arith.addi %mul3A_1287, %add3A_1289 : vector<16xi32>
        tpu.vector_store_idx %arg15[%add3A_1290], %add3A_1284 : memref<416xf32, #tpu.memory_space<vmem>>[vector<16xi32>], vector<16xf32>,
        %mul3A_1291 = arith.constant 20 : i32
        %mul3A_1292 = arith.muli %scan3A_1195, %mul3A_1291 : i32
        %add3A_1293 = arith.constant 2 : i32
        %add3A_1294 = arith.addi %mul3A_1292, %add3A_1293 : i32
        %get3A_1295 = arith.index_cast %add3A_1294 : i32 to index
        %get3A_1296 = arith.constant 0 : index
        %get3A_1297 = tpu.vector_load %arg14[%get3A_1295, %get3A_1296] {strides = array<i32>} : memref<640x64xf32, #tpu.memory_space<vmem>>, vector<16xf32>,
        %get3A_1298 = arith.index_cast %add3A_1294 : i32 to index
        %get3A_1299 = arith.constant 16 : index
        %get3A_1300 = tpu.vector_load %arg14[%get3A_1298, %get3A_1299] {strides = array<i32>} : memref<640x64xf32, #tpu.memory_space<vmem>>, vector<16xf32>,
        %get3A_1301 = arith.index_cast %add3A_1294 : i32 to index
        %get3A_1302 = arith.constant 32 : index
        %get3A_1303 = tpu.vector_load %arg14[%get3A_1301, %get3A_1302] {strides = array<i32>} : memref<640x64xf32, #tpu.memory_space<vmem>>, vector<16xf32>,
        %get3A_1304 = arith.index_cast %add3A_1294 : i32 to index
        %get3A_1305 = arith.constant 48 : index
        %get3A_1306 = tpu.vector_load %arg14[%get3A_1304, %get3A_1305] {strides = array<i32>} : memref<640x64xf32, #tpu.memory_space<vmem>>, vector<16xf32>,
        %mul3A_1307 = arith.mulf %get3A_1198, %get3A_1297 : vector<16xf32>
        %mul3A_1308 = arith.mulf %get3A_1201, %get3A_1300 : vector<16xf32>
        %add3A_1309 = arith.addf %mul3A_1307, %mul3A_1308 : vector<16xf32>
        %mul3A_1310 = arith.mulf %get3A_1204, %get3A_1303 : vector<16xf32>
        %add3A_1311 = arith.addf %add3A_1309, %mul3A_1310 : vector<16xf32>
        %mul3A_1312 = arith.mulf %get3A_1207, %get3A_1306 : vector<16xf32>
        %add3A_1313 = arith.addf %add3A_1311, %mul3A_1312 : vector<16xf32>
        %mul3A_1314 = arith.constant 25 : i32
        %mul3A_1315 = vector.broadcast %mul3A_1314 : i32 to vector<16xi32>
        %mul3A_1316 = arith.muli %iota3A, %mul3A_1315 : vector<16xi32>
        %add3A_1317 = arith.constant 3 : i32
        %add3A_1318 = vector.broadcast %add3A_1317 : i32 to vector<16xi32>
        %add3A_1319 = arith.addi %mul3A_1316, %add3A_1318 : vector<16xi32>
        tpu.vector_store_idx %arg15[%add3A_1319], %add3A_1313 : memref<416xf32, #tpu.memory_space<vmem>>[vector<16xi32>], vector<16xf32>,
        %mul3A_1320 = arith.constant 20 : i32
        %mul3A_1321 = arith.muli %scan3A_1195, %mul3A_1320 : i32
        %add3A_1322 = arith.constant 3 : i32
        %add3A_1323 = arith.addi %mul3A_1321, %add3A_1322 : i32
        %get3A_1324 = arith.index_cast %add3A_1323 : i32 to index
        %get3A_1325 = arith.constant 0 : index
        %get3A_1326 = tpu.vector_load %arg14[%get3A_1324, %get3A_1325] {strides = array<i32>} : memref<640x64xf32, #tpu.memory_space<vmem>>, vector<16xf32>,
        %get3A_1327 = arith.index_cast %add3A_1323 : i32 to index
        %get3A_1328 = arith.constant 16 : index
        %get3A_1329 = tpu.vector_load %arg14[%get3A_1327, %get3A_1328] {strides = array<i32>} : memref<640x64xf32, #tpu.memory_space<vmem>>, vector<16xf32>,
        %get3A_1330 = arith.index_cast %add3A_1323 : i32 to index
        %get3A_1331 = arith.constant 32 : index
        %get3A_1332 = tpu.vector_load %arg14[%get3A_1330, %get3A_1331] {strides = array<i32>} : memref<640x64xf32, #tpu.memory_space<vmem>>, vector<16xf32>,
        %get3A_1333 = arith.index_cast %add3A_1323 : i32 to index
        %get3A_1334 = arith.constant 48 : index
        %get3A_1335 = tpu.vector_load %arg14[%get3A_1333, %get3A_1334] {strides = array<i32>} : memref<640x64xf32, #tpu.memory_space<vmem>>, vector<16xf32>,
        %mul3A_1336 = arith.mulf %get3A_1198, %get3A_1326 : vector<16xf32>
        %mul3A_1337 = arith.mulf %get3A_1201, %get3A_1329 : vector<16xf32>
        %add3A_1338 = arith.addf %mul3A_1336, %mul3A_1337 : vector<16xf32>
        %mul3A_1339 = arith.mulf %get3A_1204, %get3A_1332 : vector<16xf32>
        %add3A_1340 = arith.addf %add3A_1338, %mul3A_1339 : vector<16xf32>
        %mul3A_1341 = arith.mulf %get3A_1207, %get3A_1335 : vector<16xf32>
        %add3A_1342 = arith.addf %add3A_1340, %mul3A_1341 : vector<16xf32>
        %mul3A_1343 = arith.constant 25 : i32
        %mul3A_1344 = vector.broadcast %mul3A_1343 : i32 to vector<16xi32>
        %mul3A_1345 = arith.muli %iota3A, %mul3A_1344 : vector<16xi32>
        %add3A_1346 = arith.constant 4 : i32
        %add3A_1347 = vector.broadcast %add3A_1346 : i32 to vector<16xi32>
        %add3A_1348 = arith.addi %mul3A_1345, %add3A_1347 : vector<16xi32>
        tpu.vector_store_idx %arg15[%add3A_1348], %add3A_1342 : memref<416xf32, #tpu.memory_space<vmem>>[vector<16xi32>], vector<16xf32>,
        %mul3A_1349 = arith.constant 20 : i32
        %mul3A_1350 = arith.muli %scan3A_1195, %mul3A_1349 : i32
        %add3A_1351 = arith.constant 4 : i32
        %add3A_1352 = arith.addi %mul3A_1350, %add3A_1351 : i32
        %get3A_1353 = arith.index_cast %add3A_1352 : i32 to index
        %get3A_1354 = arith.constant 0 : index
        %get3A_1355 = tpu.vector_load %arg14[%get3A_1353, %get3A_1354] {strides = array<i32>} : memref<640x64xf32, #tpu.memory_space<vmem>>, vector<16xf32>,
        %get3A_1356 = arith.index_cast %add3A_1352 : i32 to index
        %get3A_1357 = arith.constant 16 : index
        %get3A_1358 = tpu.vector_load %arg14[%get3A_1356, %get3A_1357] {strides = array<i32>} : memref<640x64xf32, #tpu.memory_space<vmem>>, vector<16xf32>,
        %get3A_1359 = arith.index_cast %add3A_1352 : i32 to index
        %get3A_1360 = arith.constant 32 : index
        %get3A_1361 = tpu.vector_load %arg14[%get3A_1359, %get3A_1360] {strides = array<i32>} : memref<640x64xf32, #tpu.memory_space<vmem>>, vector<16xf32>,
        %get3A_1362 = arith.index_cast %add3A_1352 : i32 to index
        %get3A_1363 = arith.constant 48 : index
        %get3A_1364 = tpu.vector_load %arg14[%get3A_1362, %get3A_1363] {strides = array<i32>} : memref<640x64xf32, #tpu.memory_space<vmem>>, vector<16xf32>,
        %mul3A_1365 = arith.mulf %get3A_1198, %get3A_1355 : vector<16xf32>
        %mul3A_1366 = arith.mulf %get3A_1201, %get3A_1358 : vector<16xf32>
        %add3A_1367 = arith.addf %mul3A_1365, %mul3A_1366 : vector<16xf32>
        %mul3A_1368 = arith.mulf %get3A_1204, %get3A_1361 : vector<16xf32>
        %add3A_1369 = arith.addf %add3A_1367, %mul3A_1368 : vector<16xf32>
        %mul3A_1370 = arith.mulf %get3A_1207, %get3A_1364 : vector<16xf32>
        %add3A_1371 = arith.addf %add3A_1369, %mul3A_1370 : vector<16xf32>
        %mul3A_1372 = arith.constant 25 : i32
        %mul3A_1373 = vector.broadcast %mul3A_1372 : i32 to vector<16xi32>
        %mul3A_1374 = arith.muli %iota3A, %mul3A_1373 : vector<16xi32>
        %add3A_1375 = arith.constant 5 : i32
        %add3A_1376 = vector.broadcast %add3A_1375 : i32 to vector<16xi32>
        %add3A_1377 = arith.addi %mul3A_1374, %add3A_1376 : vector<16xi32>
        tpu.vector_store_idx %arg15[%add3A_1377], %add3A_1371 : memref<416xf32, #tpu.memory_space<vmem>>[vector<16xi32>], vector<16xf32>,
        %mul3A_1378 = arith.constant 20 : i32
        %mul3A_1379 = arith.muli %scan3A_1195, %mul3A_1378 : i32
        %add3A_1380 = arith.constant 5 : i32
        %add3A_1381 = arith.addi %mul3A_1379, %add3A_1380 : i32
        %get3A_1382 = arith.index_cast %add3A_1381 : i32 to index
        %get3A_1383 = arith.constant 0 : index
        %get3A_1384 = tpu.vector_load %arg14[%get3A_1382, %get3A_1383] {strides = array<i32>} : memref<640x64xf32, #tpu.memory_space<vmem>>, vector<16xf32>,
        %get3A_1385 = arith.index_cast %add3A_1381 : i32 to index
        %get3A_1386 = arith.constant 16 : index
        %get3A_1387 = tpu.vector_load %arg14[%get3A_1385, %get3A_1386] {strides = array<i32>} : memref<640x64xf32, #tpu.memory_space<vmem>>, vector<16xf32>,
        %get3A_1388 = arith.index_cast %add3A_1381 : i32 to index
        %get3A_1389 = arith.constant 32 : index
        %get3A_1390 = tpu.vector_load %arg14[%get3A_1388, %get3A_1389] {strides = array<i32>} : memref<640x64xf32, #tpu.memory_space<vmem>>, vector<16xf32>,
        %get3A_1391 = arith.index_cast %add3A_1381 : i32 to index
        %get3A_1392 = arith.constant 48 : index
        %get3A_1393 = tpu.vector_load %arg14[%get3A_1391, %get3A_1392] {strides = array<i32>} : memref<640x64xf32, #tpu.memory_space<vmem>>, vector<16xf32>,
        %mul3A_1394 = arith.mulf %get3A_1198, %get3A_1384 : vector<16xf32>
        %mul3A_1395 = arith.mulf %get3A_1201, %get3A_1387 : vector<16xf32>
        %add3A_1396 = arith.addf %mul3A_1394, %mul3A_1395 : vector<16xf32>
        %mul3A_1397 = arith.mulf %get3A_1204, %get3A_1390 : vector<16xf32>
        %add3A_1398 = arith.addf %add3A_1396, %mul3A_1397 : vector<16xf32>
        %mul3A_1399 = arith.mulf %get3A_1207, %get3A_1393 : vector<16xf32>
        %add3A_1400 = arith.addf %add3A_1398, %mul3A_1399 : vector<16xf32>
        %mul3A_1401 = arith.constant 25 : i32
        %mul3A_1402 = vector.broadcast %mul3A_1401 : i32 to vector<16xi32>
        %mul3A_1403 = arith.muli %iota3A, %mul3A_1402 : vector<16xi32>
        %add3A_1404 = arith.constant 6 : i32
        %add3A_1405 = vector.broadcast %add3A_1404 : i32 to vector<16xi32>
        %add3A_1406 = arith.addi %mul3A_1403, %add3A_1405 : vector<16xi32>
        tpu.vector_store_idx %arg15[%add3A_1406], %add3A_1400 : memref<416xf32, #tpu.memory_space<vmem>>[vector<16xi32>], vector<16xf32>,
        %mul3A_1407 = arith.constant 20 : i32
        %mul3A_1408 = arith.muli %scan3A_1195, %mul3A_1407 : i32
        %add3A_1409 = arith.constant 6 : i32
        %add3A_1410 = arith.addi %mul3A_1408, %add3A_1409 : i32
        %get3A_1411 = arith.index_cast %add3A_1410 : i32 to index
        %get3A_1412 = arith.constant 0 : index
        %get3A_1413 = tpu.vector_load %arg14[%get3A_1411, %get3A_1412] {strides = array<i32>} : memref<640x64xf32, #tpu.memory_space<vmem>>, vector<16xf32>,
        %get3A_1414 = arith.index_cast %add3A_1410 : i32 to index
        %get3A_1415 = arith.constant 16 : index
        %get3A_1416 = tpu.vector_load %arg14[%get3A_1414, %get3A_1415] {strides = array<i32>} : memref<640x64xf32, #tpu.memory_space<vmem>>, vector<16xf32>,
        %get3A_1417 = arith.index_cast %add3A_1410 : i32 to index
        %get3A_1418 = arith.constant 32 : index
        %get3A_1419 = tpu.vector_load %arg14[%get3A_1417, %get3A_1418] {strides = array<i32>} : memref<640x64xf32, #tpu.memory_space<vmem>>, vector<16xf32>,
        %get3A_1420 = arith.index_cast %add3A_1410 : i32 to index
        %get3A_1421 = arith.constant 48 : index
        %get3A_1422 = tpu.vector_load %arg14[%get3A_1420, %get3A_1421] {strides = array<i32>} : memref<640x64xf32, #tpu.memory_space<vmem>>, vector<16xf32>,
        %mul3A_1423 = arith.mulf %get3A_1198, %get3A_1413 : vector<16xf32>
        %mul3A_1424 = arith.mulf %get3A_1201, %get3A_1416 : vector<16xf32>
        %add3A_1425 = arith.addf %mul3A_1423, %mul3A_1424 : vector<16xf32>
        %mul3A_1426 = arith.mulf %get3A_1204, %get3A_1419 : vector<16xf32>
        %add3A_1427 = arith.addf %add3A_1425, %mul3A_1426 : vector<16xf32>
        %mul3A_1428 = arith.mulf %get3A_1207, %get3A_1422 : vector<16xf32>
        %add3A_1429 = arith.addf %add3A_1427, %mul3A_1428 : vector<16xf32>
        %mul3A_1430 = arith.constant 25 : i32
        %mul3A_1431 = vector.broadcast %mul3A_1430 : i32 to vector<16xi32>
        %mul3A_1432 = arith.muli %iota3A, %mul3A_1431 : vector<16xi32>
        %add3A_1433 = arith.constant 7 : i32
        %add3A_1434 = vector.broadcast %add3A_1433 : i32 to vector<16xi32>
        %add3A_1435 = arith.addi %mul3A_1432, %add3A_1434 : vector<16xi32>
        tpu.vector_store_idx %arg15[%add3A_1435], %add3A_1429 : memref<416xf32, #tpu.memory_space<vmem>>[vector<16xi32>], vector<16xf32>,
        %mul3A_1436 = arith.constant 20 : i32
        %mul3A_1437 = arith.muli %scan3A_1195, %mul3A_1436 : i32
        %add3A_1438 = arith.constant 7 : i32
        %add3A_1439 = arith.addi %mul3A_1437, %add3A_1438 : i32
        %get3A_1440 = arith.index_cast %add3A_1439 : i32 to index
        %get3A_1441 = arith.constant 0 : index
        %get3A_1442 = tpu.vector_load %arg14[%get3A_1440, %get3A_1441] {strides = array<i32>} : memref<640x64xf32, #tpu.memory_space<vmem>>, vector<16xf32>,
        %get3A_1443 = arith.index_cast %add3A_1439 : i32 to index
        %get3A_1444 = arith.constant 16 : index
        %get3A_1445 = tpu.vector_load %arg14[%get3A_1443, %get3A_1444] {strides = array<i32>} : memref<640x64xf32, #tpu.memory_space<vmem>>, vector<16xf32>,
        %get3A_1446 = arith.index_cast %add3A_1439 : i32 to index
        %get3A_1447 = arith.constant 32 : index
        %get3A_1448 = tpu.vector_load %arg14[%get3A_1446, %get3A_1447] {strides = array<i32>} : memref<640x64xf32, #tpu.memory_space<vmem>>, vector<16xf32>,
        %get3A_1449 = arith.index_cast %add3A_1439 : i32 to index
        %get3A_1450 = arith.constant 48 : index
        %get3A_1451 = tpu.vector_load %arg14[%get3A_1449, %get3A_1450] {strides = array<i32>} : memref<640x64xf32, #tpu.memory_space<vmem>>, vector<16xf32>,
        %mul3A_1452 = arith.mulf %get3A_1198, %get3A_1442 : vector<16xf32>
        %mul3A_1453 = arith.mulf %get3A_1201, %get3A_1445 : vector<16xf32>
        %add3A_1454 = arith.addf %mul3A_1452, %mul3A_1453 : vector<16xf32>
        %mul3A_1455 = arith.mulf %get3A_1204, %get3A_1448 : vector<16xf32>
        %add3A_1456 = arith.addf %add3A_1454, %mul3A_1455 : vector<16xf32>
        %mul3A_1457 = arith.mulf %get3A_1207, %get3A_1451 : vector<16xf32>
        %add3A_1458 = arith.addf %add3A_1456, %mul3A_1457 : vector<16xf32>
        %mul3A_1459 = arith.constant 25 : i32
        %mul3A_1460 = vector.broadcast %mul3A_1459 : i32 to vector<16xi32>
        %mul3A_1461 = arith.muli %iota3A, %mul3A_1460 : vector<16xi32>
        %add3A_1462 = arith.constant 8 : i32
        %add3A_1463 = vector.broadcast %add3A_1462 : i32 to vector<16xi32>
        %add3A_1464 = arith.addi %mul3A_1461, %add3A_1463 : vector<16xi32>
        tpu.vector_store_idx %arg15[%add3A_1464], %add3A_1458 : memref<416xf32, #tpu.memory_space<vmem>>[vector<16xi32>], vector<16xf32>,
        %mul3A_1465 = arith.constant 20 : i32
        %mul3A_1466 = arith.muli %scan3A_1195, %mul3A_1465 : i32
        %add3A_1467 = arith.constant 8 : i32
        %add3A_1468 = arith.addi %mul3A_1466, %add3A_1467 : i32
        %get3A_1469 = arith.index_cast %add3A_1468 : i32 to index
        %get3A_1470 = arith.constant 0 : index
        %get3A_1471 = tpu.vector_load %arg14[%get3A_1469, %get3A_1470] {strides = array<i32>} : memref<640x64xf32, #tpu.memory_space<vmem>>, vector<16xf32>,
        %get3A_1472 = arith.index_cast %add3A_1468 : i32 to index
        %get3A_1473 = arith.constant 16 : index
        %get3A_1474 = tpu.vector_load %arg14[%get3A_1472, %get3A_1473] {strides = array<i32>} : memref<640x64xf32, #tpu.memory_space<vmem>>, vector<16xf32>,
        %get3A_1475 = arith.index_cast %add3A_1468 : i32 to index
        %get3A_1476 = arith.constant 32 : index
        %get3A_1477 = tpu.vector_load %arg14[%get3A_1475, %get3A_1476] {strides = array<i32>} : memref<640x64xf32, #tpu.memory_space<vmem>>, vector<16xf32>,
        %get3A_1478 = arith.index_cast %add3A_1468 : i32 to index
        %get3A_1479 = arith.constant 48 : index
        %get3A_1480 = tpu.vector_load %arg14[%get3A_1478, %get3A_1479] {strides = array<i32>} : memref<640x64xf32, #tpu.memory_space<vmem>>, vector<16xf32>,
        %mul3A_1481 = arith.mulf %get3A_1198, %get3A_1471 : vector<16xf32>
        %mul3A_1482 = arith.mulf %get3A_1201, %get3A_1474 : vector<16xf32>
        %add3A_1483 = arith.addf %mul3A_1481, %mul3A_1482 : vector<16xf32>
        %mul3A_1484 = arith.mulf %get3A_1204, %get3A_1477 : vector<16xf32>
        %add3A_1485 = arith.addf %add3A_1483, %mul3A_1484 : vector<16xf32>
        %mul3A_1486 = arith.mulf %get3A_1207, %get3A_1480 : vector<16xf32>
        %add3A_1487 = arith.addf %add3A_1485, %mul3A_1486 : vector<16xf32>
        %mul3A_1488 = arith.constant 25 : i32
        %mul3A_1489 = vector.broadcast %mul3A_1488 : i32 to vector<16xi32>
        %mul3A_1490 = arith.muli %iota3A, %mul3A_1489 : vector<16xi32>
        %add3A_1491 = arith.constant 9 : i32
        %add3A_1492 = vector.broadcast %add3A_1491 : i32 to vector<16xi32>
        %add3A_1493 = arith.addi %mul3A_1490, %add3A_1492 : vector<16xi32>
        tpu.vector_store_idx %arg15[%add3A_1493], %add3A_1487 : memref<416xf32, #tpu.memory_space<vmem>>[vector<16xi32>], vector<16xf32>,
        %mul3A_1494 = arith.constant 20 : i32
        %mul3A_1495 = arith.muli %scan3A_1195, %mul3A_1494 : i32
        %add3A_1496 = arith.constant 9 : i32
        %add3A_1497 = arith.addi %mul3A_1495, %add3A_1496 : i32
        %get3A_1498 = arith.index_cast %add3A_1497 : i32 to index
        %get3A_1499 = arith.constant 0 : index
        %get3A_1500 = tpu.vector_load %arg14[%get3A_1498, %get3A_1499] {strides = array<i32>} : memref<640x64xf32, #tpu.memory_space<vmem>>, vector<16xf32>,
        %get3A_1501 = arith.index_cast %add3A_1497 : i32 to index
        %get3A_1502 = arith.constant 16 : index
        %get3A_1503 = tpu.vector_load %arg14[%get3A_1501, %get3A_1502] {strides = array<i32>} : memref<640x64xf32, #tpu.memory_space<vmem>>, vector<16xf32>,
        %get3A_1504 = arith.index_cast %add3A_1497 : i32 to index
        %get3A_1505 = arith.constant 32 : index
        %get3A_1506 = tpu.vector_load %arg14[%get3A_1504, %get3A_1505] {strides = array<i32>} : memref<640x64xf32, #tpu.memory_space<vmem>>, vector<16xf32>,
        %get3A_1507 = arith.index_cast %add3A_1497 : i32 to index
        %get3A_1508 = arith.constant 48 : index
        %get3A_1509 = tpu.vector_load %arg14[%get3A_1507, %get3A_1508] {strides = array<i32>} : memref<640x64xf32, #tpu.memory_space<vmem>>, vector<16xf32>,
        %mul3A_1510 = arith.mulf %get3A_1198, %get3A_1500 : vector<16xf32>
        %mul3A_1511 = arith.mulf %get3A_1201, %get3A_1503 : vector<16xf32>
        %add3A_1512 = arith.addf %mul3A_1510, %mul3A_1511 : vector<16xf32>
        %mul3A_1513 = arith.mulf %get3A_1204, %get3A_1506 : vector<16xf32>
        %add3A_1514 = arith.addf %add3A_1512, %mul3A_1513 : vector<16xf32>
        %mul3A_1515 = arith.mulf %get3A_1207, %get3A_1509 : vector<16xf32>
        %add3A_1516 = arith.addf %add3A_1514, %mul3A_1515 : vector<16xf32>
        %mul3A_1517 = arith.constant 25 : i32
        %mul3A_1518 = vector.broadcast %mul3A_1517 : i32 to vector<16xi32>
        %mul3A_1519 = arith.muli %iota3A, %mul3A_1518 : vector<16xi32>
        %add3A_1520 = arith.constant 10 : i32
        %add3A_1521 = vector.broadcast %add3A_1520 : i32 to vector<16xi32>
        %add3A_1522 = arith.addi %mul3A_1519, %add3A_1521 : vector<16xi32>
        tpu.vector_store_idx %arg15[%add3A_1522], %add3A_1516 : memref<416xf32, #tpu.memory_space<vmem>>[vector<16xi32>], vector<16xf32>,
        %mul3A_1523 = arith.constant 20 : i32
        %mul3A_1524 = arith.muli %scan3A_1195, %mul3A_1523 : i32
        %add3A_1525 = arith.constant 10 : i32
        %add3A_1526 = arith.addi %mul3A_1524, %add3A_1525 : i32
        %get3A_1527 = arith.index_cast %add3A_1526 : i32 to index
        %get3A_1528 = arith.constant 0 : index
        %get3A_1529 = tpu.vector_load %arg14[%get3A_1527, %get3A_1528] {strides = array<i32>} : memref<640x64xf32, #tpu.memory_space<vmem>>, vector<16xf32>,
        %get3A_1530 = arith.index_cast %add3A_1526 : i32 to index
        %get3A_1531 = arith.constant 16 : index
        %get3A_1532 = tpu.vector_load %arg14[%get3A_1530, %get3A_1531] {strides = array<i32>} : memref<640x64xf32, #tpu.memory_space<vmem>>, vector<16xf32>,
        %get3A_1533 = arith.index_cast %add3A_1526 : i32 to index
        %get3A_1534 = arith.constant 32 : index
        %get3A_1535 = tpu.vector_load %arg14[%get3A_1533, %get3A_1534] {strides = array<i32>} : memref<640x64xf32, #tpu.memory_space<vmem>>, vector<16xf32>,
        %get3A_1536 = arith.index_cast %add3A_1526 : i32 to index
        %get3A_1537 = arith.constant 48 : index
        %get3A_1538 = tpu.vector_load %arg14[%get3A_1536, %get3A_1537] {strides = array<i32>} : memref<640x64xf32, #tpu.memory_space<vmem>>, vector<16xf32>,
        %mul3A_1539 = arith.mulf %get3A_1198, %get3A_1529 : vector<16xf32>
        %mul3A_1540 = arith.mulf %get3A_1201, %get3A_1532 : vector<16xf32>
        %add3A_1541 = arith.addf %mul3A_1539, %mul3A_1540 : vector<16xf32>
        %mul3A_1542 = arith.mulf %get3A_1204, %get3A_1535 : vector<16xf32>
        %add3A_1543 = arith.addf %add3A_1541, %mul3A_1542 : vector<16xf32>
        %mul3A_1544 = arith.mulf %get3A_1207, %get3A_1538 : vector<16xf32>
        %add3A_1545 = arith.addf %add3A_1543, %mul3A_1544 : vector<16xf32>
        %mul3A_1546 = arith.constant 25 : i32
        %mul3A_1547 = vector.broadcast %mul3A_1546 : i32 to vector<16xi32>
        %mul3A_1548 = arith.muli %iota3A, %mul3A_1547 : vector<16xi32>
        %add3A_1549 = arith.constant 11 : i32
        %add3A_1550 = vector.broadcast %add3A_1549 : i32 to vector<16xi32>
        %add3A_1551 = arith.addi %mul3A_1548, %add3A_1550 : vector<16xi32>
        tpu.vector_store_idx %arg15[%add3A_1551], %add3A_1545 : memref<416xf32, #tpu.memory_space<vmem>>[vector<16xi32>], vector<16xf32>,
        %mul3A_1552 = arith.constant 20 : i32
        %mul3A_1553 = arith.muli %scan3A_1195, %mul3A_1552 : i32
        %add3A_1554 = arith.constant 11 : i32
        %add3A_1555 = arith.addi %mul3A_1553, %add3A_1554 : i32
        %get3A_1556 = arith.index_cast %add3A_1555 : i32 to index
        %get3A_1557 = arith.constant 0 : index
        %get3A_1558 = tpu.vector_load %arg14[%get3A_1556, %get3A_1557] {strides = array<i32>} : memref<640x64xf32, #tpu.memory_space<vmem>>, vector<16xf32>,
        %get3A_1559 = arith.index_cast %add3A_1555 : i32 to index
        %get3A_1560 = arith.constant 16 : index
        %get3A_1561 = tpu.vector_load %arg14[%get3A_1559, %get3A_1560] {strides = array<i32>} : memref<640x64xf32, #tpu.memory_space<vmem>>, vector<16xf32>,
        %get3A_1562 = arith.index_cast %add3A_1555 : i32 to index
        %get3A_1563 = arith.constant 32 : index
        %get3A_1564 = tpu.vector_load %arg14[%get3A_1562, %get3A_1563] {strides = array<i32>} : memref<640x64xf32, #tpu.memory_space<vmem>>, vector<16xf32>,
        %get3A_1565 = arith.index_cast %add3A_1555 : i32 to index
        %get3A_1566 = arith.constant 48 : index
        %get3A_1567 = tpu.vector_load %arg14[%get3A_1565, %get3A_1566] {strides = array<i32>} : memref<640x64xf32, #tpu.memory_space<vmem>>, vector<16xf32>,
        %mul3A_1568 = arith.mulf %get3A_1198, %get3A_1558 : vector<16xf32>
        %mul3A_1569 = arith.mulf %get3A_1201, %get3A_1561 : vector<16xf32>
        %add3A_1570 = arith.addf %mul3A_1568, %mul3A_1569 : vector<16xf32>
        %mul3A_1571 = arith.mulf %get3A_1204, %get3A_1564 : vector<16xf32>
        %add3A_1572 = arith.addf %add3A_1570, %mul3A_1571 : vector<16xf32>
        %mul3A_1573 = arith.mulf %get3A_1207, %get3A_1567 : vector<16xf32>
        %add3A_1574 = arith.addf %add3A_1572, %mul3A_1573 : vector<16xf32>
        %mul3A_1575 = arith.constant 25 : i32
        %mul3A_1576 = vector.broadcast %mul3A_1575 : i32 to vector<16xi32>
        %mul3A_1577 = arith.muli %iota3A, %mul3A_1576 : vector<16xi32>
        %add3A_1578 = arith.constant 12 : i32
        %add3A_1579 = vector.broadcast %add3A_1578 : i32 to vector<16xi32>
        %add3A_1580 = arith.addi %mul3A_1577, %add3A_1579 : vector<16xi32>
        tpu.vector_store_idx %arg15[%add3A_1580], %add3A_1574 : memref<416xf32, #tpu.memory_space<vmem>>[vector<16xi32>], vector<16xf32>,
        %mul3A_1581 = arith.constant 20 : i32
        %mul3A_1582 = arith.muli %scan3A_1195, %mul3A_1581 : i32
        %add3A_1583 = arith.constant 12 : i32
        %add3A_1584 = arith.addi %mul3A_1582, %add3A_1583 : i32
        %get3A_1585 = arith.index_cast %add3A_1584 : i32 to index
        %get3A_1586 = arith.constant 0 : index
        %get3A_1587 = tpu.vector_load %arg14[%get3A_1585, %get3A_1586] {strides = array<i32>} : memref<640x64xf32, #tpu.memory_space<vmem>>, vector<16xf32>,
        %get3A_1588 = arith.index_cast %add3A_1584 : i32 to index
        %get3A_1589 = arith.constant 16 : index
        %get3A_1590 = tpu.vector_load %arg14[%get3A_1588, %get3A_1589] {strides = array<i32>} : memref<640x64xf32, #tpu.memory_space<vmem>>, vector<16xf32>,
        %get3A_1591 = arith.index_cast %add3A_1584 : i32 to index
        %get3A_1592 = arith.constant 32 : index
        %get3A_1593 = tpu.vector_load %arg14[%get3A_1591, %get3A_1592] {strides = array<i32>} : memref<640x64xf32, #tpu.memory_space<vmem>>, vector<16xf32>,
        %get3A_1594 = arith.index_cast %add3A_1584 : i32 to index
        %get3A_1595 = arith.constant 48 : index
        %get3A_1596 = tpu.vector_load %arg14[%get3A_1594, %get3A_1595] {strides = array<i32>} : memref<640x64xf32, #tpu.memory_space<vmem>>, vector<16xf32>,
        %mul3A_1597 = arith.mulf %get3A_1198, %get3A_1587 : vector<16xf32>
        %mul3A_1598 = arith.mulf %get3A_1201, %get3A_1590 : vector<16xf32>
        %add3A_1599 = arith.addf %mul3A_1597, %mul3A_1598 : vector<16xf32>
        %mul3A_1600 = arith.mulf %get3A_1204, %get3A_1593 : vector<16xf32>
        %add3A_1601 = arith.addf %add3A_1599, %mul3A_1600 : vector<16xf32>
        %mul3A_1602 = arith.mulf %get3A_1207, %get3A_1596 : vector<16xf32>
        %add3A_1603 = arith.addf %add3A_1601, %mul3A_1602 : vector<16xf32>
        %mul3A_1604 = arith.constant 25 : i32
        %mul3A_1605 = vector.broadcast %mul3A_1604 : i32 to vector<16xi32>
        %mul3A_1606 = arith.muli %iota3A, %mul3A_1605 : vector<16xi32>
        %add3A_1607 = arith.constant 13 : i32
        %add3A_1608 = vector.broadcast %add3A_1607 : i32 to vector<16xi32>
        %add3A_1609 = arith.addi %mul3A_1606, %add3A_1608 : vector<16xi32>
        tpu.vector_store_idx %arg15[%add3A_1609], %add3A_1603 : memref<416xf32, #tpu.memory_space<vmem>>[vector<16xi32>], vector<16xf32>,
        %mul3A_1610 = arith.constant 20 : i32
        %mul3A_1611 = arith.muli %scan3A_1195, %mul3A_1610 : i32
        %add3A_1612 = arith.constant 13 : i32
        %add3A_1613 = arith.addi %mul3A_1611, %add3A_1612 : i32
        %get3A_1614 = arith.index_cast %add3A_1613 : i32 to index
        %get3A_1615 = arith.constant 0 : index
        %get3A_1616 = tpu.vector_load %arg14[%get3A_1614, %get3A_1615] {strides = array<i32>} : memref<640x64xf32, #tpu.memory_space<vmem>>, vector<16xf32>,
        %get3A_1617 = arith.index_cast %add3A_1613 : i32 to index
        %get3A_1618 = arith.constant 16 : index
        %get3A_1619 = tpu.vector_load %arg14[%get3A_1617, %get3A_1618] {strides = array<i32>} : memref<640x64xf32, #tpu.memory_space<vmem>>, vector<16xf32>,
        %get3A_1620 = arith.index_cast %add3A_1613 : i32 to index
        %get3A_1621 = arith.constant 32 : index
        %get3A_1622 = tpu.vector_load %arg14[%get3A_1620, %get3A_1621] {strides = array<i32>} : memref<640x64xf32, #tpu.memory_space<vmem>>, vector<16xf32>,
        %get3A_1623 = arith.index_cast %add3A_1613 : i32 to index
        %get3A_1624 = arith.constant 48 : index
        %get3A_1625 = tpu.vector_load %arg14[%get3A_1623, %get3A_1624] {strides = array<i32>} : memref<640x64xf32, #tpu.memory_space<vmem>>, vector<16xf32>,
        %mul3A_1626 = arith.mulf %get3A_1198, %get3A_1616 : vector<16xf32>
        %mul3A_1627 = arith.mulf %get3A_1201, %get3A_1619 : vector<16xf32>
        %add3A_1628 = arith.addf %mul3A_1626, %mul3A_1627 : vector<16xf32>
        %mul3A_1629 = arith.mulf %get3A_1204, %get3A_1622 : vector<16xf32>
        %add3A_1630 = arith.addf %add3A_1628, %mul3A_1629 : vector<16xf32>
        %mul3A_1631 = arith.mulf %get3A_1207, %get3A_1625 : vector<16xf32>
        %add3A_1632 = arith.addf %add3A_1630, %mul3A_1631 : vector<16xf32>
        %mul3A_1633 = arith.constant 25 : i32
        %mul3A_1634 = vector.broadcast %mul3A_1633 : i32 to vector<16xi32>
        %mul3A_1635 = arith.muli %iota3A, %mul3A_1634 : vector<16xi32>
        %add3A_1636 = arith.constant 14 : i32
        %add3A_1637 = vector.broadcast %add3A_1636 : i32 to vector<16xi32>
        %add3A_1638 = arith.addi %mul3A_1635, %add3A_1637 : vector<16xi32>
        tpu.vector_store_idx %arg15[%add3A_1638], %add3A_1632 : memref<416xf32, #tpu.memory_space<vmem>>[vector<16xi32>], vector<16xf32>,
        %mul3A_1639 = arith.constant 20 : i32
        %mul3A_1640 = arith.muli %scan3A_1195, %mul3A_1639 : i32
        %add3A_1641 = arith.constant 14 : i32
        %add3A_1642 = arith.addi %mul3A_1640, %add3A_1641 : i32
        %get3A_1643 = arith.index_cast %add3A_1642 : i32 to index
        %get3A_1644 = arith.constant 0 : index
        %get3A_1645 = tpu.vector_load %arg14[%get3A_1643, %get3A_1644] {strides = array<i32>} : memref<640x64xf32, #tpu.memory_space<vmem>>, vector<16xf32>,
        %get3A_1646 = arith.index_cast %add3A_1642 : i32 to index
        %get3A_1647 = arith.constant 16 : index
        %get3A_1648 = tpu.vector_load %arg14[%get3A_1646, %get3A_1647] {strides = array<i32>} : memref<640x64xf32, #tpu.memory_space<vmem>>, vector<16xf32>,
        %get3A_1649 = arith.index_cast %add3A_1642 : i32 to index
        %get3A_1650 = arith.constant 32 : index
        %get3A_1651 = tpu.vector_load %arg14[%get3A_1649, %get3A_1650] {strides = array<i32>} : memref<640x64xf32, #tpu.memory_space<vmem>>, vector<16xf32>,
        %get3A_1652 = arith.index_cast %add3A_1642 : i32 to index
        %get3A_1653 = arith.constant 48 : index
        %get3A_1654 = tpu.vector_load %arg14[%get3A_1652, %get3A_1653] {strides = array<i32>} : memref<640x64xf32, #tpu.memory_space<vmem>>, vector<16xf32>,
        %mul3A_1655 = arith.mulf %get3A_1198, %get3A_1645 : vector<16xf32>
        %mul3A_1656 = arith.mulf %get3A_1201, %get3A_1648 : vector<16xf32>
        %add3A_1657 = arith.addf %mul3A_1655, %mul3A_1656 : vector<16xf32>
        %mul3A_1658 = arith.mulf %get3A_1204, %get3A_1651 : vector<16xf32>
        %add3A_1659 = arith.addf %add3A_1657, %mul3A_1658 : vector<16xf32>
        %mul3A_1660 = arith.mulf %get3A_1207, %get3A_1654 : vector<16xf32>
        %add3A_1661 = arith.addf %add3A_1659, %mul3A_1660 : vector<16xf32>
        %mul3A_1662 = arith.constant 25 : i32
        %mul3A_1663 = vector.broadcast %mul3A_1662 : i32 to vector<16xi32>
        %mul3A_1664 = arith.muli %iota3A, %mul3A_1663 : vector<16xi32>
        %add3A_1665 = arith.constant 15 : i32
        %add3A_1666 = vector.broadcast %add3A_1665 : i32 to vector<16xi32>
        %add3A_1667 = arith.addi %mul3A_1664, %add3A_1666 : vector<16xi32>
        tpu.vector_store_idx %arg15[%add3A_1667], %add3A_1661 : memref<416xf32, #tpu.memory_space<vmem>>[vector<16xi32>], vector<16xf32>,
        %mul3A_1668 = arith.constant 20 : i32
        %mul3A_1669 = arith.muli %scan3A_1195, %mul3A_1668 : i32
        %add3A_1670 = arith.constant 15 : i32
        %add3A_1671 = arith.addi %mul3A_1669, %add3A_1670 : i32
        %get3A_1672 = arith.index_cast %add3A_1671 : i32 to index
        %get3A_1673 = arith.constant 0 : index
        %get3A_1674 = tpu.vector_load %arg14[%get3A_1672, %get3A_1673] {strides = array<i32>} : memref<640x64xf32, #tpu.memory_space<vmem>>, vector<16xf32>,
        %get3A_1675 = arith.index_cast %add3A_1671 : i32 to index
        %get3A_1676 = arith.constant 16 : index
        %get3A_1677 = tpu.vector_load %arg14[%get3A_1675, %get3A_1676] {strides = array<i32>} : memref<640x64xf32, #tpu.memory_space<vmem>>, vector<16xf32>,
        %get3A_1678 = arith.index_cast %add3A_1671 : i32 to index
        %get3A_1679 = arith.constant 32 : index
        %get3A_1680 = tpu.vector_load %arg14[%get3A_1678, %get3A_1679] {strides = array<i32>} : memref<640x64xf32, #tpu.memory_space<vmem>>, vector<16xf32>,
        %get3A_1681 = arith.index_cast %add3A_1671 : i32 to index
        %get3A_1682 = arith.constant 48 : index
        %get3A_1683 = tpu.vector_load %arg14[%get3A_1681, %get3A_1682] {strides = array<i32>} : memref<640x64xf32, #tpu.memory_space<vmem>>, vector<16xf32>,
        %mul3A_1684 = arith.mulf %get3A_1198, %get3A_1674 : vector<16xf32>
        %mul3A_1685 = arith.mulf %get3A_1201, %get3A_1677 : vector<16xf32>
        %add3A_1686 = arith.addf %mul3A_1684, %mul3A_1685 : vector<16xf32>
        %mul3A_1687 = arith.mulf %get3A_1204, %get3A_1680 : vector<16xf32>
        %add3A_1688 = arith.addf %add3A_1686, %mul3A_1687 : vector<16xf32>
        %mul3A_1689 = arith.mulf %get3A_1207, %get3A_1683 : vector<16xf32>
        %add3A_1690 = arith.addf %add3A_1688, %mul3A_1689 : vector<16xf32>
        %mul3A_1691 = arith.constant 25 : i32
        %mul3A_1692 = vector.broadcast %mul3A_1691 : i32 to vector<16xi32>
        %mul3A_1693 = arith.muli %iota3A, %mul3A_1692 : vector<16xi32>
        %add3A_1694 = arith.constant 16 : i32
        %add3A_1695 = vector.broadcast %add3A_1694 : i32 to vector<16xi32>
        %add3A_1696 = arith.addi %mul3A_1693, %add3A_1695 : vector<16xi32>
        tpu.vector_store_idx %arg15[%add3A_1696], %add3A_1690 : memref<416xf32, #tpu.memory_space<vmem>>[vector<16xi32>], vector<16xf32>,
        %mul3A_1697 = arith.constant 20 : i32
        %mul3A_1698 = arith.muli %scan3A_1195, %mul3A_1697 : i32
        %add3A_1699 = arith.constant 16 : i32
        %add3A_1700 = arith.addi %mul3A_1698, %add3A_1699 : i32
        %get3A_1701 = arith.index_cast %add3A_1700 : i32 to index
        %get3A_1702 = arith.constant 0 : index
        %get3A_1703 = tpu.vector_load %arg14[%get3A_1701, %get3A_1702] {strides = array<i32>} : memref<640x64xf32, #tpu.memory_space<vmem>>, vector<16xf32>,
        %get3A_1704 = arith.index_cast %add3A_1700 : i32 to index
        %get3A_1705 = arith.constant 16 : index
        %get3A_1706 = tpu.vector_load %arg14[%get3A_1704, %get3A_1705] {strides = array<i32>} : memref<640x64xf32, #tpu.memory_space<vmem>>, vector<16xf32>,
        %get3A_1707 = arith.index_cast %add3A_1700 : i32 to index
        %get3A_1708 = arith.constant 32 : index
        %get3A_1709 = tpu.vector_load %arg14[%get3A_1707, %get3A_1708] {strides = array<i32>} : memref<640x64xf32, #tpu.memory_space<vmem>>, vector<16xf32>,
        %get3A_1710 = arith.index_cast %add3A_1700 : i32 to index
        %get3A_1711 = arith.constant 48 : index
        %get3A_1712 = tpu.vector_load %arg14[%get3A_1710, %get3A_1711] {strides = array<i32>} : memref<640x64xf32, #tpu.memory_space<vmem>>, vector<16xf32>,
        %mul3A_1713 = arith.mulf %get3A_1198, %get3A_1703 : vector<16xf32>
        %mul3A_1714 = arith.mulf %get3A_1201, %get3A_1706 : vector<16xf32>
        %add3A_1715 = arith.addf %mul3A_1713, %mul3A_1714 : vector<16xf32>
        %mul3A_1716 = arith.mulf %get3A_1204, %get3A_1709 : vector<16xf32>
        %add3A_1717 = arith.addf %add3A_1715, %mul3A_1716 : vector<16xf32>
        %mul3A_1718 = arith.mulf %get3A_1207, %get3A_1712 : vector<16xf32>
        %add3A_1719 = arith.addf %add3A_1717, %mul3A_1718 : vector<16xf32>
        %mul3A_1720 = arith.constant 25 : i32
        %mul3A_1721 = vector.broadcast %mul3A_1720 : i32 to vector<16xi32>
        %mul3A_1722 = arith.muli %iota3A, %mul3A_1721 : vector<16xi32>
        %add3A_1723 = arith.constant 17 : i32
        %add3A_1724 = vector.broadcast %add3A_1723 : i32 to vector<16xi32>
        %add3A_1725 = arith.addi %mul3A_1722, %add3A_1724 : vector<16xi32>
        tpu.vector_store_idx %arg15[%add3A_1725], %add3A_1719 : memref<416xf32, #tpu.memory_space<vmem>>[vector<16xi32>], vector<16xf32>,
        %mul3A_1726 = arith.constant 20 : i32
        %mul3A_1727 = arith.muli %scan3A_1195, %mul3A_1726 : i32
        %add3A_1728 = arith.constant 17 : i32
        %add3A_1729 = arith.addi %mul3A_1727, %add3A_1728 : i32
        %get3A_1730 = arith.index_cast %add3A_1729 : i32 to index
        %get3A_1731 = arith.constant 0 : index
        %get3A_1732 = tpu.vector_load %arg14[%get3A_1730, %get3A_1731] {strides = array<i32>} : memref<640x64xf32, #tpu.memory_space<vmem>>, vector<16xf32>,
        %get3A_1733 = arith.index_cast %add3A_1729 : i32 to index
        %get3A_1734 = arith.constant 16 : index
        %get3A_1735 = tpu.vector_load %arg14[%get3A_1733, %get3A_1734] {strides = array<i32>} : memref<640x64xf32, #tpu.memory_space<vmem>>, vector<16xf32>,
        %get3A_1736 = arith.index_cast %add3A_1729 : i32 to index
        %get3A_1737 = arith.constant 32 : index
        %get3A_1738 = tpu.vector_load %arg14[%get3A_1736, %get3A_1737] {strides = array<i32>} : memref<640x64xf32, #tpu.memory_space<vmem>>, vector<16xf32>,
        %get3A_1739 = arith.index_cast %add3A_1729 : i32 to index
        %get3A_1740 = arith.constant 48 : index
        %get3A_1741 = tpu.vector_load %arg14[%get3A_1739, %get3A_1740] {strides = array<i32>} : memref<640x64xf32, #tpu.memory_space<vmem>>, vector<16xf32>,
        %mul3A_1742 = arith.mulf %get3A_1198, %get3A_1732 : vector<16xf32>
        %mul3A_1743 = arith.mulf %get3A_1201, %get3A_1735 : vector<16xf32>
        %add3A_1744 = arith.addf %mul3A_1742, %mul3A_1743 : vector<16xf32>
        %mul3A_1745 = arith.mulf %get3A_1204, %get3A_1738 : vector<16xf32>
        %add3A_1746 = arith.addf %add3A_1744, %mul3A_1745 : vector<16xf32>
        %mul3A_1747 = arith.mulf %get3A_1207, %get3A_1741 : vector<16xf32>
        %add3A_1748 = arith.addf %add3A_1746, %mul3A_1747 : vector<16xf32>
        %mul3A_1749 = arith.constant 25 : i32
        %mul3A_1750 = vector.broadcast %mul3A_1749 : i32 to vector<16xi32>
        %mul3A_1751 = arith.muli %iota3A, %mul3A_1750 : vector<16xi32>
        %add3A_1752 = arith.constant 18 : i32
        %add3A_1753 = vector.broadcast %add3A_1752 : i32 to vector<16xi32>
        %add3A_1754 = arith.addi %mul3A_1751, %add3A_1753 : vector<16xi32>
        tpu.vector_store_idx %arg15[%add3A_1754], %add3A_1748 : memref<416xf32, #tpu.memory_space<vmem>>[vector<16xi32>], vector<16xf32>,
        %mul3A_1755 = arith.constant 20 : i32
        %mul3A_1756 = arith.muli %scan3A_1195, %mul3A_1755 : i32
        %add3A_1757 = arith.constant 18 : i32
        %add3A_1758 = arith.addi %mul3A_1756, %add3A_1757 : i32
        %get3A_1759 = arith.index_cast %add3A_1758 : i32 to index
        %get3A_1760 = arith.constant 0 : index
        %get3A_1761 = tpu.vector_load %arg14[%get3A_1759, %get3A_1760] {strides = array<i32>} : memref<640x64xf32, #tpu.memory_space<vmem>>, vector<16xf32>,
        %get3A_1762 = arith.index_cast %add3A_1758 : i32 to index
        %get3A_1763 = arith.constant 16 : index
        %get3A_1764 = tpu.vector_load %arg14[%get3A_1762, %get3A_1763] {strides = array<i32>} : memref<640x64xf32, #tpu.memory_space<vmem>>, vector<16xf32>,
        %get3A_1765 = arith.index_cast %add3A_1758 : i32 to index
        %get3A_1766 = arith.constant 32 : index
        %get3A_1767 = tpu.vector_load %arg14[%get3A_1765, %get3A_1766] {strides = array<i32>} : memref<640x64xf32, #tpu.memory_space<vmem>>, vector<16xf32>,
        %get3A_1768 = arith.index_cast %add3A_1758 : i32 to index
        %get3A_1769 = arith.constant 48 : index
        %get3A_1770 = tpu.vector_load %arg14[%get3A_1768, %get3A_1769] {strides = array<i32>} : memref<640x64xf32, #tpu.memory_space<vmem>>, vector<16xf32>,
        %mul3A_1771 = arith.mulf %get3A_1198, %get3A_1761 : vector<16xf32>
        %mul3A_1772 = arith.mulf %get3A_1201, %get3A_1764 : vector<16xf32>
        %add3A_1773 = arith.addf %mul3A_1771, %mul3A_1772 : vector<16xf32>
        %mul3A_1774 = arith.mulf %get3A_1204, %get3A_1767 : vector<16xf32>
        %add3A_1775 = arith.addf %add3A_1773, %mul3A_1774 : vector<16xf32>
        %mul3A_1776 = arith.mulf %get3A_1207, %get3A_1770 : vector<16xf32>
        %add3A_1777 = arith.addf %add3A_1775, %mul3A_1776 : vector<16xf32>
        %mul3A_1778 = arith.constant 25 : i32
        %mul3A_1779 = vector.broadcast %mul3A_1778 : i32 to vector<16xi32>
        %mul3A_1780 = arith.muli %iota3A, %mul3A_1779 : vector<16xi32>
        %add3A_1781 = arith.constant 19 : i32
        %add3A_1782 = vector.broadcast %add3A_1781 : i32 to vector<16xi32>
        %add3A_1783 = arith.addi %mul3A_1780, %add3A_1782 : vector<16xi32>
        tpu.vector_store_idx %arg15[%add3A_1783], %add3A_1777 : memref<416xf32, #tpu.memory_space<vmem>>[vector<16xi32>], vector<16xf32>,
        %mul3A_1784 = arith.constant 20 : i32
        %mul3A_1785 = arith.muli %scan3A_1195, %mul3A_1784 : i32
        %add3A_1786 = arith.constant 19 : i32
        %add3A_1787 = arith.addi %mul3A_1785, %add3A_1786 : i32
        %get3A_1788 = arith.index_cast %add3A_1787 : i32 to index
        %get3A_1789 = arith.constant 0 : index
        %get3A_1790 = tpu.vector_load %arg14[%get3A_1788, %get3A_1789] {strides = array<i32>} : memref<640x64xf32, #tpu.memory_space<vmem>>, vector<16xf32>,
        %get3A_1791 = arith.index_cast %add3A_1787 : i32 to index
        %get3A_1792 = arith.constant 16 : index
        %get3A_1793 = tpu.vector_load %arg14[%get3A_1791, %get3A_1792] {strides = array<i32>} : memref<640x64xf32, #tpu.memory_space<vmem>>, vector<16xf32>,
        %get3A_1794 = arith.index_cast %add3A_1787 : i32 to index
        %get3A_1795 = arith.constant 32 : index
        %get3A_1796 = tpu.vector_load %arg14[%get3A_1794, %get3A_1795] {strides = array<i32>} : memref<640x64xf32, #tpu.memory_space<vmem>>, vector<16xf32>,
        %get3A_1797 = arith.index_cast %add3A_1787 : i32 to index
        %get3A_1798 = arith.constant 48 : index
        %get3A_1799 = tpu.vector_load %arg14[%get3A_1797, %get3A_1798] {strides = array<i32>} : memref<640x64xf32, #tpu.memory_space<vmem>>, vector<16xf32>,
        %mul3A_1800 = arith.mulf %get3A_1198, %get3A_1790 : vector<16xf32>
        %mul3A_1801 = arith.mulf %get3A_1201, %get3A_1793 : vector<16xf32>
        %add3A_1802 = arith.addf %mul3A_1800, %mul3A_1801 : vector<16xf32>
        %mul3A_1803 = arith.mulf %get3A_1204, %get3A_1796 : vector<16xf32>
        %add3A_1804 = arith.addf %add3A_1802, %mul3A_1803 : vector<16xf32>
        %mul3A_1805 = arith.mulf %get3A_1207, %get3A_1799 : vector<16xf32>
        %add3A_1806 = arith.addf %add3A_1804, %mul3A_1805 : vector<16xf32>
        %mul3A_1807 = arith.constant 25 : i32
        %mul3A_1808 = vector.broadcast %mul3A_1807 : i32 to vector<16xi32>
        %mul3A_1809 = arith.muli %iota3A, %mul3A_1808 : vector<16xi32>
        %add3A_1810 = arith.constant 20 : i32
        %add3A_1811 = vector.broadcast %add3A_1810 : i32 to vector<16xi32>
        %add3A_1812 = arith.addi %mul3A_1809, %add3A_1811 : vector<16xi32>
        tpu.vector_store_idx %arg15[%add3A_1812], %add3A_1806 : memref<416xf32, #tpu.memory_space<vmem>>[vector<16xi32>], vector<16xf32>,
        %gather3A_1813 = tpu.vector_load_idx %arg15[%iota3A] : memref<416xf32, #tpu.memory_space<vmem>>[vector<16xi32>], vector<16xf32>,
        %add3A_1814 = arith.constant 16 : i32
        %add3A_1815 = vector.broadcast %add3A_1814 : i32 to vector<16xi32>
        %add3A_1816 = arith.addi %iota3A, %add3A_1815 : vector<16xi32>
        %gather3A_1817 = tpu.vector_load_idx %arg15[%add3A_1816] : memref<416xf32, #tpu.memory_space<vmem>>[vector<16xi32>], vector<16xf32>,
        %add3A_1818 = arith.constant 25 : i32
        %add3A_1819 = vector.broadcast %add3A_1818 : i32 to vector<16xi32>
        %add3A_1820 = arith.addi %iota3A, %add3A_1819 : vector<16xi32>
        %gather3A_1821 = tpu.vector_load_idx %arg15[%add3A_1820] : memref<416xf32, #tpu.memory_space<vmem>>[vector<16xi32>], vector<16xf32>,
        %add3A_1822 = arith.addf %gather3A_1813, %gather3A_1821 : vector<16xf32>
        %add3A_1823 = arith.constant 25 : i32
        %add3A_1824 = vector.broadcast %add3A_1823 : i32 to vector<16xi32>
        %add3A_1825 = arith.addi %iota3A, %add3A_1824 : vector<16xi32>
        %add3A_1826 = arith.constant 16 : i32
        %add3A_1827 = vector.broadcast %add3A_1826 : i32 to vector<16xi32>
        %add3A_1828 = arith.addi %add3A_1825, %add3A_1827 : vector<16xi32>
        %gather3A_1829 = tpu.vector_load_idx %arg15[%add3A_1828] : memref<416xf32, #tpu.memory_space<vmem>>[vector<16xi32>], vector<16xf32>,
        %add3A_1830 = arith.addf %gather3A_1817, %gather3A_1829 : vector<16xf32>
        %add3A_1831 = arith.constant 50 : i32
        %add3A_1832 = vector.broadcast %add3A_1831 : i32 to vector<16xi32>
        %add3A_1833 = arith.addi %iota3A, %add3A_1832 : vector<16xi32>
        %gather3A_1834 = tpu.vector_load_idx %arg15[%add3A_1833] : memref<416xf32, #tpu.memory_space<vmem>>[vector<16xi32>], vector<16xf32>,
        %add3A_1835 = arith.addf %add3A_1822, %gather3A_1834 : vector<16xf32>
        %add3A_1836 = arith.constant 50 : i32
        %add3A_1837 = vector.broadcast %add3A_1836 : i32 to vector<16xi32>
        %add3A_1838 = arith.addi %iota3A, %add3A_1837 : vector<16xi32>
        %add3A_1839 = arith.constant 16 : i32
        %add3A_1840 = vector.broadcast %add3A_1839 : i32 to vector<16xi32>
        %add3A_1841 = arith.addi %add3A_1838, %add3A_1840 : vector<16xi32>
        %gather3A_1842 = tpu.vector_load_idx %arg15[%add3A_1841] : memref<416xf32, #tpu.memory_space<vmem>>[vector<16xi32>], vector<16xf32>,
        %add3A_1843 = arith.addf %add3A_1830, %gather3A_1842 : vector<16xf32>
        %add3A_1844 = arith.constant 75 : i32
        %add3A_1845 = vector.broadcast %add3A_1844 : i32 to vector<16xi32>
        %add3A_1846 = arith.addi %iota3A, %add3A_1845 : vector<16xi32>
        %gather3A_1847 = tpu.vector_load_idx %arg15[%add3A_1846] : memref<416xf32, #tpu.memory_space<vmem>>[vector<16xi32>], vector<16xf32>,
        %add3A_1848 = arith.addf %add3A_1835, %gather3A_1847 : vector<16xf32>
        %add3A_1849 = arith.constant 75 : i32
        %add3A_1850 = vector.broadcast %add3A_1849 : i32 to vector<16xi32>
        %add3A_1851 = arith.addi %iota3A, %add3A_1850 : vector<16xi32>
        %add3A_1852 = arith.constant 16 : i32
        %add3A_1853 = vector.broadcast %add3A_1852 : i32 to vector<16xi32>
        %add3A_1854 = arith.addi %add3A_1851, %add3A_1853 : vector<16xi32>
        %gather3A_1855 = tpu.vector_load_idx %arg15[%add3A_1854] : memref<416xf32, #tpu.memory_space<vmem>>[vector<16xi32>], vector<16xf32>,
        %add3A_1856 = arith.addf %add3A_1843, %gather3A_1855 : vector<16xf32>
        %add3A_1857 = arith.constant 100 : i32
        %add3A_1858 = vector.broadcast %add3A_1857 : i32 to vector<16xi32>
        %add3A_1859 = arith.addi %iota3A, %add3A_1858 : vector<16xi32>
        %gather3A_1860 = tpu.vector_load_idx %arg15[%add3A_1859] : memref<416xf32, #tpu.memory_space<vmem>>[vector<16xi32>], vector<16xf32>,
        %add3A_1861 = arith.addf %add3A_1848, %gather3A_1860 : vector<16xf32>
        %add3A_1862 = arith.constant 100 : i32
        %add3A_1863 = vector.broadcast %add3A_1862 : i32 to vector<16xi32>
        %add3A_1864 = arith.addi %iota3A, %add3A_1863 : vector<16xi32>
        %add3A_1865 = arith.constant 16 : i32
        %add3A_1866 = vector.broadcast %add3A_1865 : i32 to vector<16xi32>
        %add3A_1867 = arith.addi %add3A_1864, %add3A_1866 : vector<16xi32>
        %gather3A_1868 = tpu.vector_load_idx %arg15[%add3A_1867] : memref<416xf32, #tpu.memory_space<vmem>>[vector<16xi32>], vector<16xf32>,
        %add3A_1869 = arith.addf %add3A_1856, %gather3A_1868 : vector<16xf32>
        %add3A_1870 = arith.constant 125 : i32
        %add3A_1871 = vector.broadcast %add3A_1870 : i32 to vector<16xi32>
        %add3A_1872 = arith.addi %iota3A, %add3A_1871 : vector<16xi32>
        %gather3A_1873 = tpu.vector_load_idx %arg15[%add3A_1872] : memref<416xf32, #tpu.memory_space<vmem>>[vector<16xi32>], vector<16xf32>,
        %add3A_1874 = arith.addf %add3A_1861, %gather3A_1873 : vector<16xf32>
        %add3A_1875 = arith.constant 125 : i32
        %add3A_1876 = vector.broadcast %add3A_1875 : i32 to vector<16xi32>
        %add3A_1877 = arith.addi %iota3A, %add3A_1876 : vector<16xi32>
        %add3A_1878 = arith.constant 16 : i32
        %add3A_1879 = vector.broadcast %add3A_1878 : i32 to vector<16xi32>
        %add3A_1880 = arith.addi %add3A_1877, %add3A_1879 : vector<16xi32>
        %gather3A_1881 = tpu.vector_load_idx %arg15[%add3A_1880] : memref<416xf32, #tpu.memory_space<vmem>>[vector<16xi32>], vector<16xf32>,
        %add3A_1882 = arith.addf %add3A_1869, %gather3A_1881 : vector<16xf32>
        %add3A_1883 = arith.constant 150 : i32
        %add3A_1884 = vector.broadcast %add3A_1883 : i32 to vector<16xi32>
        %add3A_1885 = arith.addi %iota3A, %add3A_1884 : vector<16xi32>
        %gather3A_1886 = tpu.vector_load_idx %arg15[%add3A_1885] : memref<416xf32, #tpu.memory_space<vmem>>[vector<16xi32>], vector<16xf32>,
        %add3A_1887 = arith.addf %add3A_1874, %gather3A_1886 : vector<16xf32>
        %add3A_1888 = arith.constant 150 : i32
        %add3A_1889 = vector.broadcast %add3A_1888 : i32 to vector<16xi32>
        %add3A_1890 = arith.addi %iota3A, %add3A_1889 : vector<16xi32>
        %add3A_1891 = arith.constant 16 : i32
        %add3A_1892 = vector.broadcast %add3A_1891 : i32 to vector<16xi32>
        %add3A_1893 = arith.addi %add3A_1890, %add3A_1892 : vector<16xi32>
        %gather3A_1894 = tpu.vector_load_idx %arg15[%add3A_1893] : memref<416xf32, #tpu.memory_space<vmem>>[vector<16xi32>], vector<16xf32>,
        %add3A_1895 = arith.addf %add3A_1882, %gather3A_1894 : vector<16xf32>
        %add3A_1896 = arith.constant 175 : i32
        %add3A_1897 = vector.broadcast %add3A_1896 : i32 to vector<16xi32>
        %add3A_1898 = arith.addi %iota3A, %add3A_1897 : vector<16xi32>
        %gather3A_1899 = tpu.vector_load_idx %arg15[%add3A_1898] : memref<416xf32, #tpu.memory_space<vmem>>[vector<16xi32>], vector<16xf32>,
        %add3A_1900 = arith.addf %add3A_1887, %gather3A_1899 : vector<16xf32>
        %add3A_1901 = arith.constant 175 : i32
        %add3A_1902 = vector.broadcast %add3A_1901 : i32 to vector<16xi32>
        %add3A_1903 = arith.addi %iota3A, %add3A_1902 : vector<16xi32>
        %add3A_1904 = arith.constant 16 : i32
        %add3A_1905 = vector.broadcast %add3A_1904 : i32 to vector<16xi32>
        %add3A_1906 = arith.addi %add3A_1903, %add3A_1905 : vector<16xi32>
        %gather3A_1907 = tpu.vector_load_idx %arg15[%add3A_1906] : memref<416xf32, #tpu.memory_space<vmem>>[vector<16xi32>], vector<16xf32>,
        %add3A_1908 = arith.addf %add3A_1895, %gather3A_1907 : vector<16xf32>
        %add3A_1909 = arith.constant 200 : i32
        %add3A_1910 = vector.broadcast %add3A_1909 : i32 to vector<16xi32>
        %add3A_1911 = arith.addi %iota3A, %add3A_1910 : vector<16xi32>
        %gather3A_1912 = tpu.vector_load_idx %arg15[%add3A_1911] : memref<416xf32, #tpu.memory_space<vmem>>[vector<16xi32>], vector<16xf32>,
        %add3A_1913 = arith.addf %add3A_1900, %gather3A_1912 : vector<16xf32>
        %add3A_1914 = arith.constant 200 : i32
        %add3A_1915 = vector.broadcast %add3A_1914 : i32 to vector<16xi32>
        %add3A_1916 = arith.addi %iota3A, %add3A_1915 : vector<16xi32>
        %add3A_1917 = arith.constant 16 : i32
        %add3A_1918 = vector.broadcast %add3A_1917 : i32 to vector<16xi32>
        %add3A_1919 = arith.addi %add3A_1916, %add3A_1918 : vector<16xi32>
        %gather3A_1920 = tpu.vector_load_idx %arg15[%add3A_1919] : memref<416xf32, #tpu.memory_space<vmem>>[vector<16xi32>], vector<16xf32>,
        %add3A_1921 = arith.addf %add3A_1908, %gather3A_1920 : vector<16xf32>
        %add3A_1922 = arith.constant 225 : i32
        %add3A_1923 = vector.broadcast %add3A_1922 : i32 to vector<16xi32>
        %add3A_1924 = arith.addi %iota3A, %add3A_1923 : vector<16xi32>
        %gather3A_1925 = tpu.vector_load_idx %arg15[%add3A_1924] : memref<416xf32, #tpu.memory_space<vmem>>[vector<16xi32>], vector<16xf32>,
        %add3A_1926 = arith.addf %add3A_1913, %gather3A_1925 : vector<16xf32>
        %add3A_1927 = arith.constant 225 : i32
        %add3A_1928 = vector.broadcast %add3A_1927 : i32 to vector<16xi32>
        %add3A_1929 = arith.addi %iota3A, %add3A_1928 : vector<16xi32>
        %add3A_1930 = arith.constant 16 : i32
        %add3A_1931 = vector.broadcast %add3A_1930 : i32 to vector<16xi32>
        %add3A_1932 = arith.addi %add3A_1929, %add3A_1931 : vector<16xi32>
        %gather3A_1933 = tpu.vector_load_idx %arg15[%add3A_1932] : memref<416xf32, #tpu.memory_space<vmem>>[vector<16xi32>], vector<16xf32>,
        %add3A_1934 = arith.addf %add3A_1921, %gather3A_1933 : vector<16xf32>
        %add3A_1935 = arith.constant 250 : i32
        %add3A_1936 = vector.broadcast %add3A_1935 : i32 to vector<16xi32>
        %add3A_1937 = arith.addi %iota3A, %add3A_1936 : vector<16xi32>
        %gather3A_1938 = tpu.vector_load_idx %arg15[%add3A_1937] : memref<416xf32, #tpu.memory_space<vmem>>[vector<16xi32>], vector<16xf32>,
        %add3A_1939 = arith.addf %add3A_1926, %gather3A_1938 : vector<16xf32>
        %add3A_1940 = arith.constant 250 : i32
        %add3A_1941 = vector.broadcast %add3A_1940 : i32 to vector<16xi32>
        %add3A_1942 = arith.addi %iota3A, %add3A_1941 : vector<16xi32>
        %add3A_1943 = arith.constant 16 : i32
        %add3A_1944 = vector.broadcast %add3A_1943 : i32 to vector<16xi32>
        %add3A_1945 = arith.addi %add3A_1942, %add3A_1944 : vector<16xi32>
        %gather3A_1946 = tpu.vector_load_idx %arg15[%add3A_1945] : memref<416xf32, #tpu.memory_space<vmem>>[vector<16xi32>], vector<16xf32>,
        %add3A_1947 = arith.addf %add3A_1934, %gather3A_1946 : vector<16xf32>
        %add3A_1948 = arith.constant 275 : i32
        %add3A_1949 = vector.broadcast %add3A_1948 : i32 to vector<16xi32>
        %add3A_1950 = arith.addi %iota3A, %add3A_1949 : vector<16xi32>
        %gather3A_1951 = tpu.vector_load_idx %arg15[%add3A_1950] : memref<416xf32, #tpu.memory_space<vmem>>[vector<16xi32>], vector<16xf32>,
        %add3A_1952 = arith.addf %add3A_1939, %gather3A_1951 : vector<16xf32>
        %add3A_1953 = arith.constant 275 : i32
        %add3A_1954 = vector.broadcast %add3A_1953 : i32 to vector<16xi32>
        %add3A_1955 = arith.addi %iota3A, %add3A_1954 : vector<16xi32>
        %add3A_1956 = arith.constant 16 : i32
        %add3A_1957 = vector.broadcast %add3A_1956 : i32 to vector<16xi32>
        %add3A_1958 = arith.addi %add3A_1955, %add3A_1957 : vector<16xi32>
        %gather3A_1959 = tpu.vector_load_idx %arg15[%add3A_1958] : memref<416xf32, #tpu.memory_space<vmem>>[vector<16xi32>], vector<16xf32>,
        %add3A_1960 = arith.addf %add3A_1947, %gather3A_1959 : vector<16xf32>
        %add3A_1961 = arith.constant 300 : i32
        %add3A_1962 = vector.broadcast %add3A_1961 : i32 to vector<16xi32>
        %add3A_1963 = arith.addi %iota3A, %add3A_1962 : vector<16xi32>
        %gather3A_1964 = tpu.vector_load_idx %arg15[%add3A_1963] : memref<416xf32, #tpu.memory_space<vmem>>[vector<16xi32>], vector<16xf32>,
        %add3A_1965 = arith.addf %add3A_1952, %gather3A_1964 : vector<16xf32>
        %add3A_1966 = arith.constant 300 : i32
        %add3A_1967 = vector.broadcast %add3A_1966 : i32 to vector<16xi32>
        %add3A_1968 = arith.addi %iota3A, %add3A_1967 : vector<16xi32>
        %add3A_1969 = arith.constant 16 : i32
        %add3A_1970 = vector.broadcast %add3A_1969 : i32 to vector<16xi32>
        %add3A_1971 = arith.addi %add3A_1968, %add3A_1970 : vector<16xi32>
        %gather3A_1972 = tpu.vector_load_idx %arg15[%add3A_1971] : memref<416xf32, #tpu.memory_space<vmem>>[vector<16xi32>], vector<16xf32>,
        %add3A_1973 = arith.addf %add3A_1960, %gather3A_1972 : vector<16xf32>
        %add3A_1974 = arith.constant 325 : i32
        %add3A_1975 = vector.broadcast %add3A_1974 : i32 to vector<16xi32>
        %add3A_1976 = arith.addi %iota3A, %add3A_1975 : vector<16xi32>
        %gather3A_1977 = tpu.vector_load_idx %arg15[%add3A_1976] : memref<416xf32, #tpu.memory_space<vmem>>[vector<16xi32>], vector<16xf32>,
        %add3A_1978 = arith.addf %add3A_1965, %gather3A_1977 : vector<16xf32>
        %add3A_1979 = arith.constant 325 : i32
        %add3A_1980 = vector.broadcast %add3A_1979 : i32 to vector<16xi32>
        %add3A_1981 = arith.addi %iota3A, %add3A_1980 : vector<16xi32>
        %add3A_1982 = arith.constant 16 : i32
        %add3A_1983 = vector.broadcast %add3A_1982 : i32 to vector<16xi32>
        %add3A_1984 = arith.addi %add3A_1981, %add3A_1983 : vector<16xi32>
        %gather3A_1985 = tpu.vector_load_idx %arg15[%add3A_1984] : memref<416xf32, #tpu.memory_space<vmem>>[vector<16xi32>], vector<16xf32>,
        %add3A_1986 = arith.addf %add3A_1973, %gather3A_1985 : vector<16xf32>
        %add3A_1987 = arith.constant 350 : i32
        %add3A_1988 = vector.broadcast %add3A_1987 : i32 to vector<16xi32>
        %add3A_1989 = arith.addi %iota3A, %add3A_1988 : vector<16xi32>
        %gather3A_1990 = tpu.vector_load_idx %arg15[%add3A_1989] : memref<416xf32, #tpu.memory_space<vmem>>[vector<16xi32>], vector<16xf32>,
        %add3A_1991 = arith.addf %add3A_1978, %gather3A_1990 : vector<16xf32>
        %add3A_1992 = arith.constant 350 : i32
        %add3A_1993 = vector.broadcast %add3A_1992 : i32 to vector<16xi32>
        %add3A_1994 = arith.addi %iota3A, %add3A_1993 : vector<16xi32>
        %add3A_1995 = arith.constant 16 : i32
        %add3A_1996 = vector.broadcast %add3A_1995 : i32 to vector<16xi32>
        %add3A_1997 = arith.addi %add3A_1994, %add3A_1996 : vector<16xi32>
        %gather3A_1998 = tpu.vector_load_idx %arg15[%add3A_1997] : memref<416xf32, #tpu.memory_space<vmem>>[vector<16xi32>], vector<16xf32>,
        %add3A_1999 = arith.addf %add3A_1986, %gather3A_1998 : vector<16xf32>
        %add3A_2000 = arith.constant 375 : i32
        %add3A_2001 = vector.broadcast %add3A_2000 : i32 to vector<16xi32>
        %add3A_2002 = arith.addi %iota3A, %add3A_2001 : vector<16xi32>
        %gather3A_2003 = tpu.vector_load_idx %arg15[%add3A_2002] : memref<416xf32, #tpu.memory_space<vmem>>[vector<16xi32>], vector<16xf32>,
        %add3A_2004 = arith.addf %add3A_1991, %gather3A_2003 : vector<16xf32>
        %add3A_2005 = arith.constant 375 : i32
        %add3A_2006 = vector.broadcast %add3A_2005 : i32 to vector<16xi32>
        %add3A_2007 = arith.addi %iota3A, %add3A_2006 : vector<16xi32>
        %add3A_2008 = arith.constant 16 : i32
        %add3A_2009 = vector.broadcast %add3A_2008 : i32 to vector<16xi32>
        %add3A_2010 = arith.addi %add3A_2007, %add3A_2009 : vector<16xi32>
        %gather3A_2011 = tpu.vector_load_idx %arg15[%add3A_2010] : memref<416xf32, #tpu.memory_space<vmem>>[vector<16xi32>], vector<16xf32>,
        %add3A_2012 = arith.addf %add3A_1999, %gather3A_2011 : vector<16xf32>
        %eq3A_2013 = arith.constant 0 : i32
        %eq3A_2014 = vector.broadcast %eq3A_2013 : i32 to vector<16xi32>
        %eq3A_2015 = arith.cmpi eq, %iota3A, %eq3A_2014 : vector<16xi32>
        %neg3A_2016 = arith.constant 0.000000e+00 : f32
        %neg3A_2017 = vector.broadcast %neg3A_2016 : f32 to vector<16xf32>
        %neg3A_2018 = arith.subf %neg3A_2017, %add3A_2004 : vector<16xf32>
        %select_n3A_2019 = arith.select %eq3A_2015, %add3A_2004, %neg3A_2018 : vector<16xi1>, vector<16xf32>
        %neg3A_2020 = arith.constant 0.000000e+00 : f32
        %neg3A_2021 = vector.broadcast %neg3A_2020 : f32 to vector<16xf32>
        %neg3A_2022 = arith.subf %neg3A_2021, %add3A_2012 : vector<16xf32>
        %mul3A_2023 = arith.constant 32 : i32
        %mul3A_2024 = arith.muli %add3A_353, %mul3A_2023 : i32
        %add3A_2025 = arith.addi %mul3A_2024, %scan3A_1195 : i32
        %mul3A_2026 = arith.constant 21 : i32
        %mul3A_2027 = arith.muli %add3A_2025, %mul3A_2026 : i32
        %add3A_2028 = vector.broadcast %mul3A_2027 : i32 to vector<16xi32>
        %add3A_2029 = arith.addi %add3A_2028, %iota3A : vector<16xi32>
        tpu.vector_store_idx %arg16[%add3A_2029], %select_n3A_2019 : memref<10768xf32, #tpu.memory_space<vmem>>[vector<16xi32>], vector<16xf32>,
        %add3A_2030 = arith.constant 16 : i32
        %add3A_2031 = arith.addi %mul3A_2027, %add3A_2030 : i32
        %add3A_2032 = vector.broadcast %add3A_2031 : i32 to vector<16xi32>
        %add3A_2033 = arith.addi %add3A_2032, %iota3A : vector<16xi32>
        tpu.vector_store_idx %arg16[%add3A_2033], %neg3A_2022 : memref<10768xf32, #tpu.memory_space<vmem>>[vector<16xi32>], vector<16xf32>,
      }
      %scan3A_359 = arith.constant 32 : i32
    }
    %scan3A_60 = arith.constant 8 : i32
    %mul3A_61 = arith.constant 10752 : i32
    %mul3A_62 = arith.muli %add3A, %mul3A_61 : i32
    "tpu.region"() ({
      %run_scoped3A = tpu.sem_alloc : memref<!tpu.dma_semaphore, #tpu.memory_space<semaphore_mem>>
      %dma_start3A_63 = arith.constant 0 : i32
      %dma_start3A_64 = tpu.memref_slice %arg16[%dma_start3A_63] : memref<10768xf32, #tpu.memory_space<vmem>> -> memref<10752xf32, #tpu.memory_space<vmem>>
      %dma_start3A_65 = tpu.memref_slice %arg7[%mul3A_62] : memref<344064xf32, #tpu.memory_space<hbm>> -> memref<10752xf32, #tpu.memory_space<hbm>>
      %dma_start3A_66 = tpu.memref_slice %arg7[%mul3A_62] : memref<344064xf32, #tpu.memory_space<hbm>> -> memref<10752xf32, #tpu.memory_space<hbm>>
      %dma_start3A_67 = arith.constant 0 : i32
      %dma_start3A_68 = tpu.memref_slice %arg16[%dma_start3A_67] : memref<10768xf32, #tpu.memory_space<vmem>> -> memref<10752xf32, #tpu.memory_space<vmem>>
      tpu.enqueue_dma source(%dma_start3A_68 : memref<10752xf32, #tpu.memory_space<vmem>>) target(%dma_start3A_66 : memref<10752xf32, #tpu.memory_space<hbm>>) target_semaphore(%run_scoped3A : memref<!tpu.dma_semaphore, #tpu.memory_space<semaphore_mem>>)
      %dma_wait3A = arith.constant 0 : i32
      %dma_wait3A_69 = tpu.memref_slice %arg16[%dma_wait3A] : memref<10768xf32, #tpu.memory_space<vmem>> -> memref<10752xf32, #tpu.memory_space<vmem>>
      %dma_wait3A_70 = tpu.memref_slice %arg7[%mul3A_62] : memref<344064xf32, #tpu.memory_space<hbm>> -> memref<10752xf32, #tpu.memory_space<hbm>>
      %dma_wait3A_71 = tpu.memref_slice %arg7[%mul3A_62] : memref<344064xf32, #tpu.memory_space<hbm>> -> memref<10752xf32, #tpu.memory_space<hbm>>
      %dma_wait3A_72 = arith.constant 0 : i32
      %dma_wait3A_73 = tpu.memref_slice %arg16[%dma_wait3A_72] : memref<10768xf32, #tpu.memory_space<vmem>> -> memref<10752xf32, #tpu.memory_space<vmem>>
      tpu.wait_dma2 semaphore(%run_scoped3A : memref<!tpu.dma_semaphore, #tpu.memory_space<semaphore_mem>>) src(%dma_wait3A_73 : memref<10752xf32, #tpu.memory_space<vmem>>) dst(%dma_wait3A_71 : memref<10752xf32, #tpu.memory_space<hbm>>)
      tpu.yield
    }) : () -> ()
    return
  }
}

module attributes {stable_mosaic.version = 14 : i64} {
  func.func @body(%arg0: memref<2688x128xf32, #tpu.memory_space<vmem>>, %arg1: memref<1x1xf32, #tpu.memory_space<smem>>) attributes {dimension_semantics = [], scalar_prefetch = 0 : i64, scratch_operands = 0 : i64, tpu.core_type = #tpu.core_type<tc>} {
    %get3A = arith.constant 0 : index
    %get3A_0 = arith.constant 0 : index
    %get3A_1 = vector.load %arg0[%get3A, %get3A_0] : memref<2688x128xf32, #tpu.memory_space<vmem>>, vector<2688x128xf32>
    %min3A = arith.constant 0.000000e+00 : f32
    %min3A_2 = vector.broadcast %min3A : f32 to vector<2688x128xf32>
    %min3A_3 = arith.minimumf %get3A_1, %min3A_2 : vector<2688x128xf32>
    %abs3A = math.absf %get3A_1 : vector<2688x128xf32>
    %neg3A = arith.constant 0.000000e+00 : f32
    %neg3A_4 = vector.broadcast %neg3A : f32 to vector<2688x128xf32>
    %neg3A_5 = arith.subf %neg3A_4, %abs3A : vector<2688x128xf32>
    %exp3A = math.exp %neg3A_5 : vector<2688x128xf32>
    %log1p3A = math.log1p %exp3A : vector<2688x128xf32>
    %sub3A = arith.subf %min3A_3, %log1p3A : vector<2688x128xf32>
    %reduce_sum3A = vector.shape_cast %sub3A : vector<2688x128xf32> to vector<1x2688x128xf32>
    %reduce_sum3A_6 = arith.constant dense<0.000000e+00> : vector<1xf32>
    %reduce_sum3A_7 = vector.multi_reduction <add>, %reduce_sum3A, %reduce_sum3A_6 [1, 2] : vector<1x2688x128xf32> to vector<1xf32>
    %reduce_sum3A_8 = vector.shape_cast %reduce_sum3A_7 : vector<1xf32> to vector<1x1x1xf32>
    %reduce_sum3A_9 = vector.extract %reduce_sum3A_8[0, 0, 0] : f32 from vector<1x1x1xf32>
    %neg3A_10 = arith.constant 0.000000e+00 : f32
    %neg3A_11 = arith.subf %neg3A_10, %reduce_sum3A_9 : f32
    %div3A = arith.constant 1.638400e+04 : f32
    %div3A_12 = arith.divf %neg3A_11, %div3A : f32
    %swap3A = arith.constant 0 : index
    %swap3A_13 = arith.constant 0 : index
    %swap3A_14 = memref.load %arg1[%swap3A, %swap3A_13] : memref<1x1xf32, #tpu.memory_space<smem>>
    memref.store %div3A_12, %arg1[%swap3A, %swap3A_13] : memref<1x1xf32, #tpu.memory_space<smem>>
    return
  }
}

</mosaic_0001>

<sc_bundles>
// kernel: kernel.4.cloned.1.call-start
scs
__scs_entry_jumppad:
0x0: {  	(pc) =	sbr.rel $0x88, $3  }
0x1: {  	(tag) =	ssettag $0x0;
	lr =	simm.s32 $0x1  }
0x2: {  	[smem:$0x3F9C] =	sst lr;
	_ =	strace $0xD0000000  }
0x3: {  	_ = 	snop  }
0x4: {  	_ = 	snop  }
0x5: {  	_ = 	snop  }
0x6: {  	_ = 	snop  }
0x7: {  	_ = 	snop  }
__scs_overlays_trampoline_lowered:
0x8: {  	[smem:$0x3FAB] =	sst s0  }
0x9: {  	[smem:$0x3FAC] =	sst s1  }
0xa: {  	[smem:$0x3FAD] =	sst s2  }
0xb: {  	[smem:$0x3FAE] =	sst s3  }
0xc: {  	[smem:$0x3FAF] =	sst s4  }
0xd: {  	[smem:$0x3FB0] =	sst s5  }
0xe: {  	[smem:$0x3FB1] =	sst s6  }
0xf: {  	[smem:$0x3FB2] =	sst s7  }
0x10: {  	[smem:$0x3FB3] =	sst s8  }
0x11: {  	[smem:$0x3FB4] =	sst s9;
	s0 =	simm.s32 @!p0 $0x0  }
0x12: {  	s1 =	sld [smem:$0x3F9A];
	s0 =	simm.s32 @p0 $0x1  }
0x13: {  	[smem:$0x3FB5] =	sst s0;
	s0 =	simm.s32 @!p1 $0x0  }
0x14: {  	s2 =	sld [smem:$0x3F99];
	s0 =	simm.s32 @p1 $0x1  }
0x15: {  	[smem:$0x3FB6] =	sst s0;
	s0 =	simm.s32 @!p2 $0x0  }
0x16: {  	s3 =	sld [smem:$0x3FDB];
	s0 =	simm.s32 @p2 $0x1  }
0x17: {  	s4 =	simm.s32 $0x1BF5;
	[smem:$0x3FB8] =	sst s0  }
0x18: {  	s0 =	sld [smem:$0x3F9B];
	_ =	swait.ge [sflag:s4], $0x0  }
0x19: {  	s7 =	sld [smem:$0x3F9C]  }
0x1a: {  	s8 =	sadd.s32 $0xFFFFE003, lr  }
0x1b: {  	s9 =	sadd.s32 $0xFFFFFEF7, lr;
	s5 =	simm.s32 $0xFFFFFFFF;
	p2 =	slt.u32 s8, $0xFFFFF086  }
0x1c: {  	p1 =	slt.u32 s9, $0xF7A;
	s5 =	simm.s32 @!p2 $0x0  }
0x1d: {  	s5 =	simm.s32 @p1 $0x1;
	p0 =	seq.s32 s7, s2  }
0x1e: {  	s7 =	smul.u32 @!p0 $0xF7A, s2;
	p2 =	seq.s32 @!p0 s5, $0x0  }
0x1f: {  	s9 =	smul.u32 $0xF7A, s1;
	s8 =	simm.s32 @!p0 $0x1BF5;
	p2 =	por !p2, p0  }
0x20: {  	[sflag:s8] =	ssyncset.s32 @!p0 $0xFFFFF086;
	s6 =	sadd.s32 @!p0 s3, s7;
	s7 =	simm.s32 @!p0 $0x108  }
0x21: {  	s3 =	sadd.s32 s3, s9;
	s6 =	sadd.s32 @!p0 $0x88, s6;
	s7 =	simm.s32 @p2 $0x1082  }
0x22: {  	[simem:s7], [sflag:s8] =	dma.local @!p0 [hbm:s6], $0xF7A  }
0x23: {  	s9 =	sor.u32 $0xD0000000, s2;
	s6 =	simm.s32 $0x108;
	_ =	swait.ge @!p0 [sflag:s8], $0x0  }
0x24: {  	s3 =	sadd.s32 $0x88, s3;
	s6 =	simm.s32 @!p1 $0x1082;
	[sflag:s4] =	ssyncset.s32 $0xFFFFF086  }
0x25: {  	[simem:s6], [sflag:s4] =	dma.local [hbm:s3], $0xF7A  }
0x26: {  	[smem:$0x3F9C] =	sst s1;
	(tag) =	ssettag s2;
	_ =	strace s9  }
0x27: {  	s1 =	sld [smem:$0x3FAC]  }
0x28: {  	s2 =	sld [smem:$0x3FAD]  }
0x29: {  	s4 =	sld [smem:$0x3FAF]  }
0x2a: {  	p0 =	seq.s32 s5, $0x0;
	s5 =	sld [smem:$0x3FB0]  }
0x2b: {  	s6 =	sld [smem:$0x3FB1]  }
0x2c: {  	s7 =	sld [smem:$0x3FB2]  }
0x2d: {  	s3 =	simm.s32 $0x108;
	s8 =	sld [smem:$0x3FB3]  }
0x2e: {  	s3 =	simm.s32 @!p0 $0x1082;
	s9 =	sld [smem:$0x3FB4]  }
0x2f: {  	lr =	sadd.s32 s0, s3;
	s0 =	sld [smem:$0x3FAB]  }
0x30: {  	s3 =	sld [smem:$0x3FAE]  }
0x31: {  	[smem:$0x3FB7] =	sst s10  }
0x32: {  	s10 =	sld [smem:$0x3FB5];
	_ =	sdelay $0x3  }
0x33: {  	p0 =	seq.s32 s10, $0x1;
	s10 =	sld [smem:$0x3FB7];
	_ =	sdelay $0x3  }
0x34: {  	[smem:$0x3FB7] =	sst s10  }
0x35: {  	s10 =	sld [smem:$0x3FB6];
	_ =	sdelay $0x3  }
0x36: {  	p1 =	seq.s32 s10, $0x1;
	s10 =	sld [smem:$0x3FB7];
	_ =	sdelay $0x3  }
0x37: {  	[smem:$0x3FB7] =	sst s10  }
0x38: {  	s10 =	sld [smem:$0x3FB8]  }
0x39: {  	_ = 	snop;
	(pc) =	sbr.ind lr, $3  }
0x3a: {  	_ = 	snop  }
0x3b: {  	_ = 	snop  }
0x3c: {  	p2 =	seq.s32 s10, $0x1;
	s10 =	sld [smem:$0x3FB7]  }
0x3d: {  	_ =	shalt  }
0x3e: {  	_ =	shalt  }
0x3f: {  	_ =	shalt  }
0x40: {  	_ =	shalt  }
0x41: {  	_ =	shalt  }
0x42: {  	_ =	shalt  }
0x43: {  	_ =	shalt  }
0x44: {  	_ =	shalt  }
0x45: {  	_ =	shalt  }
0x46: {  	_ =	shalt  }
0x47: {  	_ =	shalt  }
0x48: {  	_ =	shalt  }
0x49: {  	_ =	shalt  }
0x4a: {  	_ =	shalt  }
0x4b: {  	_ =	shalt  }
0x4c: {  	_ =	shalt  }
0x4d: {  	_ =	shalt  }
0x4e: {  	_ =	shalt  }
0x4f: {  	_ =	shalt  }
0x50: {  	_ =	shalt  }
0x51: {  	_ =	shalt  }
0x52: {  	_ =	shalt  }
0x53: {  	_ =	shalt  }
0x54: {  	_ =	shalt  }
0x55: {  	_ =	shalt  }
0x56: {  	_ =	shalt  }
0x57: {  	_ =	shalt  }
0x58: {  	_ =	shalt  }
0x59: {  	_ =	shalt  }
0x5a: {  	_ =	shalt  }
0x5b: {  	_ =	shalt  }
0x5c: {  	_ =	shalt  }
0x5d: {  	_ =	shalt  }
0x5e: {  	_ =	shalt  }
0x5f: {  	_ =	shalt  }
0x60: {  	_ =	shalt  }
0x61: {  	_ =	shalt  }
0x62: {  	_ =	shalt  }
0x63: {  	_ =	shalt  }
0x64: {  	_ =	shalt  }
0x65: {  	_ =	shalt  }
0x66: {  	_ =	shalt  }
0x67: {  	_ =	shalt  }
0x68: {  	_ =	shalt  }
0x69: {  	_ =	shalt  }
0x6a: {  	_ =	shalt  }
0x6b: {  	_ =	shalt  }
0x6c: {  	_ =	shalt  }
0x6d: {  	_ =	shalt  }
0x6e: {  	_ =	shalt  }
0x6f: {  	_ =	shalt  }
0x70: {  	_ =	shalt  }
0x71: {  	_ =	shalt  }
0x72: {  	_ =	shalt  }
0x73: {  	_ =	shalt  }
0x74: {  	_ =	shalt  }
0x75: {  	_ =	shalt  }
0x76: {  	_ =	shalt  }
0x77: {  	_ =	shalt  }
0x78: {  	_ =	shalt  }
0x79: {  	_ =	shalt  }
0x7a: {  	_ =	shalt  }
0x7b: {  	_ =	shalt  }
0x7c: {  	_ =	shalt  }
0x7d: {  	_ =	shalt  }
0x7e: {  	_ =	shalt  }
0x7f: {  	_ =	shalt  }
0x80: {  	_ =	shalt  }
0x81: {  	_ =	shalt  }
0x82: {  	_ =	shalt  }
0x83: {  	_ =	shalt  }
0x84: {  	_ =	shalt  }
0x85: {  	_ =	shalt  }
0x86: {  	_ =	shalt  }
0x87: {  	_ =	shalt  }
.Lfunc_end0:
.L_simem_size_0:
called_computation_lowered:
.L_overlay_start_0:
0x88: {  	s2 =	sld [smem:$0x3FD9]  }
0x89: {  	s3 =	sld [smem:$0x3FFE];
	_ =	sdelay $0x1  }
0x8a: {  	s1 =	srdreg.scid  }
0x8b: {  	s0 =	sand.u32 $0x1, s1  }
0x8c: {  	s17 =	sshll.u32 s0, $0xA;
	s2 =	sadd.s32 s3, s2  }
0x8d: {  	s2 =	sadd.s32 s2, s17  }
0x8e: {  	[smem:$0x3FC3] =	sst s2  }
0x8f: {  	_ = 	snop  }
0x90: {  	s2 =	sld [smem:$0x3FC9]  }
0x91: {  	s18 =	sld [smem:$0x3FC8];
	(tm) =	ssettm $0x1  }
0x92: {  	s4 =	sld [smem:$0x3FFB];
	_ =	sdelay $0x3  }
0x93: {  	_ =	strace s4  }
0x94: {  	s4 =	sld [smem:$0x3FFC];
	_ =	sdelay $0x3  }
0x95: {  	_ =	strace s4  }
0x96: {  	s4 =	sld [smem:$0x3FFD];
	_ =	sdelay $0x3  }
0x97: {  	_ =	strace s4  }
0x98: {  	_ =	strace $0x8FFFFFFF  }
0x99: {  	s19 =	sld [smem:$0x3FDB];
	_ =	sdelay $0x1  }
0x9a: {  	s5 =	simm.s32 $_scs_section_size  }
0x9b: {  	s6 =	simm.s32 $_size__tile_overlayer_lowered;
	s7 =	simm.s32 $_tile_overlayer_lowered  }
0x9c: {  	s22 =	simm.s32 $0x1BFF;
	s21 =	sshll.u32 s7, $0x1;
	s4 =	sadd.s32 s5, s19  }
0x9d: {  	s8 =	simm.s32 $0x0;
	s20 =	sshll.u32 s6, $0x1;
	s6 =	sadd.s32 s21, s4  }
0x9e: {  	[timem:s8], [sflag:s22] =	dma.local [hbm:s6], s20  }
0x9f: {  	_ =	swait.ge [sflag:s22], s20  }
0xa0: {  	s5 =	ssub.s32 $0x0, s20;
	[sflag:s22] =	ssyncset.done $0x0  }
0xa1: {  	[sflag:s22] =	ssyncadd.s32 s5;
	_ =	sdelay $0x1  }
0xa2: {  	s23 =	simm.s32 $0x1B8B  }
0xa3: {  	_ =	swait.ge [sflag:s23], $0x1  }
0xa4: {  	[sflag:s23] =	ssyncset.done $0x0  }
0xa5: {  	s25 =	simm.s32 $0x1B8E;
	s24 =	sld [smem:$0x3FFE];
	[sflag:s23] =	ssyncadd.s32 $0xFFFFFFFF  }
0xa6: {  	s26 =	simm.s32 $execute0_lowered;
	[smem:$0x3FD2] =	sst s25  }
0xa7: {  	s6 =	sshll.u32 s26, $0x1;
	_ =	strace $0x80000046;
	[dreg:$0x1] =	wrdreg $0xFFFFFFFF  }
0xa8: {  	s28 =	simm.s32 $_size_execute0_lowered;
	s4 =	sadd.s32 s4, s6;
	[dreg:$0x0] =	wrdreg $0x0  }
0xa9: {  	s6 =	sshll.u32 s28, $0x1;
	[dreg:$0x2] =	wrdreg s4  }
0xaa: {  	[dreg:$0x3] =	wrdreg s6  }
0xab: {  	[dreg:$0x4] =	wrdreg $0xC0  }
0xac: {  	_ =	task [dreg:s8], $0x5FFFF  }
0xad: {  	[dreg:$0x1] =	wrdreg $0xFFFFFFFF  }
0xae: {  	[dreg:$0x0] =	wrdreg $0x60  }
0xaf: {  	[dreg:$0x2] =	wrdreg s2  }
0xb0: {  	[dreg:$0x3] =	wrdreg s18  }
0xb1: {  	[dreg:$0x4] =	wrdreg s24  }
0xb2: {  	[dreg:$0x5] =	wrdreg $0x9  }
0xb3: {  	_ =	task.clear_ibuf [dreg:s8], $0x6FFFF;
	_ =	strace $0x90000046  }
0xb4: {  	s29 =	simm.s32 $0x9;
	_ =	strace $0x80000048  }
0xb5: {  	_ =	swait.ge [sflag:s29], $0x1  }
0xb6: {  	[sflag:s29] =	ssyncadd.s32 $0xFFFFFFFF  }
0xb7: {  	_ =	strace $0x90000048  }
0xb8: {  	_ =	sfence  }
0xb9: {  	s30 =	sld [smem:$0x0];
	_ =	sdelay $0x2  }
0xba: {  	s31 =	sshll.u32 s1, $0xD;
	s1 =	sshrl.u32 s1, $0x2  }
0xbb: {  	s3 =	sand.u32 $0x4000, s31;
	s1 =	sadd.s32 s1, s30  }
0xbc: {  	s0 =	sor.u32 s3, s0;
	s1 =	sshll.u32 s1, $0x11  }
0xbd: {  	s0 =	sor.u32 s1, s0  }
0xbe: {  	s0 =	sadd.s32 $0x8F2B, s0  }
0xbf: {  	[sflag:s0] =	ssyncadd.remote.s32 $0x1  }
0xc0: {  	_ =	sfence.sel $0xFFFF  }
0xc1: {  	[dreg:$0x0] =	wrdreg $0xFFFFFFFF;
	(pc) =	sbr.abs _section_cstart, $3  }
0xc2: {  	[dreg:$0x1] =	wrdreg $0xFFFFFFFF  }
0xc3: {  	_ =	task.clear_ibuf [dreg:s8], $0x2FFFF;
	_ =	strace $0x9FFFFFFF  }
0xc4: {  	(tm) =	ssettm $0x7FFFFFFF  }
0xc5: {  	_ =	shalt  }
tec
execute0_lowered:
.L_overlay_start_1:
0x0: {  	(tag) =	ssettag $0x1  }
0x1: {  	v0 =	vlaneseq.u32  }
0x2: {  	vm0 =	vmmov $0x1;
	v1 =	vmul.u32 $0x19, v0  }
0x3: {  	v22 =	vor.u32 $0x10, v0;
	v23 =	vadd.s32 $0x19, v0;
	v24 =	vadd.s32 $0x29, v0  }
0x4: {  	s0 =	rddreg [dreg:$0x0];
	v25 =	vadd.s32 $0x32, v0;
	v26 =	vadd.s32 $0x42, v0;
	v27 =	vadd.s32 $0x4B, v0  }
0x5: {  	s1 =	rddreg [dreg:$0x1];
	v28 =	vadd.s32 $0x5B, v0;
	v29 =	vadd.s32 $0x64, v0;
	v30 =	vadd.s32 $0x74, v0  }
0x6: {  	s5 =	rddreg [dreg:$0x2];
	s3 =	srdreg.scid;
	v31 =	vadd.s32 $0x7D, v0;
	v32 =	vadd.s32 $0x8D, v0;
	v33 =	vadd.s32 $0x96, v0  }
0x7: {  	s6 =	stileid.u32;
	s2 =	simm.s32 $0x0;
	s13 =	simm.s32 $0x20;
	v34 =	vadd.s32 $0xA6, v0;
	v35 =	vadd.s32 $0xAF, v0;
	v36 =	vadd.s32 $0xBF, v0  }
0x8: {  	s16 =	simm.s32 $0x80;
	s28 =	simm.s32 $0xE400;
	s29 =	simm.s32 $0xEC00;
	v37 =	vadd.s32 $0xC8, v0;
	v38 =	vadd.s32 $0xD8, v0;
	v39 =	vadd.s32 $0xE1, v0  }
0x9: {  	s30 =	simm.s32 $0x10C00;
	s31 =	simm.s32 $0x12C00;
	s14 =	simm.s32 $0x1;
	v40 =	vadd.s32 $0xF1, v0;
	v41 =	vadd.s32 $0xFA, v0;
	v42 =	vadd.s32 $0x10A, v0  }
0xa: {  	s15 =	simm.s32 $0x18C00;
	s17 =	simm.s32 $0x18DA0;
	s18 =	simm.s32 $0x2;
	v43 =	vadd.s32 $0x113, v0;
	v44 =	vadd.s32 $0x123, v0;
	v45 =	vadd.s32 $0x12C, v0  }
0xb: {  	s19 =	simm.s32 $0x0;
	s4 =	sand.u32 $0x1, s3;
	s25 =	sshll.u32 s6, $0x1;
	v46 =	vadd.s32 $0x13C, v0;
	v47 =	vadd.s32 $0x145, v0;
	v48 =	vadd.s32 $0x155, v0  }
0xc: {  	[smem:$0x7FF] =	sst s2;
	s3 =	sadd.s32 $0x16E3E00, s5;
	v49 =	vadd.s32 $0x15E, v0;
	v50 =	vadd.s32 $0x16E, v0;
	v51 =	vadd.s32 $0x177, v0;
	s6 =	sor.u32 s4, s25  }
0xd: {  	v52 =	vadd.s32 $0x187, v0;
	_ =	strace $0x80000047;
	s9 =	ssub.s32 $0x2, s4;
	v2 =	vadd.s32 $0x1, v1;
	v3 =	vadd.s32 $0x2, v1;
	s7 =	smul.u32 $0x500, s6  }
0xe: {  	v4 =	vadd.s32 $0x3, v1;
	v5 =	vadd.s32 $0x4, v1;
	v6 =	vadd.s32 $0x5, v1;
	s8 =	smul.u32 $0x540, s6;
	s10 =	sshrl.u32 s9, $0x1;
	s6 =	sshll.u32 s6, $0x6  }
0xf: {  	s4 =	sadd.s32 $0xF42C00, s5;
	v7 =	vadd.s32 $0x6, v1;
	v8 =	vadd.s32 $0x7, v1;
	v9 =	vadd.s32 $0x8, v1;
	s9 =	ssub.s32 s9, s10;
	s0 =	sadd.s32 s0, s6  }
0x10: {  	v10 =	vadd.s32 $0x9, v1;
	v11 =	vadd.s32 $0xA, v1;
	v12 =	vadd.s32 $0xB, v1;
	s26 =	sadd.s32 s1, s6;
	s10 =	simm.s32 $0x3;
	s1 =	simm.s32 $0x16C00  }
0x11: {  	v13 =	vadd.s32 $0xC, v1;
	v14 =	vadd.s32 $0xD, v1;
	v15 =	vadd.s32 $0xE, v1;
	s7 =	sadd.s32 s7, s5;
	s5 =	sadd.s32 s8, s5;
	[dreg:$0x4] =	wrdreg s0  }
0x12: {  	v16 =	vadd.s32 $0xF, v1;
	v17 =	vadd.s32 $0x10, v1;
	v18 =	vadd.s32 $0x11, v1;
	[dreg:$0x5] =	wrdreg s26;
	s9 =	smax.u32 s9, $0x1;
	s26 =	simm.s32 $0xDC00  }
0x13: {  	v19 =	vadd.s32 $0x12, v1;
	v20 =	vadd.s32 $0x13, v1;
	v21 =	vadd.s32 $0x14, v1;
	s0 =	simm.s32 $0x14C00;
	s7 =	sadd.s32 $0x800, s7;
	s8 =	sadd.s32 $0xA800, s5  }
.LBB2_1:
0x14: {  	s5 =	rddreg [dreg:$0x4]  }
0x15: {  	[tilespmem:s2], [sflag:$0x3] =	stream.linear.gather [hbm4b:s5+s2], $0x200, $0x38;
	[tilespmem:$0x1B7B0] =	vst v63  }
0x16: {  	_ =	swait.ge [sflag:s10], $0x200  }
0x17: {  	[sflag:s10] =	ssyncset.done $0x0  }
0x18: {  	s6 =	simm.s32 $0x200;
	s22 =	rddreg [dreg:$0x5];
	[sflag:s10] =	ssyncadd.s32 $0xFFFFFE00  }
0x19: {  	[tilespmem:s6], [sflag:$0x3] =	stream.linear.gather [hbm4b:s22+s2], $0x200, $0x38;
	[tilespmem:$0x1B7B0] =	vst v63  }
0x1a: {  	_ =	swait.ge [sflag:s10], $0x200  }
0x1b: {  	[sflag:s10] =	ssyncset.done $0x0  }
0x1c: {  	s23 =	simm.s32 $0x400;
	[sflag:s10] =	ssyncadd.s32 $0xFFFFFE00  }
0x1d: {  	[tilespmem:s23], [sflag:$0x3] =	stream.linear.gather [hbm4b:s7+s2], $0x2800, $0x38;
	[tilespmem:$0x1B7B0] =	vst v63  }
0x1e: {  	_ =	swait.ge [sflag:s10], $0x2800  }
0x1f: {  	[sflag:s10] =	ssyncset.done $0x0  }
0x20: {  	s11 =	simm.s32 $0x2C00;
	[sflag:s10] =	ssyncadd.s32 $0xFFFFD800  }
0x21: {  	[tilespmem:s11], [sflag:$0x1] =	stream.indirect.gather [hbm4b:s3+s13], $0x40, s2, s13, $0xb8;
	[tilespmem:$0x1B7B0] =	vst v63  }
0x22: {  	s24 =	simm.s32 $0x3400  }
0x23: {  	[tilespmem:s24], [sflag:$0x1] =	stream.indirect.gather [hbm4b:s4+s13], $0x40, s6, s13, $0xb8;
	[tilespmem:$0x1B7B0] =	vst v63  }
0x24: {  	s25 =	simm.s32 $0x3C00  }
0x25: {  	[tilespmem:s25], [sflag:$0x1] =	stream.indirect.gather [hbm4b:s4+s16], $0x40, s23, s16, $0xb8;
	[tilespmem:$0x1B7B0] =	vst v63  }
0x26: {  	s12 =	simm.s32 $0x5C00;
	s11 =	simm.s32 $0x480  }
0x27: {  	[tilespmem:s12], [sflag:$0x1] =	stream.indirect.gather [hbm4b:s4+s16], $0x40, s11, s16, $0xb8;
	[tilespmem:$0x1B7B0] =	vst v63  }
0x28: {  	s20 =	simm.s32 $0x500;
	s21 =	simm.s32 $0x7C00;
	s5 =	simm.s32 $0x0  }
0x29: {  	[tilespmem:s21], [sflag:$0x1] =	stream.indirect.gather [hbm4b:s4+s16], $0x40, s20, s16, $0xb8;
	[tilespmem:$0x1B7B0] =	vst v63  }
0x2a: {  	s22 =	simm.s32 $0x580;
	s24 =	simm.s32 $0x600;
	s23 =	simm.s32 $0x9C00  }
0x2b: {  	[tilespmem:s23], [sflag:$0x1] =	stream.indirect.gather [hbm4b:s4+s16], $0x40, s22, s16, $0xb8;
	[tilespmem:$0x1B7B0] =	vst v63  }
0x2c: {  	s25 =	simm.s32 $0xBC00;
	s20 =	simm.s32 $0x2A0;
	s22 =	simm.s32 $0x0  }
0x2d: {  	[tilespmem:s25], [sflag:$0x1] =	stream.indirect.gather [hbm4b:s4+s16], $0x40, s24, s16, $0xb8;
	[tilespmem:$0x1B7B0] =	vst v63  }
.LBB2_2:
0x2e: {  	s11 =	sshllo.u32 s22, $0x1  }
0x2f: {  	s12 =	sshll.u32 s11, $0x5;
	s11 =	smul.u32 $0xA00, s11  }
0x30: {  	[tilespmem:s26], [sflag:$0x2] =	stream.indirect.gather [hbm4b:s3+s13], $0x40, s12, s13, $0xb8;
	[tilespmem:$0x1B7B0] =	vst v63  }
0x31: {  	s12 =	sadd.s32 $0x200, s12;
	s11 =	sshra.s32 s11, $0x2  }
0x32: {  	[tilespmem:s28], [sflag:$0x2] =	stream.indirect.gather [hbm4b:s4+s13], $0x40, s12, s13, $0xb8;
	[tilespmem:$0x1B7B0] =	vst v63  }
0x33: {  	s21 =	sadd.s32 $0x400, s11  }
0x34: {  	[tilespmem:s29], [sflag:$0x2] =	stream.indirect.gather [hbm4b:s4+s16], $0x40, s21, s16, $0xb8;
	[tilespmem:$0x1B7B0] =	vst v63  }
0x35: {  	s23 =	sadd.s32 $0x480, s11  }
0x36: {  	[tilespmem:s30], [sflag:$0x2] =	stream.indirect.gather [hbm4b:s4+s16], $0x40, s23, s16, $0xb8;
	[tilespmem:$0x1B7B0] =	vst v63  }
0x37: {  	s24 =	sadd.s32 $0x500, s11  }
0x38: {  	[tilespmem:s31], [sflag:$0x2] =	stream.indirect.gather [hbm4b:s4+s16], $0x40, s24, s16, $0xb8;
	[tilespmem:$0x1B7B0] =	vst v63  }
0x39: {  	s25 =	sadd.s32 $0x580, s11  }
0x3a: {  	[tilespmem:s0], [sflag:$0x2] =	stream.indirect.gather [hbm4b:s4+s16], $0x40, s25, s16, $0xb8;
	[tilespmem:$0x1B7B0] =	vst v63  }
0x3b: {  	s11 =	sadd.s32 $0x600, s11  }
0x3c: {  	[tilespmem:s1], [sflag:$0x2] =	stream.indirect.gather [hbm4b:s4+s16], $0x40, s11, s16, $0xb8;
	[tilespmem:$0x1B7B0] =	vst v63  }
0x3d: {  	_ =	swait.ge [sflag:s14], $0x800  }
0x3e: {  	[sflag:s14] =	ssyncset.done $0x0  }
0x3f: {  	[sflag:s14] =	ssyncadd.s32 $0xFFFFF800  }
0x40: {  	_ =	swait.ge [sflag:s14], $0x800  }
0x41: {  	[sflag:s14] =	ssyncset.done $0x0  }
0x42: {  	[sflag:s14] =	ssyncadd.s32 $0xFFFFF800  }
0x43: {  	_ =	swait.ge [sflag:s14], $0x2000  }
0x44: {  	[sflag:s14] =	ssyncset.done $0x0  }
0x45: {  	[sflag:s14] =	ssyncadd.s32 $0xFFFFE000  }
0x46: {  	_ =	swait.ge [sflag:s14], $0x2000  }
0x47: {  	[sflag:s14] =	ssyncset.done $0x0  }
0x48: {  	[sflag:s14] =	ssyncadd.s32 $0xFFFFE000  }
0x49: {  	_ =	swait.ge [sflag:s14], $0x2000  }
0x4a: {  	[sflag:s14] =	ssyncset.done $0x0  }
0x4b: {  	[sflag:s14] =	ssyncadd.s32 $0xFFFFE000  }
0x4c: {  	_ =	swait.ge [sflag:s14], $0x2000  }
0x4d: {  	[sflag:s14] =	ssyncset.done $0x0  }
0x4e: {  	[sflag:s14] =	ssyncadd.s32 $0xFFFFE000  }
0x4f: {  	s12 =	simm.s32 $0x4100;
	s21 =	smov.u32 s5;
	_ =	swait.ge [sflag:s14], $0x2000  }
0x50: {  	s23 =	sshll.u32 s22, $0x1;
	s24 =	simm.s32 $0xFFFFFFFE;
	[sflag:s14] =	ssyncset.done $0x0  }
0x51: {  	s25 =	simm.s32 $0x3440;
	s11 =	simm.s32 $0x2C40;
	[sflag:s14] =	ssyncadd.s32 $0xFFFFE000  }
.LBB2_3:
0x52: {  	v53 =	vld [tilespmem:s11+$0xFFFFFFC0]  }
0x53: {  	v54 =	vld [tilespmem:s11+$0xFFFFFFD0]  }
0x54: {  	v57 =	vld [tilespmem:s25+$0xFFFFFFC0]  }
0x55: {  	v58 =	vld [tilespmem:s25+$0xFFFFFFD0]  }
0x56: {  	v55 =	vld [tilespmem:s11+$0xFFFFFFE0]  }
0x57: {  	v59 =	vld [tilespmem:s25+$0xFFFFFFE0]  }
0x58: {  	v56 =	vld [tilespmem:s11+$0xFFFFFFF0]  }
0x59: {  	v60 =	vld [tilespmem:s25+$0xFFFFFFF0]  }
0x5a: {  	v57 =	vmul.f32 v57, v53;
	v58 =	vmul.f32 v58, v54;
	_ =	sdelay $0x1  }
0x5b: {  	v63 =	vmul.f32 v59, v55;
	v57 =	vadd.f32 v58, v57;
	_ =	sdelay $0x1  }
0x5c: {  	v60 =	vmul.f32 v60, v56;
	v57 =	vadd.f32 v63, v57;
	_ =	sdelay $0x1  }
0x5d: {  	v57 =	vadd.f32 v60, v57;
	_ =	sdelay $0x1  }
0x5e: {  	[tilespmem:v1+s15+$0x0] =	vst.idx.msk $0xffff, v57  }
0x5f: {  	v57 =	vld [tilespmem:s12+$0xFFFFFB00]  }
0x60: {  	v58 =	vld [tilespmem:s12+$0xFFFFFB10];
	_ =	sdelay $0x1  }
0x61: {  	v59 =	vld [tilespmem:s12+$0xFFFFFB20];
	_ =	sdelay $0x1  }
0x62: {  	v60 =	vld [tilespmem:s12+$0xFFFFFB30]  }
0x63: {  	v57 =	vmul.f32 v57, v53;
	v58 =	vmul.f32 v58, v54;
	_ =	sdelay $0x1  }
0x64: {  	v61 =	vmul.f32 v59, v55;
	v57 =	vadd.f32 v58, v57;
	_ =	sdelay $0x1  }
0x65: {  	v62 =	vmul.f32 v60, v56;
	v57 =	vadd.f32 v61, v57;
	_ =	sdelay $0x1  }
0x66: {  	v57 =	vadd.f32 v62, v57;
	_ =	sdelay $0x1  }
0x67: {  	[tilespmem:v2+s15+$0x0] =	vst.idx.msk $0xffff, v57  }
0x68: {  	v57 =	vld [tilespmem:s12+$0xFFFFFB40]  }
0x69: {  	v58 =	vld [tilespmem:s12+$0xFFFFFB50];
	_ =	sdelay $0x1  }
0x6a: {  	v59 =	vld [tilespmem:s12+$0xFFFFFB60];
	_ =	sdelay $0x1  }
0x6b: {  	v60 =	vld [tilespmem:s12+$0xFFFFFB70]  }
0x6c: {  	v57 =	vmul.f32 v57, v53;
	v58 =	vmul.f32 v58, v54;
	_ =	sdelay $0x1  }
0x6d: {  	v63 =	vmul.f32 v59, v55;
	v57 =	vadd.f32 v58, v57;
	_ =	sdelay $0x1  }
0x6e: {  	v60 =	vmul.f32 v60, v56;
	v57 =	vadd.f32 v63, v57;
	_ =	sdelay $0x1  }
0x6f: {  	v57 =	vadd.f32 v60, v57;
	_ =	sdelay $0x1  }
0x70: {  	[tilespmem:v3+s15+$0x0] =	vst.idx.msk $0xffff, v57  }
0x71: {  	v57 =	vld [tilespmem:s12+$0xFFFFFB80]  }
0x72: {  	v58 =	vld [tilespmem:s12+$0xFFFFFB90];
	_ =	sdelay $0x1  }
0x73: {  	v59 =	vld [tilespmem:s12+$0xFFFFFBA0];
	_ =	sdelay $0x1  }
0x74: {  	v60 =	vld [tilespmem:s12+$0xFFFFFBB0]  }
0x75: {  	v57 =	vmul.f32 v57, v53;
	v58 =	vmul.f32 v58, v54;
	_ =	sdelay $0x1  }
0x76: {  	v61 =	vmul.f32 v59, v55;
	v57 =	vadd.f32 v58, v57;
	_ =	sdelay $0x1  }
0x77: {  	v62 =	vmul.f32 v60, v56;
	v57 =	vadd.f32 v61, v57;
	_ =	sdelay $0x1  }
0x78: {  	v57 =	vadd.f32 v62, v57;
	_ =	sdelay $0x1  }
0x79: {  	[tilespmem:v4+s15+$0x0] =	vst.idx.msk $0xffff, v57  }
0x7a: {  	v57 =	vld [tilespmem:s12+$0xFFFFFBC0]  }
0x7b: {  	v58 =	vld [tilespmem:s12+$0xFFFFFBD0];
	_ =	sdelay $0x1  }
0x7c: {  	v59 =	vld [tilespmem:s12+$0xFFFFFBE0];
	_ =	sdelay $0x1  }
0x7d: {  	v60 =	vld [tilespmem:s12+$0xFFFFFBF0]  }
0x7e: {  	v57 =	vmul.f32 v57, v53;
	v58 =	vmul.f32 v58, v54;
	_ =	sdelay $0x1  }
0x7f: {  	v63 =	vmul.f32 v59, v55;
	v57 =	vadd.f32 v58, v57;
	_ =	sdelay $0x1  }
0x80: {  	v60 =	vmul.f32 v60, v56;
	v57 =	vadd.f32 v63, v57;
	_ =	sdelay $0x1  }
0x81: {  	v57 =	vadd.f32 v60, v57;
	_ =	sdelay $0x1  }
0x82: {  	[tilespmem:v5+s15+$0x0] =	vst.idx.msk $0xffff, v57  }
0x83: {  	v57 =	vld [tilespmem:s12+$0xFFFFFC00]  }
0x84: {  	v58 =	vld [tilespmem:s12+$0xFFFFFC10];
	_ =	sdelay $0x1  }
0x85: {  	v59 =	vld [tilespmem:s12+$0xFFFFFC20];
	_ =	sdelay $0x1  }
0x86: {  	v60 =	vld [tilespmem:s12+$0xFFFFFC30]  }
0x87: {  	v57 =	vmul.f32 v57, v53;
	v58 =	vmul.f32 v58, v54;
	_ =	sdelay $0x1  }
0x88: {  	v61 =	vmul.f32 v59, v55;
	v57 =	vadd.f32 v58, v57;
	_ =	sdelay $0x1  }
0x89: {  	v62 =	vmul.f32 v60, v56;
	v57 =	vadd.f32 v61, v57;
	_ =	sdelay $0x1  }
0x8a: {  	v57 =	vadd.f32 v62, v57;
	_ =	sdelay $0x1  }
0x8b: {  	[tilespmem:v6+s15+$0x0] =	vst.idx.msk $0xffff, v57  }
0x8c: {  	v57 =	vld [tilespmem:s12+$0xFFFFFC40]  }
0x8d: {  	v58 =	vld [tilespmem:s12+$0xFFFFFC50];
	_ =	sdelay $0x1  }
0x8e: {  	v59 =	vld [tilespmem:s12+$0xFFFFFC60];
	_ =	sdelay $0x1  }
0x8f: {  	v60 =	vld [tilespmem:s12+$0xFFFFFC70]  }
0x90: {  	v57 =	vmul.f32 v57, v53;
	v58 =	vmul.f32 v58, v54;
	_ =	sdelay $0x1  }
0x91: {  	v63 =	vmul.f32 v59, v55;
	v57 =	vadd.f32 v58, v57;
	_ =	sdelay $0x1  }
0x92: {  	v60 =	vmul.f32 v60, v56;
	v57 =	vadd.f32 v63, v57;
	_ =	sdelay $0x1  }
0x93: {  	v57 =	vadd.f32 v60, v57;
	_ =	sdelay $0x1  }
0x94: {  	[tilespmem:v7+s15+$0x0] =	vst.idx.msk $0xffff, v57  }
0x95: {  	v57 =	vld [tilespmem:s12+$0xFFFFFC80]  }
0x96: {  	v58 =	vld [tilespmem:s12+$0xFFFFFC90];
	_ =	sdelay $0x1  }
0x97: {  	v59 =	vld [tilespmem:s12+$0xFFFFFCA0];
	_ =	sdelay $0x1  }
0x98: {  	v60 =	vld [tilespmem:s12+$0xFFFFFCB0]  }
0x99: {  	v57 =	vmul.f32 v57, v53;
	v58 =	vmul.f32 v58, v54;
	_ =	sdelay $0x1  }
0x9a: {  	v61 =	vmul.f32 v59, v55;
	v57 =	vadd.f32 v58, v57;
	_ =	sdelay $0x1  }
0x9b: {  	v62 =	vmul.f32 v60, v56;
	v57 =	vadd.f32 v61, v57;
	_ =	sdelay $0x1  }
0x9c: {  	v57 =	vadd.f32 v62, v57;
	_ =	sdelay $0x1  }
0x9d: {  	[tilespmem:v8+s15+$0x0] =	vst.idx.msk $0xffff, v57  }
0x9e: {  	v57 =	vld [tilespmem:s12+$0xFFFFFCC0]  }
0x9f: {  	v58 =	vld [tilespmem:s12+$0xFFFFFCD0];
	_ =	sdelay $0x1  }
0xa0: {  	v59 =	vld [tilespmem:s12+$0xFFFFFCE0];
	_ =	sdelay $0x1  }
0xa1: {  	v60 =	vld [tilespmem:s12+$0xFFFFFCF0]  }
0xa2: {  	v57 =	vmul.f32 v57, v53;
	v58 =	vmul.f32 v58, v54;
	_ =	sdelay $0x1  }
0xa3: {  	v63 =	vmul.f32 v59, v55;
	v57 =	vadd.f32 v58, v57;
	_ =	sdelay $0x1  }
0xa4: {  	v60 =	vmul.f32 v60, v56;
	v57 =	vadd.f32 v63, v57;
	_ =	sdelay $0x1  }
0xa5: {  	v57 =	vadd.f32 v60, v57;
	_ =	sdelay $0x1  }
0xa6: {  	[tilespmem:v9+s15+$0x0] =	vst.idx.msk $0xffff, v57  }
0xa7: {  	v57 =	vld [tilespmem:s12+$0xFFFFFD00]  }
0xa8: {  	v58 =	vld [tilespmem:s12+$0xFFFFFD10];
	_ =	sdelay $0x1  }
0xa9: {  	v59 =	vld [tilespmem:s12+$0xFFFFFD20];
	_ =	sdelay $0x1  }
0xaa: {  	v60 =	vld [tilespmem:s12+$0xFFFFFD30]  }
0xab: {  	v57 =	vmul.f32 v57, v53;
	v58 =	vmul.f32 v58, v54;
	_ =	sdelay $0x1  }
0xac: {  	v61 =	vmul.f32 v59, v55;
	v57 =	vadd.f32 v58, v57;
	_ =	sdelay $0x1  }
0xad: {  	v62 =	vmul.f32 v60, v56;
	v57 =	vadd.f32 v61, v57;
	_ =	sdelay $0x1  }
0xae: {  	v57 =	vadd.f32 v62, v57;
	_ =	sdelay $0x1  }
0xaf: {  	[tilespmem:v10+s15+$0x0] =	vst.idx.msk $0xffff, v57  }
0xb0: {  	v57 =	vld [tilespmem:s12+$0xFFFFFD40]  }
0xb1: {  	v58 =	vld [tilespmem:s12+$0xFFFFFD50];
	_ =	sdelay $0x1  }
0xb2: {  	v59 =	vld [tilespmem:s12+$0xFFFFFD60];
	_ =	sdelay $0x1  }
0xb3: {  	v60 =	vld [tilespmem:s12+$0xFFFFFD70]  }
0xb4: {  	v57 =	vmul.f32 v57, v53;
	v58 =	vmul.f32 v58, v54;
	_ =	sdelay $0x1  }
0xb5: {  	v63 =	vmul.f32 v59, v55;
	v57 =	vadd.f32 v58, v57;
	_ =	sdelay $0x1  }
0xb6: {  	v60 =	vmul.f32 v60, v56;
	v57 =	vadd.f32 v63, v57;
	_ =	sdelay $0x1  }
0xb7: {  	v57 =	vadd.f32 v60, v57;
	_ =	sdelay $0x1  }
0xb8: {  	[tilespmem:v11+s15+$0x0] =	vst.idx.msk $0xffff, v57  }
0xb9: {  	v57 =	vld [tilespmem:s12+$0xFFFFFD80]  }
0xba: {  	v58 =	vld [tilespmem:s12+$0xFFFFFD90];
	_ =	sdelay $0x1  }
0xbb: {  	v59 =	vld [tilespmem:s12+$0xFFFFFDA0];
	_ =	sdelay $0x1  }
0xbc: {  	v60 =	vld [tilespmem:s12+$0xFFFFFDB0]  }
0xbd: {  	v57 =	vmul.f32 v57, v53;
	v58 =	vmul.f32 v58, v54;
	_ =	sdelay $0x1  }
0xbe: {  	v61 =	vmul.f32 v59, v55;
	v57 =	vadd.f32 v58, v57;
	_ =	sdelay $0x1  }
0xbf: {  	v62 =	vmul.f32 v60, v56;
	v57 =	vadd.f32 v61, v57;
	_ =	sdelay $0x1  }
0xc0: {  	v57 =	vadd.f32 v62, v57;
	_ =	sdelay $0x1  }
0xc1: {  	[tilespmem:v12+s15+$0x0] =	vst.idx.msk $0xffff, v57  }
0xc2: {  	v57 =	vld [tilespmem:s12+$0xFFFFFDC0]  }
0xc3: {  	v58 =	vld [tilespmem:s12+$0xFFFFFDD0];
	_ =	sdelay $0x1  }
0xc4: {  	v59 =	vld [tilespmem:s12+$0xFFFFFDE0];
	_ =	sdelay $0x1  }
0xc5: {  	v60 =	vld [tilespmem:s12+$0xFFFFFDF0]  }
0xc6: {  	v57 =	vmul.f32 v57, v53;
	v58 =	vmul.f32 v58, v54;
	_ =	sdelay $0x1  }
0xc7: {  	v63 =	vmul.f32 v59, v55;
	v57 =	vadd.f32 v58, v57;
	_ =	sdelay $0x1  }
0xc8: {  	v60 =	vmul.f32 v60, v56;
	v57 =	vadd.f32 v63, v57;
	_ =	sdelay $0x1  }
0xc9: {  	v57 =	vadd.f32 v60, v57;
	_ =	sdelay $0x1  }
0xca: {  	[tilespmem:v13+s15+$0x0] =	vst.idx.msk $0xffff, v57  }
0xcb: {  	v57 =	vld [tilespmem:s12+$0xFFFFFE00]  }
0xcc: {  	v58 =	vld [tilespmem:s12+$0xFFFFFE10];
	_ =	sdelay $0x1  }
0xcd: {  	v59 =	vld [tilespmem:s12+$0xFFFFFE20];
	_ =	sdelay $0x1  }
0xce: {  	v60 =	vld [tilespmem:s12+$0xFFFFFE30]  }
0xcf: {  	v57 =	vmul.f32 v57, v53;
	v58 =	vmul.f32 v58, v54;
	_ =	sdelay $0x1  }
0xd0: {  	v61 =	vmul.f32 v59, v55;
	v57 =	vadd.f32 v58, v57;
	_ =	sdelay $0x1  }
0xd1: {  	v62 =	vmul.f32 v60, v56;
	v57 =	vadd.f32 v61, v57;
	_ =	sdelay $0x1  }
0xd2: {  	v57 =	vadd.f32 v62, v57;
	_ =	sdelay $0x1  }
0xd3: {  	[tilespmem:v14+s15+$0x0] =	vst.idx.msk $0xffff, v57  }
0xd4: {  	v57 =	vld [tilespmem:s12+$0xFFFFFE40]  }
0xd5: {  	v58 =	vld [tilespmem:s12+$0xFFFFFE50];
	_ =	sdelay $0x1  }
0xd6: {  	v59 =	vld [tilespmem:s12+$0xFFFFFE60];
	_ =	sdelay $0x1  }
0xd7: {  	v60 =	vld [tilespmem:s12+$0xFFFFFE70]  }
0xd8: {  	v57 =	vmul.f32 v57, v53;
	v58 =	vmul.f32 v58, v54;
	_ =	sdelay $0x1  }
0xd9: {  	v63 =	vmul.f32 v59, v55;
	v57 =	vadd.f32 v58, v57;
	_ =	sdelay $0x1  }
0xda: {  	v60 =	vmul.f32 v60, v56;
	v57 =	vadd.f32 v63, v57;
	_ =	sdelay $0x1  }
0xdb: {  	v57 =	vadd.f32 v60, v57;
	_ =	sdelay $0x1  }
0xdc: {  	[tilespmem:v15+s15+$0x0] =	vst.idx.msk $0xffff, v57  }
0xdd: {  	v57 =	vld [tilespmem:s12+$0xFFFFFE80]  }
0xde: {  	v58 =	vld [tilespmem:s12+$0xFFFFFE90];
	_ =	sdelay $0x1  }
0xdf: {  	v59 =	vld [tilespmem:s12+$0xFFFFFEA0];
	_ =	sdelay $0x1  }
0xe0: {  	v60 =	vld [tilespmem:s12+$0xFFFFFEB0]  }
0xe1: {  	v57 =	vmul.f32 v57, v53;
	v58 =	vmul.f32 v58, v54;
	_ =	sdelay $0x1  }
0xe2: {  	v61 =	vmul.f32 v59, v55;
	v57 =	vadd.f32 v58, v57;
	_ =	sdelay $0x1  }
0xe3: {  	v62 =	vmul.f32 v60, v56;
	v57 =	vadd.f32 v61, v57;
	_ =	sdelay $0x1  }
0xe4: {  	v57 =	vadd.f32 v62, v57;
	_ =	sdelay $0x1  }
0xe5: {  	[tilespmem:v16+s15+$0x0] =	vst.idx.msk $0xffff, v57  }
0xe6: {  	v57 =	vld [tilespmem:s12+$0xFFFFFEC0]  }
0xe7: {  	v58 =	vld [tilespmem:s12+$0xFFFFFED0];
	_ =	sdelay $0x1  }
0xe8: {  	v59 =	vld [tilespmem:s12+$0xFFFFFEE0];
	_ =	sdelay $0x1  }
0xe9: {  	v60 =	vld [tilespmem:s12+$0xFFFFFEF0]  }
0xea: {  	v57 =	vmul.f32 v57, v53;
	v58 =	vmul.f32 v58, v54;
	_ =	sdelay $0x1  }
0xeb: {  	v63 =	vmul.f32 v59, v55;
	v57 =	vadd.f32 v58, v57;
	_ =	sdelay $0x1  }
0xec: {  	v60 =	vmul.f32 v60, v56;
	v57 =	vadd.f32 v63, v57;
	_ =	sdelay $0x1  }
0xed: {  	v57 =	vadd.f32 v60, v57;
	_ =	sdelay $0x1  }
0xee: {  	[tilespmem:v17+s15+$0x0] =	vst.idx.msk $0xffff, v57  }
0xef: {  	v57 =	vld [tilespmem:s12+$0xFFFFFF00]  }
0xf0: {  	v58 =	vld [tilespmem:s12+$0xFFFFFF10];
	_ =	sdelay $0x1  }
0xf1: {  	v59 =	vld [tilespmem:s12+$0xFFFFFF20];
	_ =	sdelay $0x1  }
0xf2: {  	v60 =	vld [tilespmem:s12+$0xFFFFFF30]  }
0xf3: {  	v57 =	vmul.f32 v57, v53;
	v58 =	vmul.f32 v58, v54;
	_ =	sdelay $0x1  }
0xf4: {  	v61 =	vmul.f32 v59, v55;
	v57 =	vadd.f32 v58, v57;
	_ =	sdelay $0x1  }
0xf5: {  	v62 =	vmul.f32 v60, v56;
	v57 =	vadd.f32 v61, v57;
	_ =	sdelay $0x1  }
0xf6: {  	v57 =	vadd.f32 v62, v57;
	_ =	sdelay $0x1  }
0xf7: {  	[tilespmem:v18+s15+$0x0] =	vst.idx.msk $0xffff, v57  }
0xf8: {  	v57 =	vld [tilespmem:s12+$0xFFFFFF40]  }
0xf9: {  	v58 =	vld [tilespmem:s12+$0xFFFFFF50];
	_ =	sdelay $0x1  }
0xfa: {  	v59 =	vld [tilespmem:s12+$0xFFFFFF60];
	_ =	sdelay $0x1  }
0xfb: {  	v60 =	vld [tilespmem:s12+$0xFFFFFF70]  }
0xfc: {  	v57 =	vmul.f32 v57, v53;
	v58 =	vmul.f32 v58, v54;
	_ =	sdelay $0x1  }
0xfd: {  	v63 =	vmul.f32 v59, v55;
	v57 =	vadd.f32 v58, v57;
	_ =	sdelay $0x1  }
0xfe: {  	v61 =	vmul.f32 v60, v56;
	v57 =	vadd.f32 v63, v57;
	_ =	sdelay $0x1  }
0xff: {  	v57 =	vadd.f32 v61, v57;
	_ =	sdelay $0x1  }
0x100: {  	[tilespmem:v19+s15+$0x0] =	vst.idx.msk $0xffff, v57  }
0x101: {  	v57 =	vld [tilespmem:s12+$0xFFFFFF80]  }
0x102: {  	v58 =	vld [tilespmem:s12+$0xFFFFFF90];
	_ =	sdelay $0x1  }
0x103: {  	v59 =	vld [tilespmem:s12+$0xFFFFFFA0];
	_ =	sdelay $0x1  }
0x104: {  	v60 =	vld [tilespmem:s12+$0xFFFFFFB0]  }
0x105: {  	v57 =	vmul.f32 v57, v53;
	v58 =	vmul.f32 v58, v54;
	_ =	sdelay $0x1  }
0x106: {  	v62 =	vmul.f32 v59, v55;
	v57 =	vadd.f32 v58, v57;
	_ =	sdelay $0x1  }
0x107: {  	v63 =	vmul.f32 v60, v56;
	v57 =	vadd.f32 v62, v57;
	_ =	sdelay $0x1  }
0x108: {  	v57 =	vadd.f32 v63, v57;
	_ =	sdelay $0x1  }
0x109: {  	[tilespmem:v20+s15+$0x0] =	vst.idx.msk $0xffff, v57  }
0x10a: {  	v57 =	vld [tilespmem:s12+$0xFFFFFFC0]  }
0x10b: {  	v58 =	vld [tilespmem:s12+$0xFFFFFFD0];
	_ =	sdelay $0x1  }
0x10c: {  	v59 =	vld [tilespmem:s12+$0xFFFFFFE0];
	_ =	sdelay $0x1  }
0x10d: {  	v60 =	vld [tilespmem:s12+$0xFFFFFFF0]  }
0x10e: {  	v53 =	vmul.f32 v57, v53;
	v54 =	vmul.f32 v58, v54;
	_ =	sdelay $0x1  }
0x10f: {  	v58 =	vmul.f32 v59, v55;
	v53 =	vadd.f32 v54, v53;
	_ =	sdelay $0x1  }
0x110: {  	v59 =	vmul.f32 v60, v56;
	v53 =	vadd.f32 v58, v53;
	_ =	sdelay $0x1  }
0x111: {  	v53 =	vadd.f32 v59, v53;
	_ =	sdelay $0x1  }
0x112: {  	[tilespmem:v21+s15+$0x0] =	vst.idx.msk $0xffff, v53  }
0x113: {  	v53 =	vld.idx.msk [tilespmem:v0+s15+$0x0], $0xffff  }
0x114: {  	v54 =	vld.idx.msk [tilespmem:v22+s15+$0x0], $0xffff  }
0x115: {  	v60 =	vld.idx.msk [tilespmem:v23+s15+$0x0], $0xffff  }
0x116: {  	v56 =	vld.idx.msk [tilespmem:v24+s15+$0x0], $0xffff  }
0x117: {  	v57 =	vld.idx.msk [tilespmem:v25+s15+$0x0], $0xffff  }
0x118: {  	v58 =	vld.idx.msk [tilespmem:v26+s15+$0x0], $0xffff  }
0x119: {  	v59 =	vld.idx.msk [tilespmem:v27+s15+$0x0], $0xffff  }
0x11a: {  	v55 =	vld.idx.msk [tilespmem:v28+s15+$0x0], $0xffff;
	v53 =	vadd.f32 v60, v53  }
0x11b: {  	v60 =	vld.idx.msk [tilespmem:v29+s15+$0x0], $0xffff  }
0x11c: {  	v54 =	vadd.f32 v56, v54;
	v56 =	vld.idx.msk [tilespmem:v30+s15+$0x0], $0xffff;
	v53 =	vadd.f32 v57, v53  }
0x11d: {  	v57 =	vld.idx.msk [tilespmem:v31+s15+$0x0], $0xffff  }
0x11e: {  	v54 =	vadd.f32 v58, v54;
	v58 =	vld.idx.msk [tilespmem:v32+s15+$0x0], $0xffff;
	v53 =	vadd.f32 v59, v53  }
0x11f: {  	v59 =	vld.idx.msk [tilespmem:v33+s15+$0x0], $0xffff  }
0x120: {  	v54 =	vadd.f32 v55, v54;
	v55 =	vld.idx.msk [tilespmem:v34+s15+$0x0], $0xffff;
	v53 =	vadd.f32 v60, v53  }
0x121: {  	v60 =	vld.idx.msk [tilespmem:v35+s15+$0x0], $0xffff  }
0x122: {  	v54 =	vadd.f32 v56, v54;
	v56 =	vld.idx.msk [tilespmem:v36+s15+$0x0], $0xffff;
	v53 =	vadd.f32 v57, v53  }
0x123: {  	v57 =	vld.idx.msk [tilespmem:v37+s15+$0x0], $0xffff  }
0x124: {  	v54 =	vadd.f32 v58, v54;
	v58 =	vld.idx.msk [tilespmem:v38+s15+$0x0], $0xffff;
	v53 =	vadd.f32 v59, v53  }
0x125: {  	v59 =	vld.idx.msk [tilespmem:v39+s15+$0x0], $0xffff  }
0x126: {  	v54 =	vadd.f32 v55, v54;
	v55 =	vld.idx.msk [tilespmem:v40+s15+$0x0], $0xffff;
	v53 =	vadd.f32 v60, v53  }
0x127: {  	v60 =	vld.idx.msk [tilespmem:v41+s15+$0x0], $0xffff  }
0x128: {  	v54 =	vadd.f32 v56, v54;
	v56 =	vld.idx.msk [tilespmem:v42+s15+$0x0], $0xffff;
	v53 =	vadd.f32 v57, v53  }
0x129: {  	v57 =	vld.idx.msk [tilespmem:v43+s15+$0x0], $0xffff  }
0x12a: {  	v54 =	vadd.f32 v58, v54;
	v58 =	vld.idx.msk [tilespmem:v44+s15+$0x0], $0xffff;
	v53 =	vadd.f32 v59, v53  }
0x12b: {  	v59 =	vld.idx.msk [tilespmem:v45+s15+$0x0], $0xffff  }
0x12c: {  	v54 =	vadd.f32 v55, v54;
	v55 =	vld.idx.msk [tilespmem:v46+s15+$0x0], $0xffff;
	v53 =	vadd.f32 v60, v53  }
0x12d: {  	v60 =	vld.idx.msk [tilespmem:v47+s15+$0x0], $0xffff  }
0x12e: {  	v54 =	vadd.f32 v56, v54;
	v56 =	vld.idx.msk [tilespmem:v48+s15+$0x0], $0xffff;
	v53 =	vadd.f32 v57, v53  }
0x12f: {  	v57 =	vld.idx.msk [tilespmem:v49+s15+$0x0], $0xffff  }
0x130: {  	v61 =	vld.idx.msk [tilespmem:v50+s15+$0x0], $0xffff;
	v54 =	vadd.f32 v58, v54;
	v53 =	vadd.f32 v59, v53  }
0x131: {  	v62 =	vld.idx.msk [tilespmem:v51+s15+$0x0], $0xffff  }
0x132: {  	v54 =	vadd.f32 v55, v54;
	v53 =	vadd.f32 v60, v53  }
0x133: {  	v63 =	vld.idx.msk [tilespmem:v52+s15+$0x0], $0xffff  }
0x134: {  	v54 =	vadd.f32 v56, v54;
	v53 =	vadd.f32 v57, v53;
	_ =	sdelay $0x1  }
0x135: {  	s6 =	sadd.s32 $0x10, s21;
	v60 =	vadd.s32 s21, v0;
	v54 =	vadd.f32 v61, v54;
	v53 =	vadd.f32 v62, v53  }
0x136: {  	v61 =	vadd.s32 s6, v0  }
0x137: {  	v54 =	vadd.f32 v63, v54;
	v62 =	vsub.f32 $0.0e+00, v53;
	_ =	sdelay $0x1  }
0x138: {  	v54 =	vsub.f32 $0.0e+00, v54;
	v53 =	vsel vm0, v53, v62  }
0x139: {  	[tilespmem:v60+s17+$0x0] =	vst.idx.msk $0xffff, v53  }
0x13a: {  	[tilespmem:v61+s17+$0x0] =	vst.idx.msk $0xffff, v54  }
0x13b: {  	v53 =	vld [tilespmem:s11+$0x0]  }
0x13c: {  	v54 =	vld [tilespmem:s11+$0x10]  }
0x13d: {  	v57 =	vld [tilespmem:s25+$0x0]  }
0x13e: {  	v58 =	vld [tilespmem:s25+$0x10]  }
0x13f: {  	v55 =	vld [tilespmem:s11+$0x20]  }
0x140: {  	v59 =	vld [tilespmem:s25+$0x20]  }
0x141: {  	v56 =	vld [tilespmem:s11+$0x30]  }
0x142: {  	v60 =	vld [tilespmem:s25+$0x30]  }
0x143: {  	v57 =	vmul.f32 v57, v53;
	v58 =	vmul.f32 v58, v54;
	_ =	sdelay $0x1  }
0x144: {  	v63 =	vmul.f32 v59, v55;
	v57 =	vadd.f32 v58, v57;
	_ =	sdelay $0x1  }
0x145: {  	v60 =	vmul.f32 v60, v56;
	v57 =	vadd.f32 v63, v57;
	_ =	sdelay $0x1  }
0x146: {  	v57 =	vadd.f32 v60, v57;
	_ =	sdelay $0x1  }
0x147: {  	[tilespmem:v1+s15+$0x0] =	vst.idx.msk $0xffff, v57  }
0x148: {  	v57 =	vld [tilespmem:s12+$0x0]  }
0x149: {  	v58 =	vld [tilespmem:s12+$0x10];
	_ =	sdelay $0x1  }
0x14a: {  	v59 =	vld [tilespmem:s12+$0x20];
	_ =	sdelay $0x1  }
0x14b: {  	v60 =	vld [tilespmem:s12+$0x30]  }
0x14c: {  	v57 =	vmul.f32 v57, v53;
	v58 =	vmul.f32 v58, v54;
	_ =	sdelay $0x1  }
0x14d: {  	v61 =	vmul.f32 v59, v55;
	v57 =	vadd.f32 v58, v57;
	_ =	sdelay $0x1  }
0x14e: {  	v62 =	vmul.f32 v60, v56;
	v57 =	vadd.f32 v61, v57;
	_ =	sdelay $0x1  }
0x14f: {  	v57 =	vadd.f32 v62, v57;
	_ =	sdelay $0x1  }
0x150: {  	[tilespmem:v2+s15+$0x0] =	vst.idx.msk $0xffff, v57  }
0x151: {  	v57 =	vld [tilespmem:s12+$0x40]  }
0x152: {  	v58 =	vld [tilespmem:s12+$0x50];
	_ =	sdelay $0x1  }
0x153: {  	v59 =	vld [tilespmem:s12+$0x60];
	_ =	sdelay $0x1  }
0x154: {  	v60 =	vld [tilespmem:s12+$0x70]  }
0x155: {  	v57 =	vmul.f32 v57, v53;
	v58 =	vmul.f32 v58, v54;
	_ =	sdelay $0x1  }
0x156: {  	v63 =	vmul.f32 v59, v55;
	v57 =	vadd.f32 v58, v57;
	_ =	sdelay $0x1  }
0x157: {  	v60 =	vmul.f32 v60, v56;
	v57 =	vadd.f32 v63, v57;
	_ =	sdelay $0x1  }
0x158: {  	v57 =	vadd.f32 v60, v57;
	_ =	sdelay $0x1  }
0x159: {  	[tilespmem:v3+s15+$0x0] =	vst.idx.msk $0xffff, v57  }
0x15a: {  	v57 =	vld [tilespmem:s12+$0x80]  }
0x15b: {  	v58 =	vld [tilespmem:s12+$0x90];
	_ =	sdelay $0x1  }
0x15c: {  	v59 =	vld [tilespmem:s12+$0xA0];
	_ =	sdelay $0x1  }
0x15d: {  	v60 =	vld [tilespmem:s12+$0xB0]  }
0x15e: {  	v57 =	vmul.f32 v57, v53;
	v58 =	vmul.f32 v58, v54;
	_ =	sdelay $0x1  }
0x15f: {  	v61 =	vmul.f32 v59, v55;
	v57 =	vadd.f32 v58, v57;
	_ =	sdelay $0x1  }
0x160: {  	v62 =	vmul.f32 v60, v56;
	v57 =	vadd.f32 v61, v57;
	_ =	sdelay $0x1  }
0x161: {  	v57 =	vadd.f32 v62, v57;
	_ =	sdelay $0x1  }
0x162: {  	[tilespmem:v4+s15+$0x0] =	vst.idx.msk $0xffff, v57  }
0x163: {  	v57 =	vld [tilespmem:s12+$0xC0]  }
0x164: {  	v58 =	vld [tilespmem:s12+$0xD0];
	_ =	sdelay $0x1  }
0x165: {  	v59 =	vld [tilespmem:s12+$0xE0];
	_ =	sdelay $0x1  }
0x166: {  	v60 =	vld [tilespmem:s12+$0xF0]  }
0x167: {  	v57 =	vmul.f32 v57, v53;
	v58 =	vmul.f32 v58, v54;
	_ =	sdelay $0x1  }
0x168: {  	v63 =	vmul.f32 v59, v55;
	v57 =	vadd.f32 v58, v57;
	_ =	sdelay $0x1  }
0x169: {  	v60 =	vmul.f32 v60, v56;
	v57 =	vadd.f32 v63, v57;
	_ =	sdelay $0x1  }
0x16a: {  	v57 =	vadd.f32 v60, v57;
	_ =	sdelay $0x1  }
0x16b: {  	[tilespmem:v5+s15+$0x0] =	vst.idx.msk $0xffff, v57  }
0x16c: {  	v57 =	vld [tilespmem:s12+$0x100]  }
0x16d: {  	v58 =	vld [tilespmem:s12+$0x110];
	_ =	sdelay $0x1  }
0x16e: {  	v59 =	vld [tilespmem:s12+$0x120];
	_ =	sdelay $0x1  }
0x16f: {  	v60 =	vld [tilespmem:s12+$0x130]  }
0x170: {  	v57 =	vmul.f32 v57, v53;
	v58 =	vmul.f32 v58, v54;
	_ =	sdelay $0x1  }
0x171: {  	v61 =	vmul.f32 v59, v55;
	v57 =	vadd.f32 v58, v57;
	_ =	sdelay $0x1  }
0x172: {  	v62 =	vmul.f32 v60, v56;
	v57 =	vadd.f32 v61, v57;
	_ =	sdelay $0x1  }
0x173: {  	v57 =	vadd.f32 v62, v57;
	_ =	sdelay $0x1  }
0x174: {  	[tilespmem:v6+s15+$0x0] =	vst.idx.msk $0xffff, v57  }
0x175: {  	v57 =	vld [tilespmem:s12+$0x140]  }
0x176: {  	v58 =	vld [tilespmem:s12+$0x150];
	_ =	sdelay $0x1  }
0x177: {  	v59 =	vld [tilespmem:s12+$0x160];
	_ =	sdelay $0x1  }
0x178: {  	v60 =	vld [tilespmem:s12+$0x170]  }
0x179: {  	v57 =	vmul.f32 v57, v53;
	v58 =	vmul.f32 v58, v54;
	_ =	sdelay $0x1  }
0x17a: {  	v63 =	vmul.f32 v59, v55;
	v57 =	vadd.f32 v58, v57;
	_ =	sdelay $0x1  }
0x17b: {  	v60 =	vmul.f32 v60, v56;
	v57 =	vadd.f32 v63, v57;
	_ =	sdelay $0x1  }
0x17c: {  	v57 =	vadd.f32 v60, v57;
	_ =	sdelay $0x1  }
0x17d: {  	[tilespmem:v7+s15+$0x0] =	vst.idx.msk $0xffff, v57  }
0x17e: {  	v57 =	vld [tilespmem:s12+$0x180]  }
0x17f: {  	v58 =	vld [tilespmem:s12+$0x190];
	_ =	sdelay $0x1  }
0x180: {  	v59 =	vld [tilespmem:s12+$0x1A0];
	_ =	sdelay $0x1  }
0x181: {  	v60 =	vld [tilespmem:s12+$0x1B0]  }
0x182: {  	v57 =	vmul.f32 v57, v53;
	v58 =	vmul.f32 v58, v54;
	_ =	sdelay $0x1  }
0x183: {  	v61 =	vmul.f32 v59, v55;
	v57 =	vadd.f32 v58, v57;
	_ =	sdelay $0x1  }
0x184: {  	v62 =	vmul.f32 v60, v56;
	v57 =	vadd.f32 v61, v57;
	_ =	sdelay $0x1  }
0x185: {  	v57 =	vadd.f32 v62, v57;
	_ =	sdelay $0x1  }
0x186: {  	[tilespmem:v8+s15+$0x0] =	vst.idx.msk $0xffff, v57  }
0x187: {  	v57 =	vld [tilespmem:s12+$0x1C0]  }
0x188: {  	v58 =	vld [tilespmem:s12+$0x1D0];
	_ =	sdelay $0x1  }
0x189: {  	v59 =	vld [tilespmem:s12+$0x1E0];
	_ =	sdelay $0x1  }
0x18a: {  	v60 =	vld [tilespmem:s12+$0x1F0]  }
0x18b: {  	v57 =	vmul.f32 v57, v53;
	v58 =	vmul.f32 v58, v54;
	_ =	sdelay $0x1  }
0x18c: {  	v63 =	vmul.f32 v59, v55;
	v57 =	vadd.f32 v58, v57;
	_ =	sdelay $0x1  }
0x18d: {  	v60 =	vmul.f32 v60, v56;
	v57 =	vadd.f32 v63, v57;
	_ =	sdelay $0x1  }
0x18e: {  	v57 =	vadd.f32 v60, v57;
	_ =	sdelay $0x1  }
0x18f: {  	[tilespmem:v9+s15+$0x0] =	vst.idx.msk $0xffff, v57  }
0x190: {  	v57 =	vld [tilespmem:s12+$0x200]  }
0x191: {  	v58 =	vld [tilespmem:s12+$0x210];
	_ =	sdelay $0x1  }
0x192: {  	v59 =	vld [tilespmem:s12+$0x220];
	_ =	sdelay $0x1  }
0x193: {  	v60 =	vld [tilespmem:s12+$0x230]  }
0x194: {  	v57 =	vmul.f32 v57, v53;
	v58 =	vmul.f32 v58, v54;
	_ =	sdelay $0x1  }
0x195: {  	v61 =	vmul.f32 v59, v55;
	v57 =	vadd.f32 v58, v57;
	_ =	sdelay $0x1  }
0x196: {  	v62 =	vmul.f32 v60, v56;
	v57 =	vadd.f32 v61, v57;
	_ =	sdelay $0x1  }
0x197: {  	v57 =	vadd.f32 v62, v57;
	_ =	sdelay $0x1  }
0x198: {  	[tilespmem:v10+s15+$0x0] =	vst.idx.msk $0xffff, v57  }
0x199: {  	v57 =	vld [tilespmem:s12+$0x240]  }
0x19a: {  	v58 =	vld [tilespmem:s12+$0x250];
	_ =	sdelay $0x1  }
0x19b: {  	v59 =	vld [tilespmem:s12+$0x260];
	_ =	sdelay $0x1  }
0x19c: {  	v60 =	vld [tilespmem:s12+$0x270]  }
0x19d: {  	v57 =	vmul.f32 v57, v53;
	v58 =	vmul.f32 v58, v54;
	_ =	sdelay $0x1  }
0x19e: {  	v63 =	vmul.f32 v59, v55;
	v57 =	vadd.f32 v58, v57;
	_ =	sdelay $0x1  }
0x19f: {  	v60 =	vmul.f32 v60, v56;
	v57 =	vadd.f32 v63, v57;
	_ =	sdelay $0x1  }
0x1a0: {  	v57 =	vadd.f32 v60, v57;
	_ =	sdelay $0x1  }
0x1a1: {  	[tilespmem:v11+s15+$0x0] =	vst.idx.msk $0xffff, v57  }
0x1a2: {  	v57 =	vld [tilespmem:s12+$0x280]  }
0x1a3: {  	v58 =	vld [tilespmem:s12+$0x290];
	_ =	sdelay $0x1  }
0x1a4: {  	v59 =	vld [tilespmem:s12+$0x2A0];
	_ =	sdelay $0x1  }
0x1a5: {  	v60 =	vld [tilespmem:s12+$0x2B0]  }
0x1a6: {  	v57 =	vmul.f32 v57, v53;
	v58 =	vmul.f32 v58, v54;
	_ =	sdelay $0x1  }
0x1a7: {  	v61 =	vmul.f32 v59, v55;
	v57 =	vadd.f32 v58, v57;
	_ =	sdelay $0x1  }
0x1a8: {  	v62 =	vmul.f32 v60, v56;
	v57 =	vadd.f32 v61, v57;
	_ =	sdelay $0x1  }
0x1a9: {  	v57 =	vadd.f32 v62, v57;
	_ =	sdelay $0x1  }
0x1aa: {  	[tilespmem:v12+s15+$0x0] =	vst.idx.msk $0xffff, v57  }
0x1ab: {  	v57 =	vld [tilespmem:s12+$0x2C0]  }
0x1ac: {  	v58 =	vld [tilespmem:s12+$0x2D0];
	_ =	sdelay $0x1  }
0x1ad: {  	v59 =	vld [tilespmem:s12+$0x2E0];
	_ =	sdelay $0x1  }
0x1ae: {  	v60 =	vld [tilespmem:s12+$0x2F0]  }
0x1af: {  	v57 =	vmul.f32 v57, v53;
	v58 =	vmul.f32 v58, v54;
	_ =	sdelay $0x1  }
0x1b0: {  	v63 =	vmul.f32 v59, v55;
	v57 =	vadd.f32 v58, v57;
	_ =	sdelay $0x1  }
0x1b1: {  	v60 =	vmul.f32 v60, v56;
	v57 =	vadd.f32 v63, v57;
	_ =	sdelay $0x1  }
0x1b2: {  	v57 =	vadd.f32 v60, v57;
	_ =	sdelay $0x1  }
0x1b3: {  	[tilespmem:v13+s15+$0x0] =	vst.idx.msk $0xffff, v57  }
0x1b4: {  	v57 =	vld [tilespmem:s12+$0x300]  }
0x1b5: {  	v58 =	vld [tilespmem:s12+$0x310];
	_ =	sdelay $0x1  }
0x1b6: {  	v59 =	vld [tilespmem:s12+$0x320];
	_ =	sdelay $0x1  }
0x1b7: {  	v60 =	vld [tilespmem:s12+$0x330]  }
0x1b8: {  	v57 =	vmul.f32 v57, v53;
	v58 =	vmul.f32 v58, v54;
	_ =	sdelay $0x1  }
0x1b9: {  	v61 =	vmul.f32 v59, v55;
	v57 =	vadd.f32 v58, v57;
	_ =	sdelay $0x1  }
0x1ba: {  	v62 =	vmul.f32 v60, v56;
	v57 =	vadd.f32 v61, v57;
	_ =	sdelay $0x1  }
0x1bb: {  	v57 =	vadd.f32 v62, v57;
	_ =	sdelay $0x1  }
0x1bc: {  	[tilespmem:v14+s15+$0x0] =	vst.idx.msk $0xffff, v57  }
0x1bd: {  	v57 =	vld [tilespmem:s12+$0x340]  }
0x1be: {  	v58 =	vld [tilespmem:s12+$0x350];
	_ =	sdelay $0x1  }
0x1bf: {  	v59 =	vld [tilespmem:s12+$0x360];
	_ =	sdelay $0x1  }
0x1c0: {  	v60 =	vld [tilespmem:s12+$0x370]  }
0x1c1: {  	v57 =	vmul.f32 v57, v53;
	v58 =	vmul.f32 v58, v54;
	_ =	sdelay $0x1  }
0x1c2: {  	v63 =	vmul.f32 v59, v55;
	v57 =	vadd.f32 v58, v57;
	_ =	sdelay $0x1  }
0x1c3: {  	v60 =	vmul.f32 v60, v56;
	v57 =	vadd.f32 v63, v57;
	_ =	sdelay $0x1  }
0x1c4: {  	v57 =	vadd.f32 v60, v57;
	_ =	sdelay $0x1  }
0x1c5: {  	[tilespmem:v15+s15+$0x0] =	vst.idx.msk $0xffff, v57  }
0x1c6: {  	v57 =	vld [tilespmem:s12+$0x380]  }
0x1c7: {  	v58 =	vld [tilespmem:s12+$0x390];
	_ =	sdelay $0x1  }
0x1c8: {  	v59 =	vld [tilespmem:s12+$0x3A0];
	_ =	sdelay $0x1  }
0x1c9: {  	v60 =	vld [tilespmem:s12+$0x3B0]  }
0x1ca: {  	v57 =	vmul.f32 v57, v53;
	v58 =	vmul.f32 v58, v54;
	_ =	sdelay $0x1  }
0x1cb: {  	v61 =	vmul.f32 v59, v55;
	v57 =	vadd.f32 v58, v57;
	_ =	sdelay $0x1  }
0x1cc: {  	v62 =	vmul.f32 v60, v56;
	v57 =	vadd.f32 v61, v57;
	_ =	sdelay $0x1  }
0x1cd: {  	v57 =	vadd.f32 v62, v57;
	_ =	sdelay $0x1  }
0x1ce: {  	[tilespmem:v16+s15+$0x0] =	vst.idx.msk $0xffff, v57  }
0x1cf: {  	v57 =	vld [tilespmem:s12+$0x3C0]  }
0x1d0: {  	v58 =	vld [tilespmem:s12+$0x3D0];
	_ =	sdelay $0x1  }
0x1d1: {  	v59 =	vld [tilespmem:s12+$0x3E0];
	_ =	sdelay $0x1  }
0x1d2: {  	v60 =	vld [tilespmem:s12+$0x3F0]  }
0x1d3: {  	v57 =	vmul.f32 v57, v53;
	v58 =	vmul.f32 v58, v54;
	_ =	sdelay $0x1  }
0x1d4: {  	v63 =	vmul.f32 v59, v55;
	v57 =	vadd.f32 v58, v57;
	_ =	sdelay $0x1  }
0x1d5: {  	v60 =	vmul.f32 v60, v56;
	v57 =	vadd.f32 v63, v57;
	_ =	sdelay $0x1  }
0x1d6: {  	v57 =	vadd.f32 v60, v57;
	_ =	sdelay $0x1  }
0x1d7: {  	[tilespmem:v17+s15+$0x0] =	vst.idx.msk $0xffff, v57  }
0x1d8: {  	v57 =	vld [tilespmem:s12+$0x400]  }
0x1d9: {  	v58 =	vld [tilespmem:s12+$0x410];
	_ =	sdelay $0x1  }
0x1da: {  	v59 =	vld [tilespmem:s12+$0x420];
	_ =	sdelay $0x1  }
0x1db: {  	v60 =	vld [tilespmem:s12+$0x430]  }
0x1dc: {  	v57 =	vmul.f32 v57, v53;
	v58 =	vmul.f32 v58, v54;
	_ =	sdelay $0x1  }
0x1dd: {  	v61 =	vmul.f32 v59, v55;
	v57 =	vadd.f32 v58, v57;
	_ =	sdelay $0x1  }
0x1de: {  	v62 =	vmul.f32 v60, v56;
	v57 =	vadd.f32 v61, v57;
	_ =	sdelay $0x1  }
0x1df: {  	v57 =	vadd.f32 v62, v57;
	_ =	sdelay $0x1  }
0x1e0: {  	[tilespmem:v18+s15+$0x0] =	vst.idx.msk $0xffff, v57  }
0x1e1: {  	v57 =	vld [tilespmem:s12+$0x440]  }
0x1e2: {  	v58 =	vld [tilespmem:s12+$0x450];
	_ =	sdelay $0x1  }
0x1e3: {  	v59 =	vld [tilespmem:s12+$0x460];
	_ =	sdelay $0x1  }
0x1e4: {  	v60 =	vld [tilespmem:s12+$0x470]  }
0x1e5: {  	v57 =	vmul.f32 v57, v53;
	v58 =	vmul.f32 v58, v54;
	_ =	sdelay $0x1  }
0x1e6: {  	v63 =	vmul.f32 v59, v55;
	v57 =	vadd.f32 v58, v57;
	_ =	sdelay $0x1  }
0x1e7: {  	v61 =	vmul.f32 v60, v56;
	v57 =	vadd.f32 v63, v57;
	_ =	sdelay $0x1  }
0x1e8: {  	v57 =	vadd.f32 v61, v57;
	_ =	sdelay $0x1  }
0x1e9: {  	[tilespmem:v19+s15+$0x0] =	vst.idx.msk $0xffff, v57  }
0x1ea: {  	v57 =	vld [tilespmem:s12+$0x480]  }
0x1eb: {  	v58 =	vld [tilespmem:s12+$0x490];
	_ =	sdelay $0x1  }
0x1ec: {  	v59 =	vld [tilespmem:s12+$0x4A0];
	_ =	sdelay $0x1  }
0x1ed: {  	v60 =	vld [tilespmem:s12+$0x4B0]  }
0x1ee: {  	v57 =	vmul.f32 v57, v53;
	v58 =	vmul.f32 v58, v54;
	_ =	sdelay $0x1  }
0x1ef: {  	v62 =	vmul.f32 v59, v55;
	v57 =	vadd.f32 v58, v57;
	_ =	sdelay $0x1  }
0x1f0: {  	v63 =	vmul.f32 v60, v56;
	v57 =	vadd.f32 v62, v57;
	_ =	sdelay $0x1  }
0x1f1: {  	v57 =	vadd.f32 v63, v57;
	_ =	sdelay $0x1  }
0x1f2: {  	[tilespmem:v20+s15+$0x0] =	vst.idx.msk $0xffff, v57  }
0x1f3: {  	v57 =	vld [tilespmem:s12+$0x4C0]  }
0x1f4: {  	v58 =	vld [tilespmem:s12+$0x4D0];
	_ =	sdelay $0x1  }
0x1f5: {  	v59 =	vld [tilespmem:s12+$0x4E0];
	_ =	sdelay $0x1  }
0x1f6: {  	v60 =	vld [tilespmem:s12+$0x4F0]  }
0x1f7: {  	v53 =	vmul.f32 v57, v53;
	v54 =	vmul.f32 v58, v54;
	_ =	sdelay $0x1  }
0x1f8: {  	v58 =	vmul.f32 v59, v55;
	v53 =	vadd.f32 v54, v53;
	_ =	sdelay $0x1  }
0x1f9: {  	v59 =	vmul.f32 v60, v56;
	v53 =	vadd.f32 v58, v53;
	_ =	sdelay $0x1  }
0x1fa: {  	v53 =	vadd.f32 v59, v53;
	_ =	sdelay $0x1  }
0x1fb: {  	[tilespmem:v21+s15+$0x0] =	vst.idx.msk $0xffff, v53  }
0x1fc: {  	v53 =	vld.idx.msk [tilespmem:v0+s15+$0x0], $0xffff  }
0x1fd: {  	v54 =	vld.idx.msk [tilespmem:v22+s15+$0x0], $0xffff  }
0x1fe: {  	v60 =	vld.idx.msk [tilespmem:v23+s15+$0x0], $0xffff  }
0x1ff: {  	v56 =	vld.idx.msk [tilespmem:v24+s15+$0x0], $0xffff  }
0x200: {  	v57 =	vld.idx.msk [tilespmem:v25+s15+$0x0], $0xffff  }
0x201: {  	v58 =	vld.idx.msk [tilespmem:v26+s15+$0x0], $0xffff  }
0x202: {  	v59 =	vld.idx.msk [tilespmem:v27+s15+$0x0], $0xffff  }
0x203: {  	v55 =	vld.idx.msk [tilespmem:v28+s15+$0x0], $0xffff;
	v53 =	vadd.f32 v60, v53  }
0x204: {  	v60 =	vld.idx.msk [tilespmem:v29+s15+$0x0], $0xffff  }
0x205: {  	v54 =	vadd.f32 v56, v54;
	v56 =	vld.idx.msk [tilespmem:v30+s15+$0x0], $0xffff;
	v53 =	vadd.f32 v57, v53  }
0x206: {  	v57 =	vld.idx.msk [tilespmem:v31+s15+$0x0], $0xffff  }
0x207: {  	v54 =	vadd.f32 v58, v54;
	v58 =	vld.idx.msk [tilespmem:v32+s15+$0x0], $0xffff;
	v53 =	vadd.f32 v59, v53  }
0x208: {  	v59 =	vld.idx.msk [tilespmem:v33+s15+$0x0], $0xffff  }
0x209: {  	v54 =	vadd.f32 v55, v54;
	v55 =	vld.idx.msk [tilespmem:v34+s15+$0x0], $0xffff;
	v53 =	vadd.f32 v60, v53  }
0x20a: {  	v60 =	vld.idx.msk [tilespmem:v35+s15+$0x0], $0xffff  }
0x20b: {  	v54 =	vadd.f32 v56, v54;
	v56 =	vld.idx.msk [tilespmem:v36+s15+$0x0], $0xffff;
	v53 =	vadd.f32 v57, v53  }
0x20c: {  	v57 =	vld.idx.msk [tilespmem:v37+s15+$0x0], $0xffff  }
0x20d: {  	v54 =	vadd.f32 v58, v54;
	v58 =	vld.idx.msk [tilespmem:v38+s15+$0x0], $0xffff;
	v53 =	vadd.f32 v59, v53  }
0x20e: {  	v59 =	vld.idx.msk [tilespmem:v39+s15+$0x0], $0xffff  }
0x20f: {  	v54 =	vadd.f32 v55, v54;
	v55 =	vld.idx.msk [tilespmem:v40+s15+$0x0], $0xffff;
	v53 =	vadd.f32 v60, v53  }
0x210: {  	v60 =	vld.idx.msk [tilespmem:v41+s15+$0x0], $0xffff  }
0x211: {  	v54 =	vadd.f32 v56, v54;
	v56 =	vld.idx.msk [tilespmem:v42+s15+$0x0], $0xffff;
	v53 =	vadd.f32 v57, v53  }
0x212: {  	v57 =	vld.idx.msk [tilespmem:v43+s15+$0x0], $0xffff  }
0x213: {  	v54 =	vadd.f32 v58, v54;
	v58 =	vld.idx.msk [tilespmem:v44+s15+$0x0], $0xffff;
	v53 =	vadd.f32 v59, v53  }
0x214: {  	v59 =	vld.idx.msk [tilespmem:v45+s15+$0x0], $0xffff  }
0x215: {  	v54 =	vadd.f32 v55, v54;
	v55 =	vld.idx.msk [tilespmem:v46+s15+$0x0], $0xffff;
	v53 =	vadd.f32 v60, v53  }
0x216: {  	v60 =	vld.idx.msk [tilespmem:v47+s15+$0x0], $0xffff  }
0x217: {  	v61 =	vld.idx.msk [tilespmem:v49+s15+$0x0], $0xffff;
	v54 =	vadd.f32 v56, v54;
	v53 =	vadd.f32 v57, v53  }
0x218: {  	v56 =	vld.idx.msk [tilespmem:v48+s15+$0x0], $0xffff  }
0x219: {  	v62 =	vld.idx.msk [tilespmem:v50+s15+$0x0], $0xffff;
	v54 =	vadd.f32 v58, v54;
	v53 =	vadd.f32 v59, v53  }
0x21a: {  	v63 =	vld.idx.msk [tilespmem:v51+s15+$0x0], $0xffff  }
0x21b: {  	v54 =	vadd.f32 v55, v54;
	v53 =	vadd.f32 v60, v53  }
0x21c: {  	v60 =	vld.idx.msk [tilespmem:v52+s15+$0x0], $0xffff  }
0x21d: {  	v54 =	vadd.f32 v56, v54;
	v53 =	vadd.f32 v61, v53  }
0x21e: {  	s6 =	sadd.s32 $0x15, s21  }
0x21f: {  	s24 =	sadd.s32 $0x2, s24;
	v54 =	vadd.f32 v62, v54;
	v61 =	vadd.s32 s6, v0;
	s6 =	sadd.s32 $0x25, s21;
	v53 =	vadd.f32 v63, v53  }
0x220: {  	p0 =	slt.u32 s24, $0x1E;
	v62 =	vadd.s32 s6, v0  }
.Ltmp0:
0x221: {  	v54 =	vadd.f32 v60, v54;
	v63 =	vsub.f32 $0.0e+00, v53;
	(pc) =	sbr.rel @p0 .LBB2_3-.Ltmp0, $4  }
0x222: {  	_ = 	snop  }
0x223: {  	v54 =	vsub.f32 $0.0e+00, v54;
	v53 =	vsel vm0, v53, v63  }
0x224: {  	s25 =	sadd.s32 $0x80, s25;
	[tilespmem:v61+s17+$0x0] =	vst.idx.msk $0xffff, v53  }
0x225: {  	s11 =	sadd.s32 $0x80, s11;
	s12 =	sadd.s32 $0xA00, s12;
	s21 =	sadd.s32 $0x2A, s21;
	[tilespmem:v62+s17+$0x0] =	vst.idx.msk $0xffff, v54  }
0x226: {  	p0 =	seq.s32 s22, $0x7  }
0x227: {  	s6 =	sadd.s32 @!p0 $0x2, s23  }
0x228: {  	s12 =	simm.s32 @!p0 $0x20;
	s11 =	sshll.u32 @!p0 s6, $0x5  }
0x229: {  	s21 =	simm.s32 @!p0 $0x2C00;
	s6 =	smul.u32 @!p0 $0xA00, s6;
	s11 =	sand.u32 @!p0 $0x3FFFFFE0, s11  }
0x22a: {  	[tilespmem:s21], [sflag:$0x1] =	stream.indirect.gather @!p0 [hbm4b:s3+s12], $0x40, s11, s12, $0xb8;
	[tilespmem:$0x1B7B0] =	vst v63  }
0x22b: {  	s11 =	sadd.s32 @!p0 $0x200, s11;
	s21 =	simm.s32 @!p0 $0x3400;
	s6 =	sshra.s32 @!p0 s6, $0x2  }
0x22c: {  	[tilespmem:s21], [sflag:$0x1] =	stream.indirect.gather @!p0 [hbm4b:s4+s12], $0x40, s11, s12, $0xb8;
	[tilespmem:$0x1B7B0] =	vst v63  }
0x22d: {  	s11 =	sadd.s32 @!p0 $0x400, s6;
	s12 =	simm.s32 @!p0 $0x80;
	s21 =	simm.s32 @!p0 $0x3C00  }
0x22e: {  	[tilespmem:s21], [sflag:$0x1] =	stream.indirect.gather @!p0 [hbm4b:s4+s12], $0x40, s11, s12, $0xb8;
	[tilespmem:$0x1B7B0] =	vst v63  }
0x22f: {  	s11 =	sadd.s32 @!p0 $0x480, s6;
	s21 =	simm.s32 @!p0 $0x5C00  }
0x230: {  	[tilespmem:s21], [sflag:$0x1] =	stream.indirect.gather @!p0 [hbm4b:s4+s12], $0x40, s11, s12, $0xb8;
	[tilespmem:$0x1B7B0] =	vst v63  }
0x231: {  	s11 =	sadd.s32 @!p0 $0x500, s6;
	s21 =	simm.s32 @!p0 $0x7C00  }
0x232: {  	[tilespmem:s21], [sflag:$0x1] =	stream.indirect.gather @!p0 [hbm4b:s4+s12], $0x40, s11, s12, $0xb8;
	[tilespmem:$0x1B7B0] =	vst v63  }
0x233: {  	s11 =	sadd.s32 @!p0 $0x580, s6;
	s21 =	simm.s32 @!p0 $0x9C00  }
0x234: {  	[tilespmem:s21], [sflag:$0x1] =	stream.indirect.gather @!p0 [hbm4b:s4+s12], $0x40, s11, s12, $0xb8;
	[tilespmem:$0x1B7B0] =	vst v63  }
0x235: {  	s6 =	sadd.s32 @!p0 $0x600, s6;
	s11 =	simm.s32 @!p0 $0xBC00  }
0x236: {  	[tilespmem:s11], [sflag:$0x1] =	stream.indirect.gather @!p0 [hbm4b:s4+s12], $0x40, s6, s12, $0xb8;
	[tilespmem:$0x1B7B0] =	vst v63  }
0x237: {  	_ =	swait.ge [sflag:s18], $0x800  }
0x238: {  	[sflag:s18] =	ssyncset.done $0x0  }
0x239: {  	[sflag:s18] =	ssyncadd.s32 $0xFFFFF800  }
0x23a: {  	_ =	swait.ge [sflag:s18], $0x800  }
0x23b: {  	[sflag:s18] =	ssyncset.done $0x0  }
0x23c: {  	[sflag:s18] =	ssyncadd.s32 $0xFFFFF800  }
0x23d: {  	_ =	swait.ge [sflag:s18], $0x2000  }
0x23e: {  	[sflag:s18] =	ssyncset.done $0x0  }
0x23f: {  	[sflag:s18] =	ssyncadd.s32 $0xFFFFE000  }
0x240: {  	_ =	swait.ge [sflag:s18], $0x2000  }
0x241: {  	[sflag:s18] =	ssyncset.done $0x0  }
0x242: {  	[sflag:s18] =	ssyncadd.s32 $0xFFFFE000  }
0x243: {  	_ =	swait.ge [sflag:s18], $0x2000  }
0x244: {  	[sflag:s18] =	ssyncset.done $0x0  }
0x245: {  	[sflag:s18] =	ssyncadd.s32 $0xFFFFE000  }
0x246: {  	_ =	swait.ge [sflag:s18], $0x2000  }
0x247: {  	[sflag:s18] =	ssyncset.done $0x0  }
0x248: {  	[sflag:s18] =	ssyncadd.s32 $0xFFFFE000  }
0x249: {  	s24 =	simm.s32 $0xE440;
	_ =	swait.ge [sflag:s18], $0x2000  }
0x24a: {  	s23 =	simm.s32 $0xFFFFFFFE;
	s21 =	smov.u32 s20;
	[sflag:s18] =	ssyncset.done $0x0  }
0x24b: {  	s11 =	simm.s32 $0xDC40;
	s12 =	simm.s32 $0xF100;
	[sflag:s18] =	ssyncadd.s32 $0xFFFFE000  }
.LBB2_5:
0x24c: {  	v53 =	vld [tilespmem:s11+$0xFFFFFFC0]  }
0x24d: {  	v54 =	vld [tilespmem:s11+$0xFFFFFFD0]  }
0x24e: {  	v57 =	vld [tilespmem:s24+$0xFFFFFFC0]  }
0x24f: {  	v58 =	vld [tilespmem:s24+$0xFFFFFFD0]  }
0x250: {  	v55 =	vld [tilespmem:s11+$0xFFFFFFE0]  }
0x251: {  	v59 =	vld [tilespmem:s24+$0xFFFFFFE0]  }
0x252: {  	v56 =	vld [tilespmem:s11+$0xFFFFFFF0]  }
0x253: {  	v60 =	vld [tilespmem:s24+$0xFFFFFFF0]  }
0x254: {  	v57 =	vmul.f32 v57, v53;
	v58 =	vmul.f32 v58, v54;
	_ =	sdelay $0x1  }
0x255: {  	v63 =	vmul.f32 v59, v55;
	v57 =	vadd.f32 v58, v57;
	_ =	sdelay $0x1  }
0x256: {  	v60 =	vmul.f32 v60, v56;
	v57 =	vadd.f32 v63, v57;
	_ =	sdelay $0x1  }
0x257: {  	v57 =	vadd.f32 v60, v57;
	_ =	sdelay $0x1  }
0x258: {  	[tilespmem:v1+s15+$0x0] =	vst.idx.msk $0xffff, v57  }
0x259: {  	v57 =	vld [tilespmem:s12+$0xFFFFFB00]  }
0x25a: {  	v58 =	vld [tilespmem:s12+$0xFFFFFB10];
	_ =	sdelay $0x1  }
0x25b: {  	v59 =	vld [tilespmem:s12+$0xFFFFFB20];
	_ =	sdelay $0x1  }
0x25c: {  	v60 =	vld [tilespmem:s12+$0xFFFFFB30]  }
0x25d: {  	v57 =	vmul.f32 v57, v53;
	v58 =	vmul.f32 v58, v54;
	_ =	sdelay $0x1  }
0x25e: {  	v61 =	vmul.f32 v59, v55;
	v57 =	vadd.f32 v58, v57;
	_ =	sdelay $0x1  }
0x25f: {  	v62 =	vmul.f32 v60, v56;
	v57 =	vadd.f32 v61, v57;
	_ =	sdelay $0x1  }
0x260: {  	v57 =	vadd.f32 v62, v57;
	_ =	sdelay $0x1  }
0x261: {  	[tilespmem:v2+s15+$0x0] =	vst.idx.msk $0xffff, v57  }
0x262: {  	v57 =	vld [tilespmem:s12+$0xFFFFFB40]  }
0x263: {  	v58 =	vld [tilespmem:s12+$0xFFFFFB50];
	_ =	sdelay $0x1  }
0x264: {  	v59 =	vld [tilespmem:s12+$0xFFFFFB60];
	_ =	sdelay $0x1  }
0x265: {  	v60 =	vld [tilespmem:s12+$0xFFFFFB70]  }
0x266: {  	v57 =	vmul.f32 v57, v53;
	v58 =	vmul.f32 v58, v54;
	_ =	sdelay $0x1  }
0x267: {  	v63 =	vmul.f32 v59, v55;
	v57 =	vadd.f32 v58, v57;
	_ =	sdelay $0x1  }
0x268: {  	v60 =	vmul.f32 v60, v56;
	v57 =	vadd.f32 v63, v57;
	_ =	sdelay $0x1  }
0x269: {  	v57 =	vadd.f32 v60, v57;
	_ =	sdelay $0x1  }
0x26a: {  	[tilespmem:v3+s15+$0x0] =	vst.idx.msk $0xffff, v57  }
0x26b: {  	v57 =	vld [tilespmem:s12+$0xFFFFFB80]  }
0x26c: {  	v58 =	vld [tilespmem:s12+$0xFFFFFB90];
	_ =	sdelay $0x1  }
0x26d: {  	v59 =	vld [tilespmem:s12+$0xFFFFFBA0];
	_ =	sdelay $0x1  }
0x26e: {  	v60 =	vld [tilespmem:s12+$0xFFFFFBB0]  }
0x26f: {  	v57 =	vmul.f32 v57, v53;
	v58 =	vmul.f32 v58, v54;
	_ =	sdelay $0x1  }
0x270: {  	v61 =	vmul.f32 v59, v55;
	v57 =	vadd.f32 v58, v57;
	_ =	sdelay $0x1  }
0x271: {  	v62 =	vmul.f32 v60, v56;
	v57 =	vadd.f32 v61, v57;
	_ =	sdelay $0x1  }
0x272: {  	v57 =	vadd.f32 v62, v57;
	_ =	sdelay $0x1  }
0x273: {  	[tilespmem:v4+s15+$0x0] =	vst.idx.msk $0xffff, v57  }
0x274: {  	v57 =	vld [tilespmem:s12+$0xFFFFFBC0]  }
0x275: {  	v58 =	vld [tilespmem:s12+$0xFFFFFBD0];
	_ =	sdelay $0x1  }
0x276: {  	v59 =	vld [tilespmem:s12+$0xFFFFFBE0];
	_ =	sdelay $0x1  }
0x277: {  	v60 =	vld [tilespmem:s12+$0xFFFFFBF0]  }
0x278: {  	v57 =	vmul.f32 v57, v53;
	v58 =	vmul.f32 v58, v54;
	_ =	sdelay $0x1  }
0x279: {  	v63 =	vmul.f32 v59, v55;
	v57 =	vadd.f32 v58, v57;
	_ =	sdelay $0x1  }
0x27a: {  	v60 =	vmul.f32 v60, v56;
	v57 =	vadd.f32 v63, v57;
	_ =	sdelay $0x1  }
0x27b: {  	v57 =	vadd.f32 v60, v57;
	_ =	sdelay $0x1  }
0x27c: {  	[tilespmem:v5+s15+$0x0] =	vst.idx.msk $0xffff, v57  }
0x27d: {  	v57 =	vld [tilespmem:s12+$0xFFFFFC00]  }
0x27e: {  	v58 =	vld [tilespmem:s12+$0xFFFFFC10];
	_ =	sdelay $0x1  }
0x27f: {  	v59 =	vld [tilespmem:s12+$0xFFFFFC20];
	_ =	sdelay $0x1  }
0x280: {  	v60 =	vld [tilespmem:s12+$0xFFFFFC30]  }
0x281: {  	v57 =	vmul.f32 v57, v53;
	v58 =	vmul.f32 v58, v54;
	_ =	sdelay $0x1  }
0x282: {  	v61 =	vmul.f32 v59, v55;
	v57 =	vadd.f32 v58, v57;
	_ =	sdelay $0x1  }
0x283: {  	v62 =	vmul.f32 v60, v56;
	v57 =	vadd.f32 v61, v57;
	_ =	sdelay $0x1  }
0x284: {  	v57 =	vadd.f32 v62, v57;
	_ =	sdelay $0x1  }
0x285: {  	[tilespmem:v6+s15+$0x0] =	vst.idx.msk $0xffff, v57  }
0x286: {  	v57 =	vld [tilespmem:s12+$0xFFFFFC40]  }
0x287: {  	v58 =	vld [tilespmem:s12+$0xFFFFFC50];
	_ =	sdelay $0x1  }
0x288: {  	v59 =	vld [tilespmem:s12+$0xFFFFFC60];
	_ =	sdelay $0x1  }
0x289: {  	v60 =	vld [tilespmem:s12+$0xFFFFFC70]  }
0x28a: {  	v57 =	vmul.f32 v57, v53;
	v58 =	vmul.f32 v58, v54;
	_ =	sdelay $0x1  }
0x28b: {  	v63 =	vmul.f32 v59, v55;
	v57 =	vadd.f32 v58, v57;
	_ =	sdelay $0x1  }
0x28c: {  	v60 =	vmul.f32 v60, v56;
	v57 =	vadd.f32 v63, v57;
	_ =	sdelay $0x1  }
0x28d: {  	v57 =	vadd.f32 v60, v57;
	_ =	sdelay $0x1  }
0x28e: {  	[tilespmem:v7+s15+$0x0] =	vst.idx.msk $0xffff, v57  }
0x28f: {  	v57 =	vld [tilespmem:s12+$0xFFFFFC80]  }
0x290: {  	v58 =	vld [tilespmem:s12+$0xFFFFFC90];
	_ =	sdelay $0x1  }
0x291: {  	v59 =	vld [tilespmem:s12+$0xFFFFFCA0];
	_ =	sdelay $0x1  }
0x292: {  	v60 =	vld [tilespmem:s12+$0xFFFFFCB0]  }
0x293: {  	v57 =	vmul.f32 v57, v53;
	v58 =	vmul.f32 v58, v54;
	_ =	sdelay $0x1  }
0x294: {  	v61 =	vmul.f32 v59, v55;
	v57 =	vadd.f32 v58, v57;
	_ =	sdelay $0x1  }
0x295: {  	v62 =	vmul.f32 v60, v56;
	v57 =	vadd.f32 v61, v57;
	_ =	sdelay $0x1  }
0x296: {  	v57 =	vadd.f32 v62, v57;
	_ =	sdelay $0x1  }
0x297: {  	[tilespmem:v8+s15+$0x0] =	vst.idx.msk $0xffff, v57  }
0x298: {  	v57 =	vld [tilespmem:s12+$0xFFFFFCC0]  }
0x299: {  	v58 =	vld [tilespmem:s12+$0xFFFFFCD0];
	_ =	sdelay $0x1  }
0x29a: {  	v59 =	vld [tilespmem:s12+$0xFFFFFCE0];
	_ =	sdelay $0x1  }
0x29b: {  	v60 =	vld [tilespmem:s12+$0xFFFFFCF0]  }
0x29c: {  	v57 =	vmul.f32 v57, v53;
	v58 =	vmul.f32 v58, v54;
	_ =	sdelay $0x1  }
0x29d: {  	v63 =	vmul.f32 v59, v55;
	v57 =	vadd.f32 v58, v57;
	_ =	sdelay $0x1  }
0x29e: {  	v60 =	vmul.f32 v60, v56;
	v57 =	vadd.f32 v63, v57;
	_ =	sdelay $0x1  }
0x29f: {  	v57 =	vadd.f32 v60, v57;
	_ =	sdelay $0x1  }
0x2a0: {  	[tilespmem:v9+s15+$0x0] =	vst.idx.msk $0xffff, v57  }
0x2a1: {  	v57 =	vld [tilespmem:s12+$0xFFFFFD00]  }
0x2a2: {  	v58 =	vld [tilespmem:s12+$0xFFFFFD10];
	_ =	sdelay $0x1  }
0x2a3: {  	v59 =	vld [tilespmem:s12+$0xFFFFFD20];
	_ =	sdelay $0x1  }
0x2a4: {  	v60 =	vld [tilespmem:s12+$0xFFFFFD30]  }
0x2a5: {  	v57 =	vmul.f32 v57, v53;
	v58 =	vmul.f32 v58, v54;
	_ =	sdelay $0x1  }
0x2a6: {  	v61 =	vmul.f32 v59, v55;
	v57 =	vadd.f32 v58, v57;
	_ =	sdelay $0x1  }
0x2a7: {  	v62 =	vmul.f32 v60, v56;
	v57 =	vadd.f32 v61, v57;
	_ =	sdelay $0x1  }
0x2a8: {  	v57 =	vadd.f32 v62, v57;
	_ =	sdelay $0x1  }
0x2a9: {  	[tilespmem:v10+s15+$0x0] =	vst.idx.msk $0xffff, v57  }
0x2aa: {  	v57 =	vld [tilespmem:s12+$0xFFFFFD40]  }
0x2ab: {  	v58 =	vld [tilespmem:s12+$0xFFFFFD50];
	_ =	sdelay $0x1  }
0x2ac: {  	v59 =	vld [tilespmem:s12+$0xFFFFFD60];
	_ =	sdelay $0x1  }
0x2ad: {  	v60 =	vld [tilespmem:s12+$0xFFFFFD70]  }
0x2ae: {  	v57 =	vmul.f32 v57, v53;
	v58 =	vmul.f32 v58, v54;
	_ =	sdelay $0x1  }
0x2af: {  	v63 =	vmul.f32 v59, v55;
	v57 =	vadd.f32 v58, v57;
	_ =	sdelay $0x1  }
0x2b0: {  	v60 =	vmul.f32 v60, v56;
	v57 =	vadd.f32 v63, v57;
	_ =	sdelay $0x1  }
0x2b1: {  	v57 =	vadd.f32 v60, v57;
	_ =	sdelay $0x1  }
0x2b2: {  	[tilespmem:v11+s15+$0x0] =	vst.idx.msk $0xffff, v57  }
0x2b3: {  	v57 =	vld [tilespmem:s12+$0xFFFFFD80]  }
0x2b4: {  	v58 =	vld [tilespmem:s12+$0xFFFFFD90];
	_ =	sdelay $0x1  }
0x2b5: {  	v59 =	vld [tilespmem:s12+$0xFFFFFDA0];
	_ =	sdelay $0x1  }
0x2b6: {  	v60 =	vld [tilespmem:s12+$0xFFFFFDB0]  }
0x2b7: {  	v57 =	vmul.f32 v57, v53;
	v58 =	vmul.f32 v58, v54;
	_ =	sdelay $0x1  }
0x2b8: {  	v61 =	vmul.f32 v59, v55;
	v57 =	vadd.f32 v58, v57;
	_ =	sdelay $0x1  }
0x2b9: {  	v62 =	vmul.f32 v60, v56;
	v57 =	vadd.f32 v61, v57;
	_ =	sdelay $0x1  }
0x2ba: {  	v57 =	vadd.f32 v62, v57;
	_ =	sdelay $0x1  }
0x2bb: {  	[tilespmem:v12+s15+$0x0] =	vst.idx.msk $0xffff, v57  }
0x2bc: {  	v57 =	vld [tilespmem:s12+$0xFFFFFDC0]  }
0x2bd: {  	v58 =	vld [tilespmem:s12+$0xFFFFFDD0];
	_ =	sdelay $0x1  }
0x2be: {  	v59 =	vld [tilespmem:s12+$0xFFFFFDE0];
	_ =	sdelay $0x1  }
0x2bf: {  	v60 =	vld [tilespmem:s12+$0xFFFFFDF0]  }
0x2c0: {  	v57 =	vmul.f32 v57, v53;
	v58 =	vmul.f32 v58, v54;
	_ =	sdelay $0x1  }
0x2c1: {  	v63 =	vmul.f32 v59, v55;
	v57 =	vadd.f32 v58, v57;
	_ =	sdelay $0x1  }
0x2c2: {  	v60 =	vmul.f32 v60, v56;
	v57 =	vadd.f32 v63, v57;
	_ =	sdelay $0x1  }
0x2c3: {  	v57 =	vadd.f32 v60, v57;
	_ =	sdelay $0x1  }
0x2c4: {  	[tilespmem:v13+s15+$0x0] =	vst.idx.msk $0xffff, v57  }
0x2c5: {  	v57 =	vld [tilespmem:s12+$0xFFFFFE00]  }
0x2c6: {  	v58 =	vld [tilespmem:s12+$0xFFFFFE10];
	_ =	sdelay $0x1  }
0x2c7: {  	v59 =	vld [tilespmem:s12+$0xFFFFFE20];
	_ =	sdelay $0x1  }
0x2c8: {  	v60 =	vld [tilespmem:s12+$0xFFFFFE30]  }
0x2c9: {  	v57 =	vmul.f32 v57, v53;
	v58 =	vmul.f32 v58, v54;
	_ =	sdelay $0x1  }
0x2ca: {  	v61 =	vmul.f32 v59, v55;
	v57 =	vadd.f32 v58, v57;
	_ =	sdelay $0x1  }
0x2cb: {  	v62 =	vmul.f32 v60, v56;
	v57 =	vadd.f32 v61, v57;
	_ =	sdelay $0x1  }
0x2cc: {  	v57 =	vadd.f32 v62, v57;
	_ =	sdelay $0x1  }
0x2cd: {  	[tilespmem:v14+s15+$0x0] =	vst.idx.msk $0xffff, v57  }
0x2ce: {  	v57 =	vld [tilespmem:s12+$0xFFFFFE40]  }
0x2cf: {  	v58 =	vld [tilespmem:s12+$0xFFFFFE50];
	_ =	sdelay $0x1  }
0x2d0: {  	v59 =	vld [tilespmem:s12+$0xFFFFFE60];
	_ =	sdelay $0x1  }
0x2d1: {  	v60 =	vld [tilespmem:s12+$0xFFFFFE70]  }
0x2d2: {  	v57 =	vmul.f32 v57, v53;
	v58 =	vmul.f32 v58, v54;
	_ =	sdelay $0x1  }
0x2d3: {  	v63 =	vmul.f32 v59, v55;
	v57 =	vadd.f32 v58, v57;
	_ =	sdelay $0x1  }
0x2d4: {  	v60 =	vmul.f32 v60, v56;
	v57 =	vadd.f32 v63, v57;
	_ =	sdelay $0x1  }
0x2d5: {  	v57 =	vadd.f32 v60, v57;
	_ =	sdelay $0x1  }
0x2d6: {  	[tilespmem:v15+s15+$0x0] =	vst.idx.msk $0xffff, v57  }
0x2d7: {  	v57 =	vld [tilespmem:s12+$0xFFFFFE80]  }
0x2d8: {  	v58 =	vld [tilespmem:s12+$0xFFFFFE90];
	_ =	sdelay $0x1  }
0x2d9: {  	v59 =	vld [tilespmem:s12+$0xFFFFFEA0];
	_ =	sdelay $0x1  }
0x2da: {  	v60 =	vld [tilespmem:s12+$0xFFFFFEB0]  }
0x2db: {  	v57 =	vmul.f32 v57, v53;
	v58 =	vmul.f32 v58, v54;
	_ =	sdelay $0x1  }
0x2dc: {  	v61 =	vmul.f32 v59, v55;
	v57 =	vadd.f32 v58, v57;
	_ =	sdelay $0x1  }
0x2dd: {  	v62 =	vmul.f32 v60, v56;
	v57 =	vadd.f32 v61, v57;
	_ =	sdelay $0x1  }
0x2de: {  	v57 =	vadd.f32 v62, v57;
	_ =	sdelay $0x1  }
0x2df: {  	[tilespmem:v16+s15+$0x0] =	vst.idx.msk $0xffff, v57  }
0x2e0: {  	v57 =	vld [tilespmem:s12+$0xFFFFFEC0]  }
0x2e1: {  	v58 =	vld [tilespmem:s12+$0xFFFFFED0];
	_ =	sdelay $0x1  }
0x2e2: {  	v59 =	vld [tilespmem:s12+$0xFFFFFEE0];
	_ =	sdelay $0x1  }
0x2e3: {  	v60 =	vld [tilespmem:s12+$0xFFFFFEF0]  }
0x2e4: {  	v57 =	vmul.f32 v57, v53;
	v58 =	vmul.f32 v58, v54;
	_ =	sdelay $0x1  }
0x2e5: {  	v63 =	vmul.f32 v59, v55;
	v57 =	vadd.f32 v58, v57;
	_ =	sdelay $0x1  }
0x2e6: {  	v60 =	vmul.f32 v60, v56;
	v57 =	vadd.f32 v63, v57;
	_ =	sdelay $0x1  }
0x2e7: {  	v57 =	vadd.f32 v60, v57;
	_ =	sdelay $0x1  }
0x2e8: {  	[tilespmem:v17+s15+$0x0] =	vst.idx.msk $0xffff, v57  }
0x2e9: {  	v57 =	vld [tilespmem:s12+$0xFFFFFF00]  }
0x2ea: {  	v58 =	vld [tilespmem:s12+$0xFFFFFF10];
	_ =	sdelay $0x1  }
0x2eb: {  	v59 =	vld [tilespmem:s12+$0xFFFFFF20];
	_ =	sdelay $0x1  }
0x2ec: {  	v60 =	vld [tilespmem:s12+$0xFFFFFF30]  }
0x2ed: {  	v57 =	vmul.f32 v57, v53;
	v58 =	vmul.f32 v58, v54;
	_ =	sdelay $0x1  }
0x2ee: {  	v61 =	vmul.f32 v59, v55;
	v57 =	vadd.f32 v58, v57;
	_ =	sdelay $0x1  }
0x2ef: {  	v62 =	vmul.f32 v60, v56;
	v57 =	vadd.f32 v61, v57;
	_ =	sdelay $0x1  }
0x2f0: {  	v57 =	vadd.f32 v62, v57;
	_ =	sdelay $0x1  }
0x2f1: {  	[tilespmem:v18+s15+$0x0] =	vst.idx.msk $0xffff, v57  }
0x2f2: {  	v57 =	vld [tilespmem:s12+$0xFFFFFF40]  }
0x2f3: {  	v58 =	vld [tilespmem:s12+$0xFFFFFF50];
	_ =	sdelay $0x1  }
0x2f4: {  	v59 =	vld [tilespmem:s12+$0xFFFFFF60];
	_ =	sdelay $0x1  }
0x2f5: {  	v60 =	vld [tilespmem:s12+$0xFFFFFF70]  }
0x2f6: {  	v57 =	vmul.f32 v57, v53;
	v58 =	vmul.f32 v58, v54;
	_ =	sdelay $0x1  }
0x2f7: {  	v63 =	vmul.f32 v59, v55;
	v57 =	vadd.f32 v58, v57;
	_ =	sdelay $0x1  }
0x2f8: {  	v61 =	vmul.f32 v60, v56;
	v57 =	vadd.f32 v63, v57;
	_ =	sdelay $0x1  }
0x2f9: {  	v57 =	vadd.f32 v61, v57;
	_ =	sdelay $0x1  }
0x2fa: {  	[tilespmem:v19+s15+$0x0] =	vst.idx.msk $0xffff, v57  }
0x2fb: {  	v57 =	vld [tilespmem:s12+$0xFFFFFF80]  }
0x2fc: {  	v58 =	vld [tilespmem:s12+$0xFFFFFF90];
	_ =	sdelay $0x1  }
0x2fd: {  	v59 =	vld [tilespmem:s12+$0xFFFFFFA0];
	_ =	sdelay $0x1  }
0x2fe: {  	v60 =	vld [tilespmem:s12+$0xFFFFFFB0]  }
0x2ff: {  	v57 =	vmul.f32 v57, v53;
	v58 =	vmul.f32 v58, v54;
	_ =	sdelay $0x1  }
0x300: {  	v62 =	vmul.f32 v59, v55;
	v57 =	vadd.f32 v58, v57;
	_ =	sdelay $0x1  }
0x301: {  	v63 =	vmul.f32 v60, v56;
	v57 =	vadd.f32 v62, v57;
	_ =	sdelay $0x1  }
0x302: {  	v57 =	vadd.f32 v63, v57;
	_ =	sdelay $0x1  }
0x303: {  	[tilespmem:v20+s15+$0x0] =	vst.idx.msk $0xffff, v57  }
0x304: {  	v57 =	vld [tilespmem:s12+$0xFFFFFFC0]  }
0x305: {  	v58 =	vld [tilespmem:s12+$0xFFFFFFD0];
	_ =	sdelay $0x1  }
0x306: {  	v59 =	vld [tilespmem:s12+$0xFFFFFFE0];
	_ =	sdelay $0x1  }
0x307: {  	v60 =	vld [tilespmem:s12+$0xFFFFFFF0]  }
0x308: {  	v53 =	vmul.f32 v57, v53;
	v54 =	vmul.f32 v58, v54;
	_ =	sdelay $0x1  }
0x309: {  	v58 =	vmul.f32 v59, v55;
	v53 =	vadd.f32 v54, v53;
	_ =	sdelay $0x1  }
0x30a: {  	v59 =	vmul.f32 v60, v56;
	v53 =	vadd.f32 v58, v53;
	_ =	sdelay $0x1  }
0x30b: {  	v53 =	vadd.f32 v59, v53;
	_ =	sdelay $0x1  }
0x30c: {  	[tilespmem:v21+s15+$0x0] =	vst.idx.msk $0xffff, v53  }
0x30d: {  	v53 =	vld.idx.msk [tilespmem:v0+s15+$0x0], $0xffff  }
0x30e: {  	v54 =	vld.idx.msk [tilespmem:v22+s15+$0x0], $0xffff  }
0x30f: {  	v60 =	vld.idx.msk [tilespmem:v23+s15+$0x0], $0xffff  }
0x310: {  	v56 =	vld.idx.msk [tilespmem:v24+s15+$0x0], $0xffff  }
0x311: {  	v57 =	vld.idx.msk [tilespmem:v25+s15+$0x0], $0xffff  }
0x312: {  	v58 =	vld.idx.msk [tilespmem:v26+s15+$0x0], $0xffff  }
0x313: {  	v59 =	vld.idx.msk [tilespmem:v27+s15+$0x0], $0xffff  }
0x314: {  	v55 =	vld.idx.msk [tilespmem:v28+s15+$0x0], $0xffff;
	v53 =	vadd.f32 v60, v53  }
0x315: {  	v60 =	vld.idx.msk [tilespmem:v29+s15+$0x0], $0xffff  }
0x316: {  	v54 =	vadd.f32 v56, v54;
	v56 =	vld.idx.msk [tilespmem:v30+s15+$0x0], $0xffff;
	v53 =	vadd.f32 v57, v53  }
0x317: {  	v57 =	vld.idx.msk [tilespmem:v31+s15+$0x0], $0xffff  }
0x318: {  	v54 =	vadd.f32 v58, v54;
	v58 =	vld.idx.msk [tilespmem:v32+s15+$0x0], $0xffff;
	v53 =	vadd.f32 v59, v53  }
0x319: {  	v59 =	vld.idx.msk [tilespmem:v33+s15+$0x0], $0xffff  }
0x31a: {  	v54 =	vadd.f32 v55, v54;
	v55 =	vld.idx.msk [tilespmem:v34+s15+$0x0], $0xffff;
	v53 =	vadd.f32 v60, v53  }
0x31b: {  	v60 =	vld.idx.msk [tilespmem:v35+s15+$0x0], $0xffff  }
0x31c: {  	v54 =	vadd.f32 v56, v54;
	v56 =	vld.idx.msk [tilespmem:v36+s15+$0x0], $0xffff;
	v53 =	vadd.f32 v57, v53  }
0x31d: {  	v57 =	vld.idx.msk [tilespmem:v37+s15+$0x0], $0xffff  }
0x31e: {  	v54 =	vadd.f32 v58, v54;
	v58 =	vld.idx.msk [tilespmem:v38+s15+$0x0], $0xffff;
	v53 =	vadd.f32 v59, v53  }
0x31f: {  	v59 =	vld.idx.msk [tilespmem:v39+s15+$0x0], $0xffff  }
0x320: {  	v54 =	vadd.f32 v55, v54;
	v55 =	vld.idx.msk [tilespmem:v40+s15+$0x0], $0xffff;
	v53 =	vadd.f32 v60, v53  }
0x321: {  	v60 =	vld.idx.msk [tilespmem:v41+s15+$0x0], $0xffff  }
0x322: {  	v54 =	vadd.f32 v56, v54;
	v56 =	vld.idx.msk [tilespmem:v42+s15+$0x0], $0xffff;
	v53 =	vadd.f32 v57, v53  }
0x323: {  	v57 =	vld.idx.msk [tilespmem:v43+s15+$0x0], $0xffff  }
0x324: {  	v54 =	vadd.f32 v58, v54;
	v58 =	vld.idx.msk [tilespmem:v44+s15+$0x0], $0xffff;
	v53 =	vadd.f32 v59, v53  }
0x325: {  	v59 =	vld.idx.msk [tilespmem:v45+s15+$0x0], $0xffff  }
0x326: {  	v54 =	vadd.f32 v55, v54;
	v55 =	vld.idx.msk [tilespmem:v46+s15+$0x0], $0xffff;
	v53 =	vadd.f32 v60, v53  }
0x327: {  	v60 =	vld.idx.msk [tilespmem:v47+s15+$0x0], $0xffff  }
0x328: {  	v54 =	vadd.f32 v56, v54;
	v56 =	vld.idx.msk [tilespmem:v48+s15+$0x0], $0xffff;
	v53 =	vadd.f32 v57, v53  }
0x329: {  	v57 =	vld.idx.msk [tilespmem:v49+s15+$0x0], $0xffff  }
0x32a: {  	v61 =	vld.idx.msk [tilespmem:v50+s15+$0x0], $0xffff;
	v54 =	vadd.f32 v58, v54;
	v53 =	vadd.f32 v59, v53  }
0x32b: {  	v62 =	vld.idx.msk [tilespmem:v51+s15+$0x0], $0xffff  }
0x32c: {  	v54 =	vadd.f32 v55, v54;
	v53 =	vadd.f32 v60, v53  }
0x32d: {  	v63 =	vld.idx.msk [tilespmem:v52+s15+$0x0], $0xffff  }
0x32e: {  	v54 =	vadd.f32 v56, v54;
	v53 =	vadd.f32 v57, v53;
	_ =	sdelay $0x1  }
0x32f: {  	s6 =	sadd.s32 $0x10, s21;
	v60 =	vadd.s32 s21, v0;
	v54 =	vadd.f32 v61, v54;
	v53 =	vadd.f32 v62, v53  }
0x330: {  	v61 =	vadd.s32 s6, v0  }
0x331: {  	v54 =	vadd.f32 v63, v54;
	v62 =	vsub.f32 $0.0e+00, v53;
	_ =	sdelay $0x1  }
0x332: {  	v54 =	vsub.f32 $0.0e+00, v54;
	v53 =	vsel vm0, v53, v62  }
0x333: {  	[tilespmem:v60+s17+$0x0] =	vst.idx.msk $0xffff, v53  }
0x334: {  	[tilespmem:v61+s17+$0x0] =	vst.idx.msk $0xffff, v54  }
0x335: {  	v53 =	vld [tilespmem:s11+$0x0]  }
0x336: {  	v54 =	vld [tilespmem:s11+$0x10]  }
0x337: {  	v57 =	vld [tilespmem:s24+$0x0]  }
0x338: {  	v58 =	vld [tilespmem:s24+$0x10]  }
0x339: {  	v55 =	vld [tilespmem:s11+$0x20]  }
0x33a: {  	v59 =	vld [tilespmem:s24+$0x20]  }
0x33b: {  	v56 =	vld [tilespmem:s11+$0x30]  }
0x33c: {  	v60 =	vld [tilespmem:s24+$0x30]  }
0x33d: {  	v57 =	vmul.f32 v57, v53;
	v58 =	vmul.f32 v58, v54;
	_ =	sdelay $0x1  }
0x33e: {  	v63 =	vmul.f32 v59, v55;
	v57 =	vadd.f32 v58, v57;
	_ =	sdelay $0x1  }
0x33f: {  	v60 =	vmul.f32 v60, v56;
	v57 =	vadd.f32 v63, v57;
	_ =	sdelay $0x1  }
0x340: {  	v57 =	vadd.f32 v60, v57;
	_ =	sdelay $0x1  }
0x341: {  	[tilespmem:v1+s15+$0x0] =	vst.idx.msk $0xffff, v57  }
0x342: {  	v57 =	vld [tilespmem:s12+$0x0]  }
0x343: {  	v58 =	vld [tilespmem:s12+$0x10];
	_ =	sdelay $0x1  }
0x344: {  	v59 =	vld [tilespmem:s12+$0x20];
	_ =	sdelay $0x1  }
0x345: {  	v60 =	vld [tilespmem:s12+$0x30]  }
0x346: {  	v57 =	vmul.f32 v57, v53;
	v58 =	vmul.f32 v58, v54;
	_ =	sdelay $0x1  }
0x347: {  	v61 =	vmul.f32 v59, v55;
	v57 =	vadd.f32 v58, v57;
	_ =	sdelay $0x1  }
0x348: {  	v62 =	vmul.f32 v60, v56;
	v57 =	vadd.f32 v61, v57;
	_ =	sdelay $0x1  }
0x349: {  	v57 =	vadd.f32 v62, v57;
	_ =	sdelay $0x1  }
0x34a: {  	[tilespmem:v2+s15+$0x0] =	vst.idx.msk $0xffff, v57  }
0x34b: {  	v57 =	vld [tilespmem:s12+$0x40]  }
0x34c: {  	v58 =	vld [tilespmem:s12+$0x50];
	_ =	sdelay $0x1  }
0x34d: {  	v59 =	vld [tilespmem:s12+$0x60];
	_ =	sdelay $0x1  }
0x34e: {  	v60 =	vld [tilespmem:s12+$0x70]  }
0x34f: {  	v57 =	vmul.f32 v57, v53;
	v58 =	vmul.f32 v58, v54;
	_ =	sdelay $0x1  }
0x350: {  	v63 =	vmul.f32 v59, v55;
	v57 =	vadd.f32 v58, v57;
	_ =	sdelay $0x1  }
0x351: {  	v60 =	vmul.f32 v60, v56;
	v57 =	vadd.f32 v63, v57;
	_ =	sdelay $0x1  }
0x352: {  	v57 =	vadd.f32 v60, v57;
	_ =	sdelay $0x1  }
0x353: {  	[tilespmem:v3+s15+$0x0] =	vst.idx.msk $0xffff, v57  }
0x354: {  	v57 =	vld [tilespmem:s12+$0x80]  }
0x355: {  	v58 =	vld [tilespmem:s12+$0x90];
	_ =	sdelay $0x1  }
0x356: {  	v59 =	vld [tilespmem:s12+$0xA0];
	_ =	sdelay $0x1  }
0x357: {  	v60 =	vld [tilespmem:s12+$0xB0]  }
0x358: {  	v57 =	vmul.f32 v57, v53;
	v58 =	vmul.f32 v58, v54;
	_ =	sdelay $0x1  }
0x359: {  	v61 =	vmul.f32 v59, v55;
	v57 =	vadd.f32 v58, v57;
	_ =	sdelay $0x1  }
0x35a: {  	v62 =	vmul.f32 v60, v56;
	v57 =	vadd.f32 v61, v57;
	_ =	sdelay $0x1  }
0x35b: {  	v57 =	vadd.f32 v62, v57;
	_ =	sdelay $0x1  }
0x35c: {  	[tilespmem:v4+s15+$0x0] =	vst.idx.msk $0xffff, v57  }
0x35d: {  	v57 =	vld [tilespmem:s12+$0xC0]  }
0x35e: {  	v58 =	vld [tilespmem:s12+$0xD0];
	_ =	sdelay $0x1  }
0x35f: {  	v59 =	vld [tilespmem:s12+$0xE0];
	_ =	sdelay $0x1  }
0x360: {  	v60 =	vld [tilespmem:s12+$0xF0]  }
0x361: {  	v57 =	vmul.f32 v57, v53;
	v58 =	vmul.f32 v58, v54;
	_ =	sdelay $0x1  }
0x362: {  	v63 =	vmul.f32 v59, v55;
	v57 =	vadd.f32 v58, v57;
	_ =	sdelay $0x1  }
0x363: {  	v60 =	vmul.f32 v60, v56;
	v57 =	vadd.f32 v63, v57;
	_ =	sdelay $0x1  }
0x364: {  	v57 =	vadd.f32 v60, v57;
	_ =	sdelay $0x1  }
0x365: {  	[tilespmem:v5+s15+$0x0] =	vst.idx.msk $0xffff, v57  }
0x366: {  	v57 =	vld [tilespmem:s12+$0x100]  }
0x367: {  	v58 =	vld [tilespmem:s12+$0x110];
	_ =	sdelay $0x1  }
0x368: {  	v59 =	vld [tilespmem:s12+$0x120];
	_ =	sdelay $0x1  }
0x369: {  	v60 =	vld [tilespmem:s12+$0x130]  }
0x36a: {  	v57 =	vmul.f32 v57, v53;
	v58 =	vmul.f32 v58, v54;
	_ =	sdelay $0x1  }
0x36b: {  	v61 =	vmul.f32 v59, v55;
	v57 =	vadd.f32 v58, v57;
	_ =	sdelay $0x1  }
0x36c: {  	v62 =	vmul.f32 v60, v56;
	v57 =	vadd.f32 v61, v57;
	_ =	sdelay $0x1  }
0x36d: {  	v57 =	vadd.f32 v62, v57;
	_ =	sdelay $0x1  }
0x36e: {  	[tilespmem:v6+s15+$0x0] =	vst.idx.msk $0xffff, v57  }
0x36f: {  	v57 =	vld [tilespmem:s12+$0x140]  }
0x370: {  	v58 =	vld [tilespmem:s12+$0x150];
	_ =	sdelay $0x1  }
0x371: {  	v59 =	vld [tilespmem:s12+$0x160];
	_ =	sdelay $0x1  }
0x372: {  	v60 =	vld [tilespmem:s12+$0x170]  }
0x373: {  	v57 =	vmul.f32 v57, v53;
	v58 =	vmul.f32 v58, v54;
	_ =	sdelay $0x1  }
0x374: {  	v63 =	vmul.f32 v59, v55;
	v57 =	vadd.f32 v58, v57;
	_ =	sdelay $0x1  }
0x375: {  	v60 =	vmul.f32 v60, v56;
	v57 =	vadd.f32 v63, v57;
	_ =	sdelay $0x1  }
0x376: {  	v57 =	vadd.f32 v60, v57;
	_ =	sdelay $0x1  }
0x377: {  	[tilespmem:v7+s15+$0x0] =	vst.idx.msk $0xffff, v57  }
0x378: {  	v57 =	vld [tilespmem:s12+$0x180]  }
0x379: {  	v58 =	vld [tilespmem:s12+$0x190];
	_ =	sdelay $0x1  }
0x37a: {  	v59 =	vld [tilespmem:s12+$0x1A0];
	_ =	sdelay $0x1  }
0x37b: {  	v60 =	vld [tilespmem:s12+$0x1B0]  }
0x37c: {  	v57 =	vmul.f32 v57, v53;
	v58 =	vmul.f32 v58, v54;
	_ =	sdelay $0x1  }
0x37d: {  	v61 =	vmul.f32 v59, v55;
	v57 =	vadd.f32 v58, v57;
	_ =	sdelay $0x1  }
0x37e: {  	v62 =	vmul.f32 v60, v56;
	v57 =	vadd.f32 v61, v57;
	_ =	sdelay $0x1  }
0x37f: {  	v57 =	vadd.f32 v62, v57;
	_ =	sdelay $0x1  }
0x380: {  	[tilespmem:v8+s15+$0x0] =	vst.idx.msk $0xffff, v57  }
0x381: {  	v57 =	vld [tilespmem:s12+$0x1C0]  }
0x382: {  	v58 =	vld [tilespmem:s12+$0x1D0];
	_ =	sdelay $0x1  }
0x383: {  	v59 =	vld [tilespmem:s12+$0x1E0];
	_ =	sdelay $0x1  }
0x384: {  	v60 =	vld [tilespmem:s12+$0x1F0]  }
0x385: {  	v57 =	vmul.f32 v57, v53;
	v58 =	vmul.f32 v58, v54;
	_ =	sdelay $0x1  }
0x386: {  	v63 =	vmul.f32 v59, v55;
	v57 =	vadd.f32 v58, v57;
	_ =	sdelay $0x1  }
0x387: {  	v60 =	vmul.f32 v60, v56;
	v57 =	vadd.f32 v63, v57;
	_ =	sdelay $0x1  }
0x388: {  	v57 =	vadd.f32 v60, v57;
	_ =	sdelay $0x1  }
0x389: {  	[tilespmem:v9+s15+$0x0] =	vst.idx.msk $0xffff, v57  }
0x38a: {  	v57 =	vld [tilespmem:s12+$0x200]  }
0x38b: {  	v58 =	vld [tilespmem:s12+$0x210];
	_ =	sdelay $0x1  }
0x38c: {  	v59 =	vld [tilespmem:s12+$0x220];
	_ =	sdelay $0x1  }
0x38d: {  	v60 =	vld [tilespmem:s12+$0x230]  }
0x38e: {  	v57 =	vmul.f32 v57, v53;
	v58 =	vmul.f32 v58, v54;
	_ =	sdelay $0x1  }
0x38f: {  	v61 =	vmul.f32 v59, v55;
	v57 =	vadd.f32 v58, v57;
	_ =	sdelay $0x1  }
0x390: {  	v62 =	vmul.f32 v60, v56;
	v57 =	vadd.f32 v61, v57;
	_ =	sdelay $0x1  }
0x391: {  	v57 =	vadd.f32 v62, v57;
	_ =	sdelay $0x1  }
0x392: {  	[tilespmem:v10+s15+$0x0] =	vst.idx.msk $0xffff, v57  }
0x393: {  	v57 =	vld [tilespmem:s12+$0x240]  }
0x394: {  	v58 =	vld [tilespmem:s12+$0x250];
	_ =	sdelay $0x1  }
0x395: {  	v59 =	vld [tilespmem:s12+$0x260];
	_ =	sdelay $0x1  }
0x396: {  	v60 =	vld [tilespmem:s12+$0x270]  }
0x397: {  	v57 =	vmul.f32 v57, v53;
	v58 =	vmul.f32 v58, v54;
	_ =	sdelay $0x1  }
0x398: {  	v63 =	vmul.f32 v59, v55;
	v57 =	vadd.f32 v58, v57;
	_ =	sdelay $0x1  }
0x399: {  	v60 =	vmul.f32 v60, v56;
	v57 =	vadd.f32 v63, v57;
	_ =	sdelay $0x1  }
0x39a: {  	v57 =	vadd.f32 v60, v57;
	_ =	sdelay $0x1  }
0x39b: {  	[tilespmem:v11+s15+$0x0] =	vst.idx.msk $0xffff, v57  }
0x39c: {  	v57 =	vld [tilespmem:s12+$0x280]  }
0x39d: {  	v58 =	vld [tilespmem:s12+$0x290];
	_ =	sdelay $0x1  }
0x39e: {  	v59 =	vld [tilespmem:s12+$0x2A0];
	_ =	sdelay $0x1  }
0x39f: {  	v60 =	vld [tilespmem:s12+$0x2B0]  }
0x3a0: {  	v57 =	vmul.f32 v57, v53;
	v58 =	vmul.f32 v58, v54;
	_ =	sdelay $0x1  }
0x3a1: {  	v61 =	vmul.f32 v59, v55;
	v57 =	vadd.f32 v58, v57;
	_ =	sdelay $0x1  }
0x3a2: {  	v62 =	vmul.f32 v60, v56;
	v57 =	vadd.f32 v61, v57;
	_ =	sdelay $0x1  }
0x3a3: {  	v57 =	vadd.f32 v62, v57;
	_ =	sdelay $0x1  }
0x3a4: {  	[tilespmem:v12+s15+$0x0] =	vst.idx.msk $0xffff, v57  }
0x3a5: {  	v57 =	vld [tilespmem:s12+$0x2C0]  }
0x3a6: {  	v58 =	vld [tilespmem:s12+$0x2D0];
	_ =	sdelay $0x1  }
0x3a7: {  	v59 =	vld [tilespmem:s12+$0x2E0];
	_ =	sdelay $0x1  }
0x3a8: {  	v60 =	vld [tilespmem:s12+$0x2F0]  }
0x3a9: {  	v57 =	vmul.f32 v57, v53;
	v58 =	vmul.f32 v58, v54;
	_ =	sdelay $0x1  }
0x3aa: {  	v63 =	vmul.f32 v59, v55;
	v57 =	vadd.f32 v58, v57;
	_ =	sdelay $0x1  }
0x3ab: {  	v60 =	vmul.f32 v60, v56;
	v57 =	vadd.f32 v63, v57;
	_ =	sdelay $0x1  }
0x3ac: {  	v57 =	vadd.f32 v60, v57;
	_ =	sdelay $0x1  }
0x3ad: {  	[tilespmem:v13+s15+$0x0] =	vst.idx.msk $0xffff, v57  }
0x3ae: {  	v57 =	vld [tilespmem:s12+$0x300]  }
0x3af: {  	v58 =	vld [tilespmem:s12+$0x310];
	_ =	sdelay $0x1  }
0x3b0: {  	v59 =	vld [tilespmem:s12+$0x320];
	_ =	sdelay $0x1  }
0x3b1: {  	v60 =	vld [tilespmem:s12+$0x330]  }
0x3b2: {  	v57 =	vmul.f32 v57, v53;
	v58 =	vmul.f32 v58, v54;
	_ =	sdelay $0x1  }
0x3b3: {  	v61 =	vmul.f32 v59, v55;
	v57 =	vadd.f32 v58, v57;
	_ =	sdelay $0x1  }
0x3b4: {  	v62 =	vmul.f32 v60, v56;
	v57 =	vadd.f32 v61, v57;
	_ =	sdelay $0x1  }
0x3b5: {  	v57 =	vadd.f32 v62, v57;
	_ =	sdelay $0x1  }
0x3b6: {  	[tilespmem:v14+s15+$0x0] =	vst.idx.msk $0xffff, v57  }
0x3b7: {  	v57 =	vld [tilespmem:s12+$0x340]  }
0x3b8: {  	v58 =	vld [tilespmem:s12+$0x350];
	_ =	sdelay $0x1  }
0x3b9: {  	v59 =	vld [tilespmem:s12+$0x360];
	_ =	sdelay $0x1  }
0x3ba: {  	v60 =	vld [tilespmem:s12+$0x370]  }
0x3bb: {  	v57 =	vmul.f32 v57, v53;
	v58 =	vmul.f32 v58, v54;
	_ =	sdelay $0x1  }
0x3bc: {  	v63 =	vmul.f32 v59, v55;
	v57 =	vadd.f32 v58, v57;
	_ =	sdelay $0x1  }
0x3bd: {  	v60 =	vmul.f32 v60, v56;
	v57 =	vadd.f32 v63, v57;
	_ =	sdelay $0x1  }
0x3be: {  	v57 =	vadd.f32 v60, v57;
	_ =	sdelay $0x1  }
0x3bf: {  	[tilespmem:v15+s15+$0x0] =	vst.idx.msk $0xffff, v57  }
0x3c0: {  	v57 =	vld [tilespmem:s12+$0x380]  }
0x3c1: {  	v58 =	vld [tilespmem:s12+$0x390];
	_ =	sdelay $0x1  }
0x3c2: {  	v59 =	vld [tilespmem:s12+$0x3A0];
	_ =	sdelay $0x1  }
0x3c3: {  	v60 =	vld [tilespmem:s12+$0x3B0]  }
0x3c4: {  	v57 =	vmul.f32 v57, v53;
	v58 =	vmul.f32 v58, v54;
	_ =	sdelay $0x1  }
0x3c5: {  	v61 =	vmul.f32 v59, v55;
	v57 =	vadd.f32 v58, v57;
	_ =	sdelay $0x1  }
0x3c6: {  	v62 =	vmul.f32 v60, v56;
	v57 =	vadd.f32 v61, v57;
	_ =	sdelay $0x1  }
0x3c7: {  	v57 =	vadd.f32 v62, v57;
	_ =	sdelay $0x1  }
0x3c8: {  	[tilespmem:v16+s15+$0x0] =	vst.idx.msk $0xffff, v57  }
0x3c9: {  	v57 =	vld [tilespmem:s12+$0x3C0]  }
0x3ca: {  	v58 =	vld [tilespmem:s12+$0x3D0];
	_ =	sdelay $0x1  }
0x3cb: {  	v59 =	vld [tilespmem:s12+$0x3E0];
	_ =	sdelay $0x1  }
0x3cc: {  	v60 =	vld [tilespmem:s12+$0x3F0]  }
0x3cd: {  	v57 =	vmul.f32 v57, v53;
	v58 =	vmul.f32 v58, v54;
	_ =	sdelay $0x1  }
0x3ce: {  	v63 =	vmul.f32 v59, v55;
	v57 =	vadd.f32 v58, v57;
	_ =	sdelay $0x1  }
0x3cf: {  	v60 =	vmul.f32 v60, v56;
	v57 =	vadd.f32 v63, v57;
	_ =	sdelay $0x1  }
0x3d0: {  	v57 =	vadd.f32 v60, v57;
	_ =	sdelay $0x1  }
0x3d1: {  	[tilespmem:v17+s15+$0x0] =	vst.idx.msk $0xffff, v57  }
0x3d2: {  	v57 =	vld [tilespmem:s12+$0x400]  }
0x3d3: {  	v58 =	vld [tilespmem:s12+$0x410];
	_ =	sdelay $0x1  }
0x3d4: {  	v59 =	vld [tilespmem:s12+$0x420];
	_ =	sdelay $0x1  }
0x3d5: {  	v60 =	vld [tilespmem:s12+$0x430]  }
0x3d6: {  	v57 =	vmul.f32 v57, v53;
	v58 =	vmul.f32 v58, v54;
	_ =	sdelay $0x1  }
0x3d7: {  	v61 =	vmul.f32 v59, v55;
	v57 =	vadd.f32 v58, v57;
	_ =	sdelay $0x1  }
0x3d8: {  	v62 =	vmul.f32 v60, v56;
	v57 =	vadd.f32 v61, v57;
	_ =	sdelay $0x1  }
0x3d9: {  	v57 =	vadd.f32 v62, v57;
	_ =	sdelay $0x1  }
0x3da: {  	[tilespmem:v18+s15+$0x0] =	vst.idx.msk $0xffff, v57  }
0x3db: {  	v57 =	vld [tilespmem:s12+$0x440]  }
0x3dc: {  	v58 =	vld [tilespmem:s12+$0x450];
	_ =	sdelay $0x1  }
0x3dd: {  	v59 =	vld [tilespmem:s12+$0x460];
	_ =	sdelay $0x1  }
0x3de: {  	v60 =	vld [tilespmem:s12+$0x470]  }
0x3df: {  	v57 =	vmul.f32 v57, v53;
	v58 =	vmul.f32 v58, v54;
	_ =	sdelay $0x1  }
0x3e0: {  	v63 =	vmul.f32 v59, v55;
	v57 =	vadd.f32 v58, v57;
	_ =	sdelay $0x1  }
0x3e1: {  	v61 =	vmul.f32 v60, v56;
	v57 =	vadd.f32 v63, v57;
	_ =	sdelay $0x1  }
0x3e2: {  	v57 =	vadd.f32 v61, v57;
	_ =	sdelay $0x1  }
0x3e3: {  	[tilespmem:v19+s15+$0x0] =	vst.idx.msk $0xffff, v57  }
0x3e4: {  	v57 =	vld [tilespmem:s12+$0x480]  }
0x3e5: {  	v58 =	vld [tilespmem:s12+$0x490];
	_ =	sdelay $0x1  }
0x3e6: {  	v59 =	vld [tilespmem:s12+$0x4A0];
	_ =	sdelay $0x1  }
0x3e7: {  	v60 =	vld [tilespmem:s12+$0x4B0]  }
0x3e8: {  	v57 =	vmul.f32 v57, v53;
	v58 =	vmul.f32 v58, v54;
	_ =	sdelay $0x1  }
0x3e9: {  	v62 =	vmul.f32 v59, v55;
	v57 =	vadd.f32 v58, v57;
	_ =	sdelay $0x1  }
0x3ea: {  	v63 =	vmul.f32 v60, v56;
	v57 =	vadd.f32 v62, v57;
	_ =	sdelay $0x1  }
0x3eb: {  	v57 =	vadd.f32 v63, v57;
	_ =	sdelay $0x1  }
0x3ec: {  	[tilespmem:v20+s15+$0x0] =	vst.idx.msk $0xffff, v57  }
0x3ed: {  	v57 =	vld [tilespmem:s12+$0x4C0]  }
0x3ee: {  	v58 =	vld [tilespmem:s12+$0x4D0];
	_ =	sdelay $0x1  }
0x3ef: {  	v59 =	vld [tilespmem:s12+$0x4E0];
	_ =	sdelay $0x1  }
0x3f0: {  	v60 =	vld [tilespmem:s12+$0x4F0]  }
0x3f1: {  	v53 =	vmul.f32 v57, v53;
	v54 =	vmul.f32 v58, v54;
	_ =	sdelay $0x1  }
0x3f2: {  	v58 =	vmul.f32 v59, v55;
	v53 =	vadd.f32 v54, v53;
	_ =	sdelay $0x1  }
0x3f3: {  	v59 =	vmul.f32 v60, v56;
	v53 =	vadd.f32 v58, v53;
	_ =	sdelay $0x1  }
0x3f4: {  	v53 =	vadd.f32 v59, v53;
	_ =	sdelay $0x1  }
0x3f5: {  	[tilespmem:v21+s15+$0x0] =	vst.idx.msk $0xffff, v53  }
0x3f6: {  	v53 =	vld.idx.msk [tilespmem:v0+s15+$0x0], $0xffff  }
0x3f7: {  	v54 =	vld.idx.msk [tilespmem:v22+s15+$0x0], $0xffff  }
0x3f8: {  	v60 =	vld.idx.msk [tilespmem:v23+s15+$0x0], $0xffff  }
0x3f9: {  	v56 =	vld.idx.msk [tilespmem:v24+s15+$0x0], $0xffff  }
0x3fa: {  	v57 =	vld.idx.msk [tilespmem:v25+s15+$0x0], $0xffff  }
0x3fb: {  	v58 =	vld.idx.msk [tilespmem:v26+s15+$0x0], $0xffff  }
0x3fc: {  	v59 =	vld.idx.msk [tilespmem:v27+s15+$0x0], $0xffff  }
0x3fd: {  	v55 =	vld.idx.msk [tilespmem:v28+s15+$0x0], $0xffff;
	v53 =	vadd.f32 v60, v53  }
0x3fe: {  	v60 =	vld.idx.msk [tilespmem:v29+s15+$0x0], $0xffff  }
0x3ff: {  	v54 =	vadd.f32 v56, v54;
	v56 =	vld.idx.msk [tilespmem:v30+s15+$0x0], $0xffff;
	v53 =	vadd.f32 v57, v53  }
0x400: {  	v57 =	vld.idx.msk [tilespmem:v31+s15+$0x0], $0xffff  }
0x401: {  	v54 =	vadd.f32 v58, v54;
	v58 =	vld.idx.msk [tilespmem:v32+s15+$0x0], $0xffff;
	v53 =	vadd.f32 v59, v53  }
0x402: {  	v59 =	vld.idx.msk [tilespmem:v33+s15+$0x0], $0xffff  }
0x403: {  	v54 =	vadd.f32 v55, v54;
	v55 =	vld.idx.msk [tilespmem:v34+s15+$0x0], $0xffff;
	v53 =	vadd.f32 v60, v53  }
0x404: {  	v60 =	vld.idx.msk [tilespmem:v35+s15+$0x0], $0xffff  }
0x405: {  	v54 =	vadd.f32 v56, v54;
	v56 =	vld.idx.msk [tilespmem:v36+s15+$0x0], $0xffff;
	v53 =	vadd.f32 v57, v53  }
0x406: {  	v57 =	vld.idx.msk [tilespmem:v37+s15+$0x0], $0xffff  }
0x407: {  	v54 =	vadd.f32 v58, v54;
	v58 =	vld.idx.msk [tilespmem:v38+s15+$0x0], $0xffff;
	v53 =	vadd.f32 v59, v53  }
0x408: {  	v59 =	vld.idx.msk [tilespmem:v39+s15+$0x0], $0xffff  }
0x409: {  	v54 =	vadd.f32 v55, v54;
	v55 =	vld.idx.msk [tilespmem:v40+s15+$0x0], $0xffff;
	v53 =	vadd.f32 v60, v53  }
0x40a: {  	v60 =	vld.idx.msk [tilespmem:v41+s15+$0x0], $0xffff  }
0x40b: {  	v54 =	vadd.f32 v56, v54;
	v56 =	vld.idx.msk [tilespmem:v42+s15+$0x0], $0xffff;
	v53 =	vadd.f32 v57, v53  }
0x40c: {  	v57 =	vld.idx.msk [tilespmem:v43+s15+$0x0], $0xffff  }
0x40d: {  	v54 =	vadd.f32 v58, v54;
	v58 =	vld.idx.msk [tilespmem:v44+s15+$0x0], $0xffff;
	v53 =	vadd.f32 v59, v53  }
0x40e: {  	v59 =	vld.idx.msk [tilespmem:v45+s15+$0x0], $0xffff  }
0x40f: {  	v54 =	vadd.f32 v55, v54;
	v55 =	vld.idx.msk [tilespmem:v46+s15+$0x0], $0xffff;
	v53 =	vadd.f32 v60, v53  }
0x410: {  	v60 =	vld.idx.msk [tilespmem:v47+s15+$0x0], $0xffff  }
0x411: {  	v61 =	vld.idx.msk [tilespmem:v49+s15+$0x0], $0xffff;
	v54 =	vadd.f32 v56, v54;
	v53 =	vadd.f32 v57, v53  }
0x412: {  	v56 =	vld.idx.msk [tilespmem:v48+s15+$0x0], $0xffff  }
0x413: {  	v62 =	vld.idx.msk [tilespmem:v50+s15+$0x0], $0xffff;
	v54 =	vadd.f32 v58, v54;
	v53 =	vadd.f32 v59, v53  }
0x414: {  	v63 =	vld.idx.msk [tilespmem:v51+s15+$0x0], $0xffff  }
0x415: {  	v54 =	vadd.f32 v55, v54;
	v53 =	vadd.f32 v60, v53  }
0x416: {  	v60 =	vld.idx.msk [tilespmem:v52+s15+$0x0], $0xffff  }
0x417: {  	v54 =	vadd.f32 v56, v54;
	v53 =	vadd.f32 v61, v53  }
0x418: {  	s25 =	sadd.s32 $0x15, s21  }
0x419: {  	s23 =	sadd.s32 $0x2, s23;
	v54 =	vadd.f32 v62, v54;
	v61 =	vadd.s32 s25, v0;
	s25 =	sadd.s32 $0x25, s21;
	v53 =	vadd.f32 v63, v53  }
0x41a: {  	p0 =	slt.u32 s23, $0x1E;
	v62 =	vadd.s32 s25, v0  }
.Ltmp1:
0x41b: {  	v54 =	vadd.f32 v60, v54;
	v63 =	vsub.f32 $0.0e+00, v53;
	(pc) =	sbr.rel @p0 .LBB2_5-.Ltmp1, $4  }
0x41c: {  	_ = 	snop  }
0x41d: {  	v54 =	vsub.f32 $0.0e+00, v54;
	v53 =	vsel vm0, v53, v63  }
0x41e: {  	s24 =	sadd.s32 $0x80, s24;
	[tilespmem:v61+s17+$0x0] =	vst.idx.msk $0xffff, v53  }
0x41f: {  	s11 =	sadd.s32 $0x80, s11;
	s12 =	sadd.s32 $0xA00, s12;
	s21 =	sadd.s32 $0x2A, s21;
	[tilespmem:v62+s17+$0x0] =	vst.idx.msk $0xffff, v54  }
0x420: {  	s22 =	sadd.s32 $0x1, s22  }
0x421: {  	p0 =	sne.s32 s22, $0x8  }
.Ltmp2:
0x422: {  	_ = 	snop;
	(pc) =	sbr.rel @p0 .LBB2_2-.Ltmp2, $2  }
0x423: {  	_ =	sdelay $0x2  }
0x424: {  	s5 =	sadd.s32 $0x540, s5;
	s20 =	sadd.s32 $0x540, s20  }
0x425: {  	s19 =	sadd.s32 $0x1, s19  }
0x426: {  	p0 =	sne.s32 s19, s9  }
.Ltmp3:
0x427: {  	_ = 	snop;
	(pc) =	sbr.rel @p0 .LBB2_1-.Ltmp3, $4  }
0x428: {  	[hbm4b:s8+s2] =	stream.linear.scatter [tilespmem:s17], [sflag:$0x3], $0x2A00, $0x38;
	[tilespmem:$0x1B7B0] =	vst v63  }
0x429: {  	_ =	swait.ge [sflag:s10], $0x2A00  }
0x42a: {  	[sflag:s10] =	ssyncset.done $0x0  }
0x42b: {  	[sflag:s10] =	ssyncadd.s32 $0xFFFFD600  }
0x42c: {  	_ =	sfence.sel $0x180000  }
0x42d: {  	[bflag:$0x0] =	sbarrier.arrive $0xFFFF  }
0x42e: {  	_ =	strace $0x90000047  }
0x42f: {  	s0 =	stileid.u32;
	[bflag:$0x2] =	sbarrier.arrive $0xFFFF  }
0x430: {  	p0 =	sne.s32 s0, $0x0;
	s0 =	rddreg [dreg:$0x3]  }
0x431: {  	s0 =	sadd.s32 @!p0 $0x100000, s0  }
0x432: {  	[sflag:s0] =	ssyncadd.tile.s32 @!p0 $0x1;
	_ =	shalt  }
.Lfunc_end2:
_tile_overlayer_lowered:
.L_overlay_start_2:
0x433: {  	(tag) =	ssettag $0x2  }
0x434: {  	s0 =	rddreg [dreg:$0x0];
	s2 =	stileid.u32  }
0x435: {  	s1 =	rddreg [dreg:$0x1];
	p0 =	sne.s32 s2, $0x0  }
0x436: {  	s3 =	rddreg [dreg:$0x2];
	[bflag:$0x3] =	sbarrier.arrive $0xFFFF;
	s2 =	simm.s32 @!p0 $0x1C03  }
0x437: {  	[timem:s3], [sflag:s2] =	dma.local @!p0 [hbm:s0], s1  }
0x438: {  	s0 =	simm.s32 @!p0 $0x3  }
0x439: {  	_ =	swait.ge @!p0 [sflag:s0], s1  }
0x43a: {  	s1 =	ssub.s32 @!p0 $0x0, s1;
	[sflag:s0] =	ssyncset.done @!p0 $0x0  }
0x43b: {  	[sflag:s0] =	ssyncadd.s32 @!p0 s1  }
0x43c: {  	[bflag:$0x3] =	sbarrier.arrive $0xFFFF  }
0x43d: {  	_ =	shalt  }

</sc_bundles>
